<compile_context>
chip_gen: v7x
topology: tpu7x:2x2x1
jax: 0.10.2.dev20260603
libtpu: 0.0.44.dev20260713+nightly
codegen_flags: <defaults>
</compile_context>

<pallas_src>
import functools

import jax
import jax.numpy as jnp
from jax import lax
from jax.experimental import pallas as pl
from jax.experimental.pallas import tpu as pltpu
from jax.experimental.pallas import tpu_sc as plsc

N, D, K = 8192, 32, 512
BN = 1024
NC, NS, L = 2, 16, 16
NW = NC * NS
PPW = N // NW
KB = K // L
CH = 32
NCH = PPW // CH

_mesh = plsc.VectorSubcoreMesh(core_axis_name="c", subcore_axis_name="s",
                               num_cores=NC, num_subcores=NS)


def _scores_body(x_ref, ct_ref, s_ref):
    x = x_ref[...]
    ct = ct_ref[...]
    cn = jnp.sum(ct * ct, axis=0)[None, :]
    dot = lax.dot_general(x, ct, (((1,), (0,)), ((), ())),
                          precision=lax.Precision.HIGHEST,
                          preferred_element_type=jnp.float32)
    s_ref[...] = cn - 2.0 * dot


@functools.partial(
    pl.kernel,
    out_type=jax.ShapeDtypeStruct((N,), jnp.int32),
    mesh=_mesh,
    scratch_types=[
        pltpu.VMEM((CH, K), jnp.float32),
        pltpu.VMEM((CH, K), jnp.float32),
        pltpu.VMEM((PPW,), jnp.int32),
        pltpu.SemaphoreType.DMA,
        pltpu.SemaphoreType.DMA,
    ],
    compiler_params=pltpu.CompilerParams(needs_layout_passes=False),
)
def _sc_argmin(s_hbm, out_hbm, buf0, buf1, out_v, sem0, sem1):
    wid = lax.axis_index("s") * NC + lax.axis_index("c")
    base = wid * PPW
    bufs = (buf0, buf1)
    sems = (sem0, sem1)
    iota = lax.iota(jnp.int32, L)
    lane0 = iota == 0

    cps = [None] * NCH
    cps[0] = pltpu.async_copy(s_hbm.at[pl.ds(base, CH)], buf0, sem0)
    for ch in range(NCH):
        if ch + 1 < NCH:
            cps[ch + 1] = pltpu.async_copy(
                s_hbm.at[pl.ds(base + (ch + 1) * CH, CH)],
                bufs[(ch + 1) % 2], sems[(ch + 1) % 2])
        cps[ch].wait()
        buf = bufs[ch % 2]
        rb = ch * CH

        def row_body(r, _, buf=buf, rb=rb):
            sv = [buf[r, pl.ds(kb * L, L)] for kb in range(KB)]
            bestv = sv[0]
            besti = jnp.zeros((L,), jnp.int32)
            for kb in range(1, KB):
                better = sv[kb] < bestv
                bestv = jnp.where(better, sv[kb], bestv)
                besti = jnp.where(better, jnp.full((L,), kb, jnp.int32),
                                  besti)
            m = jnp.min(bestv)
            cand = jnp.where(bestv == m, besti * L + iota, K)
            ridx = jnp.min(cand)
            plsc.store_scatter(out_v, [jnp.full((L,), rb, jnp.int32) + r],
                               jnp.full((L,), 0, jnp.int32) + ridx,
                               mask=lane0)
            return 0

        lax.fori_loop(0, CH, row_body, 0)
    pltpu.sync_copy(out_v, out_hbm.at[pl.ds(base, PPW)])


def kernel(x, centroids):
    scores = pl.pallas_call(
        _scores_body,
        grid=(N // BN,),
        in_specs=[
            pl.BlockSpec((BN, D), lambda i: (i, 0)),
            pl.BlockSpec((D, K), lambda i: (0, 0)),
        ],
        out_specs=pl.BlockSpec((BN, K), lambda i: (i, 0)),
        out_shape=jax.ShapeDtypeStruct((N, K), jnp.float32),
    )(x, centroids.T)
    assignments = _sc_argmin(scores)
    return (centroids[None, :, :], assignments)

# --- scband reference (transcript-rebuilt; emitter-appended) ---
"""Pipeline reference for scband-kmeans-76209899700926 (READ-ONLY COPY).

The authoritative reference and input builder live on the scoring server;
editing this copy changes nothing except your own understanding.
"""

import jax, jax.numpy as jnp
import numpy as np


def setup_inputs(seed: int = 0) -> dict:
    key = jax.random.key(seed)
    k1, k2 = jax.random.split(key)
    x = jax.random.normal(k1, (8192, 32), dtype=jnp.float32)
    # centroids initialized like torch.rand (uniform [0,1))
    centroids = jax.random.uniform(k2, (512, 32), dtype=jnp.float32)
    return {"x": x, "centroids": centroids}


def reference(x, centroids):
    # x: [N, D] -> [N, 1, D]; centroids: [K, D] -> [1, K, D]
    x_e = x[:, None, :]
    c_e = centroids[None, :, :]
    # torch.norm(x - centroids, dim=2) -> L2 norm over feature dim
    distances = jnp.linalg.norm(x_e - c_e, axis=2)  # [N, K]
    # torch.min(distances, dim=1) returns (values, indices); module keeps indices
    assignments = jnp.argmin(distances, axis=1)  # [N]
    return (c_e, assignments)

if __name__ == "__main__":
    import jax
    _d = setup_inputs()
    print(jax.jit(kernel)(*tuple(_d.values())))

</pallas_src>

<mosaic_0001>
#map = affine_map<(d0, d1) -> (0, 0)>
#map1 = affine_map<(d0, d1) -> (0)>
module attributes {stable_mosaic.version = 14 : i64} {
  func.func @_sc_argmin(%arg0: i32, %arg1: i32, %arg2: memref<8192x512xf32, #tpu.memory_space<hbm>>, %arg3: memref<8192xi32, #tpu.memory_space<hbm>>, %arg4: memref<32x512xf32, #tpu.memory_space<vmem>>, %arg5: memref<32x512xf32, #tpu.memory_space<vmem>>, %arg6: memref<256xi32, #tpu.memory_space<vmem>>, %arg7: memref<!tpu.dma_semaphore, #tpu.memory_space<semaphore_mem>>, %arg8: memref<!tpu.dma_semaphore, #tpu.memory_space<semaphore_mem>>) attributes {dimension_semantics = [#tpu.dimension_semantics<core_parallel>, #tpu.dimension_semantics<subcore_parallel>], iteration_bounds = array<i64: 2, 16>, scalar_prefetch = 0 : i64, scratch_operands = 5 : i64, tpu.core_type = #tpu.core_type<sc_vector_subcore>, window_params = [{transform_indices = #map}, {transform_indices = #map1}]} {
    %mul3A = arith.constant 2 : i32
    %mul3A_0 = arith.muli %arg1, %mul3A : i32
    %add3A = arith.addi %mul3A_0, %arg0 : i32
    %mul3A_1 = arith.constant 256 : i32
    %mul3A_2 = arith.muli %add3A, %mul3A_1 : i32
    %iota3A = tpu.iota {dimensions = array<i32: 0>} : vector<16xi32>
    %eq3A = arith.constant 0 : i32
    %eq3A_3 = vector.broadcast %eq3A : i32 to vector<16xi32>
    %eq3A_4 = arith.cmpi eq, %iota3A, %eq3A_3 : vector<16xi32>
    %dma_start3A = arith.constant 0 : i32
    %dma_start3A_5 = tpu.memref_slice %arg2[%mul3A_2, %dma_start3A] : memref<8192x512xf32, #tpu.memory_space<hbm>> -> memref<32x512xf32, #tpu.memory_space<hbm>>
    %dma_start3A_6 = arith.constant 0 : i32
    %dma_start3A_7 = tpu.memref_slice %arg2[%mul3A_2, %dma_start3A_6] : memref<8192x512xf32, #tpu.memory_space<hbm>> -> memref<32x512xf32, #tpu.memory_space<hbm>>
    tpu.enqueue_dma source(%dma_start3A_7 : memref<32x512xf32, #tpu.memory_space<hbm>>) target(%arg4 : memref<32x512xf32, #tpu.memory_space<vmem>>) target_semaphore(%arg7 : memref<!tpu.dma_semaphore, #tpu.memory_space<semaphore_mem>>)
    %add3A_8 = arith.constant 32 : i32
    %add3A_9 = arith.addi %mul3A_2, %add3A_8 : i32
    %dma_start3A_10 = arith.constant 0 : i32
    %dma_start3A_11 = tpu.memref_slice %arg2[%add3A_9, %dma_start3A_10] : memref<8192x512xf32, #tpu.memory_space<hbm>> -> memref<32x512xf32, #tpu.memory_space<hbm>>
    %dma_start3A_12 = arith.constant 0 : i32
    %dma_start3A_13 = tpu.memref_slice %arg2[%add3A_9, %dma_start3A_12] : memref<8192x512xf32, #tpu.memory_space<hbm>> -> memref<32x512xf32, #tpu.memory_space<hbm>>
    tpu.enqueue_dma source(%dma_start3A_13 : memref<32x512xf32, #tpu.memory_space<hbm>>) target(%arg5 : memref<32x512xf32, #tpu.memory_space<vmem>>) target_semaphore(%arg8 : memref<!tpu.dma_semaphore, #tpu.memory_space<semaphore_mem>>)
    %dma_wait3A = arith.constant 0 : i32
    %dma_wait3A_14 = tpu.memref_slice %arg2[%mul3A_2, %dma_wait3A] : memref<8192x512xf32, #tpu.memory_space<hbm>> -> memref<32x512xf32, #tpu.memory_space<hbm>>
    %dma_wait3A_15 = arith.constant 0 : i32
    %dma_wait3A_16 = tpu.memref_slice %arg2[%mul3A_2, %dma_wait3A_15] : memref<8192x512xf32, #tpu.memory_space<hbm>> -> memref<32x512xf32, #tpu.memory_space<hbm>>
    tpu.wait_dma2 semaphore(%arg7 : memref<!tpu.dma_semaphore, #tpu.memory_space<semaphore_mem>>) src(%dma_wait3A_16 : memref<32x512xf32, #tpu.memory_space<hbm>>) dst(%arg4 : memref<32x512xf32, #tpu.memory_space<vmem>>)
    %scan3A = arith.constant 0 : i32
    %scan3A_17 = arith.constant 0 : i32
    %scan3A_18 = arith.constant 32 : i32
    %scan3A_19 = arith.addi %scan3A_17, %scan3A_18 : i32
    %scan3A_20 = arith.constant 1 : i32
    %scan3A_21 = scf.for %scan3A_136 = %scan3A_17 to %scan3A_19 step %scan3A_20 iter_args(%scan3A_137 = %scan3A) -> (i32)  : i32 {
      %get3A = arith.index_cast %scan3A_136 : i32 to index
      %get3A_138 = arith.constant 0 : index
      %get3A_139 = tpu.vector_load %arg4[%get3A, %get3A_138] {strides = array<i32>} : memref<32x512xf32, #tpu.memory_space<vmem>>, vector<16xf32>,
      %get3A_140 = arith.index_cast %scan3A_136 : i32 to index
      %get3A_141 = arith.constant 16 : index
      %get3A_142 = tpu.vector_load %arg4[%get3A_140, %get3A_141] {strides = array<i32>} : memref<32x512xf32, #tpu.memory_space<vmem>>, vector<16xf32>,
      %get3A_143 = arith.index_cast %scan3A_136 : i32 to index
      %get3A_144 = arith.constant 32 : index
      %get3A_145 = tpu.vector_load %arg4[%get3A_143, %get3A_144] {strides = array<i32>} : memref<32x512xf32, #tpu.memory_space<vmem>>, vector<16xf32>,
      %get3A_146 = arith.index_cast %scan3A_136 : i32 to index
      %get3A_147 = arith.constant 48 : index
      %get3A_148 = tpu.vector_load %arg4[%get3A_146, %get3A_147] {strides = array<i32>} : memref<32x512xf32, #tpu.memory_space<vmem>>, vector<16xf32>,
      %get3A_149 = arith.index_cast %scan3A_136 : i32 to index
      %get3A_150 = arith.constant 64 : index
      %get3A_151 = tpu.vector_load %arg4[%get3A_149, %get3A_150] {strides = array<i32>} : memref<32x512xf32, #tpu.memory_space<vmem>>, vector<16xf32>,
      %get3A_152 = arith.index_cast %scan3A_136 : i32 to index
      %get3A_153 = arith.constant 80 : index
      %get3A_154 = tpu.vector_load %arg4[%get3A_152, %get3A_153] {strides = array<i32>} : memref<32x512xf32, #tpu.memory_space<vmem>>, vector<16xf32>,
      %get3A_155 = arith.index_cast %scan3A_136 : i32 to index
      %get3A_156 = arith.constant 96 : index
      %get3A_157 = tpu.vector_load %arg4[%get3A_155, %get3A_156] {strides = array<i32>} : memref<32x512xf32, #tpu.memory_space<vmem>>, vector<16xf32>,
      %get3A_158 = arith.index_cast %scan3A_136 : i32 to index
      %get3A_159 = arith.constant 112 : index
      %get3A_160 = tpu.vector_load %arg4[%get3A_158, %get3A_159] {strides = array<i32>} : memref<32x512xf32, #tpu.memory_space<vmem>>, vector<16xf32>,
      %get3A_161 = arith.index_cast %scan3A_136 : i32 to index
      %get3A_162 = arith.constant 128 : index
      %get3A_163 = tpu.vector_load %arg4[%get3A_161, %get3A_162] {strides = array<i32>} : memref<32x512xf32, #tpu.memory_space<vmem>>, vector<16xf32>,
      %get3A_164 = arith.index_cast %scan3A_136 : i32 to index
      %get3A_165 = arith.constant 144 : index
      %get3A_166 = tpu.vector_load %arg4[%get3A_164, %get3A_165] {strides = array<i32>} : memref<32x512xf32, #tpu.memory_space<vmem>>, vector<16xf32>,
      %get3A_167 = arith.index_cast %scan3A_136 : i32 to index
      %get3A_168 = arith.constant 160 : index
      %get3A_169 = tpu.vector_load %arg4[%get3A_167, %get3A_168] {strides = array<i32>} : memref<32x512xf32, #tpu.memory_space<vmem>>, vector<16xf32>,
      %get3A_170 = arith.index_cast %scan3A_136 : i32 to index
      %get3A_171 = arith.constant 176 : index
      %get3A_172 = tpu.vector_load %arg4[%get3A_170, %get3A_171] {strides = array<i32>} : memref<32x512xf32, #tpu.memory_space<vmem>>, vector<16xf32>,
      %get3A_173 = arith.index_cast %scan3A_136 : i32 to index
      %get3A_174 = arith.constant 192 : index
      %get3A_175 = tpu.vector_load %arg4[%get3A_173, %get3A_174] {strides = array<i32>} : memref<32x512xf32, #tpu.memory_space<vmem>>, vector<16xf32>,
      %get3A_176 = arith.index_cast %scan3A_136 : i32 to index
      %get3A_177 = arith.constant 208 : index
      %get3A_178 = tpu.vector_load %arg4[%get3A_176, %get3A_177] {strides = array<i32>} : memref<32x512xf32, #tpu.memory_space<vmem>>, vector<16xf32>,
      %get3A_179 = arith.index_cast %scan3A_136 : i32 to index
      %get3A_180 = arith.constant 224 : index
      %get3A_181 = tpu.vector_load %arg4[%get3A_179, %get3A_180] {strides = array<i32>} : memref<32x512xf32, #tpu.memory_space<vmem>>, vector<16xf32>,
      %get3A_182 = arith.index_cast %scan3A_136 : i32 to index
      %get3A_183 = arith.constant 240 : index
      %get3A_184 = tpu.vector_load %arg4[%get3A_182, %get3A_183] {strides = array<i32>} : memref<32x512xf32, #tpu.memory_space<vmem>>, vector<16xf32>,
      %get3A_185 = arith.index_cast %scan3A_136 : i32 to index
      %get3A_186 = arith.constant 256 : index
      %get3A_187 = tpu.vector_load %arg4[%get3A_185, %get3A_186] {strides = array<i32>} : memref<32x512xf32, #tpu.memory_space<vmem>>, vector<16xf32>,
      %get3A_188 = arith.index_cast %scan3A_136 : i32 to index
      %get3A_189 = arith.constant 272 : index
      %get3A_190 = tpu.vector_load %arg4[%get3A_188, %get3A_189] {strides = array<i32>} : memref<32x512xf32, #tpu.memory_space<vmem>>, vector<16xf32>,
      %get3A_191 = arith.index_cast %scan3A_136 : i32 to index
      %get3A_192 = arith.constant 288 : index
      %get3A_193 = tpu.vector_load %arg4[%get3A_191, %get3A_192] {strides = array<i32>} : memref<32x512xf32, #tpu.memory_space<vmem>>, vector<16xf32>,
      %get3A_194 = arith.index_cast %scan3A_136 : i32 to index
      %get3A_195 = arith.constant 304 : index
      %get3A_196 = tpu.vector_load %arg4[%get3A_194, %get3A_195] {strides = array<i32>} : memref<32x512xf32, #tpu.memory_space<vmem>>, vector<16xf32>,
      %get3A_197 = arith.index_cast %scan3A_136 : i32 to index
      %get3A_198 = arith.constant 320 : index
      %get3A_199 = tpu.vector_load %arg4[%get3A_197, %get3A_198] {strides = array<i32>} : memref<32x512xf32, #tpu.memory_space<vmem>>, vector<16xf32>,
      %get3A_200 = arith.index_cast %scan3A_136 : i32 to index
      %get3A_201 = arith.constant 336 : index
      %get3A_202 = tpu.vector_load %arg4[%get3A_200, %get3A_201] {strides = array<i32>} : memref<32x512xf32, #tpu.memory_space<vmem>>, vector<16xf32>,
      %get3A_203 = arith.index_cast %scan3A_136 : i32 to index
      %get3A_204 = arith.constant 352 : index
      %get3A_205 = tpu.vector_load %arg4[%get3A_203, %get3A_204] {strides = array<i32>} : memref<32x512xf32, #tpu.memory_space<vmem>>, vector<16xf32>,
      %get3A_206 = arith.index_cast %scan3A_136 : i32 to index
      %get3A_207 = arith.constant 368 : index
      %get3A_208 = tpu.vector_load %arg4[%get3A_206, %get3A_207] {strides = array<i32>} : memref<32x512xf32, #tpu.memory_space<vmem>>, vector<16xf32>,
      %get3A_209 = arith.index_cast %scan3A_136 : i32 to index
      %get3A_210 = arith.constant 384 : index
      %get3A_211 = tpu.vector_load %arg4[%get3A_209, %get3A_210] {strides = array<i32>} : memref<32x512xf32, #tpu.memory_space<vmem>>, vector<16xf32>,
      %get3A_212 = arith.index_cast %scan3A_136 : i32 to index
      %get3A_213 = arith.constant 400 : index
      %get3A_214 = tpu.vector_load %arg4[%get3A_212, %get3A_213] {strides = array<i32>} : memref<32x512xf32, #tpu.memory_space<vmem>>, vector<16xf32>,
      %get3A_215 = arith.index_cast %scan3A_136 : i32 to index
      %get3A_216 = arith.constant 416 : index
      %get3A_217 = tpu.vector_load %arg4[%get3A_215, %get3A_216] {strides = array<i32>} : memref<32x512xf32, #tpu.memory_space<vmem>>, vector<16xf32>,
      %get3A_218 = arith.index_cast %scan3A_136 : i32 to index
      %get3A_219 = arith.constant 432 : index
      %get3A_220 = tpu.vector_load %arg4[%get3A_218, %get3A_219] {strides = array<i32>} : memref<32x512xf32, #tpu.memory_space<vmem>>, vector<16xf32>,
      %get3A_221 = arith.index_cast %scan3A_136 : i32 to index
      %get3A_222 = arith.constant 448 : index
      %get3A_223 = tpu.vector_load %arg4[%get3A_221, %get3A_222] {strides = array<i32>} : memref<32x512xf32, #tpu.memory_space<vmem>>, vector<16xf32>,
      %get3A_224 = arith.index_cast %scan3A_136 : i32 to index
      %get3A_225 = arith.constant 464 : index
      %get3A_226 = tpu.vector_load %arg4[%get3A_224, %get3A_225] {strides = array<i32>} : memref<32x512xf32, #tpu.memory_space<vmem>>, vector<16xf32>,
      %get3A_227 = arith.index_cast %scan3A_136 : i32 to index
      %get3A_228 = arith.constant 480 : index
      %get3A_229 = tpu.vector_load %arg4[%get3A_227, %get3A_228] {strides = array<i32>} : memref<32x512xf32, #tpu.memory_space<vmem>>, vector<16xf32>,
      %get3A_230 = arith.index_cast %scan3A_136 : i32 to index
      %get3A_231 = arith.constant 496 : index
      %get3A_232 = tpu.vector_load %arg4[%get3A_230, %get3A_231] {strides = array<i32>} : memref<32x512xf32, #tpu.memory_space<vmem>>, vector<16xf32>,
      %broadcast_in_dim3A = arith.constant 0 : i32
      %broadcast_in_dim3A_233 = vector.broadcast %broadcast_in_dim3A : i32 to vector<16xi32>
      %lt3A = arith.cmpf olt, %get3A_142, %get3A_139 : vector<16xf32>
      %select_n3A = arith.select %lt3A, %get3A_142, %get3A_139 : vector<16xi1>, vector<16xf32>
      %broadcast_in_dim3A_234 = arith.constant 1 : i32
      %broadcast_in_dim3A_235 = vector.broadcast %broadcast_in_dim3A_234 : i32 to vector<16xi32>
      %select_n3A_236 = arith.select %lt3A, %broadcast_in_dim3A_235, %broadcast_in_dim3A_233 : vector<16xi1>, vector<16xi32>
      %lt3A_237 = arith.cmpf olt, %get3A_145, %select_n3A : vector<16xf32>
      %select_n3A_238 = arith.select %lt3A_237, %get3A_145, %select_n3A : vector<16xi1>, vector<16xf32>
      %broadcast_in_dim3A_239 = arith.constant 2 : i32
      %broadcast_in_dim3A_240 = vector.broadcast %broadcast_in_dim3A_239 : i32 to vector<16xi32>
      %select_n3A_241 = arith.select %lt3A_237, %broadcast_in_dim3A_240, %select_n3A_236 : vector<16xi1>, vector<16xi32>
      %lt3A_242 = arith.cmpf olt, %get3A_148, %select_n3A_238 : vector<16xf32>
      %select_n3A_243 = arith.select %lt3A_242, %get3A_148, %select_n3A_238 : vector<16xi1>, vector<16xf32>
      %broadcast_in_dim3A_244 = arith.constant 3 : i32
      %broadcast_in_dim3A_245 = vector.broadcast %broadcast_in_dim3A_244 : i32 to vector<16xi32>
      %select_n3A_246 = arith.select %lt3A_242, %broadcast_in_dim3A_245, %select_n3A_241 : vector<16xi1>, vector<16xi32>
      %lt3A_247 = arith.cmpf olt, %get3A_151, %select_n3A_243 : vector<16xf32>
      %select_n3A_248 = arith.select %lt3A_247, %get3A_151, %select_n3A_243 : vector<16xi1>, vector<16xf32>
      %broadcast_in_dim3A_249 = arith.constant 4 : i32
      %broadcast_in_dim3A_250 = vector.broadcast %broadcast_in_dim3A_249 : i32 to vector<16xi32>
      %select_n3A_251 = arith.select %lt3A_247, %broadcast_in_dim3A_250, %select_n3A_246 : vector<16xi1>, vector<16xi32>
      %lt3A_252 = arith.cmpf olt, %get3A_154, %select_n3A_248 : vector<16xf32>
      %select_n3A_253 = arith.select %lt3A_252, %get3A_154, %select_n3A_248 : vector<16xi1>, vector<16xf32>
      %broadcast_in_dim3A_254 = arith.constant 5 : i32
      %broadcast_in_dim3A_255 = vector.broadcast %broadcast_in_dim3A_254 : i32 to vector<16xi32>
      %select_n3A_256 = arith.select %lt3A_252, %broadcast_in_dim3A_255, %select_n3A_251 : vector<16xi1>, vector<16xi32>
      %lt3A_257 = arith.cmpf olt, %get3A_157, %select_n3A_253 : vector<16xf32>
      %select_n3A_258 = arith.select %lt3A_257, %get3A_157, %select_n3A_253 : vector<16xi1>, vector<16xf32>
      %broadcast_in_dim3A_259 = arith.constant 6 : i32
      %broadcast_in_dim3A_260 = vector.broadcast %broadcast_in_dim3A_259 : i32 to vector<16xi32>
      %select_n3A_261 = arith.select %lt3A_257, %broadcast_in_dim3A_260, %select_n3A_256 : vector<16xi1>, vector<16xi32>
      %lt3A_262 = arith.cmpf olt, %get3A_160, %select_n3A_258 : vector<16xf32>
      %select_n3A_263 = arith.select %lt3A_262, %get3A_160, %select_n3A_258 : vector<16xi1>, vector<16xf32>
      %broadcast_in_dim3A_264 = arith.constant 7 : i32
      %broadcast_in_dim3A_265 = vector.broadcast %broadcast_in_dim3A_264 : i32 to vector<16xi32>
      %select_n3A_266 = arith.select %lt3A_262, %broadcast_in_dim3A_265, %select_n3A_261 : vector<16xi1>, vector<16xi32>
      %lt3A_267 = arith.cmpf olt, %get3A_163, %select_n3A_263 : vector<16xf32>
      %select_n3A_268 = arith.select %lt3A_267, %get3A_163, %select_n3A_263 : vector<16xi1>, vector<16xf32>
      %broadcast_in_dim3A_269 = arith.constant 8 : i32
      %broadcast_in_dim3A_270 = vector.broadcast %broadcast_in_dim3A_269 : i32 to vector<16xi32>
      %select_n3A_271 = arith.select %lt3A_267, %broadcast_in_dim3A_270, %select_n3A_266 : vector<16xi1>, vector<16xi32>
      %lt3A_272 = arith.cmpf olt, %get3A_166, %select_n3A_268 : vector<16xf32>
      %select_n3A_273 = arith.select %lt3A_272, %get3A_166, %select_n3A_268 : vector<16xi1>, vector<16xf32>
      %broadcast_in_dim3A_274 = arith.constant 9 : i32
      %broadcast_in_dim3A_275 = vector.broadcast %broadcast_in_dim3A_274 : i32 to vector<16xi32>
      %select_n3A_276 = arith.select %lt3A_272, %broadcast_in_dim3A_275, %select_n3A_271 : vector<16xi1>, vector<16xi32>
      %lt3A_277 = arith.cmpf olt, %get3A_169, %select_n3A_273 : vector<16xf32>
      %select_n3A_278 = arith.select %lt3A_277, %get3A_169, %select_n3A_273 : vector<16xi1>, vector<16xf32>
      %broadcast_in_dim3A_279 = arith.constant 10 : i32
      %broadcast_in_dim3A_280 = vector.broadcast %broadcast_in_dim3A_279 : i32 to vector<16xi32>
      %select_n3A_281 = arith.select %lt3A_277, %broadcast_in_dim3A_280, %select_n3A_276 : vector<16xi1>, vector<16xi32>
      %lt3A_282 = arith.cmpf olt, %get3A_172, %select_n3A_278 : vector<16xf32>
      %select_n3A_283 = arith.select %lt3A_282, %get3A_172, %select_n3A_278 : vector<16xi1>, vector<16xf32>
      %broadcast_in_dim3A_284 = arith.constant 11 : i32
      %broadcast_in_dim3A_285 = vector.broadcast %broadcast_in_dim3A_284 : i32 to vector<16xi32>
      %select_n3A_286 = arith.select %lt3A_282, %broadcast_in_dim3A_285, %select_n3A_281 : vector<16xi1>, vector<16xi32>
      %lt3A_287 = arith.cmpf olt, %get3A_175, %select_n3A_283 : vector<16xf32>
      %select_n3A_288 = arith.select %lt3A_287, %get3A_175, %select_n3A_283 : vector<16xi1>, vector<16xf32>
      %broadcast_in_dim3A_289 = arith.constant 12 : i32
      %broadcast_in_dim3A_290 = vector.broadcast %broadcast_in_dim3A_289 : i32 to vector<16xi32>
      %select_n3A_291 = arith.select %lt3A_287, %broadcast_in_dim3A_290, %select_n3A_286 : vector<16xi1>, vector<16xi32>
      %lt3A_292 = arith.cmpf olt, %get3A_178, %select_n3A_288 : vector<16xf32>
      %select_n3A_293 = arith.select %lt3A_292, %get3A_178, %select_n3A_288 : vector<16xi1>, vector<16xf32>
      %broadcast_in_dim3A_294 = arith.constant 13 : i32
      %broadcast_in_dim3A_295 = vector.broadcast %broadcast_in_dim3A_294 : i32 to vector<16xi32>
      %select_n3A_296 = arith.select %lt3A_292, %broadcast_in_dim3A_295, %select_n3A_291 : vector<16xi1>, vector<16xi32>
      %lt3A_297 = arith.cmpf olt, %get3A_181, %select_n3A_293 : vector<16xf32>
      %select_n3A_298 = arith.select %lt3A_297, %get3A_181, %select_n3A_293 : vector<16xi1>, vector<16xf32>
      %broadcast_in_dim3A_299 = arith.constant 14 : i32
      %broadcast_in_dim3A_300 = vector.broadcast %broadcast_in_dim3A_299 : i32 to vector<16xi32>
      %select_n3A_301 = arith.select %lt3A_297, %broadcast_in_dim3A_300, %select_n3A_296 : vector<16xi1>, vector<16xi32>
      %lt3A_302 = arith.cmpf olt, %get3A_184, %select_n3A_298 : vector<16xf32>
      %select_n3A_303 = arith.select %lt3A_302, %get3A_184, %select_n3A_298 : vector<16xi1>, vector<16xf32>
      %broadcast_in_dim3A_304 = arith.constant 15 : i32
      %broadcast_in_dim3A_305 = vector.broadcast %broadcast_in_dim3A_304 : i32 to vector<16xi32>
      %select_n3A_306 = arith.select %lt3A_302, %broadcast_in_dim3A_305, %select_n3A_301 : vector<16xi1>, vector<16xi32>
      %lt3A_307 = arith.cmpf olt, %get3A_187, %select_n3A_303 : vector<16xf32>
      %select_n3A_308 = arith.select %lt3A_307, %get3A_187, %select_n3A_303 : vector<16xi1>, vector<16xf32>
      %broadcast_in_dim3A_309 = arith.constant 16 : i32
      %broadcast_in_dim3A_310 = vector.broadcast %broadcast_in_dim3A_309 : i32 to vector<16xi32>
      %select_n3A_311 = arith.select %lt3A_307, %broadcast_in_dim3A_310, %select_n3A_306 : vector<16xi1>, vector<16xi32>
      %lt3A_312 = arith.cmpf olt, %get3A_190, %select_n3A_308 : vector<16xf32>
      %select_n3A_313 = arith.select %lt3A_312, %get3A_190, %select_n3A_308 : vector<16xi1>, vector<16xf32>
      %broadcast_in_dim3A_314 = arith.constant 17 : i32
      %broadcast_in_dim3A_315 = vector.broadcast %broadcast_in_dim3A_314 : i32 to vector<16xi32>
      %select_n3A_316 = arith.select %lt3A_312, %broadcast_in_dim3A_315, %select_n3A_311 : vector<16xi1>, vector<16xi32>
      %lt3A_317 = arith.cmpf olt, %get3A_193, %select_n3A_313 : vector<16xf32>
      %select_n3A_318 = arith.select %lt3A_317, %get3A_193, %select_n3A_313 : vector<16xi1>, vector<16xf32>
      %broadcast_in_dim3A_319 = arith.constant 18 : i32
      %broadcast_in_dim3A_320 = vector.broadcast %broadcast_in_dim3A_319 : i32 to vector<16xi32>
      %select_n3A_321 = arith.select %lt3A_317, %broadcast_in_dim3A_320, %select_n3A_316 : vector<16xi1>, vector<16xi32>
      %lt3A_322 = arith.cmpf olt, %get3A_196, %select_n3A_318 : vector<16xf32>
      %select_n3A_323 = arith.select %lt3A_322, %get3A_196, %select_n3A_318 : vector<16xi1>, vector<16xf32>
      %broadcast_in_dim3A_324 = arith.constant 19 : i32
      %broadcast_in_dim3A_325 = vector.broadcast %broadcast_in_dim3A_324 : i32 to vector<16xi32>
      %select_n3A_326 = arith.select %lt3A_322, %broadcast_in_dim3A_325, %select_n3A_321 : vector<16xi1>, vector<16xi32>
      %lt3A_327 = arith.cmpf olt, %get3A_199, %select_n3A_323 : vector<16xf32>
      %select_n3A_328 = arith.select %lt3A_327, %get3A_199, %select_n3A_323 : vector<16xi1>, vector<16xf32>
      %broadcast_in_dim3A_329 = arith.constant 20 : i32
      %broadcast_in_dim3A_330 = vector.broadcast %broadcast_in_dim3A_329 : i32 to vector<16xi32>
      %select_n3A_331 = arith.select %lt3A_327, %broadcast_in_dim3A_330, %select_n3A_326 : vector<16xi1>, vector<16xi32>
      %lt3A_332 = arith.cmpf olt, %get3A_202, %select_n3A_328 : vector<16xf32>
      %select_n3A_333 = arith.select %lt3A_332, %get3A_202, %select_n3A_328 : vector<16xi1>, vector<16xf32>
      %broadcast_in_dim3A_334 = arith.constant 21 : i32
      %broadcast_in_dim3A_335 = vector.broadcast %broadcast_in_dim3A_334 : i32 to vector<16xi32>
      %select_n3A_336 = arith.select %lt3A_332, %broadcast_in_dim3A_335, %select_n3A_331 : vector<16xi1>, vector<16xi32>
      %lt3A_337 = arith.cmpf olt, %get3A_205, %select_n3A_333 : vector<16xf32>
      %select_n3A_338 = arith.select %lt3A_337, %get3A_205, %select_n3A_333 : vector<16xi1>, vector<16xf32>
      %broadcast_in_dim3A_339 = arith.constant 22 : i32
      %broadcast_in_dim3A_340 = vector.broadcast %broadcast_in_dim3A_339 : i32 to vector<16xi32>
      %select_n3A_341 = arith.select %lt3A_337, %broadcast_in_dim3A_340, %select_n3A_336 : vector<16xi1>, vector<16xi32>
      %lt3A_342 = arith.cmpf olt, %get3A_208, %select_n3A_338 : vector<16xf32>
      %select_n3A_343 = arith.select %lt3A_342, %get3A_208, %select_n3A_338 : vector<16xi1>, vector<16xf32>
      %broadcast_in_dim3A_344 = arith.constant 23 : i32
      %broadcast_in_dim3A_345 = vector.broadcast %broadcast_in_dim3A_344 : i32 to vector<16xi32>
      %select_n3A_346 = arith.select %lt3A_342, %broadcast_in_dim3A_345, %select_n3A_341 : vector<16xi1>, vector<16xi32>
      %lt3A_347 = arith.cmpf olt, %get3A_211, %select_n3A_343 : vector<16xf32>
      %select_n3A_348 = arith.select %lt3A_347, %get3A_211, %select_n3A_343 : vector<16xi1>, vector<16xf32>
      %broadcast_in_dim3A_349 = arith.constant 24 : i32
      %broadcast_in_dim3A_350 = vector.broadcast %broadcast_in_dim3A_349 : i32 to vector<16xi32>
      %select_n3A_351 = arith.select %lt3A_347, %broadcast_in_dim3A_350, %select_n3A_346 : vector<16xi1>, vector<16xi32>
      %lt3A_352 = arith.cmpf olt, %get3A_214, %select_n3A_348 : vector<16xf32>
      %select_n3A_353 = arith.select %lt3A_352, %get3A_214, %select_n3A_348 : vector<16xi1>, vector<16xf32>
      %broadcast_in_dim3A_354 = arith.constant 25 : i32
      %broadcast_in_dim3A_355 = vector.broadcast %broadcast_in_dim3A_354 : i32 to vector<16xi32>
      %select_n3A_356 = arith.select %lt3A_352, %broadcast_in_dim3A_355, %select_n3A_351 : vector<16xi1>, vector<16xi32>
      %lt3A_357 = arith.cmpf olt, %get3A_217, %select_n3A_353 : vector<16xf32>
      %select_n3A_358 = arith.select %lt3A_357, %get3A_217, %select_n3A_353 : vector<16xi1>, vector<16xf32>
      %broadcast_in_dim3A_359 = arith.constant 26 : i32
      %broadcast_in_dim3A_360 = vector.broadcast %broadcast_in_dim3A_359 : i32 to vector<16xi32>
      %select_n3A_361 = arith.select %lt3A_357, %broadcast_in_dim3A_360, %select_n3A_356 : vector<16xi1>, vector<16xi32>
      %lt3A_362 = arith.cmpf olt, %get3A_220, %select_n3A_358 : vector<16xf32>
      %select_n3A_363 = arith.select %lt3A_362, %get3A_220, %select_n3A_358 : vector<16xi1>, vector<16xf32>
      %broadcast_in_dim3A_364 = arith.constant 27 : i32
      %broadcast_in_dim3A_365 = vector.broadcast %broadcast_in_dim3A_364 : i32 to vector<16xi32>
      %select_n3A_366 = arith.select %lt3A_362, %broadcast_in_dim3A_365, %select_n3A_361 : vector<16xi1>, vector<16xi32>
      %lt3A_367 = arith.cmpf olt, %get3A_223, %select_n3A_363 : vector<16xf32>
      %select_n3A_368 = arith.select %lt3A_367, %get3A_223, %select_n3A_363 : vector<16xi1>, vector<16xf32>
      %broadcast_in_dim3A_369 = arith.constant 28 : i32
      %broadcast_in_dim3A_370 = vector.broadcast %broadcast_in_dim3A_369 : i32 to vector<16xi32>
      %select_n3A_371 = arith.select %lt3A_367, %broadcast_in_dim3A_370, %select_n3A_366 : vector<16xi1>, vector<16xi32>
      %lt3A_372 = arith.cmpf olt, %get3A_226, %select_n3A_368 : vector<16xf32>
      %select_n3A_373 = arith.select %lt3A_372, %get3A_226, %select_n3A_368 : vector<16xi1>, vector<16xf32>
      %broadcast_in_dim3A_374 = arith.constant 29 : i32
      %broadcast_in_dim3A_375 = vector.broadcast %broadcast_in_dim3A_374 : i32 to vector<16xi32>
      %select_n3A_376 = arith.select %lt3A_372, %broadcast_in_dim3A_375, %select_n3A_371 : vector<16xi1>, vector<16xi32>
      %lt3A_377 = arith.cmpf olt, %get3A_229, %select_n3A_373 : vector<16xf32>
      %select_n3A_378 = arith.select %lt3A_377, %get3A_229, %select_n3A_373 : vector<16xi1>, vector<16xf32>
      %broadcast_in_dim3A_379 = arith.constant 30 : i32
      %broadcast_in_dim3A_380 = vector.broadcast %broadcast_in_dim3A_379 : i32 to vector<16xi32>
      %select_n3A_381 = arith.select %lt3A_377, %broadcast_in_dim3A_380, %select_n3A_376 : vector<16xi1>, vector<16xi32>
      %lt3A_382 = arith.cmpf olt, %get3A_232, %select_n3A_378 : vector<16xf32>
      %select_n3A_383 = arith.select %lt3A_382, %get3A_232, %select_n3A_378 : vector<16xi1>, vector<16xf32>
      %broadcast_in_dim3A_384 = arith.constant 31 : i32
      %broadcast_in_dim3A_385 = vector.broadcast %broadcast_in_dim3A_384 : i32 to vector<16xi32>
      %select_n3A_386 = arith.select %lt3A_382, %broadcast_in_dim3A_385, %select_n3A_381 : vector<16xi1>, vector<16xi32>
      %reduce_min3A = arith.constant true
      %reduce_min3A_387 = vector.broadcast %reduce_min3A : i1 to vector<16xi1>
      %reduce_min3A_388 = tpu.scan <min>, %select_n3A_383 masked %reduce_min3A_387 : vector<16xf32>, vector<16xi1> -> vector<16xf32>
      %reduce_min3A_389 = vector.extract %reduce_min3A_388[15] : f32 from vector<16xf32>
      %eq3A_390 = vector.broadcast %reduce_min3A_389 : f32 to vector<16xf32>
      %eq3A_391 = arith.cmpf oeq, %select_n3A_383, %eq3A_390 : vector<16xf32>
      %mul3A_392 = arith.constant 16 : i32
      %mul3A_393 = vector.broadcast %mul3A_392 : i32 to vector<16xi32>
      %mul3A_394 = arith.muli %select_n3A_386, %mul3A_393 : vector<16xi32>
      %add3A_395 = arith.addi %mul3A_394, %iota3A : vector<16xi32>
      %jit3A = arith.constant 512 : i32
      %broadcast_in_dim3A_396 = vector.broadcast %jit3A : i32 to vector<16xi32>
      %select_n3A_397 = arith.select %eq3A_391, %add3A_395, %broadcast_in_dim3A_396 : vector<16xi1>, vector<16xi32>
      %reduce_min3A_398 = arith.constant true
      %reduce_min3A_399 = vector.broadcast %reduce_min3A_398 : i1 to vector<16xi1>
      %reduce_min3A_400 = arith.constant -2147483648 : i32
      %reduce_min3A_401 = vector.broadcast %reduce_min3A_400 : i32 to vector<16xi32>
      %reduce_min3A_402 = arith.xori %select_n3A_397, %reduce_min3A_401 : vector<16xi32>
      %reduce_min3A_403 = tpu.scan <min>, %reduce_min3A_402 masked %reduce_min3A_399 : vector<16xi32>, vector<16xi1> -> vector<16xi32>
      %reduce_min3A_404 = arith.xori %reduce_min3A_403, %reduce_min3A_401 : vector<16xi32>
      %reduce_min3A_405 = vector.extract %reduce_min3A_404[15] : i32 from vector<16xi32>
      %broadcast_in_dim3A_406 = arith.constant 0 : i32
      %broadcast_in_dim3A_407 = vector.broadcast %broadcast_in_dim3A_406 : i32 to vector<16xi32>
      %add3A_408 = vector.broadcast %scan3A_136 : i32 to vector<16xi32>
      %add3A_409 = arith.addi %broadcast_in_dim3A_407, %add3A_408 : vector<16xi32>
      %broadcast_in_dim3A_410 = arith.constant 0 : i32
      %broadcast_in_dim3A_411 = vector.broadcast %broadcast_in_dim3A_410 : i32 to vector<16xi32>
      %add3A_412 = vector.broadcast %reduce_min3A_405 : i32 to vector<16xi32>
      %add3A_413 = arith.addi %broadcast_in_dim3A_411, %add3A_412 : vector<16xi32>
      tpu.vector_store_idx %arg6[%add3A_409], %add3A_413 masked %eq3A_4 : memref<256xi32, #tpu.memory_space<vmem>>[vector<16xi32>], vector<16xi32>, vector<16xi1>
      %scan3A_414 = arith.constant 0 : i32
      scf.yield %scan3A_414 : i32
    }
    %scan3A_22 = arith.constant 32 : i32
    %add3A_23 = arith.constant 64 : i32
    %add3A_24 = arith.addi %mul3A_2, %add3A_23 : i32
    %dma_start3A_25 = arith.constant 0 : i32
    %dma_start3A_26 = tpu.memref_slice %arg2[%add3A_24, %dma_start3A_25] : memref<8192x512xf32, #tpu.memory_space<hbm>> -> memref<32x512xf32, #tpu.memory_space<hbm>>
    %dma_start3A_27 = arith.constant 0 : i32
    %dma_start3A_28 = tpu.memref_slice %arg2[%add3A_24, %dma_start3A_27] : memref<8192x512xf32, #tpu.memory_space<hbm>> -> memref<32x512xf32, #tpu.memory_space<hbm>>
    tpu.enqueue_dma source(%dma_start3A_28 : memref<32x512xf32, #tpu.memory_space<hbm>>) target(%arg4 : memref<32x512xf32, #tpu.memory_space<vmem>>) target_semaphore(%arg7 : memref<!tpu.dma_semaphore, #tpu.memory_space<semaphore_mem>>)
    %dma_wait3A_29 = arith.constant 0 : i32
    %dma_wait3A_30 = tpu.memref_slice %arg2[%add3A_9, %dma_wait3A_29] : memref<8192x512xf32, #tpu.memory_space<hbm>> -> memref<32x512xf32, #tpu.memory_space<hbm>>
    %dma_wait3A_31 = arith.constant 0 : i32
    %dma_wait3A_32 = tpu.memref_slice %arg2[%add3A_9, %dma_wait3A_31] : memref<8192x512xf32, #tpu.memory_space<hbm>> -> memref<32x512xf32, #tpu.memory_space<hbm>>
    tpu.wait_dma2 semaphore(%arg8 : memref<!tpu.dma_semaphore, #tpu.memory_space<semaphore_mem>>) src(%dma_wait3A_32 : memref<32x512xf32, #tpu.memory_space<hbm>>) dst(%arg5 : memref<32x512xf32, #tpu.memory_space<vmem>>)
    %scan3A_33 = arith.constant 0 : i32
    %scan3A_34 = arith.constant 0 : i32
    %scan3A_35 = arith.constant 32 : i32
    %scan3A_36 = arith.addi %scan3A_34, %scan3A_35 : i32
    %scan3A_37 = arith.constant 1 : i32
    %scan3A_38 = scf.for %scan3A_136 = %scan3A_34 to %scan3A_36 step %scan3A_37 iter_args(%scan3A_137 = %scan3A_33) -> (i32)  : i32 {
      %get3A = arith.index_cast %scan3A_136 : i32 to index
      %get3A_138 = arith.constant 0 : index
      %get3A_139 = tpu.vector_load %arg5[%get3A, %get3A_138] {strides = array<i32>} : memref<32x512xf32, #tpu.memory_space<vmem>>, vector<16xf32>,
      %get3A_140 = arith.index_cast %scan3A_136 : i32 to index
      %get3A_141 = arith.constant 16 : index
      %get3A_142 = tpu.vector_load %arg5[%get3A_140, %get3A_141] {strides = array<i32>} : memref<32x512xf32, #tpu.memory_space<vmem>>, vector<16xf32>,
      %get3A_143 = arith.index_cast %scan3A_136 : i32 to index
      %get3A_144 = arith.constant 32 : index
      %get3A_145 = tpu.vector_load %arg5[%get3A_143, %get3A_144] {strides = array<i32>} : memref<32x512xf32, #tpu.memory_space<vmem>>, vector<16xf32>,
      %get3A_146 = arith.index_cast %scan3A_136 : i32 to index
      %get3A_147 = arith.constant 48 : index
      %get3A_148 = tpu.vector_load %arg5[%get3A_146, %get3A_147] {strides = array<i32>} : memref<32x512xf32, #tpu.memory_space<vmem>>, vector<16xf32>,
      %get3A_149 = arith.index_cast %scan3A_136 : i32 to index
      %get3A_150 = arith.constant 64 : index
      %get3A_151 = tpu.vector_load %arg5[%get3A_149, %get3A_150] {strides = array<i32>} : memref<32x512xf32, #tpu.memory_space<vmem>>, vector<16xf32>,
      %get3A_152 = arith.index_cast %scan3A_136 : i32 to index
      %get3A_153 = arith.constant 80 : index
      %get3A_154 = tpu.vector_load %arg5[%get3A_152, %get3A_153] {strides = array<i32>} : memref<32x512xf32, #tpu.memory_space<vmem>>, vector<16xf32>,
      %get3A_155 = arith.index_cast %scan3A_136 : i32 to index
      %get3A_156 = arith.constant 96 : index
      %get3A_157 = tpu.vector_load %arg5[%get3A_155, %get3A_156] {strides = array<i32>} : memref<32x512xf32, #tpu.memory_space<vmem>>, vector<16xf32>,
      %get3A_158 = arith.index_cast %scan3A_136 : i32 to index
      %get3A_159 = arith.constant 112 : index
      %get3A_160 = tpu.vector_load %arg5[%get3A_158, %get3A_159] {strides = array<i32>} : memref<32x512xf32, #tpu.memory_space<vmem>>, vector<16xf32>,
      %get3A_161 = arith.index_cast %scan3A_136 : i32 to index
      %get3A_162 = arith.constant 128 : index
      %get3A_163 = tpu.vector_load %arg5[%get3A_161, %get3A_162] {strides = array<i32>} : memref<32x512xf32, #tpu.memory_space<vmem>>, vector<16xf32>,
      %get3A_164 = arith.index_cast %scan3A_136 : i32 to index
      %get3A_165 = arith.constant 144 : index
      %get3A_166 = tpu.vector_load %arg5[%get3A_164, %get3A_165] {strides = array<i32>} : memref<32x512xf32, #tpu.memory_space<vmem>>, vector<16xf32>,
      %get3A_167 = arith.index_cast %scan3A_136 : i32 to index
      %get3A_168 = arith.constant 160 : index
      %get3A_169 = tpu.vector_load %arg5[%get3A_167, %get3A_168] {strides = array<i32>} : memref<32x512xf32, #tpu.memory_space<vmem>>, vector<16xf32>,
      %get3A_170 = arith.index_cast %scan3A_136 : i32 to index
      %get3A_171 = arith.constant 176 : index
      %get3A_172 = tpu.vector_load %arg5[%get3A_170, %get3A_171] {strides = array<i32>} : memref<32x512xf32, #tpu.memory_space<vmem>>, vector<16xf32>,
      %get3A_173 = arith.index_cast %scan3A_136 : i32 to index
      %get3A_174 = arith.constant 192 : index
      %get3A_175 = tpu.vector_load %arg5[%get3A_173, %get3A_174] {strides = array<i32>} : memref<32x512xf32, #tpu.memory_space<vmem>>, vector<16xf32>,
      %get3A_176 = arith.index_cast %scan3A_136 : i32 to index
      %get3A_177 = arith.constant 208 : index
      %get3A_178 = tpu.vector_load %arg5[%get3A_176, %get3A_177] {strides = array<i32>} : memref<32x512xf32, #tpu.memory_space<vmem>>, vector<16xf32>,
      %get3A_179 = arith.index_cast %scan3A_136 : i32 to index
      %get3A_180 = arith.constant 224 : index
      %get3A_181 = tpu.vector_load %arg5[%get3A_179, %get3A_180] {strides = array<i32>} : memref<32x512xf32, #tpu.memory_space<vmem>>, vector<16xf32>,
      %get3A_182 = arith.index_cast %scan3A_136 : i32 to index
      %get3A_183 = arith.constant 240 : index
      %get3A_184 = tpu.vector_load %arg5[%get3A_182, %get3A_183] {strides = array<i32>} : memref<32x512xf32, #tpu.memory_space<vmem>>, vector<16xf32>,
      %get3A_185 = arith.index_cast %scan3A_136 : i32 to index
      %get3A_186 = arith.constant 256 : index
      %get3A_187 = tpu.vector_load %arg5[%get3A_185, %get3A_186] {strides = array<i32>} : memref<32x512xf32, #tpu.memory_space<vmem>>, vector<16xf32>,
      %get3A_188 = arith.index_cast %scan3A_136 : i32 to index
      %get3A_189 = arith.constant 272 : index
      %get3A_190 = tpu.vector_load %arg5[%get3A_188, %get3A_189] {strides = array<i32>} : memref<32x512xf32, #tpu.memory_space<vmem>>, vector<16xf32>,
      %get3A_191 = arith.index_cast %scan3A_136 : i32 to index
      %get3A_192 = arith.constant 288 : index
      %get3A_193 = tpu.vector_load %arg5[%get3A_191, %get3A_192] {strides = array<i32>} : memref<32x512xf32, #tpu.memory_space<vmem>>, vector<16xf32>,
      %get3A_194 = arith.index_cast %scan3A_136 : i32 to index
      %get3A_195 = arith.constant 304 : index
      %get3A_196 = tpu.vector_load %arg5[%get3A_194, %get3A_195] {strides = array<i32>} : memref<32x512xf32, #tpu.memory_space<vmem>>, vector<16xf32>,
      %get3A_197 = arith.index_cast %scan3A_136 : i32 to index
      %get3A_198 = arith.constant 320 : index
      %get3A_199 = tpu.vector_load %arg5[%get3A_197, %get3A_198] {strides = array<i32>} : memref<32x512xf32, #tpu.memory_space<vmem>>, vector<16xf32>,
      %get3A_200 = arith.index_cast %scan3A_136 : i32 to index
      %get3A_201 = arith.constant 336 : index
      %get3A_202 = tpu.vector_load %arg5[%get3A_200, %get3A_201] {strides = array<i32>} : memref<32x512xf32, #tpu.memory_space<vmem>>, vector<16xf32>,
      %get3A_203 = arith.index_cast %scan3A_136 : i32 to index
      %get3A_204 = arith.constant 352 : index
      %get3A_205 = tpu.vector_load %arg5[%get3A_203, %get3A_204] {strides = array<i32>} : memref<32x512xf32, #tpu.memory_space<vmem>>, vector<16xf32>,
      %get3A_206 = arith.index_cast %scan3A_136 : i32 to index
      %get3A_207 = arith.constant 368 : index
      %get3A_208 = tpu.vector_load %arg5[%get3A_206, %get3A_207] {strides = array<i32>} : memref<32x512xf32, #tpu.memory_space<vmem>>, vector<16xf32>,
      %get3A_209 = arith.index_cast %scan3A_136 : i32 to index
      %get3A_210 = arith.constant 384 : index
      %get3A_211 = tpu.vector_load %arg5[%get3A_209, %get3A_210] {strides = array<i32>} : memref<32x512xf32, #tpu.memory_space<vmem>>, vector<16xf32>,
      %get3A_212 = arith.index_cast %scan3A_136 : i32 to index
      %get3A_213 = arith.constant 400 : index
      %get3A_214 = tpu.vector_load %arg5[%get3A_212, %get3A_213] {strides = array<i32>} : memref<32x512xf32, #tpu.memory_space<vmem>>, vector<16xf32>,
      %get3A_215 = arith.index_cast %scan3A_136 : i32 to index
      %get3A_216 = arith.constant 416 : index
      %get3A_217 = tpu.vector_load %arg5[%get3A_215, %get3A_216] {strides = array<i32>} : memref<32x512xf32, #tpu.memory_space<vmem>>, vector<16xf32>,
      %get3A_218 = arith.index_cast %scan3A_136 : i32 to index
      %get3A_219 = arith.constant 432 : index
      %get3A_220 = tpu.vector_load %arg5[%get3A_218, %get3A_219] {strides = array<i32>} : memref<32x512xf32, #tpu.memory_space<vmem>>, vector<16xf32>,
      %get3A_221 = arith.index_cast %scan3A_136 : i32 to index
      %get3A_222 = arith.constant 448 : index
      %get3A_223 = tpu.vector_load %arg5[%get3A_221, %get3A_222] {strides = array<i32>} : memref<32x512xf32, #tpu.memory_space<vmem>>, vector<16xf32>,
      %get3A_224 = arith.index_cast %scan3A_136 : i32 to index
      %get3A_225 = arith.constant 464 : index
      %get3A_226 = tpu.vector_load %arg5[%get3A_224, %get3A_225] {strides = array<i32>} : memref<32x512xf32, #tpu.memory_space<vmem>>, vector<16xf32>,
      %get3A_227 = arith.index_cast %scan3A_136 : i32 to index
      %get3A_228 = arith.constant 480 : index
      %get3A_229 = tpu.vector_load %arg5[%get3A_227, %get3A_228] {strides = array<i32>} : memref<32x512xf32, #tpu.memory_space<vmem>>, vector<16xf32>,
      %get3A_230 = arith.index_cast %scan3A_136 : i32 to index
      %get3A_231 = arith.constant 496 : index
      %get3A_232 = tpu.vector_load %arg5[%get3A_230, %get3A_231] {strides = array<i32>} : memref<32x512xf32, #tpu.memory_space<vmem>>, vector<16xf32>,
      %broadcast_in_dim3A = arith.constant 0 : i32
      %broadcast_in_dim3A_233 = vector.broadcast %broadcast_in_dim3A : i32 to vector<16xi32>
      %lt3A = arith.cmpf olt, %get3A_142, %get3A_139 : vector<16xf32>
      %select_n3A = arith.select %lt3A, %get3A_142, %get3A_139 : vector<16xi1>, vector<16xf32>
      %broadcast_in_dim3A_234 = arith.constant 1 : i32
      %broadcast_in_dim3A_235 = vector.broadcast %broadcast_in_dim3A_234 : i32 to vector<16xi32>
      %select_n3A_236 = arith.select %lt3A, %broadcast_in_dim3A_235, %broadcast_in_dim3A_233 : vector<16xi1>, vector<16xi32>
      %lt3A_237 = arith.cmpf olt, %get3A_145, %select_n3A : vector<16xf32>
      %select_n3A_238 = arith.select %lt3A_237, %get3A_145, %select_n3A : vector<16xi1>, vector<16xf32>
      %broadcast_in_dim3A_239 = arith.constant 2 : i32
      %broadcast_in_dim3A_240 = vector.broadcast %broadcast_in_dim3A_239 : i32 to vector<16xi32>
      %select_n3A_241 = arith.select %lt3A_237, %broadcast_in_dim3A_240, %select_n3A_236 : vector<16xi1>, vector<16xi32>
      %lt3A_242 = arith.cmpf olt, %get3A_148, %select_n3A_238 : vector<16xf32>
      %select_n3A_243 = arith.select %lt3A_242, %get3A_148, %select_n3A_238 : vector<16xi1>, vector<16xf32>
      %broadcast_in_dim3A_244 = arith.constant 3 : i32
      %broadcast_in_dim3A_245 = vector.broadcast %broadcast_in_dim3A_244 : i32 to vector<16xi32>
      %select_n3A_246 = arith.select %lt3A_242, %broadcast_in_dim3A_245, %select_n3A_241 : vector<16xi1>, vector<16xi32>
      %lt3A_247 = arith.cmpf olt, %get3A_151, %select_n3A_243 : vector<16xf32>
      %select_n3A_248 = arith.select %lt3A_247, %get3A_151, %select_n3A_243 : vector<16xi1>, vector<16xf32>
      %broadcast_in_dim3A_249 = arith.constant 4 : i32
      %broadcast_in_dim3A_250 = vector.broadcast %broadcast_in_dim3A_249 : i32 to vector<16xi32>
      %select_n3A_251 = arith.select %lt3A_247, %broadcast_in_dim3A_250, %select_n3A_246 : vector<16xi1>, vector<16xi32>
      %lt3A_252 = arith.cmpf olt, %get3A_154, %select_n3A_248 : vector<16xf32>
      %select_n3A_253 = arith.select %lt3A_252, %get3A_154, %select_n3A_248 : vector<16xi1>, vector<16xf32>
      %broadcast_in_dim3A_254 = arith.constant 5 : i32
      %broadcast_in_dim3A_255 = vector.broadcast %broadcast_in_dim3A_254 : i32 to vector<16xi32>
      %select_n3A_256 = arith.select %lt3A_252, %broadcast_in_dim3A_255, %select_n3A_251 : vector<16xi1>, vector<16xi32>
      %lt3A_257 = arith.cmpf olt, %get3A_157, %select_n3A_253 : vector<16xf32>
      %select_n3A_258 = arith.select %lt3A_257, %get3A_157, %select_n3A_253 : vector<16xi1>, vector<16xf32>
      %broadcast_in_dim3A_259 = arith.constant 6 : i32
      %broadcast_in_dim3A_260 = vector.broadcast %broadcast_in_dim3A_259 : i32 to vector<16xi32>
      %select_n3A_261 = arith.select %lt3A_257, %broadcast_in_dim3A_260, %select_n3A_256 : vector<16xi1>, vector<16xi32>
      %lt3A_262 = arith.cmpf olt, %get3A_160, %select_n3A_258 : vector<16xf32>
      %select_n3A_263 = arith.select %lt3A_262, %get3A_160, %select_n3A_258 : vector<16xi1>, vector<16xf32>
      %broadcast_in_dim3A_264 = arith.constant 7 : i32
      %broadcast_in_dim3A_265 = vector.broadcast %broadcast_in_dim3A_264 : i32 to vector<16xi32>
      %select_n3A_266 = arith.select %lt3A_262, %broadcast_in_dim3A_265, %select_n3A_261 : vector<16xi1>, vector<16xi32>
      %lt3A_267 = arith.cmpf olt, %get3A_163, %select_n3A_263 : vector<16xf32>
      %select_n3A_268 = arith.select %lt3A_267, %get3A_163, %select_n3A_263 : vector<16xi1>, vector<16xf32>
      %broadcast_in_dim3A_269 = arith.constant 8 : i32
      %broadcast_in_dim3A_270 = vector.broadcast %broadcast_in_dim3A_269 : i32 to vector<16xi32>
      %select_n3A_271 = arith.select %lt3A_267, %broadcast_in_dim3A_270, %select_n3A_266 : vector<16xi1>, vector<16xi32>
      %lt3A_272 = arith.cmpf olt, %get3A_166, %select_n3A_268 : vector<16xf32>
      %select_n3A_273 = arith.select %lt3A_272, %get3A_166, %select_n3A_268 : vector<16xi1>, vector<16xf32>
      %broadcast_in_dim3A_274 = arith.constant 9 : i32
      %broadcast_in_dim3A_275 = vector.broadcast %broadcast_in_dim3A_274 : i32 to vector<16xi32>
      %select_n3A_276 = arith.select %lt3A_272, %broadcast_in_dim3A_275, %select_n3A_271 : vector<16xi1>, vector<16xi32>
      %lt3A_277 = arith.cmpf olt, %get3A_169, %select_n3A_273 : vector<16xf32>
      %select_n3A_278 = arith.select %lt3A_277, %get3A_169, %select_n3A_273 : vector<16xi1>, vector<16xf32>
      %broadcast_in_dim3A_279 = arith.constant 10 : i32
      %broadcast_in_dim3A_280 = vector.broadcast %broadcast_in_dim3A_279 : i32 to vector<16xi32>
      %select_n3A_281 = arith.select %lt3A_277, %broadcast_in_dim3A_280, %select_n3A_276 : vector<16xi1>, vector<16xi32>
      %lt3A_282 = arith.cmpf olt, %get3A_172, %select_n3A_278 : vector<16xf32>
      %select_n3A_283 = arith.select %lt3A_282, %get3A_172, %select_n3A_278 : vector<16xi1>, vector<16xf32>
      %broadcast_in_dim3A_284 = arith.constant 11 : i32
      %broadcast_in_dim3A_285 = vector.broadcast %broadcast_in_dim3A_284 : i32 to vector<16xi32>
      %select_n3A_286 = arith.select %lt3A_282, %broadcast_in_dim3A_285, %select_n3A_281 : vector<16xi1>, vector<16xi32>
      %lt3A_287 = arith.cmpf olt, %get3A_175, %select_n3A_283 : vector<16xf32>
      %select_n3A_288 = arith.select %lt3A_287, %get3A_175, %select_n3A_283 : vector<16xi1>, vector<16xf32>
      %broadcast_in_dim3A_289 = arith.constant 12 : i32
      %broadcast_in_dim3A_290 = vector.broadcast %broadcast_in_dim3A_289 : i32 to vector<16xi32>
      %select_n3A_291 = arith.select %lt3A_287, %broadcast_in_dim3A_290, %select_n3A_286 : vector<16xi1>, vector<16xi32>
      %lt3A_292 = arith.cmpf olt, %get3A_178, %select_n3A_288 : vector<16xf32>
      %select_n3A_293 = arith.select %lt3A_292, %get3A_178, %select_n3A_288 : vector<16xi1>, vector<16xf32>
      %broadcast_in_dim3A_294 = arith.constant 13 : i32
      %broadcast_in_dim3A_295 = vector.broadcast %broadcast_in_dim3A_294 : i32 to vector<16xi32>
      %select_n3A_296 = arith.select %lt3A_292, %broadcast_in_dim3A_295, %select_n3A_291 : vector<16xi1>, vector<16xi32>
      %lt3A_297 = arith.cmpf olt, %get3A_181, %select_n3A_293 : vector<16xf32>
      %select_n3A_298 = arith.select %lt3A_297, %get3A_181, %select_n3A_293 : vector<16xi1>, vector<16xf32>
      %broadcast_in_dim3A_299 = arith.constant 14 : i32
      %broadcast_in_dim3A_300 = vector.broadcast %broadcast_in_dim3A_299 : i32 to vector<16xi32>
      %select_n3A_301 = arith.select %lt3A_297, %broadcast_in_dim3A_300, %select_n3A_296 : vector<16xi1>, vector<16xi32>
      %lt3A_302 = arith.cmpf olt, %get3A_184, %select_n3A_298 : vector<16xf32>
      %select_n3A_303 = arith.select %lt3A_302, %get3A_184, %select_n3A_298 : vector<16xi1>, vector<16xf32>
      %broadcast_in_dim3A_304 = arith.constant 15 : i32
      %broadcast_in_dim3A_305 = vector.broadcast %broadcast_in_dim3A_304 : i32 to vector<16xi32>
      %select_n3A_306 = arith.select %lt3A_302, %broadcast_in_dim3A_305, %select_n3A_301 : vector<16xi1>, vector<16xi32>
      %lt3A_307 = arith.cmpf olt, %get3A_187, %select_n3A_303 : vector<16xf32>
      %select_n3A_308 = arith.select %lt3A_307, %get3A_187, %select_n3A_303 : vector<16xi1>, vector<16xf32>
      %broadcast_in_dim3A_309 = arith.constant 16 : i32
      %broadcast_in_dim3A_310 = vector.broadcast %broadcast_in_dim3A_309 : i32 to vector<16xi32>
      %select_n3A_311 = arith.select %lt3A_307, %broadcast_in_dim3A_310, %select_n3A_306 : vector<16xi1>, vector<16xi32>
      %lt3A_312 = arith.cmpf olt, %get3A_190, %select_n3A_308 : vector<16xf32>
      %select_n3A_313 = arith.select %lt3A_312, %get3A_190, %select_n3A_308 : vector<16xi1>, vector<16xf32>
      %broadcast_in_dim3A_314 = arith.constant 17 : i32
      %broadcast_in_dim3A_315 = vector.broadcast %broadcast_in_dim3A_314 : i32 to vector<16xi32>
      %select_n3A_316 = arith.select %lt3A_312, %broadcast_in_dim3A_315, %select_n3A_311 : vector<16xi1>, vector<16xi32>
      %lt3A_317 = arith.cmpf olt, %get3A_193, %select_n3A_313 : vector<16xf32>
      %select_n3A_318 = arith.select %lt3A_317, %get3A_193, %select_n3A_313 : vector<16xi1>, vector<16xf32>
      %broadcast_in_dim3A_319 = arith.constant 18 : i32
      %broadcast_in_dim3A_320 = vector.broadcast %broadcast_in_dim3A_319 : i32 to vector<16xi32>
      %select_n3A_321 = arith.select %lt3A_317, %broadcast_in_dim3A_320, %select_n3A_316 : vector<16xi1>, vector<16xi32>
      %lt3A_322 = arith.cmpf olt, %get3A_196, %select_n3A_318 : vector<16xf32>
      %select_n3A_323 = arith.select %lt3A_322, %get3A_196, %select_n3A_318 : vector<16xi1>, vector<16xf32>
      %broadcast_in_dim3A_324 = arith.constant 19 : i32
      %broadcast_in_dim3A_325 = vector.broadcast %broadcast_in_dim3A_324 : i32 to vector<16xi32>
      %select_n3A_326 = arith.select %lt3A_322, %broadcast_in_dim3A_325, %select_n3A_321 : vector<16xi1>, vector<16xi32>
      %lt3A_327 = arith.cmpf olt, %get3A_199, %select_n3A_323 : vector<16xf32>
      %select_n3A_328 = arith.select %lt3A_327, %get3A_199, %select_n3A_323 : vector<16xi1>, vector<16xf32>
      %broadcast_in_dim3A_329 = arith.constant 20 : i32
      %broadcast_in_dim3A_330 = vector.broadcast %broadcast_in_dim3A_329 : i32 to vector<16xi32>
      %select_n3A_331 = arith.select %lt3A_327, %broadcast_in_dim3A_330, %select_n3A_326 : vector<16xi1>, vector<16xi32>
      %lt3A_332 = arith.cmpf olt, %get3A_202, %select_n3A_328 : vector<16xf32>
      %select_n3A_333 = arith.select %lt3A_332, %get3A_202, %select_n3A_328 : vector<16xi1>, vector<16xf32>
      %broadcast_in_dim3A_334 = arith.constant 21 : i32
      %broadcast_in_dim3A_335 = vector.broadcast %broadcast_in_dim3A_334 : i32 to vector<16xi32>
      %select_n3A_336 = arith.select %lt3A_332, %broadcast_in_dim3A_335, %select_n3A_331 : vector<16xi1>, vector<16xi32>
      %lt3A_337 = arith.cmpf olt, %get3A_205, %select_n3A_333 : vector<16xf32>
      %select_n3A_338 = arith.select %lt3A_337, %get3A_205, %select_n3A_333 : vector<16xi1>, vector<16xf32>
      %broadcast_in_dim3A_339 = arith.constant 22 : i32
      %broadcast_in_dim3A_340 = vector.broadcast %broadcast_in_dim3A_339 : i32 to vector<16xi32>
      %select_n3A_341 = arith.select %lt3A_337, %broadcast_in_dim3A_340, %select_n3A_336 : vector<16xi1>, vector<16xi32>
      %lt3A_342 = arith.cmpf olt, %get3A_208, %select_n3A_338 : vector<16xf32>
      %select_n3A_343 = arith.select %lt3A_342, %get3A_208, %select_n3A_338 : vector<16xi1>, vector<16xf32>
      %broadcast_in_dim3A_344 = arith.constant 23 : i32
      %broadcast_in_dim3A_345 = vector.broadcast %broadcast_in_dim3A_344 : i32 to vector<16xi32>
      %select_n3A_346 = arith.select %lt3A_342, %broadcast_in_dim3A_345, %select_n3A_341 : vector<16xi1>, vector<16xi32>
      %lt3A_347 = arith.cmpf olt, %get3A_211, %select_n3A_343 : vector<16xf32>
      %select_n3A_348 = arith.select %lt3A_347, %get3A_211, %select_n3A_343 : vector<16xi1>, vector<16xf32>
      %broadcast_in_dim3A_349 = arith.constant 24 : i32
      %broadcast_in_dim3A_350 = vector.broadcast %broadcast_in_dim3A_349 : i32 to vector<16xi32>
      %select_n3A_351 = arith.select %lt3A_347, %broadcast_in_dim3A_350, %select_n3A_346 : vector<16xi1>, vector<16xi32>
      %lt3A_352 = arith.cmpf olt, %get3A_214, %select_n3A_348 : vector<16xf32>
      %select_n3A_353 = arith.select %lt3A_352, %get3A_214, %select_n3A_348 : vector<16xi1>, vector<16xf32>
      %broadcast_in_dim3A_354 = arith.constant 25 : i32
      %broadcast_in_dim3A_355 = vector.broadcast %broadcast_in_dim3A_354 : i32 to vector<16xi32>
      %select_n3A_356 = arith.select %lt3A_352, %broadcast_in_dim3A_355, %select_n3A_351 : vector<16xi1>, vector<16xi32>
      %lt3A_357 = arith.cmpf olt, %get3A_217, %select_n3A_353 : vector<16xf32>
      %select_n3A_358 = arith.select %lt3A_357, %get3A_217, %select_n3A_353 : vector<16xi1>, vector<16xf32>
      %broadcast_in_dim3A_359 = arith.constant 26 : i32
      %broadcast_in_dim3A_360 = vector.broadcast %broadcast_in_dim3A_359 : i32 to vector<16xi32>
      %select_n3A_361 = arith.select %lt3A_357, %broadcast_in_dim3A_360, %select_n3A_356 : vector<16xi1>, vector<16xi32>
      %lt3A_362 = arith.cmpf olt, %get3A_220, %select_n3A_358 : vector<16xf32>
      %select_n3A_363 = arith.select %lt3A_362, %get3A_220, %select_n3A_358 : vector<16xi1>, vector<16xf32>
      %broadcast_in_dim3A_364 = arith.constant 27 : i32
      %broadcast_in_dim3A_365 = vector.broadcast %broadcast_in_dim3A_364 : i32 to vector<16xi32>
      %select_n3A_366 = arith.select %lt3A_362, %broadcast_in_dim3A_365, %select_n3A_361 : vector<16xi1>, vector<16xi32>
      %lt3A_367 = arith.cmpf olt, %get3A_223, %select_n3A_363 : vector<16xf32>
      %select_n3A_368 = arith.select %lt3A_367, %get3A_223, %select_n3A_363 : vector<16xi1>, vector<16xf32>
      %broadcast_in_dim3A_369 = arith.constant 28 : i32
      %broadcast_in_dim3A_370 = vector.broadcast %broadcast_in_dim3A_369 : i32 to vector<16xi32>
      %select_n3A_371 = arith.select %lt3A_367, %broadcast_in_dim3A_370, %select_n3A_366 : vector<16xi1>, vector<16xi32>
      %lt3A_372 = arith.cmpf olt, %get3A_226, %select_n3A_368 : vector<16xf32>
      %select_n3A_373 = arith.select %lt3A_372, %get3A_226, %select_n3A_368 : vector<16xi1>, vector<16xf32>
      %broadcast_in_dim3A_374 = arith.constant 29 : i32
      %broadcast_in_dim3A_375 = vector.broadcast %broadcast_in_dim3A_374 : i32 to vector<16xi32>
      %select_n3A_376 = arith.select %lt3A_372, %broadcast_in_dim3A_375, %select_n3A_371 : vector<16xi1>, vector<16xi32>
      %lt3A_377 = arith.cmpf olt, %get3A_229, %select_n3A_373 : vector<16xf32>
      %select_n3A_378 = arith.select %lt3A_377, %get3A_229, %select_n3A_373 : vector<16xi1>, vector<16xf32>
      %broadcast_in_dim3A_379 = arith.constant 30 : i32
      %broadcast_in_dim3A_380 = vector.broadcast %broadcast_in_dim3A_379 : i32 to vector<16xi32>
      %select_n3A_381 = arith.select %lt3A_377, %broadcast_in_dim3A_380, %select_n3A_376 : vector<16xi1>, vector<16xi32>
      %lt3A_382 = arith.cmpf olt, %get3A_232, %select_n3A_378 : vector<16xf32>
      %select_n3A_383 = arith.select %lt3A_382, %get3A_232, %select_n3A_378 : vector<16xi1>, vector<16xf32>
      %broadcast_in_dim3A_384 = arith.constant 31 : i32
      %broadcast_in_dim3A_385 = vector.broadcast %broadcast_in_dim3A_384 : i32 to vector<16xi32>
      %select_n3A_386 = arith.select %lt3A_382, %broadcast_in_dim3A_385, %select_n3A_381 : vector<16xi1>, vector<16xi32>
      %reduce_min3A = arith.constant true
      %reduce_min3A_387 = vector.broadcast %reduce_min3A : i1 to vector<16xi1>
      %reduce_min3A_388 = tpu.scan <min>, %select_n3A_383 masked %reduce_min3A_387 : vector<16xf32>, vector<16xi1> -> vector<16xf32>
      %reduce_min3A_389 = vector.extract %reduce_min3A_388[15] : f32 from vector<16xf32>
      %eq3A_390 = vector.broadcast %reduce_min3A_389 : f32 to vector<16xf32>
      %eq3A_391 = arith.cmpf oeq, %select_n3A_383, %eq3A_390 : vector<16xf32>
      %mul3A_392 = arith.constant 16 : i32
      %mul3A_393 = vector.broadcast %mul3A_392 : i32 to vector<16xi32>
      %mul3A_394 = arith.muli %select_n3A_386, %mul3A_393 : vector<16xi32>
      %add3A_395 = arith.addi %mul3A_394, %iota3A : vector<16xi32>
      %jit3A = arith.constant 512 : i32
      %broadcast_in_dim3A_396 = vector.broadcast %jit3A : i32 to vector<16xi32>
      %select_n3A_397 = arith.select %eq3A_391, %add3A_395, %broadcast_in_dim3A_396 : vector<16xi1>, vector<16xi32>
      %reduce_min3A_398 = arith.constant true
      %reduce_min3A_399 = vector.broadcast %reduce_min3A_398 : i1 to vector<16xi1>
      %reduce_min3A_400 = arith.constant -2147483648 : i32
      %reduce_min3A_401 = vector.broadcast %reduce_min3A_400 : i32 to vector<16xi32>
      %reduce_min3A_402 = arith.xori %select_n3A_397, %reduce_min3A_401 : vector<16xi32>
      %reduce_min3A_403 = tpu.scan <min>, %reduce_min3A_402 masked %reduce_min3A_399 : vector<16xi32>, vector<16xi1> -> vector<16xi32>
      %reduce_min3A_404 = arith.xori %reduce_min3A_403, %reduce_min3A_401 : vector<16xi32>
      %reduce_min3A_405 = vector.extract %reduce_min3A_404[15] : i32 from vector<16xi32>
      %broadcast_in_dim3A_406 = arith.constant 32 : i32
      %broadcast_in_dim3A_407 = vector.broadcast %broadcast_in_dim3A_406 : i32 to vector<16xi32>
      %add3A_408 = vector.broadcast %scan3A_136 : i32 to vector<16xi32>
      %add3A_409 = arith.addi %broadcast_in_dim3A_407, %add3A_408 : vector<16xi32>
      %broadcast_in_dim3A_410 = arith.constant 0 : i32
      %broadcast_in_dim3A_411 = vector.broadcast %broadcast_in_dim3A_410 : i32 to vector<16xi32>
      %add3A_412 = vector.broadcast %reduce_min3A_405 : i32 to vector<16xi32>
      %add3A_413 = arith.addi %broadcast_in_dim3A_411, %add3A_412 : vector<16xi32>
      tpu.vector_store_idx %arg6[%add3A_409], %add3A_413 masked %eq3A_4 : memref<256xi32, #tpu.memory_space<vmem>>[vector<16xi32>], vector<16xi32>, vector<16xi1>
      %scan3A_414 = arith.constant 0 : i32
      scf.yield %scan3A_414 : i32
    }
    %scan3A_39 = arith.constant 32 : i32
    %add3A_40 = arith.constant 96 : i32
    %add3A_41 = arith.addi %mul3A_2, %add3A_40 : i32
    %dma_start3A_42 = arith.constant 0 : i32
    %dma_start3A_43 = tpu.memref_slice %arg2[%add3A_41, %dma_start3A_42] : memref<8192x512xf32, #tpu.memory_space<hbm>> -> memref<32x512xf32, #tpu.memory_space<hbm>>
    %dma_start3A_44 = arith.constant 0 : i32
    %dma_start3A_45 = tpu.memref_slice %arg2[%add3A_41, %dma_start3A_44] : memref<8192x512xf32, #tpu.memory_space<hbm>> -> memref<32x512xf32, #tpu.memory_space<hbm>>
    tpu.enqueue_dma source(%dma_start3A_45 : memref<32x512xf32, #tpu.memory_space<hbm>>) target(%arg5 : memref<32x512xf32, #tpu.memory_space<vmem>>) target_semaphore(%arg8 : memref<!tpu.dma_semaphore, #tpu.memory_space<semaphore_mem>>)
    %dma_wait3A_46 = arith.constant 0 : i32
    %dma_wait3A_47 = tpu.memref_slice %arg2[%add3A_24, %dma_wait3A_46] : memref<8192x512xf32, #tpu.memory_space<hbm>> -> memref<32x512xf32, #tpu.memory_space<hbm>>
    %dma_wait3A_48 = arith.constant 0 : i32
    %dma_wait3A_49 = tpu.memref_slice %arg2[%add3A_24, %dma_wait3A_48] : memref<8192x512xf32, #tpu.memory_space<hbm>> -> memref<32x512xf32, #tpu.memory_space<hbm>>
    tpu.wait_dma2 semaphore(%arg7 : memref<!tpu.dma_semaphore, #tpu.memory_space<semaphore_mem>>) src(%dma_wait3A_49 : memref<32x512xf32, #tpu.memory_space<hbm>>) dst(%arg4 : memref<32x512xf32, #tpu.memory_space<vmem>>)
    %scan3A_50 = arith.constant 0 : i32
    %scan3A_51 = arith.constant 0 : i32
    %scan3A_52 = arith.constant 32 : i32
    %scan3A_53 = arith.addi %scan3A_51, %scan3A_52 : i32
    %scan3A_54 = arith.constant 1 : i32
    %scan3A_55 = scf.for %scan3A_136 = %scan3A_51 to %scan3A_53 step %scan3A_54 iter_args(%scan3A_137 = %scan3A_50) -> (i32)  : i32 {
      %get3A = arith.index_cast %scan3A_136 : i32 to index
      %get3A_138 = arith.constant 0 : index
      %get3A_139 = tpu.vector_load %arg4[%get3A, %get3A_138] {strides = array<i32>} : memref<32x512xf32, #tpu.memory_space<vmem>>, vector<16xf32>,
      %get3A_140 = arith.index_cast %scan3A_136 : i32 to index
      %get3A_141 = arith.constant 16 : index
      %get3A_142 = tpu.vector_load %arg4[%get3A_140, %get3A_141] {strides = array<i32>} : memref<32x512xf32, #tpu.memory_space<vmem>>, vector<16xf32>,
      %get3A_143 = arith.index_cast %scan3A_136 : i32 to index
      %get3A_144 = arith.constant 32 : index
      %get3A_145 = tpu.vector_load %arg4[%get3A_143, %get3A_144] {strides = array<i32>} : memref<32x512xf32, #tpu.memory_space<vmem>>, vector<16xf32>,
      %get3A_146 = arith.index_cast %scan3A_136 : i32 to index
      %get3A_147 = arith.constant 48 : index
      %get3A_148 = tpu.vector_load %arg4[%get3A_146, %get3A_147] {strides = array<i32>} : memref<32x512xf32, #tpu.memory_space<vmem>>, vector<16xf32>,
      %get3A_149 = arith.index_cast %scan3A_136 : i32 to index
      %get3A_150 = arith.constant 64 : index
      %get3A_151 = tpu.vector_load %arg4[%get3A_149, %get3A_150] {strides = array<i32>} : memref<32x512xf32, #tpu.memory_space<vmem>>, vector<16xf32>,
      %get3A_152 = arith.index_cast %scan3A_136 : i32 to index
      %get3A_153 = arith.constant 80 : index
      %get3A_154 = tpu.vector_load %arg4[%get3A_152, %get3A_153] {strides = array<i32>} : memref<32x512xf32, #tpu.memory_space<vmem>>, vector<16xf32>,
      %get3A_155 = arith.index_cast %scan3A_136 : i32 to index
      %get3A_156 = arith.constant 96 : index
      %get3A_157 = tpu.vector_load %arg4[%get3A_155, %get3A_156] {strides = array<i32>} : memref<32x512xf32, #tpu.memory_space<vmem>>, vector<16xf32>,
      %get3A_158 = arith.index_cast %scan3A_136 : i32 to index
      %get3A_159 = arith.constant 112 : index
      %get3A_160 = tpu.vector_load %arg4[%get3A_158, %get3A_159] {strides = array<i32>} : memref<32x512xf32, #tpu.memory_space<vmem>>, vector<16xf32>,
      %get3A_161 = arith.index_cast %scan3A_136 : i32 to index
      %get3A_162 = arith.constant 128 : index
      %get3A_163 = tpu.vector_load %arg4[%get3A_161, %get3A_162] {strides = array<i32>} : memref<32x512xf32, #tpu.memory_space<vmem>>, vector<16xf32>,
      %get3A_164 = arith.index_cast %scan3A_136 : i32 to index
      %get3A_165 = arith.constant 144 : index
      %get3A_166 = tpu.vector_load %arg4[%get3A_164, %get3A_165] {strides = array<i32>} : memref<32x512xf32, #tpu.memory_space<vmem>>, vector<16xf32>,
      %get3A_167 = arith.index_cast %scan3A_136 : i32 to index
      %get3A_168 = arith.constant 160 : index
      %get3A_169 = tpu.vector_load %arg4[%get3A_167, %get3A_168] {strides = array<i32>} : memref<32x512xf32, #tpu.memory_space<vmem>>, vector<16xf32>,
      %get3A_170 = arith.index_cast %scan3A_136 : i32 to index
      %get3A_171 = arith.constant 176 : index
      %get3A_172 = tpu.vector_load %arg4[%get3A_170, %get3A_171] {strides = array<i32>} : memref<32x512xf32, #tpu.memory_space<vmem>>, vector<16xf32>,
      %get3A_173 = arith.index_cast %scan3A_136 : i32 to index
      %get3A_174 = arith.constant 192 : index
      %get3A_175 = tpu.vector_load %arg4[%get3A_173, %get3A_174] {strides = array<i32>} : memref<32x512xf32, #tpu.memory_space<vmem>>, vector<16xf32>,
      %get3A_176 = arith.index_cast %scan3A_136 : i32 to index
      %get3A_177 = arith.constant 208 : index
      %get3A_178 = tpu.vector_load %arg4[%get3A_176, %get3A_177] {strides = array<i32>} : memref<32x512xf32, #tpu.memory_space<vmem>>, vector<16xf32>,
      %get3A_179 = arith.index_cast %scan3A_136 : i32 to index
      %get3A_180 = arith.constant 224 : index
      %get3A_181 = tpu.vector_load %arg4[%get3A_179, %get3A_180] {strides = array<i32>} : memref<32x512xf32, #tpu.memory_space<vmem>>, vector<16xf32>,
      %get3A_182 = arith.index_cast %scan3A_136 : i32 to index
      %get3A_183 = arith.constant 240 : index
      %get3A_184 = tpu.vector_load %arg4[%get3A_182, %get3A_183] {strides = array<i32>} : memref<32x512xf32, #tpu.memory_space<vmem>>, vector<16xf32>,
      %get3A_185 = arith.index_cast %scan3A_136 : i32 to index
      %get3A_186 = arith.constant 256 : index
      %get3A_187 = tpu.vector_load %arg4[%get3A_185, %get3A_186] {strides = array<i32>} : memref<32x512xf32, #tpu.memory_space<vmem>>, vector<16xf32>,
      %get3A_188 = arith.index_cast %scan3A_136 : i32 to index
      %get3A_189 = arith.constant 272 : index
      %get3A_190 = tpu.vector_load %arg4[%get3A_188, %get3A_189] {strides = array<i32>} : memref<32x512xf32, #tpu.memory_space<vmem>>, vector<16xf32>,
      %get3A_191 = arith.index_cast %scan3A_136 : i32 to index
      %get3A_192 = arith.constant 288 : index
      %get3A_193 = tpu.vector_load %arg4[%get3A_191, %get3A_192] {strides = array<i32>} : memref<32x512xf32, #tpu.memory_space<vmem>>, vector<16xf32>,
      %get3A_194 = arith.index_cast %scan3A_136 : i32 to index
      %get3A_195 = arith.constant 304 : index
      %get3A_196 = tpu.vector_load %arg4[%get3A_194, %get3A_195] {strides = array<i32>} : memref<32x512xf32, #tpu.memory_space<vmem>>, vector<16xf32>,
      %get3A_197 = arith.index_cast %scan3A_136 : i32 to index
      %get3A_198 = arith.constant 320 : index
      %get3A_199 = tpu.vector_load %arg4[%get3A_197, %get3A_198] {strides = array<i32>} : memref<32x512xf32, #tpu.memory_space<vmem>>, vector<16xf32>,
      %get3A_200 = arith.index_cast %scan3A_136 : i32 to index
      %get3A_201 = arith.constant 336 : index
      %get3A_202 = tpu.vector_load %arg4[%get3A_200, %get3A_201] {strides = array<i32>} : memref<32x512xf32, #tpu.memory_space<vmem>>, vector<16xf32>,
      %get3A_203 = arith.index_cast %scan3A_136 : i32 to index
      %get3A_204 = arith.constant 352 : index
      %get3A_205 = tpu.vector_load %arg4[%get3A_203, %get3A_204] {strides = array<i32>} : memref<32x512xf32, #tpu.memory_space<vmem>>, vector<16xf32>,
      %get3A_206 = arith.index_cast %scan3A_136 : i32 to index
      %get3A_207 = arith.constant 368 : index
      %get3A_208 = tpu.vector_load %arg4[%get3A_206, %get3A_207] {strides = array<i32>} : memref<32x512xf32, #tpu.memory_space<vmem>>, vector<16xf32>,
      %get3A_209 = arith.index_cast %scan3A_136 : i32 to index
      %get3A_210 = arith.constant 384 : index
      %get3A_211 = tpu.vector_load %arg4[%get3A_209, %get3A_210] {strides = array<i32>} : memref<32x512xf32, #tpu.memory_space<vmem>>, vector<16xf32>,
      %get3A_212 = arith.index_cast %scan3A_136 : i32 to index
      %get3A_213 = arith.constant 400 : index
      %get3A_214 = tpu.vector_load %arg4[%get3A_212, %get3A_213] {strides = array<i32>} : memref<32x512xf32, #tpu.memory_space<vmem>>, vector<16xf32>,
      %get3A_215 = arith.index_cast %scan3A_136 : i32 to index
      %get3A_216 = arith.constant 416 : index
      %get3A_217 = tpu.vector_load %arg4[%get3A_215, %get3A_216] {strides = array<i32>} : memref<32x512xf32, #tpu.memory_space<vmem>>, vector<16xf32>,
      %get3A_218 = arith.index_cast %scan3A_136 : i32 to index
      %get3A_219 = arith.constant 432 : index
      %get3A_220 = tpu.vector_load %arg4[%get3A_218, %get3A_219] {strides = array<i32>} : memref<32x512xf32, #tpu.memory_space<vmem>>, vector<16xf32>,
      %get3A_221 = arith.index_cast %scan3A_136 : i32 to index
      %get3A_222 = arith.constant 448 : index
      %get3A_223 = tpu.vector_load %arg4[%get3A_221, %get3A_222] {strides = array<i32>} : memref<32x512xf32, #tpu.memory_space<vmem>>, vector<16xf32>,
      %get3A_224 = arith.index_cast %scan3A_136 : i32 to index
      %get3A_225 = arith.constant 464 : index
      %get3A_226 = tpu.vector_load %arg4[%get3A_224, %get3A_225] {strides = array<i32>} : memref<32x512xf32, #tpu.memory_space<vmem>>, vector<16xf32>,
      %get3A_227 = arith.index_cast %scan3A_136 : i32 to index
      %get3A_228 = arith.constant 480 : index
      %get3A_229 = tpu.vector_load %arg4[%get3A_227, %get3A_228] {strides = array<i32>} : memref<32x512xf32, #tpu.memory_space<vmem>>, vector<16xf32>,
      %get3A_230 = arith.index_cast %scan3A_136 : i32 to index
      %get3A_231 = arith.constant 496 : index
      %get3A_232 = tpu.vector_load %arg4[%get3A_230, %get3A_231] {strides = array<i32>} : memref<32x512xf32, #tpu.memory_space<vmem>>, vector<16xf32>,
      %broadcast_in_dim3A = arith.constant 0 : i32
      %broadcast_in_dim3A_233 = vector.broadcast %broadcast_in_dim3A : i32 to vector<16xi32>
      %lt3A = arith.cmpf olt, %get3A_142, %get3A_139 : vector<16xf32>
      %select_n3A = arith.select %lt3A, %get3A_142, %get3A_139 : vector<16xi1>, vector<16xf32>
      %broadcast_in_dim3A_234 = arith.constant 1 : i32
      %broadcast_in_dim3A_235 = vector.broadcast %broadcast_in_dim3A_234 : i32 to vector<16xi32>
      %select_n3A_236 = arith.select %lt3A, %broadcast_in_dim3A_235, %broadcast_in_dim3A_233 : vector<16xi1>, vector<16xi32>
      %lt3A_237 = arith.cmpf olt, %get3A_145, %select_n3A : vector<16xf32>
      %select_n3A_238 = arith.select %lt3A_237, %get3A_145, %select_n3A : vector<16xi1>, vector<16xf32>
      %broadcast_in_dim3A_239 = arith.constant 2 : i32
      %broadcast_in_dim3A_240 = vector.broadcast %broadcast_in_dim3A_239 : i32 to vector<16xi32>
      %select_n3A_241 = arith.select %lt3A_237, %broadcast_in_dim3A_240, %select_n3A_236 : vector<16xi1>, vector<16xi32>
      %lt3A_242 = arith.cmpf olt, %get3A_148, %select_n3A_238 : vector<16xf32>
      %select_n3A_243 = arith.select %lt3A_242, %get3A_148, %select_n3A_238 : vector<16xi1>, vector<16xf32>
      %broadcast_in_dim3A_244 = arith.constant 3 : i32
      %broadcast_in_dim3A_245 = vector.broadcast %broadcast_in_dim3A_244 : i32 to vector<16xi32>
      %select_n3A_246 = arith.select %lt3A_242, %broadcast_in_dim3A_245, %select_n3A_241 : vector<16xi1>, vector<16xi32>
      %lt3A_247 = arith.cmpf olt, %get3A_151, %select_n3A_243 : vector<16xf32>
      %select_n3A_248 = arith.select %lt3A_247, %get3A_151, %select_n3A_243 : vector<16xi1>, vector<16xf32>
      %broadcast_in_dim3A_249 = arith.constant 4 : i32
      %broadcast_in_dim3A_250 = vector.broadcast %broadcast_in_dim3A_249 : i32 to vector<16xi32>
      %select_n3A_251 = arith.select %lt3A_247, %broadcast_in_dim3A_250, %select_n3A_246 : vector<16xi1>, vector<16xi32>
      %lt3A_252 = arith.cmpf olt, %get3A_154, %select_n3A_248 : vector<16xf32>
      %select_n3A_253 = arith.select %lt3A_252, %get3A_154, %select_n3A_248 : vector<16xi1>, vector<16xf32>
      %broadcast_in_dim3A_254 = arith.constant 5 : i32
      %broadcast_in_dim3A_255 = vector.broadcast %broadcast_in_dim3A_254 : i32 to vector<16xi32>
      %select_n3A_256 = arith.select %lt3A_252, %broadcast_in_dim3A_255, %select_n3A_251 : vector<16xi1>, vector<16xi32>
      %lt3A_257 = arith.cmpf olt, %get3A_157, %select_n3A_253 : vector<16xf32>
      %select_n3A_258 = arith.select %lt3A_257, %get3A_157, %select_n3A_253 : vector<16xi1>, vector<16xf32>
      %broadcast_in_dim3A_259 = arith.constant 6 : i32
      %broadcast_in_dim3A_260 = vector.broadcast %broadcast_in_dim3A_259 : i32 to vector<16xi32>
      %select_n3A_261 = arith.select %lt3A_257, %broadcast_in_dim3A_260, %select_n3A_256 : vector<16xi1>, vector<16xi32>
      %lt3A_262 = arith.cmpf olt, %get3A_160, %select_n3A_258 : vector<16xf32>
      %select_n3A_263 = arith.select %lt3A_262, %get3A_160, %select_n3A_258 : vector<16xi1>, vector<16xf32>
      %broadcast_in_dim3A_264 = arith.constant 7 : i32
      %broadcast_in_dim3A_265 = vector.broadcast %broadcast_in_dim3A_264 : i32 to vector<16xi32>
      %select_n3A_266 = arith.select %lt3A_262, %broadcast_in_dim3A_265, %select_n3A_261 : vector<16xi1>, vector<16xi32>
      %lt3A_267 = arith.cmpf olt, %get3A_163, %select_n3A_263 : vector<16xf32>
      %select_n3A_268 = arith.select %lt3A_267, %get3A_163, %select_n3A_263 : vector<16xi1>, vector<16xf32>
      %broadcast_in_dim3A_269 = arith.constant 8 : i32
      %broadcast_in_dim3A_270 = vector.broadcast %broadcast_in_dim3A_269 : i32 to vector<16xi32>
      %select_n3A_271 = arith.select %lt3A_267, %broadcast_in_dim3A_270, %select_n3A_266 : vector<16xi1>, vector<16xi32>
      %lt3A_272 = arith.cmpf olt, %get3A_166, %select_n3A_268 : vector<16xf32>
      %select_n3A_273 = arith.select %lt3A_272, %get3A_166, %select_n3A_268 : vector<16xi1>, vector<16xf32>
      %broadcast_in_dim3A_274 = arith.constant 9 : i32
      %broadcast_in_dim3A_275 = vector.broadcast %broadcast_in_dim3A_274 : i32 to vector<16xi32>
      %select_n3A_276 = arith.select %lt3A_272, %broadcast_in_dim3A_275, %select_n3A_271 : vector<16xi1>, vector<16xi32>
      %lt3A_277 = arith.cmpf olt, %get3A_169, %select_n3A_273 : vector<16xf32>
      %select_n3A_278 = arith.select %lt3A_277, %get3A_169, %select_n3A_273 : vector<16xi1>, vector<16xf32>
      %broadcast_in_dim3A_279 = arith.constant 10 : i32
      %broadcast_in_dim3A_280 = vector.broadcast %broadcast_in_dim3A_279 : i32 to vector<16xi32>
      %select_n3A_281 = arith.select %lt3A_277, %broadcast_in_dim3A_280, %select_n3A_276 : vector<16xi1>, vector<16xi32>
      %lt3A_282 = arith.cmpf olt, %get3A_172, %select_n3A_278 : vector<16xf32>
      %select_n3A_283 = arith.select %lt3A_282, %get3A_172, %select_n3A_278 : vector<16xi1>, vector<16xf32>
      %broadcast_in_dim3A_284 = arith.constant 11 : i32
      %broadcast_in_dim3A_285 = vector.broadcast %broadcast_in_dim3A_284 : i32 to vector<16xi32>
      %select_n3A_286 = arith.select %lt3A_282, %broadcast_in_dim3A_285, %select_n3A_281 : vector<16xi1>, vector<16xi32>
      %lt3A_287 = arith.cmpf olt, %get3A_175, %select_n3A_283 : vector<16xf32>
      %select_n3A_288 = arith.select %lt3A_287, %get3A_175, %select_n3A_283 : vector<16xi1>, vector<16xf32>
      %broadcast_in_dim3A_289 = arith.constant 12 : i32
      %broadcast_in_dim3A_290 = vector.broadcast %broadcast_in_dim3A_289 : i32 to vector<16xi32>
      %select_n3A_291 = arith.select %lt3A_287, %broadcast_in_dim3A_290, %select_n3A_286 : vector<16xi1>, vector<16xi32>
      %lt3A_292 = arith.cmpf olt, %get3A_178, %select_n3A_288 : vector<16xf32>
      %select_n3A_293 = arith.select %lt3A_292, %get3A_178, %select_n3A_288 : vector<16xi1>, vector<16xf32>
      %broadcast_in_dim3A_294 = arith.constant 13 : i32
      %broadcast_in_dim3A_295 = vector.broadcast %broadcast_in_dim3A_294 : i32 to vector<16xi32>
      %select_n3A_296 = arith.select %lt3A_292, %broadcast_in_dim3A_295, %select_n3A_291 : vector<16xi1>, vector<16xi32>
      %lt3A_297 = arith.cmpf olt, %get3A_181, %select_n3A_293 : vector<16xf32>
      %select_n3A_298 = arith.select %lt3A_297, %get3A_181, %select_n3A_293 : vector<16xi1>, vector<16xf32>
      %broadcast_in_dim3A_299 = arith.constant 14 : i32
      %broadcast_in_dim3A_300 = vector.broadcast %broadcast_in_dim3A_299 : i32 to vector<16xi32>
      %select_n3A_301 = arith.select %lt3A_297, %broadcast_in_dim3A_300, %select_n3A_296 : vector<16xi1>, vector<16xi32>
      %lt3A_302 = arith.cmpf olt, %get3A_184, %select_n3A_298 : vector<16xf32>
      %select_n3A_303 = arith.select %lt3A_302, %get3A_184, %select_n3A_298 : vector<16xi1>, vector<16xf32>
      %broadcast_in_dim3A_304 = arith.constant 15 : i32
      %broadcast_in_dim3A_305 = vector.broadcast %broadcast_in_dim3A_304 : i32 to vector<16xi32>
      %select_n3A_306 = arith.select %lt3A_302, %broadcast_in_dim3A_305, %select_n3A_301 : vector<16xi1>, vector<16xi32>
      %lt3A_307 = arith.cmpf olt, %get3A_187, %select_n3A_303 : vector<16xf32>
      %select_n3A_308 = arith.select %lt3A_307, %get3A_187, %select_n3A_303 : vector<16xi1>, vector<16xf32>
      %broadcast_in_dim3A_309 = arith.constant 16 : i32
      %broadcast_in_dim3A_310 = vector.broadcast %broadcast_in_dim3A_309 : i32 to vector<16xi32>
      %select_n3A_311 = arith.select %lt3A_307, %broadcast_in_dim3A_310, %select_n3A_306 : vector<16xi1>, vector<16xi32>
      %lt3A_312 = arith.cmpf olt, %get3A_190, %select_n3A_308 : vector<16xf32>
      %select_n3A_313 = arith.select %lt3A_312, %get3A_190, %select_n3A_308 : vector<16xi1>, vector<16xf32>
      %broadcast_in_dim3A_314 = arith.constant 17 : i32
      %broadcast_in_dim3A_315 = vector.broadcast %broadcast_in_dim3A_314 : i32 to vector<16xi32>
      %select_n3A_316 = arith.select %lt3A_312, %broadcast_in_dim3A_315, %select_n3A_311 : vector<16xi1>, vector<16xi32>
      %lt3A_317 = arith.cmpf olt, %get3A_193, %select_n3A_313 : vector<16xf32>
      %select_n3A_318 = arith.select %lt3A_317, %get3A_193, %select_n3A_313 : vector<16xi1>, vector<16xf32>
      %broadcast_in_dim3A_319 = arith.constant 18 : i32
      %broadcast_in_dim3A_320 = vector.broadcast %broadcast_in_dim3A_319 : i32 to vector<16xi32>
      %select_n3A_321 = arith.select %lt3A_317, %broadcast_in_dim3A_320, %select_n3A_316 : vector<16xi1>, vector<16xi32>
      %lt3A_322 = arith.cmpf olt, %get3A_196, %select_n3A_318 : vector<16xf32>
      %select_n3A_323 = arith.select %lt3A_322, %get3A_196, %select_n3A_318 : vector<16xi1>, vector<16xf32>
      %broadcast_in_dim3A_324 = arith.constant 19 : i32
      %broadcast_in_dim3A_325 = vector.broadcast %broadcast_in_dim3A_324 : i32 to vector<16xi32>
      %select_n3A_326 = arith.select %lt3A_322, %broadcast_in_dim3A_325, %select_n3A_321 : vector<16xi1>, vector<16xi32>
      %lt3A_327 = arith.cmpf olt, %get3A_199, %select_n3A_323 : vector<16xf32>
      %select_n3A_328 = arith.select %lt3A_327, %get3A_199, %select_n3A_323 : vector<16xi1>, vector<16xf32>
      %broadcast_in_dim3A_329 = arith.constant 20 : i32
      %broadcast_in_dim3A_330 = vector.broadcast %broadcast_in_dim3A_329 : i32 to vector<16xi32>
      %select_n3A_331 = arith.select %lt3A_327, %broadcast_in_dim3A_330, %select_n3A_326 : vector<16xi1>, vector<16xi32>
      %lt3A_332 = arith.cmpf olt, %get3A_202, %select_n3A_328 : vector<16xf32>
      %select_n3A_333 = arith.select %lt3A_332, %get3A_202, %select_n3A_328 : vector<16xi1>, vector<16xf32>
      %broadcast_in_dim3A_334 = arith.constant 21 : i32
      %broadcast_in_dim3A_335 = vector.broadcast %broadcast_in_dim3A_334 : i32 to vector<16xi32>
      %select_n3A_336 = arith.select %lt3A_332, %broadcast_in_dim3A_335, %select_n3A_331 : vector<16xi1>, vector<16xi32>
      %lt3A_337 = arith.cmpf olt, %get3A_205, %select_n3A_333 : vector<16xf32>
      %select_n3A_338 = arith.select %lt3A_337, %get3A_205, %select_n3A_333 : vector<16xi1>, vector<16xf32>
      %broadcast_in_dim3A_339 = arith.constant 22 : i32
      %broadcast_in_dim3A_340 = vector.broadcast %broadcast_in_dim3A_339 : i32 to vector<16xi32>
      %select_n3A_341 = arith.select %lt3A_337, %broadcast_in_dim3A_340, %select_n3A_336 : vector<16xi1>, vector<16xi32>
      %lt3A_342 = arith.cmpf olt, %get3A_208, %select_n3A_338 : vector<16xf32>
      %select_n3A_343 = arith.select %lt3A_342, %get3A_208, %select_n3A_338 : vector<16xi1>, vector<16xf32>
      %broadcast_in_dim3A_344 = arith.constant 23 : i32
      %broadcast_in_dim3A_345 = vector.broadcast %broadcast_in_dim3A_344 : i32 to vector<16xi32>
      %select_n3A_346 = arith.select %lt3A_342, %broadcast_in_dim3A_345, %select_n3A_341 : vector<16xi1>, vector<16xi32>
      %lt3A_347 = arith.cmpf olt, %get3A_211, %select_n3A_343 : vector<16xf32>
      %select_n3A_348 = arith.select %lt3A_347, %get3A_211, %select_n3A_343 : vector<16xi1>, vector<16xf32>
      %broadcast_in_dim3A_349 = arith.constant 24 : i32
      %broadcast_in_dim3A_350 = vector.broadcast %broadcast_in_dim3A_349 : i32 to vector<16xi32>
      %select_n3A_351 = arith.select %lt3A_347, %broadcast_in_dim3A_350, %select_n3A_346 : vector<16xi1>, vector<16xi32>
      %lt3A_352 = arith.cmpf olt, %get3A_214, %select_n3A_348 : vector<16xf32>
      %select_n3A_353 = arith.select %lt3A_352, %get3A_214, %select_n3A_348 : vector<16xi1>, vector<16xf32>
      %broadcast_in_dim3A_354 = arith.constant 25 : i32
      %broadcast_in_dim3A_355 = vector.broadcast %broadcast_in_dim3A_354 : i32 to vector<16xi32>
      %select_n3A_356 = arith.select %lt3A_352, %broadcast_in_dim3A_355, %select_n3A_351 : vector<16xi1>, vector<16xi32>
      %lt3A_357 = arith.cmpf olt, %get3A_217, %select_n3A_353 : vector<16xf32>
      %select_n3A_358 = arith.select %lt3A_357, %get3A_217, %select_n3A_353 : vector<16xi1>, vector<16xf32>
      %broadcast_in_dim3A_359 = arith.constant 26 : i32
      %broadcast_in_dim3A_360 = vector.broadcast %broadcast_in_dim3A_359 : i32 to vector<16xi32>
      %select_n3A_361 = arith.select %lt3A_357, %broadcast_in_dim3A_360, %select_n3A_356 : vector<16xi1>, vector<16xi32>
      %lt3A_362 = arith.cmpf olt, %get3A_220, %select_n3A_358 : vector<16xf32>
      %select_n3A_363 = arith.select %lt3A_362, %get3A_220, %select_n3A_358 : vector<16xi1>, vector<16xf32>
      %broadcast_in_dim3A_364 = arith.constant 27 : i32
      %broadcast_in_dim3A_365 = vector.broadcast %broadcast_in_dim3A_364 : i32 to vector<16xi32>
      %select_n3A_366 = arith.select %lt3A_362, %broadcast_in_dim3A_365, %select_n3A_361 : vector<16xi1>, vector<16xi32>
      %lt3A_367 = arith.cmpf olt, %get3A_223, %select_n3A_363 : vector<16xf32>
      %select_n3A_368 = arith.select %lt3A_367, %get3A_223, %select_n3A_363 : vector<16xi1>, vector<16xf32>
      %broadcast_in_dim3A_369 = arith.constant 28 : i32
      %broadcast_in_dim3A_370 = vector.broadcast %broadcast_in_dim3A_369 : i32 to vector<16xi32>
      %select_n3A_371 = arith.select %lt3A_367, %broadcast_in_dim3A_370, %select_n3A_366 : vector<16xi1>, vector<16xi32>
      %lt3A_372 = arith.cmpf olt, %get3A_226, %select_n3A_368 : vector<16xf32>
      %select_n3A_373 = arith.select %lt3A_372, %get3A_226, %select_n3A_368 : vector<16xi1>, vector<16xf32>
      %broadcast_in_dim3A_374 = arith.constant 29 : i32
      %broadcast_in_dim3A_375 = vector.broadcast %broadcast_in_dim3A_374 : i32 to vector<16xi32>
      %select_n3A_376 = arith.select %lt3A_372, %broadcast_in_dim3A_375, %select_n3A_371 : vector<16xi1>, vector<16xi32>
      %lt3A_377 = arith.cmpf olt, %get3A_229, %select_n3A_373 : vector<16xf32>
      %select_n3A_378 = arith.select %lt3A_377, %get3A_229, %select_n3A_373 : vector<16xi1>, vector<16xf32>
      %broadcast_in_dim3A_379 = arith.constant 30 : i32
      %broadcast_in_dim3A_380 = vector.broadcast %broadcast_in_dim3A_379 : i32 to vector<16xi32>
      %select_n3A_381 = arith.select %lt3A_377, %broadcast_in_dim3A_380, %select_n3A_376 : vector<16xi1>, vector<16xi32>
      %lt3A_382 = arith.cmpf olt, %get3A_232, %select_n3A_378 : vector<16xf32>
      %select_n3A_383 = arith.select %lt3A_382, %get3A_232, %select_n3A_378 : vector<16xi1>, vector<16xf32>
      %broadcast_in_dim3A_384 = arith.constant 31 : i32
      %broadcast_in_dim3A_385 = vector.broadcast %broadcast_in_dim3A_384 : i32 to vector<16xi32>
      %select_n3A_386 = arith.select %lt3A_382, %broadcast_in_dim3A_385, %select_n3A_381 : vector<16xi1>, vector<16xi32>
      %reduce_min3A = arith.constant true
      %reduce_min3A_387 = vector.broadcast %reduce_min3A : i1 to vector<16xi1>
      %reduce_min3A_388 = tpu.scan <min>, %select_n3A_383 masked %reduce_min3A_387 : vector<16xf32>, vector<16xi1> -> vector<16xf32>
      %reduce_min3A_389 = vector.extract %reduce_min3A_388[15] : f32 from vector<16xf32>
      %eq3A_390 = vector.broadcast %reduce_min3A_389 : f32 to vector<16xf32>
      %eq3A_391 = arith.cmpf oeq, %select_n3A_383, %eq3A_390 : vector<16xf32>
      %mul3A_392 = arith.constant 16 : i32
      %mul3A_393 = vector.broadcast %mul3A_392 : i32 to vector<16xi32>
      %mul3A_394 = arith.muli %select_n3A_386, %mul3A_393 : vector<16xi32>
      %add3A_395 = arith.addi %mul3A_394, %iota3A : vector<16xi32>
      %jit3A = arith.constant 512 : i32
      %broadcast_in_dim3A_396 = vector.broadcast %jit3A : i32 to vector<16xi32>
      %select_n3A_397 = arith.select %eq3A_391, %add3A_395, %broadcast_in_dim3A_396 : vector<16xi1>, vector<16xi32>
      %reduce_min3A_398 = arith.constant true
      %reduce_min3A_399 = vector.broadcast %reduce_min3A_398 : i1 to vector<16xi1>
      %reduce_min3A_400 = arith.constant -2147483648 : i32
      %reduce_min3A_401 = vector.broadcast %reduce_min3A_400 : i32 to vector<16xi32>
      %reduce_min3A_402 = arith.xori %select_n3A_397, %reduce_min3A_401 : vector<16xi32>
      %reduce_min3A_403 = tpu.scan <min>, %reduce_min3A_402 masked %reduce_min3A_399 : vector<16xi32>, vector<16xi1> -> vector<16xi32>
      %reduce_min3A_404 = arith.xori %reduce_min3A_403, %reduce_min3A_401 : vector<16xi32>
      %reduce_min3A_405 = vector.extract %reduce_min3A_404[15] : i32 from vector<16xi32>
      %broadcast_in_dim3A_406 = arith.constant 64 : i32
      %broadcast_in_dim3A_407 = vector.broadcast %broadcast_in_dim3A_406 : i32 to vector<16xi32>
      %add3A_408 = vector.broadcast %scan3A_136 : i32 to vector<16xi32>
      %add3A_409 = arith.addi %broadcast_in_dim3A_407, %add3A_408 : vector<16xi32>
      %broadcast_in_dim3A_410 = arith.constant 0 : i32
      %broadcast_in_dim3A_411 = vector.broadcast %broadcast_in_dim3A_410 : i32 to vector<16xi32>
      %add3A_412 = vector.broadcast %reduce_min3A_405 : i32 to vector<16xi32>
      %add3A_413 = arith.addi %broadcast_in_dim3A_411, %add3A_412 : vector<16xi32>
      tpu.vector_store_idx %arg6[%add3A_409], %add3A_413 masked %eq3A_4 : memref<256xi32, #tpu.memory_space<vmem>>[vector<16xi32>], vector<16xi32>, vector<16xi1>
      %scan3A_414 = arith.constant 0 : i32
      scf.yield %scan3A_414 : i32
    }
    %scan3A_56 = arith.constant 32 : i32
    %add3A_57 = arith.constant 128 : i32
    %add3A_58 = arith.addi %mul3A_2, %add3A_57 : i32
    %dma_start3A_59 = arith.constant 0 : i32
    %dma_start3A_60 = tpu.memref_slice %arg2[%add3A_58, %dma_start3A_59] : memref<8192x512xf32, #tpu.memory_space<hbm>> -> memref<32x512xf32, #tpu.memory_space<hbm>>
    %dma_start3A_61 = arith.constant 0 : i32
    %dma_start3A_62 = tpu.memref_slice %arg2[%add3A_58, %dma_start3A_61] : memref<8192x512xf32, #tpu.memory_space<hbm>> -> memref<32x512xf32, #tpu.memory_space<hbm>>
    tpu.enqueue_dma source(%dma_start3A_62 : memref<32x512xf32, #tpu.memory_space<hbm>>) target(%arg4 : memref<32x512xf32, #tpu.memory_space<vmem>>) target_semaphore(%arg7 : memref<!tpu.dma_semaphore, #tpu.memory_space<semaphore_mem>>)
    %dma_wait3A_63 = arith.constant 0 : i32
    %dma_wait3A_64 = tpu.memref_slice %arg2[%add3A_41, %dma_wait3A_63] : memref<8192x512xf32, #tpu.memory_space<hbm>> -> memref<32x512xf32, #tpu.memory_space<hbm>>
    %dma_wait3A_65 = arith.constant 0 : i32
    %dma_wait3A_66 = tpu.memref_slice %arg2[%add3A_41, %dma_wait3A_65] : memref<8192x512xf32, #tpu.memory_space<hbm>> -> memref<32x512xf32, #tpu.memory_space<hbm>>
    tpu.wait_dma2 semaphore(%arg8 : memref<!tpu.dma_semaphore, #tpu.memory_space<semaphore_mem>>) src(%dma_wait3A_66 : memref<32x512xf32, #tpu.memory_space<hbm>>) dst(%arg5 : memref<32x512xf32, #tpu.memory_space<vmem>>)
    %scan3A_67 = arith.constant 0 : i32
    %scan3A_68 = arith.constant 0 : i32
    %scan3A_69 = arith.constant 32 : i32
    %scan3A_70 = arith.addi %scan3A_68, %scan3A_69 : i32
    %scan3A_71 = arith.constant 1 : i32
    %scan3A_72 = scf.for %scan3A_136 = %scan3A_68 to %scan3A_70 step %scan3A_71 iter_args(%scan3A_137 = %scan3A_67) -> (i32)  : i32 {
      %get3A = arith.index_cast %scan3A_136 : i32 to index
      %get3A_138 = arith.constant 0 : index
      %get3A_139 = tpu.vector_load %arg5[%get3A, %get3A_138] {strides = array<i32>} : memref<32x512xf32, #tpu.memory_space<vmem>>, vector<16xf32>,
      %get3A_140 = arith.index_cast %scan3A_136 : i32 to index
      %get3A_141 = arith.constant 16 : index
      %get3A_142 = tpu.vector_load %arg5[%get3A_140, %get3A_141] {strides = array<i32>} : memref<32x512xf32, #tpu.memory_space<vmem>>, vector<16xf32>,
      %get3A_143 = arith.index_cast %scan3A_136 : i32 to index
      %get3A_144 = arith.constant 32 : index
      %get3A_145 = tpu.vector_load %arg5[%get3A_143, %get3A_144] {strides = array<i32>} : memref<32x512xf32, #tpu.memory_space<vmem>>, vector<16xf32>,
      %get3A_146 = arith.index_cast %scan3A_136 : i32 to index
      %get3A_147 = arith.constant 48 : index
      %get3A_148 = tpu.vector_load %arg5[%get3A_146, %get3A_147] {strides = array<i32>} : memref<32x512xf32, #tpu.memory_space<vmem>>, vector<16xf32>,
      %get3A_149 = arith.index_cast %scan3A_136 : i32 to index
      %get3A_150 = arith.constant 64 : index
      %get3A_151 = tpu.vector_load %arg5[%get3A_149, %get3A_150] {strides = array<i32>} : memref<32x512xf32, #tpu.memory_space<vmem>>, vector<16xf32>,
      %get3A_152 = arith.index_cast %scan3A_136 : i32 to index
      %get3A_153 = arith.constant 80 : index
      %get3A_154 = tpu.vector_load %arg5[%get3A_152, %get3A_153] {strides = array<i32>} : memref<32x512xf32, #tpu.memory_space<vmem>>, vector<16xf32>,
      %get3A_155 = arith.index_cast %scan3A_136 : i32 to index
      %get3A_156 = arith.constant 96 : index
      %get3A_157 = tpu.vector_load %arg5[%get3A_155, %get3A_156] {strides = array<i32>} : memref<32x512xf32, #tpu.memory_space<vmem>>, vector<16xf32>,
      %get3A_158 = arith.index_cast %scan3A_136 : i32 to index
      %get3A_159 = arith.constant 112 : index
      %get3A_160 = tpu.vector_load %arg5[%get3A_158, %get3A_159] {strides = array<i32>} : memref<32x512xf32, #tpu.memory_space<vmem>>, vector<16xf32>,
      %get3A_161 = arith.index_cast %scan3A_136 : i32 to index
      %get3A_162 = arith.constant 128 : index
      %get3A_163 = tpu.vector_load %arg5[%get3A_161, %get3A_162] {strides = array<i32>} : memref<32x512xf32, #tpu.memory_space<vmem>>, vector<16xf32>,
      %get3A_164 = arith.index_cast %scan3A_136 : i32 to index
      %get3A_165 = arith.constant 144 : index
      %get3A_166 = tpu.vector_load %arg5[%get3A_164, %get3A_165] {strides = array<i32>} : memref<32x512xf32, #tpu.memory_space<vmem>>, vector<16xf32>,
      %get3A_167 = arith.index_cast %scan3A_136 : i32 to index
      %get3A_168 = arith.constant 160 : index
      %get3A_169 = tpu.vector_load %arg5[%get3A_167, %get3A_168] {strides = array<i32>} : memref<32x512xf32, #tpu.memory_space<vmem>>, vector<16xf32>,
      %get3A_170 = arith.index_cast %scan3A_136 : i32 to index
      %get3A_171 = arith.constant 176 : index
      %get3A_172 = tpu.vector_load %arg5[%get3A_170, %get3A_171] {strides = array<i32>} : memref<32x512xf32, #tpu.memory_space<vmem>>, vector<16xf32>,
      %get3A_173 = arith.index_cast %scan3A_136 : i32 to index
      %get3A_174 = arith.constant 192 : index
      %get3A_175 = tpu.vector_load %arg5[%get3A_173, %get3A_174] {strides = array<i32>} : memref<32x512xf32, #tpu.memory_space<vmem>>, vector<16xf32>,
      %get3A_176 = arith.index_cast %scan3A_136 : i32 to index
      %get3A_177 = arith.constant 208 : index
      %get3A_178 = tpu.vector_load %arg5[%get3A_176, %get3A_177] {strides = array<i32>} : memref<32x512xf32, #tpu.memory_space<vmem>>, vector<16xf32>,
      %get3A_179 = arith.index_cast %scan3A_136 : i32 to index
      %get3A_180 = arith.constant 224 : index
      %get3A_181 = tpu.vector_load %arg5[%get3A_179, %get3A_180] {strides = array<i32>} : memref<32x512xf32, #tpu.memory_space<vmem>>, vector<16xf32>,
      %get3A_182 = arith.index_cast %scan3A_136 : i32 to index
      %get3A_183 = arith.constant 240 : index
      %get3A_184 = tpu.vector_load %arg5[%get3A_182, %get3A_183] {strides = array<i32>} : memref<32x512xf32, #tpu.memory_space<vmem>>, vector<16xf32>,
      %get3A_185 = arith.index_cast %scan3A_136 : i32 to index
      %get3A_186 = arith.constant 256 : index
      %get3A_187 = tpu.vector_load %arg5[%get3A_185, %get3A_186] {strides = array<i32>} : memref<32x512xf32, #tpu.memory_space<vmem>>, vector<16xf32>,
      %get3A_188 = arith.index_cast %scan3A_136 : i32 to index
      %get3A_189 = arith.constant 272 : index
      %get3A_190 = tpu.vector_load %arg5[%get3A_188, %get3A_189] {strides = array<i32>} : memref<32x512xf32, #tpu.memory_space<vmem>>, vector<16xf32>,
      %get3A_191 = arith.index_cast %scan3A_136 : i32 to index
      %get3A_192 = arith.constant 288 : index
      %get3A_193 = tpu.vector_load %arg5[%get3A_191, %get3A_192] {strides = array<i32>} : memref<32x512xf32, #tpu.memory_space<vmem>>, vector<16xf32>,
      %get3A_194 = arith.index_cast %scan3A_136 : i32 to index
      %get3A_195 = arith.constant 304 : index
      %get3A_196 = tpu.vector_load %arg5[%get3A_194, %get3A_195] {strides = array<i32>} : memref<32x512xf32, #tpu.memory_space<vmem>>, vector<16xf32>,
      %get3A_197 = arith.index_cast %scan3A_136 : i32 to index
      %get3A_198 = arith.constant 320 : index
      %get3A_199 = tpu.vector_load %arg5[%get3A_197, %get3A_198] {strides = array<i32>} : memref<32x512xf32, #tpu.memory_space<vmem>>, vector<16xf32>,
      %get3A_200 = arith.index_cast %scan3A_136 : i32 to index
      %get3A_201 = arith.constant 336 : index
      %get3A_202 = tpu.vector_load %arg5[%get3A_200, %get3A_201] {strides = array<i32>} : memref<32x512xf32, #tpu.memory_space<vmem>>, vector<16xf32>,
      %get3A_203 = arith.index_cast %scan3A_136 : i32 to index
      %get3A_204 = arith.constant 352 : index
      %get3A_205 = tpu.vector_load %arg5[%get3A_203, %get3A_204] {strides = array<i32>} : memref<32x512xf32, #tpu.memory_space<vmem>>, vector<16xf32>,
      %get3A_206 = arith.index_cast %scan3A_136 : i32 to index
      %get3A_207 = arith.constant 368 : index
      %get3A_208 = tpu.vector_load %arg5[%get3A_206, %get3A_207] {strides = array<i32>} : memref<32x512xf32, #tpu.memory_space<vmem>>, vector<16xf32>,
      %get3A_209 = arith.index_cast %scan3A_136 : i32 to index
      %get3A_210 = arith.constant 384 : index
      %get3A_211 = tpu.vector_load %arg5[%get3A_209, %get3A_210] {strides = array<i32>} : memref<32x512xf32, #tpu.memory_space<vmem>>, vector<16xf32>,
      %get3A_212 = arith.index_cast %scan3A_136 : i32 to index
      %get3A_213 = arith.constant 400 : index
      %get3A_214 = tpu.vector_load %arg5[%get3A_212, %get3A_213] {strides = array<i32>} : memref<32x512xf32, #tpu.memory_space<vmem>>, vector<16xf32>,
      %get3A_215 = arith.index_cast %scan3A_136 : i32 to index
      %get3A_216 = arith.constant 416 : index
      %get3A_217 = tpu.vector_load %arg5[%get3A_215, %get3A_216] {strides = array<i32>} : memref<32x512xf32, #tpu.memory_space<vmem>>, vector<16xf32>,
      %get3A_218 = arith.index_cast %scan3A_136 : i32 to index
      %get3A_219 = arith.constant 432 : index
      %get3A_220 = tpu.vector_load %arg5[%get3A_218, %get3A_219] {strides = array<i32>} : memref<32x512xf32, #tpu.memory_space<vmem>>, vector<16xf32>,
      %get3A_221 = arith.index_cast %scan3A_136 : i32 to index
      %get3A_222 = arith.constant 448 : index
      %get3A_223 = tpu.vector_load %arg5[%get3A_221, %get3A_222] {strides = array<i32>} : memref<32x512xf32, #tpu.memory_space<vmem>>, vector<16xf32>,
      %get3A_224 = arith.index_cast %scan3A_136 : i32 to index
      %get3A_225 = arith.constant 464 : index
      %get3A_226 = tpu.vector_load %arg5[%get3A_224, %get3A_225] {strides = array<i32>} : memref<32x512xf32, #tpu.memory_space<vmem>>, vector<16xf32>,
      %get3A_227 = arith.index_cast %scan3A_136 : i32 to index
      %get3A_228 = arith.constant 480 : index
      %get3A_229 = tpu.vector_load %arg5[%get3A_227, %get3A_228] {strides = array<i32>} : memref<32x512xf32, #tpu.memory_space<vmem>>, vector<16xf32>,
      %get3A_230 = arith.index_cast %scan3A_136 : i32 to index
      %get3A_231 = arith.constant 496 : index
      %get3A_232 = tpu.vector_load %arg5[%get3A_230, %get3A_231] {strides = array<i32>} : memref<32x512xf32, #tpu.memory_space<vmem>>, vector<16xf32>,
      %broadcast_in_dim3A = arith.constant 0 : i32
      %broadcast_in_dim3A_233 = vector.broadcast %broadcast_in_dim3A : i32 to vector<16xi32>
      %lt3A = arith.cmpf olt, %get3A_142, %get3A_139 : vector<16xf32>
      %select_n3A = arith.select %lt3A, %get3A_142, %get3A_139 : vector<16xi1>, vector<16xf32>
      %broadcast_in_dim3A_234 = arith.constant 1 : i32
      %broadcast_in_dim3A_235 = vector.broadcast %broadcast_in_dim3A_234 : i32 to vector<16xi32>
      %select_n3A_236 = arith.select %lt3A, %broadcast_in_dim3A_235, %broadcast_in_dim3A_233 : vector<16xi1>, vector<16xi32>
      %lt3A_237 = arith.cmpf olt, %get3A_145, %select_n3A : vector<16xf32>
      %select_n3A_238 = arith.select %lt3A_237, %get3A_145, %select_n3A : vector<16xi1>, vector<16xf32>
      %broadcast_in_dim3A_239 = arith.constant 2 : i32
      %broadcast_in_dim3A_240 = vector.broadcast %broadcast_in_dim3A_239 : i32 to vector<16xi32>
      %select_n3A_241 = arith.select %lt3A_237, %broadcast_in_dim3A_240, %select_n3A_236 : vector<16xi1>, vector<16xi32>
      %lt3A_242 = arith.cmpf olt, %get3A_148, %select_n3A_238 : vector<16xf32>
      %select_n3A_243 = arith.select %lt3A_242, %get3A_148, %select_n3A_238 : vector<16xi1>, vector<16xf32>
      %broadcast_in_dim3A_244 = arith.constant 3 : i32
      %broadcast_in_dim3A_245 = vector.broadcast %broadcast_in_dim3A_244 : i32 to vector<16xi32>
      %select_n3A_246 = arith.select %lt3A_242, %broadcast_in_dim3A_245, %select_n3A_241 : vector<16xi1>, vector<16xi32>
      %lt3A_247 = arith.cmpf olt, %get3A_151, %select_n3A_243 : vector<16xf32>
      %select_n3A_248 = arith.select %lt3A_247, %get3A_151, %select_n3A_243 : vector<16xi1>, vector<16xf32>
      %broadcast_in_dim3A_249 = arith.constant 4 : i32
      %broadcast_in_dim3A_250 = vector.broadcast %broadcast_in_dim3A_249 : i32 to vector<16xi32>
      %select_n3A_251 = arith.select %lt3A_247, %broadcast_in_dim3A_250, %select_n3A_246 : vector<16xi1>, vector<16xi32>
      %lt3A_252 = arith.cmpf olt, %get3A_154, %select_n3A_248 : vector<16xf32>
      %select_n3A_253 = arith.select %lt3A_252, %get3A_154, %select_n3A_248 : vector<16xi1>, vector<16xf32>
      %broadcast_in_dim3A_254 = arith.constant 5 : i32
      %broadcast_in_dim3A_255 = vector.broadcast %broadcast_in_dim3A_254 : i32 to vector<16xi32>
      %select_n3A_256 = arith.select %lt3A_252, %broadcast_in_dim3A_255, %select_n3A_251 : vector<16xi1>, vector<16xi32>
      %lt3A_257 = arith.cmpf olt, %get3A_157, %select_n3A_253 : vector<16xf32>
      %select_n3A_258 = arith.select %lt3A_257, %get3A_157, %select_n3A_253 : vector<16xi1>, vector<16xf32>
      %broadcast_in_dim3A_259 = arith.constant 6 : i32
      %broadcast_in_dim3A_260 = vector.broadcast %broadcast_in_dim3A_259 : i32 to vector<16xi32>
      %select_n3A_261 = arith.select %lt3A_257, %broadcast_in_dim3A_260, %select_n3A_256 : vector<16xi1>, vector<16xi32>
      %lt3A_262 = arith.cmpf olt, %get3A_160, %select_n3A_258 : vector<16xf32>
      %select_n3A_263 = arith.select %lt3A_262, %get3A_160, %select_n3A_258 : vector<16xi1>, vector<16xf32>
      %broadcast_in_dim3A_264 = arith.constant 7 : i32
      %broadcast_in_dim3A_265 = vector.broadcast %broadcast_in_dim3A_264 : i32 to vector<16xi32>
      %select_n3A_266 = arith.select %lt3A_262, %broadcast_in_dim3A_265, %select_n3A_261 : vector<16xi1>, vector<16xi32>
      %lt3A_267 = arith.cmpf olt, %get3A_163, %select_n3A_263 : vector<16xf32>
      %select_n3A_268 = arith.select %lt3A_267, %get3A_163, %select_n3A_263 : vector<16xi1>, vector<16xf32>
      %broadcast_in_dim3A_269 = arith.constant 8 : i32
      %broadcast_in_dim3A_270 = vector.broadcast %broadcast_in_dim3A_269 : i32 to vector<16xi32>
      %select_n3A_271 = arith.select %lt3A_267, %broadcast_in_dim3A_270, %select_n3A_266 : vector<16xi1>, vector<16xi32>
      %lt3A_272 = arith.cmpf olt, %get3A_166, %select_n3A_268 : vector<16xf32>
      %select_n3A_273 = arith.select %lt3A_272, %get3A_166, %select_n3A_268 : vector<16xi1>, vector<16xf32>
      %broadcast_in_dim3A_274 = arith.constant 9 : i32
      %broadcast_in_dim3A_275 = vector.broadcast %broadcast_in_dim3A_274 : i32 to vector<16xi32>
      %select_n3A_276 = arith.select %lt3A_272, %broadcast_in_dim3A_275, %select_n3A_271 : vector<16xi1>, vector<16xi32>
      %lt3A_277 = arith.cmpf olt, %get3A_169, %select_n3A_273 : vector<16xf32>
      %select_n3A_278 = arith.select %lt3A_277, %get3A_169, %select_n3A_273 : vector<16xi1>, vector<16xf32>
      %broadcast_in_dim3A_279 = arith.constant 10 : i32
      %broadcast_in_dim3A_280 = vector.broadcast %broadcast_in_dim3A_279 : i32 to vector<16xi32>
      %select_n3A_281 = arith.select %lt3A_277, %broadcast_in_dim3A_280, %select_n3A_276 : vector<16xi1>, vector<16xi32>
      %lt3A_282 = arith.cmpf olt, %get3A_172, %select_n3A_278 : vector<16xf32>
      %select_n3A_283 = arith.select %lt3A_282, %get3A_172, %select_n3A_278 : vector<16xi1>, vector<16xf32>
      %broadcast_in_dim3A_284 = arith.constant 11 : i32
      %broadcast_in_dim3A_285 = vector.broadcast %broadcast_in_dim3A_284 : i32 to vector<16xi32>
      %select_n3A_286 = arith.select %lt3A_282, %broadcast_in_dim3A_285, %select_n3A_281 : vector<16xi1>, vector<16xi32>
      %lt3A_287 = arith.cmpf olt, %get3A_175, %select_n3A_283 : vector<16xf32>
      %select_n3A_288 = arith.select %lt3A_287, %get3A_175, %select_n3A_283 : vector<16xi1>, vector<16xf32>
      %broadcast_in_dim3A_289 = arith.constant 12 : i32
      %broadcast_in_dim3A_290 = vector.broadcast %broadcast_in_dim3A_289 : i32 to vector<16xi32>
      %select_n3A_291 = arith.select %lt3A_287, %broadcast_in_dim3A_290, %select_n3A_286 : vector<16xi1>, vector<16xi32>
      %lt3A_292 = arith.cmpf olt, %get3A_178, %select_n3A_288 : vector<16xf32>
      %select_n3A_293 = arith.select %lt3A_292, %get3A_178, %select_n3A_288 : vector<16xi1>, vector<16xf32>
      %broadcast_in_dim3A_294 = arith.constant 13 : i32
      %broadcast_in_dim3A_295 = vector.broadcast %broadcast_in_dim3A_294 : i32 to vector<16xi32>
      %select_n3A_296 = arith.select %lt3A_292, %broadcast_in_dim3A_295, %select_n3A_291 : vector<16xi1>, vector<16xi32>
      %lt3A_297 = arith.cmpf olt, %get3A_181, %select_n3A_293 : vector<16xf32>
      %select_n3A_298 = arith.select %lt3A_297, %get3A_181, %select_n3A_293 : vector<16xi1>, vector<16xf32>
      %broadcast_in_dim3A_299 = arith.constant 14 : i32
      %broadcast_in_dim3A_300 = vector.broadcast %broadcast_in_dim3A_299 : i32 to vector<16xi32>
      %select_n3A_301 = arith.select %lt3A_297, %broadcast_in_dim3A_300, %select_n3A_296 : vector<16xi1>, vector<16xi32>
      %lt3A_302 = arith.cmpf olt, %get3A_184, %select_n3A_298 : vector<16xf32>
      %select_n3A_303 = arith.select %lt3A_302, %get3A_184, %select_n3A_298 : vector<16xi1>, vector<16xf32>
      %broadcast_in_dim3A_304 = arith.constant 15 : i32
      %broadcast_in_dim3A_305 = vector.broadcast %broadcast_in_dim3A_304 : i32 to vector<16xi32>
      %select_n3A_306 = arith.select %lt3A_302, %broadcast_in_dim3A_305, %select_n3A_301 : vector<16xi1>, vector<16xi32>
      %lt3A_307 = arith.cmpf olt, %get3A_187, %select_n3A_303 : vector<16xf32>
      %select_n3A_308 = arith.select %lt3A_307, %get3A_187, %select_n3A_303 : vector<16xi1>, vector<16xf32>
      %broadcast_in_dim3A_309 = arith.constant 16 : i32
      %broadcast_in_dim3A_310 = vector.broadcast %broadcast_in_dim3A_309 : i32 to vector<16xi32>
      %select_n3A_311 = arith.select %lt3A_307, %broadcast_in_dim3A_310, %select_n3A_306 : vector<16xi1>, vector<16xi32>
      %lt3A_312 = arith.cmpf olt, %get3A_190, %select_n3A_308 : vector<16xf32>
      %select_n3A_313 = arith.select %lt3A_312, %get3A_190, %select_n3A_308 : vector<16xi1>, vector<16xf32>
      %broadcast_in_dim3A_314 = arith.constant 17 : i32
      %broadcast_in_dim3A_315 = vector.broadcast %broadcast_in_dim3A_314 : i32 to vector<16xi32>
      %select_n3A_316 = arith.select %lt3A_312, %broadcast_in_dim3A_315, %select_n3A_311 : vector<16xi1>, vector<16xi32>
      %lt3A_317 = arith.cmpf olt, %get3A_193, %select_n3A_313 : vector<16xf32>
      %select_n3A_318 = arith.select %lt3A_317, %get3A_193, %select_n3A_313 : vector<16xi1>, vector<16xf32>
      %broadcast_in_dim3A_319 = arith.constant 18 : i32
      %broadcast_in_dim3A_320 = vector.broadcast %broadcast_in_dim3A_319 : i32 to vector<16xi32>
      %select_n3A_321 = arith.select %lt3A_317, %broadcast_in_dim3A_320, %select_n3A_316 : vector<16xi1>, vector<16xi32>
      %lt3A_322 = arith.cmpf olt, %get3A_196, %select_n3A_318 : vector<16xf32>
      %select_n3A_323 = arith.select %lt3A_322, %get3A_196, %select_n3A_318 : vector<16xi1>, vector<16xf32>
      %broadcast_in_dim3A_324 = arith.constant 19 : i32
      %broadcast_in_dim3A_325 = vector.broadcast %broadcast_in_dim3A_324 : i32 to vector<16xi32>
      %select_n3A_326 = arith.select %lt3A_322, %broadcast_in_dim3A_325, %select_n3A_321 : vector<16xi1>, vector<16xi32>
      %lt3A_327 = arith.cmpf olt, %get3A_199, %select_n3A_323 : vector<16xf32>
      %select_n3A_328 = arith.select %lt3A_327, %get3A_199, %select_n3A_323 : vector<16xi1>, vector<16xf32>
      %broadcast_in_dim3A_329 = arith.constant 20 : i32
      %broadcast_in_dim3A_330 = vector.broadcast %broadcast_in_dim3A_329 : i32 to vector<16xi32>
      %select_n3A_331 = arith.select %lt3A_327, %broadcast_in_dim3A_330, %select_n3A_326 : vector<16xi1>, vector<16xi32>
      %lt3A_332 = arith.cmpf olt, %get3A_202, %select_n3A_328 : vector<16xf32>
      %select_n3A_333 = arith.select %lt3A_332, %get3A_202, %select_n3A_328 : vector<16xi1>, vector<16xf32>
      %broadcast_in_dim3A_334 = arith.constant 21 : i32
      %broadcast_in_dim3A_335 = vector.broadcast %broadcast_in_dim3A_334 : i32 to vector<16xi32>
      %select_n3A_336 = arith.select %lt3A_332, %broadcast_in_dim3A_335, %select_n3A_331 : vector<16xi1>, vector<16xi32>
      %lt3A_337 = arith.cmpf olt, %get3A_205, %select_n3A_333 : vector<16xf32>
      %select_n3A_338 = arith.select %lt3A_337, %get3A_205, %select_n3A_333 : vector<16xi1>, vector<16xf32>
      %broadcast_in_dim3A_339 = arith.constant 22 : i32
      %broadcast_in_dim3A_340 = vector.broadcast %broadcast_in_dim3A_339 : i32 to vector<16xi32>
      %select_n3A_341 = arith.select %lt3A_337, %broadcast_in_dim3A_340, %select_n3A_336 : vector<16xi1>, vector<16xi32>
      %lt3A_342 = arith.cmpf olt, %get3A_208, %select_n3A_338 : vector<16xf32>
      %select_n3A_343 = arith.select %lt3A_342, %get3A_208, %select_n3A_338 : vector<16xi1>, vector<16xf32>
      %broadcast_in_dim3A_344 = arith.constant 23 : i32
      %broadcast_in_dim3A_345 = vector.broadcast %broadcast_in_dim3A_344 : i32 to vector<16xi32>
      %select_n3A_346 = arith.select %lt3A_342, %broadcast_in_dim3A_345, %select_n3A_341 : vector<16xi1>, vector<16xi32>
      %lt3A_347 = arith.cmpf olt, %get3A_211, %select_n3A_343 : vector<16xf32>
      %select_n3A_348 = arith.select %lt3A_347, %get3A_211, %select_n3A_343 : vector<16xi1>, vector<16xf32>
      %broadcast_in_dim3A_349 = arith.constant 24 : i32
      %broadcast_in_dim3A_350 = vector.broadcast %broadcast_in_dim3A_349 : i32 to vector<16xi32>
      %select_n3A_351 = arith.select %lt3A_347, %broadcast_in_dim3A_350, %select_n3A_346 : vector<16xi1>, vector<16xi32>
      %lt3A_352 = arith.cmpf olt, %get3A_214, %select_n3A_348 : vector<16xf32>
      %select_n3A_353 = arith.select %lt3A_352, %get3A_214, %select_n3A_348 : vector<16xi1>, vector<16xf32>
      %broadcast_in_dim3A_354 = arith.constant 25 : i32
      %broadcast_in_dim3A_355 = vector.broadcast %broadcast_in_dim3A_354 : i32 to vector<16xi32>
      %select_n3A_356 = arith.select %lt3A_352, %broadcast_in_dim3A_355, %select_n3A_351 : vector<16xi1>, vector<16xi32>
      %lt3A_357 = arith.cmpf olt, %get3A_217, %select_n3A_353 : vector<16xf32>
      %select_n3A_358 = arith.select %lt3A_357, %get3A_217, %select_n3A_353 : vector<16xi1>, vector<16xf32>
      %broadcast_in_dim3A_359 = arith.constant 26 : i32
      %broadcast_in_dim3A_360 = vector.broadcast %broadcast_in_dim3A_359 : i32 to vector<16xi32>
      %select_n3A_361 = arith.select %lt3A_357, %broadcast_in_dim3A_360, %select_n3A_356 : vector<16xi1>, vector<16xi32>
      %lt3A_362 = arith.cmpf olt, %get3A_220, %select_n3A_358 : vector<16xf32>
      %select_n3A_363 = arith.select %lt3A_362, %get3A_220, %select_n3A_358 : vector<16xi1>, vector<16xf32>
      %broadcast_in_dim3A_364 = arith.constant 27 : i32
      %broadcast_in_dim3A_365 = vector.broadcast %broadcast_in_dim3A_364 : i32 to vector<16xi32>
      %select_n3A_366 = arith.select %lt3A_362, %broadcast_in_dim3A_365, %select_n3A_361 : vector<16xi1>, vector<16xi32>
      %lt3A_367 = arith.cmpf olt, %get3A_223, %select_n3A_363 : vector<16xf32>
      %select_n3A_368 = arith.select %lt3A_367, %get3A_223, %select_n3A_363 : vector<16xi1>, vector<16xf32>
      %broadcast_in_dim3A_369 = arith.constant 28 : i32
      %broadcast_in_dim3A_370 = vector.broadcast %broadcast_in_dim3A_369 : i32 to vector<16xi32>
      %select_n3A_371 = arith.select %lt3A_367, %broadcast_in_dim3A_370, %select_n3A_366 : vector<16xi1>, vector<16xi32>
      %lt3A_372 = arith.cmpf olt, %get3A_226, %select_n3A_368 : vector<16xf32>
      %select_n3A_373 = arith.select %lt3A_372, %get3A_226, %select_n3A_368 : vector<16xi1>, vector<16xf32>
      %broadcast_in_dim3A_374 = arith.constant 29 : i32
      %broadcast_in_dim3A_375 = vector.broadcast %broadcast_in_dim3A_374 : i32 to vector<16xi32>
      %select_n3A_376 = arith.select %lt3A_372, %broadcast_in_dim3A_375, %select_n3A_371 : vector<16xi1>, vector<16xi32>
      %lt3A_377 = arith.cmpf olt, %get3A_229, %select_n3A_373 : vector<16xf32>
      %select_n3A_378 = arith.select %lt3A_377, %get3A_229, %select_n3A_373 : vector<16xi1>, vector<16xf32>
      %broadcast_in_dim3A_379 = arith.constant 30 : i32
      %broadcast_in_dim3A_380 = vector.broadcast %broadcast_in_dim3A_379 : i32 to vector<16xi32>
      %select_n3A_381 = arith.select %lt3A_377, %broadcast_in_dim3A_380, %select_n3A_376 : vector<16xi1>, vector<16xi32>
      %lt3A_382 = arith.cmpf olt, %get3A_232, %select_n3A_378 : vector<16xf32>
      %select_n3A_383 = arith.select %lt3A_382, %get3A_232, %select_n3A_378 : vector<16xi1>, vector<16xf32>
      %broadcast_in_dim3A_384 = arith.constant 31 : i32
      %broadcast_in_dim3A_385 = vector.broadcast %broadcast_in_dim3A_384 : i32 to vector<16xi32>
      %select_n3A_386 = arith.select %lt3A_382, %broadcast_in_dim3A_385, %select_n3A_381 : vector<16xi1>, vector<16xi32>
      %reduce_min3A = arith.constant true
      %reduce_min3A_387 = vector.broadcast %reduce_min3A : i1 to vector<16xi1>
      %reduce_min3A_388 = tpu.scan <min>, %select_n3A_383 masked %reduce_min3A_387 : vector<16xf32>, vector<16xi1> -> vector<16xf32>
      %reduce_min3A_389 = vector.extract %reduce_min3A_388[15] : f32 from vector<16xf32>
      %eq3A_390 = vector.broadcast %reduce_min3A_389 : f32 to vector<16xf32>
      %eq3A_391 = arith.cmpf oeq, %select_n3A_383, %eq3A_390 : vector<16xf32>
      %mul3A_392 = arith.constant 16 : i32
      %mul3A_393 = vector.broadcast %mul3A_392 : i32 to vector<16xi32>
      %mul3A_394 = arith.muli %select_n3A_386, %mul3A_393 : vector<16xi32>
      %add3A_395 = arith.addi %mul3A_394, %iota3A : vector<16xi32>
      %jit3A = arith.constant 512 : i32
      %broadcast_in_dim3A_396 = vector.broadcast %jit3A : i32 to vector<16xi32>
      %select_n3A_397 = arith.select %eq3A_391, %add3A_395, %broadcast_in_dim3A_396 : vector<16xi1>, vector<16xi32>
      %reduce_min3A_398 = arith.constant true
      %reduce_min3A_399 = vector.broadcast %reduce_min3A_398 : i1 to vector<16xi1>
      %reduce_min3A_400 = arith.constant -2147483648 : i32
      %reduce_min3A_401 = vector.broadcast %reduce_min3A_400 : i32 to vector<16xi32>
      %reduce_min3A_402 = arith.xori %select_n3A_397, %reduce_min3A_401 : vector<16xi32>
      %reduce_min3A_403 = tpu.scan <min>, %reduce_min3A_402 masked %reduce_min3A_399 : vector<16xi32>, vector<16xi1> -> vector<16xi32>
      %reduce_min3A_404 = arith.xori %reduce_min3A_403, %reduce_min3A_401 : vector<16xi32>
      %reduce_min3A_405 = vector.extract %reduce_min3A_404[15] : i32 from vector<16xi32>
      %broadcast_in_dim3A_406 = arith.constant 96 : i32
      %broadcast_in_dim3A_407 = vector.broadcast %broadcast_in_dim3A_406 : i32 to vector<16xi32>
      %add3A_408 = vector.broadcast %scan3A_136 : i32 to vector<16xi32>
      %add3A_409 = arith.addi %broadcast_in_dim3A_407, %add3A_408 : vector<16xi32>
      %broadcast_in_dim3A_410 = arith.constant 0 : i32
      %broadcast_in_dim3A_411 = vector.broadcast %broadcast_in_dim3A_410 : i32 to vector<16xi32>
      %add3A_412 = vector.broadcast %reduce_min3A_405 : i32 to vector<16xi32>
      %add3A_413 = arith.addi %broadcast_in_dim3A_411, %add3A_412 : vector<16xi32>
      tpu.vector_store_idx %arg6[%add3A_409], %add3A_413 masked %eq3A_4 : memref<256xi32, #tpu.memory_space<vmem>>[vector<16xi32>], vector<16xi32>, vector<16xi1>
      %scan3A_414 = arith.constant 0 : i32
      scf.yield %scan3A_414 : i32
    }
    %scan3A_73 = arith.constant 32 : i32
    %add3A_74 = arith.constant 160 : i32
    %add3A_75 = arith.addi %mul3A_2, %add3A_74 : i32
    %dma_start3A_76 = arith.constant 0 : i32
    %dma_start3A_77 = tpu.memref_slice %arg2[%add3A_75, %dma_start3A_76] : memref<8192x512xf32, #tpu.memory_space<hbm>> -> memref<32x512xf32, #tpu.memory_space<hbm>>
    %dma_start3A_78 = arith.constant 0 : i32
    %dma_start3A_79 = tpu.memref_slice %arg2[%add3A_75, %dma_start3A_78] : memref<8192x512xf32, #tpu.memory_space<hbm>> -> memref<32x512xf32, #tpu.memory_space<hbm>>
    tpu.enqueue_dma source(%dma_start3A_79 : memref<32x512xf32, #tpu.memory_space<hbm>>) target(%arg5 : memref<32x512xf32, #tpu.memory_space<vmem>>) target_semaphore(%arg8 : memref<!tpu.dma_semaphore, #tpu.memory_space<semaphore_mem>>)
    %dma_wait3A_80 = arith.constant 0 : i32
    %dma_wait3A_81 = tpu.memref_slice %arg2[%add3A_58, %dma_wait3A_80] : memref<8192x512xf32, #tpu.memory_space<hbm>> -> memref<32x512xf32, #tpu.memory_space<hbm>>
    %dma_wait3A_82 = arith.constant 0 : i32
    %dma_wait3A_83 = tpu.memref_slice %arg2[%add3A_58, %dma_wait3A_82] : memref<8192x512xf32, #tpu.memory_space<hbm>> -> memref<32x512xf32, #tpu.memory_space<hbm>>
    tpu.wait_dma2 semaphore(%arg7 : memref<!tpu.dma_semaphore, #tpu.memory_space<semaphore_mem>>) src(%dma_wait3A_83 : memref<32x512xf32, #tpu.memory_space<hbm>>) dst(%arg4 : memref<32x512xf32, #tpu.memory_space<vmem>>)
    %scan3A_84 = arith.constant 0 : i32
    %scan3A_85 = arith.constant 0 : i32
    %scan3A_86 = arith.constant 32 : i32
    %scan3A_87 = arith.addi %scan3A_85, %scan3A_86 : i32
    %scan3A_88 = arith.constant 1 : i32
    %scan3A_89 = scf.for %scan3A_136 = %scan3A_85 to %scan3A_87 step %scan3A_88 iter_args(%scan3A_137 = %scan3A_84) -> (i32)  : i32 {
      %get3A = arith.index_cast %scan3A_136 : i32 to index
      %get3A_138 = arith.constant 0 : index
      %get3A_139 = tpu.vector_load %arg4[%get3A, %get3A_138] {strides = array<i32>} : memref<32x512xf32, #tpu.memory_space<vmem>>, vector<16xf32>,
      %get3A_140 = arith.index_cast %scan3A_136 : i32 to index
      %get3A_141 = arith.constant 16 : index
      %get3A_142 = tpu.vector_load %arg4[%get3A_140, %get3A_141] {strides = array<i32>} : memref<32x512xf32, #tpu.memory_space<vmem>>, vector<16xf32>,
      %get3A_143 = arith.index_cast %scan3A_136 : i32 to index
      %get3A_144 = arith.constant 32 : index
      %get3A_145 = tpu.vector_load %arg4[%get3A_143, %get3A_144] {strides = array<i32>} : memref<32x512xf32, #tpu.memory_space<vmem>>, vector<16xf32>,
      %get3A_146 = arith.index_cast %scan3A_136 : i32 to index
      %get3A_147 = arith.constant 48 : index
      %get3A_148 = tpu.vector_load %arg4[%get3A_146, %get3A_147] {strides = array<i32>} : memref<32x512xf32, #tpu.memory_space<vmem>>, vector<16xf32>,
      %get3A_149 = arith.index_cast %scan3A_136 : i32 to index
      %get3A_150 = arith.constant 64 : index
      %get3A_151 = tpu.vector_load %arg4[%get3A_149, %get3A_150] {strides = array<i32>} : memref<32x512xf32, #tpu.memory_space<vmem>>, vector<16xf32>,
      %get3A_152 = arith.index_cast %scan3A_136 : i32 to index
      %get3A_153 = arith.constant 80 : index
      %get3A_154 = tpu.vector_load %arg4[%get3A_152, %get3A_153] {strides = array<i32>} : memref<32x512xf32, #tpu.memory_space<vmem>>, vector<16xf32>,
      %get3A_155 = arith.index_cast %scan3A_136 : i32 to index
      %get3A_156 = arith.constant 96 : index
      %get3A_157 = tpu.vector_load %arg4[%get3A_155, %get3A_156] {strides = array<i32>} : memref<32x512xf32, #tpu.memory_space<vmem>>, vector<16xf32>,
      %get3A_158 = arith.index_cast %scan3A_136 : i32 to index
      %get3A_159 = arith.constant 112 : index
      %get3A_160 = tpu.vector_load %arg4[%get3A_158, %get3A_159] {strides = array<i32>} : memref<32x512xf32, #tpu.memory_space<vmem>>, vector<16xf32>,
      %get3A_161 = arith.index_cast %scan3A_136 : i32 to index
      %get3A_162 = arith.constant 128 : index
      %get3A_163 = tpu.vector_load %arg4[%get3A_161, %get3A_162] {strides = array<i32>} : memref<32x512xf32, #tpu.memory_space<vmem>>, vector<16xf32>,
      %get3A_164 = arith.index_cast %scan3A_136 : i32 to index
      %get3A_165 = arith.constant 144 : index
      %get3A_166 = tpu.vector_load %arg4[%get3A_164, %get3A_165] {strides = array<i32>} : memref<32x512xf32, #tpu.memory_space<vmem>>, vector<16xf32>,
      %get3A_167 = arith.index_cast %scan3A_136 : i32 to index
      %get3A_168 = arith.constant 160 : index
      %get3A_169 = tpu.vector_load %arg4[%get3A_167, %get3A_168] {strides = array<i32>} : memref<32x512xf32, #tpu.memory_space<vmem>>, vector<16xf32>,
      %get3A_170 = arith.index_cast %scan3A_136 : i32 to index
      %get3A_171 = arith.constant 176 : index
      %get3A_172 = tpu.vector_load %arg4[%get3A_170, %get3A_171] {strides = array<i32>} : memref<32x512xf32, #tpu.memory_space<vmem>>, vector<16xf32>,
      %get3A_173 = arith.index_cast %scan3A_136 : i32 to index
      %get3A_174 = arith.constant 192 : index
      %get3A_175 = tpu.vector_load %arg4[%get3A_173, %get3A_174] {strides = array<i32>} : memref<32x512xf32, #tpu.memory_space<vmem>>, vector<16xf32>,
      %get3A_176 = arith.index_cast %scan3A_136 : i32 to index
      %get3A_177 = arith.constant 208 : index
      %get3A_178 = tpu.vector_load %arg4[%get3A_176, %get3A_177] {strides = array<i32>} : memref<32x512xf32, #tpu.memory_space<vmem>>, vector<16xf32>,
      %get3A_179 = arith.index_cast %scan3A_136 : i32 to index
      %get3A_180 = arith.constant 224 : index
      %get3A_181 = tpu.vector_load %arg4[%get3A_179, %get3A_180] {strides = array<i32>} : memref<32x512xf32, #tpu.memory_space<vmem>>, vector<16xf32>,
      %get3A_182 = arith.index_cast %scan3A_136 : i32 to index
      %get3A_183 = arith.constant 240 : index
      %get3A_184 = tpu.vector_load %arg4[%get3A_182, %get3A_183] {strides = array<i32>} : memref<32x512xf32, #tpu.memory_space<vmem>>, vector<16xf32>,
      %get3A_185 = arith.index_cast %scan3A_136 : i32 to index
      %get3A_186 = arith.constant 256 : index
      %get3A_187 = tpu.vector_load %arg4[%get3A_185, %get3A_186] {strides = array<i32>} : memref<32x512xf32, #tpu.memory_space<vmem>>, vector<16xf32>,
      %get3A_188 = arith.index_cast %scan3A_136 : i32 to index
      %get3A_189 = arith.constant 272 : index
      %get3A_190 = tpu.vector_load %arg4[%get3A_188, %get3A_189] {strides = array<i32>} : memref<32x512xf32, #tpu.memory_space<vmem>>, vector<16xf32>,
      %get3A_191 = arith.index_cast %scan3A_136 : i32 to index
      %get3A_192 = arith.constant 288 : index
      %get3A_193 = tpu.vector_load %arg4[%get3A_191, %get3A_192] {strides = array<i32>} : memref<32x512xf32, #tpu.memory_space<vmem>>, vector<16xf32>,
      %get3A_194 = arith.index_cast %scan3A_136 : i32 to index
      %get3A_195 = arith.constant 304 : index
      %get3A_196 = tpu.vector_load %arg4[%get3A_194, %get3A_195] {strides = array<i32>} : memref<32x512xf32, #tpu.memory_space<vmem>>, vector<16xf32>,
      %get3A_197 = arith.index_cast %scan3A_136 : i32 to index
      %get3A_198 = arith.constant 320 : index
      %get3A_199 = tpu.vector_load %arg4[%get3A_197, %get3A_198] {strides = array<i32>} : memref<32x512xf32, #tpu.memory_space<vmem>>, vector<16xf32>,
      %get3A_200 = arith.index_cast %scan3A_136 : i32 to index
      %get3A_201 = arith.constant 336 : index
      %get3A_202 = tpu.vector_load %arg4[%get3A_200, %get3A_201] {strides = array<i32>} : memref<32x512xf32, #tpu.memory_space<vmem>>, vector<16xf32>,
      %get3A_203 = arith.index_cast %scan3A_136 : i32 to index
      %get3A_204 = arith.constant 352 : index
      %get3A_205 = tpu.vector_load %arg4[%get3A_203, %get3A_204] {strides = array<i32>} : memref<32x512xf32, #tpu.memory_space<vmem>>, vector<16xf32>,
      %get3A_206 = arith.index_cast %scan3A_136 : i32 to index
      %get3A_207 = arith.constant 368 : index
      %get3A_208 = tpu.vector_load %arg4[%get3A_206, %get3A_207] {strides = array<i32>} : memref<32x512xf32, #tpu.memory_space<vmem>>, vector<16xf32>,
      %get3A_209 = arith.index_cast %scan3A_136 : i32 to index
      %get3A_210 = arith.constant 384 : index
      %get3A_211 = tpu.vector_load %arg4[%get3A_209, %get3A_210] {strides = array<i32>} : memref<32x512xf32, #tpu.memory_space<vmem>>, vector<16xf32>,
      %get3A_212 = arith.index_cast %scan3A_136 : i32 to index
      %get3A_213 = arith.constant 400 : index
      %get3A_214 = tpu.vector_load %arg4[%get3A_212, %get3A_213] {strides = array<i32>} : memref<32x512xf32, #tpu.memory_space<vmem>>, vector<16xf32>,
      %get3A_215 = arith.index_cast %scan3A_136 : i32 to index
      %get3A_216 = arith.constant 416 : index
      %get3A_217 = tpu.vector_load %arg4[%get3A_215, %get3A_216] {strides = array<i32>} : memref<32x512xf32, #tpu.memory_space<vmem>>, vector<16xf32>,
      %get3A_218 = arith.index_cast %scan3A_136 : i32 to index
      %get3A_219 = arith.constant 432 : index
      %get3A_220 = tpu.vector_load %arg4[%get3A_218, %get3A_219] {strides = array<i32>} : memref<32x512xf32, #tpu.memory_space<vmem>>, vector<16xf32>,
      %get3A_221 = arith.index_cast %scan3A_136 : i32 to index
      %get3A_222 = arith.constant 448 : index
      %get3A_223 = tpu.vector_load %arg4[%get3A_221, %get3A_222] {strides = array<i32>} : memref<32x512xf32, #tpu.memory_space<vmem>>, vector<16xf32>,
      %get3A_224 = arith.index_cast %scan3A_136 : i32 to index
      %get3A_225 = arith.constant 464 : index
      %get3A_226 = tpu.vector_load %arg4[%get3A_224, %get3A_225] {strides = array<i32>} : memref<32x512xf32, #tpu.memory_space<vmem>>, vector<16xf32>,
      %get3A_227 = arith.index_cast %scan3A_136 : i32 to index
      %get3A_228 = arith.constant 480 : index
      %get3A_229 = tpu.vector_load %arg4[%get3A_227, %get3A_228] {strides = array<i32>} : memref<32x512xf32, #tpu.memory_space<vmem>>, vector<16xf32>,
      %get3A_230 = arith.index_cast %scan3A_136 : i32 to index
      %get3A_231 = arith.constant 496 : index
      %get3A_232 = tpu.vector_load %arg4[%get3A_230, %get3A_231] {strides = array<i32>} : memref<32x512xf32, #tpu.memory_space<vmem>>, vector<16xf32>,
      %broadcast_in_dim3A = arith.constant 0 : i32
      %broadcast_in_dim3A_233 = vector.broadcast %broadcast_in_dim3A : i32 to vector<16xi32>
      %lt3A = arith.cmpf olt, %get3A_142, %get3A_139 : vector<16xf32>
      %select_n3A = arith.select %lt3A, %get3A_142, %get3A_139 : vector<16xi1>, vector<16xf32>
      %broadcast_in_dim3A_234 = arith.constant 1 : i32
      %broadcast_in_dim3A_235 = vector.broadcast %broadcast_in_dim3A_234 : i32 to vector<16xi32>
      %select_n3A_236 = arith.select %lt3A, %broadcast_in_dim3A_235, %broadcast_in_dim3A_233 : vector<16xi1>, vector<16xi32>
      %lt3A_237 = arith.cmpf olt, %get3A_145, %select_n3A : vector<16xf32>
      %select_n3A_238 = arith.select %lt3A_237, %get3A_145, %select_n3A : vector<16xi1>, vector<16xf32>
      %broadcast_in_dim3A_239 = arith.constant 2 : i32
      %broadcast_in_dim3A_240 = vector.broadcast %broadcast_in_dim3A_239 : i32 to vector<16xi32>
      %select_n3A_241 = arith.select %lt3A_237, %broadcast_in_dim3A_240, %select_n3A_236 : vector<16xi1>, vector<16xi32>
      %lt3A_242 = arith.cmpf olt, %get3A_148, %select_n3A_238 : vector<16xf32>
      %select_n3A_243 = arith.select %lt3A_242, %get3A_148, %select_n3A_238 : vector<16xi1>, vector<16xf32>
      %broadcast_in_dim3A_244 = arith.constant 3 : i32
      %broadcast_in_dim3A_245 = vector.broadcast %broadcast_in_dim3A_244 : i32 to vector<16xi32>
      %select_n3A_246 = arith.select %lt3A_242, %broadcast_in_dim3A_245, %select_n3A_241 : vector<16xi1>, vector<16xi32>
      %lt3A_247 = arith.cmpf olt, %get3A_151, %select_n3A_243 : vector<16xf32>
      %select_n3A_248 = arith.select %lt3A_247, %get3A_151, %select_n3A_243 : vector<16xi1>, vector<16xf32>
      %broadcast_in_dim3A_249 = arith.constant 4 : i32
      %broadcast_in_dim3A_250 = vector.broadcast %broadcast_in_dim3A_249 : i32 to vector<16xi32>
      %select_n3A_251 = arith.select %lt3A_247, %broadcast_in_dim3A_250, %select_n3A_246 : vector<16xi1>, vector<16xi32>
      %lt3A_252 = arith.cmpf olt, %get3A_154, %select_n3A_248 : vector<16xf32>
      %select_n3A_253 = arith.select %lt3A_252, %get3A_154, %select_n3A_248 : vector<16xi1>, vector<16xf32>
      %broadcast_in_dim3A_254 = arith.constant 5 : i32
      %broadcast_in_dim3A_255 = vector.broadcast %broadcast_in_dim3A_254 : i32 to vector<16xi32>
      %select_n3A_256 = arith.select %lt3A_252, %broadcast_in_dim3A_255, %select_n3A_251 : vector<16xi1>, vector<16xi32>
      %lt3A_257 = arith.cmpf olt, %get3A_157, %select_n3A_253 : vector<16xf32>
      %select_n3A_258 = arith.select %lt3A_257, %get3A_157, %select_n3A_253 : vector<16xi1>, vector<16xf32>
      %broadcast_in_dim3A_259 = arith.constant 6 : i32
      %broadcast_in_dim3A_260 = vector.broadcast %broadcast_in_dim3A_259 : i32 to vector<16xi32>
      %select_n3A_261 = arith.select %lt3A_257, %broadcast_in_dim3A_260, %select_n3A_256 : vector<16xi1>, vector<16xi32>
      %lt3A_262 = arith.cmpf olt, %get3A_160, %select_n3A_258 : vector<16xf32>
      %select_n3A_263 = arith.select %lt3A_262, %get3A_160, %select_n3A_258 : vector<16xi1>, vector<16xf32>
      %broadcast_in_dim3A_264 = arith.constant 7 : i32
      %broadcast_in_dim3A_265 = vector.broadcast %broadcast_in_dim3A_264 : i32 to vector<16xi32>
      %select_n3A_266 = arith.select %lt3A_262, %broadcast_in_dim3A_265, %select_n3A_261 : vector<16xi1>, vector<16xi32>
      %lt3A_267 = arith.cmpf olt, %get3A_163, %select_n3A_263 : vector<16xf32>
      %select_n3A_268 = arith.select %lt3A_267, %get3A_163, %select_n3A_263 : vector<16xi1>, vector<16xf32>
      %broadcast_in_dim3A_269 = arith.constant 8 : i32
      %broadcast_in_dim3A_270 = vector.broadcast %broadcast_in_dim3A_269 : i32 to vector<16xi32>
      %select_n3A_271 = arith.select %lt3A_267, %broadcast_in_dim3A_270, %select_n3A_266 : vector<16xi1>, vector<16xi32>
      %lt3A_272 = arith.cmpf olt, %get3A_166, %select_n3A_268 : vector<16xf32>
      %select_n3A_273 = arith.select %lt3A_272, %get3A_166, %select_n3A_268 : vector<16xi1>, vector<16xf32>
      %broadcast_in_dim3A_274 = arith.constant 9 : i32
      %broadcast_in_dim3A_275 = vector.broadcast %broadcast_in_dim3A_274 : i32 to vector<16xi32>
      %select_n3A_276 = arith.select %lt3A_272, %broadcast_in_dim3A_275, %select_n3A_271 : vector<16xi1>, vector<16xi32>
      %lt3A_277 = arith.cmpf olt, %get3A_169, %select_n3A_273 : vector<16xf32>
      %select_n3A_278 = arith.select %lt3A_277, %get3A_169, %select_n3A_273 : vector<16xi1>, vector<16xf32>
      %broadcast_in_dim3A_279 = arith.constant 10 : i32
      %broadcast_in_dim3A_280 = vector.broadcast %broadcast_in_dim3A_279 : i32 to vector<16xi32>
      %select_n3A_281 = arith.select %lt3A_277, %broadcast_in_dim3A_280, %select_n3A_276 : vector<16xi1>, vector<16xi32>
      %lt3A_282 = arith.cmpf olt, %get3A_172, %select_n3A_278 : vector<16xf32>
      %select_n3A_283 = arith.select %lt3A_282, %get3A_172, %select_n3A_278 : vector<16xi1>, vector<16xf32>
      %broadcast_in_dim3A_284 = arith.constant 11 : i32
      %broadcast_in_dim3A_285 = vector.broadcast %broadcast_in_dim3A_284 : i32 to vector<16xi32>
      %select_n3A_286 = arith.select %lt3A_282, %broadcast_in_dim3A_285, %select_n3A_281 : vector<16xi1>, vector<16xi32>
      %lt3A_287 = arith.cmpf olt, %get3A_175, %select_n3A_283 : vector<16xf32>
      %select_n3A_288 = arith.select %lt3A_287, %get3A_175, %select_n3A_283 : vector<16xi1>, vector<16xf32>
      %broadcast_in_dim3A_289 = arith.constant 12 : i32
      %broadcast_in_dim3A_290 = vector.broadcast %broadcast_in_dim3A_289 : i32 to vector<16xi32>
      %select_n3A_291 = arith.select %lt3A_287, %broadcast_in_dim3A_290, %select_n3A_286 : vector<16xi1>, vector<16xi32>
      %lt3A_292 = arith.cmpf olt, %get3A_178, %select_n3A_288 : vector<16xf32>
      %select_n3A_293 = arith.select %lt3A_292, %get3A_178, %select_n3A_288 : vector<16xi1>, vector<16xf32>
      %broadcast_in_dim3A_294 = arith.constant 13 : i32
      %broadcast_in_dim3A_295 = vector.broadcast %broadcast_in_dim3A_294 : i32 to vector<16xi32>
      %select_n3A_296 = arith.select %lt3A_292, %broadcast_in_dim3A_295, %select_n3A_291 : vector<16xi1>, vector<16xi32>
      %lt3A_297 = arith.cmpf olt, %get3A_181, %select_n3A_293 : vector<16xf32>
      %select_n3A_298 = arith.select %lt3A_297, %get3A_181, %select_n3A_293 : vector<16xi1>, vector<16xf32>
      %broadcast_in_dim3A_299 = arith.constant 14 : i32
      %broadcast_in_dim3A_300 = vector.broadcast %broadcast_in_dim3A_299 : i32 to vector<16xi32>
      %select_n3A_301 = arith.select %lt3A_297, %broadcast_in_dim3A_300, %select_n3A_296 : vector<16xi1>, vector<16xi32>
      %lt3A_302 = arith.cmpf olt, %get3A_184, %select_n3A_298 : vector<16xf32>
      %select_n3A_303 = arith.select %lt3A_302, %get3A_184, %select_n3A_298 : vector<16xi1>, vector<16xf32>
      %broadcast_in_dim3A_304 = arith.constant 15 : i32
      %broadcast_in_dim3A_305 = vector.broadcast %broadcast_in_dim3A_304 : i32 to vector<16xi32>
      %select_n3A_306 = arith.select %lt3A_302, %broadcast_in_dim3A_305, %select_n3A_301 : vector<16xi1>, vector<16xi32>
      %lt3A_307 = arith.cmpf olt, %get3A_187, %select_n3A_303 : vector<16xf32>
      %select_n3A_308 = arith.select %lt3A_307, %get3A_187, %select_n3A_303 : vector<16xi1>, vector<16xf32>
      %broadcast_in_dim3A_309 = arith.constant 16 : i32
      %broadcast_in_dim3A_310 = vector.broadcast %broadcast_in_dim3A_309 : i32 to vector<16xi32>
      %select_n3A_311 = arith.select %lt3A_307, %broadcast_in_dim3A_310, %select_n3A_306 : vector<16xi1>, vector<16xi32>
      %lt3A_312 = arith.cmpf olt, %get3A_190, %select_n3A_308 : vector<16xf32>
      %select_n3A_313 = arith.select %lt3A_312, %get3A_190, %select_n3A_308 : vector<16xi1>, vector<16xf32>
      %broadcast_in_dim3A_314 = arith.constant 17 : i32
      %broadcast_in_dim3A_315 = vector.broadcast %broadcast_in_dim3A_314 : i32 to vector<16xi32>
      %select_n3A_316 = arith.select %lt3A_312, %broadcast_in_dim3A_315, %select_n3A_311 : vector<16xi1>, vector<16xi32>
      %lt3A_317 = arith.cmpf olt, %get3A_193, %select_n3A_313 : vector<16xf32>
      %select_n3A_318 = arith.select %lt3A_317, %get3A_193, %select_n3A_313 : vector<16xi1>, vector<16xf32>
      %broadcast_in_dim3A_319 = arith.constant 18 : i32
      %broadcast_in_dim3A_320 = vector.broadcast %broadcast_in_dim3A_319 : i32 to vector<16xi32>
      %select_n3A_321 = arith.select %lt3A_317, %broadcast_in_dim3A_320, %select_n3A_316 : vector<16xi1>, vector<16xi32>
      %lt3A_322 = arith.cmpf olt, %get3A_196, %select_n3A_318 : vector<16xf32>
      %select_n3A_323 = arith.select %lt3A_322, %get3A_196, %select_n3A_318 : vector<16xi1>, vector<16xf32>
      %broadcast_in_dim3A_324 = arith.constant 19 : i32
      %broadcast_in_dim3A_325 = vector.broadcast %broadcast_in_dim3A_324 : i32 to vector<16xi32>
      %select_n3A_326 = arith.select %lt3A_322, %broadcast_in_dim3A_325, %select_n3A_321 : vector<16xi1>, vector<16xi32>
      %lt3A_327 = arith.cmpf olt, %get3A_199, %select_n3A_323 : vector<16xf32>
      %select_n3A_328 = arith.select %lt3A_327, %get3A_199, %select_n3A_323 : vector<16xi1>, vector<16xf32>
      %broadcast_in_dim3A_329 = arith.constant 20 : i32
      %broadcast_in_dim3A_330 = vector.broadcast %broadcast_in_dim3A_329 : i32 to vector<16xi32>
      %select_n3A_331 = arith.select %lt3A_327, %broadcast_in_dim3A_330, %select_n3A_326 : vector<16xi1>, vector<16xi32>
      %lt3A_332 = arith.cmpf olt, %get3A_202, %select_n3A_328 : vector<16xf32>
      %select_n3A_333 = arith.select %lt3A_332, %get3A_202, %select_n3A_328 : vector<16xi1>, vector<16xf32>
      %broadcast_in_dim3A_334 = arith.constant 21 : i32
      %broadcast_in_dim3A_335 = vector.broadcast %broadcast_in_dim3A_334 : i32 to vector<16xi32>
      %select_n3A_336 = arith.select %lt3A_332, %broadcast_in_dim3A_335, %select_n3A_331 : vector<16xi1>, vector<16xi32>
      %lt3A_337 = arith.cmpf olt, %get3A_205, %select_n3A_333 : vector<16xf32>
      %select_n3A_338 = arith.select %lt3A_337, %get3A_205, %select_n3A_333 : vector<16xi1>, vector<16xf32>
      %broadcast_in_dim3A_339 = arith.constant 22 : i32
      %broadcast_in_dim3A_340 = vector.broadcast %broadcast_in_dim3A_339 : i32 to vector<16xi32>
      %select_n3A_341 = arith.select %lt3A_337, %broadcast_in_dim3A_340, %select_n3A_336 : vector<16xi1>, vector<16xi32>
      %lt3A_342 = arith.cmpf olt, %get3A_208, %select_n3A_338 : vector<16xf32>
      %select_n3A_343 = arith.select %lt3A_342, %get3A_208, %select_n3A_338 : vector<16xi1>, vector<16xf32>
      %broadcast_in_dim3A_344 = arith.constant 23 : i32
      %broadcast_in_dim3A_345 = vector.broadcast %broadcast_in_dim3A_344 : i32 to vector<16xi32>
      %select_n3A_346 = arith.select %lt3A_342, %broadcast_in_dim3A_345, %select_n3A_341 : vector<16xi1>, vector<16xi32>
      %lt3A_347 = arith.cmpf olt, %get3A_211, %select_n3A_343 : vector<16xf32>
      %select_n3A_348 = arith.select %lt3A_347, %get3A_211, %select_n3A_343 : vector<16xi1>, vector<16xf32>
      %broadcast_in_dim3A_349 = arith.constant 24 : i32
      %broadcast_in_dim3A_350 = vector.broadcast %broadcast_in_dim3A_349 : i32 to vector<16xi32>
      %select_n3A_351 = arith.select %lt3A_347, %broadcast_in_dim3A_350, %select_n3A_346 : vector<16xi1>, vector<16xi32>
      %lt3A_352 = arith.cmpf olt, %get3A_214, %select_n3A_348 : vector<16xf32>
      %select_n3A_353 = arith.select %lt3A_352, %get3A_214, %select_n3A_348 : vector<16xi1>, vector<16xf32>
      %broadcast_in_dim3A_354 = arith.constant 25 : i32
      %broadcast_in_dim3A_355 = vector.broadcast %broadcast_in_dim3A_354 : i32 to vector<16xi32>
      %select_n3A_356 = arith.select %lt3A_352, %broadcast_in_dim3A_355, %select_n3A_351 : vector<16xi1>, vector<16xi32>
      %lt3A_357 = arith.cmpf olt, %get3A_217, %select_n3A_353 : vector<16xf32>
      %select_n3A_358 = arith.select %lt3A_357, %get3A_217, %select_n3A_353 : vector<16xi1>, vector<16xf32>
      %broadcast_in_dim3A_359 = arith.constant 26 : i32
      %broadcast_in_dim3A_360 = vector.broadcast %broadcast_in_dim3A_359 : i32 to vector<16xi32>
      %select_n3A_361 = arith.select %lt3A_357, %broadcast_in_dim3A_360, %select_n3A_356 : vector<16xi1>, vector<16xi32>
      %lt3A_362 = arith.cmpf olt, %get3A_220, %select_n3A_358 : vector<16xf32>
      %select_n3A_363 = arith.select %lt3A_362, %get3A_220, %select_n3A_358 : vector<16xi1>, vector<16xf32>
      %broadcast_in_dim3A_364 = arith.constant 27 : i32
      %broadcast_in_dim3A_365 = vector.broadcast %broadcast_in_dim3A_364 : i32 to vector<16xi32>
      %select_n3A_366 = arith.select %lt3A_362, %broadcast_in_dim3A_365, %select_n3A_361 : vector<16xi1>, vector<16xi32>
      %lt3A_367 = arith.cmpf olt, %get3A_223, %select_n3A_363 : vector<16xf32>
      %select_n3A_368 = arith.select %lt3A_367, %get3A_223, %select_n3A_363 : vector<16xi1>, vector<16xf32>
      %broadcast_in_dim3A_369 = arith.constant 28 : i32
      %broadcast_in_dim3A_370 = vector.broadcast %broadcast_in_dim3A_369 : i32 to vector<16xi32>
      %select_n3A_371 = arith.select %lt3A_367, %broadcast_in_dim3A_370, %select_n3A_366 : vector<16xi1>, vector<16xi32>
      %lt3A_372 = arith.cmpf olt, %get3A_226, %select_n3A_368 : vector<16xf32>
      %select_n3A_373 = arith.select %lt3A_372, %get3A_226, %select_n3A_368 : vector<16xi1>, vector<16xf32>
      %broadcast_in_dim3A_374 = arith.constant 29 : i32
      %broadcast_in_dim3A_375 = vector.broadcast %broadcast_in_dim3A_374 : i32 to vector<16xi32>
      %select_n3A_376 = arith.select %lt3A_372, %broadcast_in_dim3A_375, %select_n3A_371 : vector<16xi1>, vector<16xi32>
      %lt3A_377 = arith.cmpf olt, %get3A_229, %select_n3A_373 : vector<16xf32>
      %select_n3A_378 = arith.select %lt3A_377, %get3A_229, %select_n3A_373 : vector<16xi1>, vector<16xf32>
      %broadcast_in_dim3A_379 = arith.constant 30 : i32
      %broadcast_in_dim3A_380 = vector.broadcast %broadcast_in_dim3A_379 : i32 to vector<16xi32>
      %select_n3A_381 = arith.select %lt3A_377, %broadcast_in_dim3A_380, %select_n3A_376 : vector<16xi1>, vector<16xi32>
      %lt3A_382 = arith.cmpf olt, %get3A_232, %select_n3A_378 : vector<16xf32>
      %select_n3A_383 = arith.select %lt3A_382, %get3A_232, %select_n3A_378 : vector<16xi1>, vector<16xf32>
      %broadcast_in_dim3A_384 = arith.constant 31 : i32
      %broadcast_in_dim3A_385 = vector.broadcast %broadcast_in_dim3A_384 : i32 to vector<16xi32>
      %select_n3A_386 = arith.select %lt3A_382, %broadcast_in_dim3A_385, %select_n3A_381 : vector<16xi1>, vector<16xi32>
      %reduce_min3A = arith.constant true
      %reduce_min3A_387 = vector.broadcast %reduce_min3A : i1 to vector<16xi1>
      %reduce_min3A_388 = tpu.scan <min>, %select_n3A_383 masked %reduce_min3A_387 : vector<16xf32>, vector<16xi1> -> vector<16xf32>
      %reduce_min3A_389 = vector.extract %reduce_min3A_388[15] : f32 from vector<16xf32>
      %eq3A_390 = vector.broadcast %reduce_min3A_389 : f32 to vector<16xf32>
      %eq3A_391 = arith.cmpf oeq, %select_n3A_383, %eq3A_390 : vector<16xf32>
      %mul3A_392 = arith.constant 16 : i32
      %mul3A_393 = vector.broadcast %mul3A_392 : i32 to vector<16xi32>
      %mul3A_394 = arith.muli %select_n3A_386, %mul3A_393 : vector<16xi32>
      %add3A_395 = arith.addi %mul3A_394, %iota3A : vector<16xi32>
      %jit3A = arith.constant 512 : i32
      %broadcast_in_dim3A_396 = vector.broadcast %jit3A : i32 to vector<16xi32>
      %select_n3A_397 = arith.select %eq3A_391, %add3A_395, %broadcast_in_dim3A_396 : vector<16xi1>, vector<16xi32>
      %reduce_min3A_398 = arith.constant true
      %reduce_min3A_399 = vector.broadcast %reduce_min3A_398 : i1 to vector<16xi1>
      %reduce_min3A_400 = arith.constant -2147483648 : i32
      %reduce_min3A_401 = vector.broadcast %reduce_min3A_400 : i32 to vector<16xi32>
      %reduce_min3A_402 = arith.xori %select_n3A_397, %reduce_min3A_401 : vector<16xi32>
      %reduce_min3A_403 = tpu.scan <min>, %reduce_min3A_402 masked %reduce_min3A_399 : vector<16xi32>, vector<16xi1> -> vector<16xi32>
      %reduce_min3A_404 = arith.xori %reduce_min3A_403, %reduce_min3A_401 : vector<16xi32>
      %reduce_min3A_405 = vector.extract %reduce_min3A_404[15] : i32 from vector<16xi32>
      %broadcast_in_dim3A_406 = arith.constant 128 : i32
      %broadcast_in_dim3A_407 = vector.broadcast %broadcast_in_dim3A_406 : i32 to vector<16xi32>
      %add3A_408 = vector.broadcast %scan3A_136 : i32 to vector<16xi32>
      %add3A_409 = arith.addi %broadcast_in_dim3A_407, %add3A_408 : vector<16xi32>
      %broadcast_in_dim3A_410 = arith.constant 0 : i32
      %broadcast_in_dim3A_411 = vector.broadcast %broadcast_in_dim3A_410 : i32 to vector<16xi32>
      %add3A_412 = vector.broadcast %reduce_min3A_405 : i32 to vector<16xi32>
      %add3A_413 = arith.addi %broadcast_in_dim3A_411, %add3A_412 : vector<16xi32>
      tpu.vector_store_idx %arg6[%add3A_409], %add3A_413 masked %eq3A_4 : memref<256xi32, #tpu.memory_space<vmem>>[vector<16xi32>], vector<16xi32>, vector<16xi1>
      %scan3A_414 = arith.constant 0 : i32
      scf.yield %scan3A_414 : i32
    }
    %scan3A_90 = arith.constant 32 : i32
    %add3A_91 = arith.constant 192 : i32
    %add3A_92 = arith.addi %mul3A_2, %add3A_91 : i32
    %dma_start3A_93 = arith.constant 0 : i32
    %dma_start3A_94 = tpu.memref_slice %arg2[%add3A_92, %dma_start3A_93] : memref<8192x512xf32, #tpu.memory_space<hbm>> -> memref<32x512xf32, #tpu.memory_space<hbm>>
    %dma_start3A_95 = arith.constant 0 : i32
    %dma_start3A_96 = tpu.memref_slice %arg2[%add3A_92, %dma_start3A_95] : memref<8192x512xf32, #tpu.memory_space<hbm>> -> memref<32x512xf32, #tpu.memory_space<hbm>>
    tpu.enqueue_dma source(%dma_start3A_96 : memref<32x512xf32, #tpu.memory_space<hbm>>) target(%arg4 : memref<32x512xf32, #tpu.memory_space<vmem>>) target_semaphore(%arg7 : memref<!tpu.dma_semaphore, #tpu.memory_space<semaphore_mem>>)
    %dma_wait3A_97 = arith.constant 0 : i32
    %dma_wait3A_98 = tpu.memref_slice %arg2[%add3A_75, %dma_wait3A_97] : memref<8192x512xf32, #tpu.memory_space<hbm>> -> memref<32x512xf32, #tpu.memory_space<hbm>>
    %dma_wait3A_99 = arith.constant 0 : i32
    %dma_wait3A_100 = tpu.memref_slice %arg2[%add3A_75, %dma_wait3A_99] : memref<8192x512xf32, #tpu.memory_space<hbm>> -> memref<32x512xf32, #tpu.memory_space<hbm>>
    tpu.wait_dma2 semaphore(%arg8 : memref<!tpu.dma_semaphore, #tpu.memory_space<semaphore_mem>>) src(%dma_wait3A_100 : memref<32x512xf32, #tpu.memory_space<hbm>>) dst(%arg5 : memref<32x512xf32, #tpu.memory_space<vmem>>)
    %scan3A_101 = arith.constant 0 : i32
    %scan3A_102 = arith.constant 0 : i32
    %scan3A_103 = arith.constant 32 : i32
    %scan3A_104 = arith.addi %scan3A_102, %scan3A_103 : i32
    %scan3A_105 = arith.constant 1 : i32
    %scan3A_106 = scf.for %scan3A_136 = %scan3A_102 to %scan3A_104 step %scan3A_105 iter_args(%scan3A_137 = %scan3A_101) -> (i32)  : i32 {
      %get3A = arith.index_cast %scan3A_136 : i32 to index
      %get3A_138 = arith.constant 0 : index
      %get3A_139 = tpu.vector_load %arg5[%get3A, %get3A_138] {strides = array<i32>} : memref<32x512xf32, #tpu.memory_space<vmem>>, vector<16xf32>,
      %get3A_140 = arith.index_cast %scan3A_136 : i32 to index
      %get3A_141 = arith.constant 16 : index
      %get3A_142 = tpu.vector_load %arg5[%get3A_140, %get3A_141] {strides = array<i32>} : memref<32x512xf32, #tpu.memory_space<vmem>>, vector<16xf32>,
      %get3A_143 = arith.index_cast %scan3A_136 : i32 to index
      %get3A_144 = arith.constant 32 : index
      %get3A_145 = tpu.vector_load %arg5[%get3A_143, %get3A_144] {strides = array<i32>} : memref<32x512xf32, #tpu.memory_space<vmem>>, vector<16xf32>,
      %get3A_146 = arith.index_cast %scan3A_136 : i32 to index
      %get3A_147 = arith.constant 48 : index
      %get3A_148 = tpu.vector_load %arg5[%get3A_146, %get3A_147] {strides = array<i32>} : memref<32x512xf32, #tpu.memory_space<vmem>>, vector<16xf32>,
      %get3A_149 = arith.index_cast %scan3A_136 : i32 to index
      %get3A_150 = arith.constant 64 : index
      %get3A_151 = tpu.vector_load %arg5[%get3A_149, %get3A_150] {strides = array<i32>} : memref<32x512xf32, #tpu.memory_space<vmem>>, vector<16xf32>,
      %get3A_152 = arith.index_cast %scan3A_136 : i32 to index
      %get3A_153 = arith.constant 80 : index
      %get3A_154 = tpu.vector_load %arg5[%get3A_152, %get3A_153] {strides = array<i32>} : memref<32x512xf32, #tpu.memory_space<vmem>>, vector<16xf32>,
      %get3A_155 = arith.index_cast %scan3A_136 : i32 to index
      %get3A_156 = arith.constant 96 : index
      %get3A_157 = tpu.vector_load %arg5[%get3A_155, %get3A_156] {strides = array<i32>} : memref<32x512xf32, #tpu.memory_space<vmem>>, vector<16xf32>,
      %get3A_158 = arith.index_cast %scan3A_136 : i32 to index
      %get3A_159 = arith.constant 112 : index
      %get3A_160 = tpu.vector_load %arg5[%get3A_158, %get3A_159] {strides = array<i32>} : memref<32x512xf32, #tpu.memory_space<vmem>>, vector<16xf32>,
      %get3A_161 = arith.index_cast %scan3A_136 : i32 to index
      %get3A_162 = arith.constant 128 : index
      %get3A_163 = tpu.vector_load %arg5[%get3A_161, %get3A_162] {strides = array<i32>} : memref<32x512xf32, #tpu.memory_space<vmem>>, vector<16xf32>,
      %get3A_164 = arith.index_cast %scan3A_136 : i32 to index
      %get3A_165 = arith.constant 144 : index
      %get3A_166 = tpu.vector_load %arg5[%get3A_164, %get3A_165] {strides = array<i32>} : memref<32x512xf32, #tpu.memory_space<vmem>>, vector<16xf32>,
      %get3A_167 = arith.index_cast %scan3A_136 : i32 to index
      %get3A_168 = arith.constant 160 : index
      %get3A_169 = tpu.vector_load %arg5[%get3A_167, %get3A_168] {strides = array<i32>} : memref<32x512xf32, #tpu.memory_space<vmem>>, vector<16xf32>,
      %get3A_170 = arith.index_cast %scan3A_136 : i32 to index
      %get3A_171 = arith.constant 176 : index
      %get3A_172 = tpu.vector_load %arg5[%get3A_170, %get3A_171] {strides = array<i32>} : memref<32x512xf32, #tpu.memory_space<vmem>>, vector<16xf32>,
      %get3A_173 = arith.index_cast %scan3A_136 : i32 to index
      %get3A_174 = arith.constant 192 : index
      %get3A_175 = tpu.vector_load %arg5[%get3A_173, %get3A_174] {strides = array<i32>} : memref<32x512xf32, #tpu.memory_space<vmem>>, vector<16xf32>,
      %get3A_176 = arith.index_cast %scan3A_136 : i32 to index
      %get3A_177 = arith.constant 208 : index
      %get3A_178 = tpu.vector_load %arg5[%get3A_176, %get3A_177] {strides = array<i32>} : memref<32x512xf32, #tpu.memory_space<vmem>>, vector<16xf32>,
      %get3A_179 = arith.index_cast %scan3A_136 : i32 to index
      %get3A_180 = arith.constant 224 : index
      %get3A_181 = tpu.vector_load %arg5[%get3A_179, %get3A_180] {strides = array<i32>} : memref<32x512xf32, #tpu.memory_space<vmem>>, vector<16xf32>,
      %get3A_182 = arith.index_cast %scan3A_136 : i32 to index
      %get3A_183 = arith.constant 240 : index
      %get3A_184 = tpu.vector_load %arg5[%get3A_182, %get3A_183] {strides = array<i32>} : memref<32x512xf32, #tpu.memory_space<vmem>>, vector<16xf32>,
      %get3A_185 = arith.index_cast %scan3A_136 : i32 to index
      %get3A_186 = arith.constant 256 : index
      %get3A_187 = tpu.vector_load %arg5[%get3A_185, %get3A_186] {strides = array<i32>} : memref<32x512xf32, #tpu.memory_space<vmem>>, vector<16xf32>,
      %get3A_188 = arith.index_cast %scan3A_136 : i32 to index
      %get3A_189 = arith.constant 272 : index
      %get3A_190 = tpu.vector_load %arg5[%get3A_188, %get3A_189] {strides = array<i32>} : memref<32x512xf32, #tpu.memory_space<vmem>>, vector<16xf32>,
      %get3A_191 = arith.index_cast %scan3A_136 : i32 to index
      %get3A_192 = arith.constant 288 : index
      %get3A_193 = tpu.vector_load %arg5[%get3A_191, %get3A_192] {strides = array<i32>} : memref<32x512xf32, #tpu.memory_space<vmem>>, vector<16xf32>,
      %get3A_194 = arith.index_cast %scan3A_136 : i32 to index
      %get3A_195 = arith.constant 304 : index
      %get3A_196 = tpu.vector_load %arg5[%get3A_194, %get3A_195] {strides = array<i32>} : memref<32x512xf32, #tpu.memory_space<vmem>>, vector<16xf32>,
      %get3A_197 = arith.index_cast %scan3A_136 : i32 to index
      %get3A_198 = arith.constant 320 : index
      %get3A_199 = tpu.vector_load %arg5[%get3A_197, %get3A_198] {strides = array<i32>} : memref<32x512xf32, #tpu.memory_space<vmem>>, vector<16xf32>,
      %get3A_200 = arith.index_cast %scan3A_136 : i32 to index
      %get3A_201 = arith.constant 336 : index
      %get3A_202 = tpu.vector_load %arg5[%get3A_200, %get3A_201] {strides = array<i32>} : memref<32x512xf32, #tpu.memory_space<vmem>>, vector<16xf32>,
      %get3A_203 = arith.index_cast %scan3A_136 : i32 to index
      %get3A_204 = arith.constant 352 : index
      %get3A_205 = tpu.vector_load %arg5[%get3A_203, %get3A_204] {strides = array<i32>} : memref<32x512xf32, #tpu.memory_space<vmem>>, vector<16xf32>,
      %get3A_206 = arith.index_cast %scan3A_136 : i32 to index
      %get3A_207 = arith.constant 368 : index
      %get3A_208 = tpu.vector_load %arg5[%get3A_206, %get3A_207] {strides = array<i32>} : memref<32x512xf32, #tpu.memory_space<vmem>>, vector<16xf32>,
      %get3A_209 = arith.index_cast %scan3A_136 : i32 to index
      %get3A_210 = arith.constant 384 : index
      %get3A_211 = tpu.vector_load %arg5[%get3A_209, %get3A_210] {strides = array<i32>} : memref<32x512xf32, #tpu.memory_space<vmem>>, vector<16xf32>,
      %get3A_212 = arith.index_cast %scan3A_136 : i32 to index
      %get3A_213 = arith.constant 400 : index
      %get3A_214 = tpu.vector_load %arg5[%get3A_212, %get3A_213] {strides = array<i32>} : memref<32x512xf32, #tpu.memory_space<vmem>>, vector<16xf32>,
      %get3A_215 = arith.index_cast %scan3A_136 : i32 to index
      %get3A_216 = arith.constant 416 : index
      %get3A_217 = tpu.vector_load %arg5[%get3A_215, %get3A_216] {strides = array<i32>} : memref<32x512xf32, #tpu.memory_space<vmem>>, vector<16xf32>,
      %get3A_218 = arith.index_cast %scan3A_136 : i32 to index
      %get3A_219 = arith.constant 432 : index
      %get3A_220 = tpu.vector_load %arg5[%get3A_218, %get3A_219] {strides = array<i32>} : memref<32x512xf32, #tpu.memory_space<vmem>>, vector<16xf32>,
      %get3A_221 = arith.index_cast %scan3A_136 : i32 to index
      %get3A_222 = arith.constant 448 : index
      %get3A_223 = tpu.vector_load %arg5[%get3A_221, %get3A_222] {strides = array<i32>} : memref<32x512xf32, #tpu.memory_space<vmem>>, vector<16xf32>,
      %get3A_224 = arith.index_cast %scan3A_136 : i32 to index
      %get3A_225 = arith.constant 464 : index
      %get3A_226 = tpu.vector_load %arg5[%get3A_224, %get3A_225] {strides = array<i32>} : memref<32x512xf32, #tpu.memory_space<vmem>>, vector<16xf32>,
      %get3A_227 = arith.index_cast %scan3A_136 : i32 to index
      %get3A_228 = arith.constant 480 : index
      %get3A_229 = tpu.vector_load %arg5[%get3A_227, %get3A_228] {strides = array<i32>} : memref<32x512xf32, #tpu.memory_space<vmem>>, vector<16xf32>,
      %get3A_230 = arith.index_cast %scan3A_136 : i32 to index
      %get3A_231 = arith.constant 496 : index
      %get3A_232 = tpu.vector_load %arg5[%get3A_230, %get3A_231] {strides = array<i32>} : memref<32x512xf32, #tpu.memory_space<vmem>>, vector<16xf32>,
      %broadcast_in_dim3A = arith.constant 0 : i32
      %broadcast_in_dim3A_233 = vector.broadcast %broadcast_in_dim3A : i32 to vector<16xi32>
      %lt3A = arith.cmpf olt, %get3A_142, %get3A_139 : vector<16xf32>
      %select_n3A = arith.select %lt3A, %get3A_142, %get3A_139 : vector<16xi1>, vector<16xf32>
      %broadcast_in_dim3A_234 = arith.constant 1 : i32
      %broadcast_in_dim3A_235 = vector.broadcast %broadcast_in_dim3A_234 : i32 to vector<16xi32>
      %select_n3A_236 = arith.select %lt3A, %broadcast_in_dim3A_235, %broadcast_in_dim3A_233 : vector<16xi1>, vector<16xi32>
      %lt3A_237 = arith.cmpf olt, %get3A_145, %select_n3A : vector<16xf32>
      %select_n3A_238 = arith.select %lt3A_237, %get3A_145, %select_n3A : vector<16xi1>, vector<16xf32>
      %broadcast_in_dim3A_239 = arith.constant 2 : i32
      %broadcast_in_dim3A_240 = vector.broadcast %broadcast_in_dim3A_239 : i32 to vector<16xi32>
      %select_n3A_241 = arith.select %lt3A_237, %broadcast_in_dim3A_240, %select_n3A_236 : vector<16xi1>, vector<16xi32>
      %lt3A_242 = arith.cmpf olt, %get3A_148, %select_n3A_238 : vector<16xf32>
      %select_n3A_243 = arith.select %lt3A_242, %get3A_148, %select_n3A_238 : vector<16xi1>, vector<16xf32>
      %broadcast_in_dim3A_244 = arith.constant 3 : i32
      %broadcast_in_dim3A_245 = vector.broadcast %broadcast_in_dim3A_244 : i32 to vector<16xi32>
      %select_n3A_246 = arith.select %lt3A_242, %broadcast_in_dim3A_245, %select_n3A_241 : vector<16xi1>, vector<16xi32>
      %lt3A_247 = arith.cmpf olt, %get3A_151, %select_n3A_243 : vector<16xf32>
      %select_n3A_248 = arith.select %lt3A_247, %get3A_151, %select_n3A_243 : vector<16xi1>, vector<16xf32>
      %broadcast_in_dim3A_249 = arith.constant 4 : i32
      %broadcast_in_dim3A_250 = vector.broadcast %broadcast_in_dim3A_249 : i32 to vector<16xi32>
      %select_n3A_251 = arith.select %lt3A_247, %broadcast_in_dim3A_250, %select_n3A_246 : vector<16xi1>, vector<16xi32>
      %lt3A_252 = arith.cmpf olt, %get3A_154, %select_n3A_248 : vector<16xf32>
      %select_n3A_253 = arith.select %lt3A_252, %get3A_154, %select_n3A_248 : vector<16xi1>, vector<16xf32>
      %broadcast_in_dim3A_254 = arith.constant 5 : i32
      %broadcast_in_dim3A_255 = vector.broadcast %broadcast_in_dim3A_254 : i32 to vector<16xi32>
      %select_n3A_256 = arith.select %lt3A_252, %broadcast_in_dim3A_255, %select_n3A_251 : vector<16xi1>, vector<16xi32>
      %lt3A_257 = arith.cmpf olt, %get3A_157, %select_n3A_253 : vector<16xf32>
      %select_n3A_258 = arith.select %lt3A_257, %get3A_157, %select_n3A_253 : vector<16xi1>, vector<16xf32>
      %broadcast_in_dim3A_259 = arith.constant 6 : i32
      %broadcast_in_dim3A_260 = vector.broadcast %broadcast_in_dim3A_259 : i32 to vector<16xi32>
      %select_n3A_261 = arith.select %lt3A_257, %broadcast_in_dim3A_260, %select_n3A_256 : vector<16xi1>, vector<16xi32>
      %lt3A_262 = arith.cmpf olt, %get3A_160, %select_n3A_258 : vector<16xf32>
      %select_n3A_263 = arith.select %lt3A_262, %get3A_160, %select_n3A_258 : vector<16xi1>, vector<16xf32>
      %broadcast_in_dim3A_264 = arith.constant 7 : i32
      %broadcast_in_dim3A_265 = vector.broadcast %broadcast_in_dim3A_264 : i32 to vector<16xi32>
      %select_n3A_266 = arith.select %lt3A_262, %broadcast_in_dim3A_265, %select_n3A_261 : vector<16xi1>, vector<16xi32>
      %lt3A_267 = arith.cmpf olt, %get3A_163, %select_n3A_263 : vector<16xf32>
      %select_n3A_268 = arith.select %lt3A_267, %get3A_163, %select_n3A_263 : vector<16xi1>, vector<16xf32>
      %broadcast_in_dim3A_269 = arith.constant 8 : i32
      %broadcast_in_dim3A_270 = vector.broadcast %broadcast_in_dim3A_269 : i32 to vector<16xi32>
      %select_n3A_271 = arith.select %lt3A_267, %broadcast_in_dim3A_270, %select_n3A_266 : vector<16xi1>, vector<16xi32>
      %lt3A_272 = arith.cmpf olt, %get3A_166, %select_n3A_268 : vector<16xf32>
      %select_n3A_273 = arith.select %lt3A_272, %get3A_166, %select_n3A_268 : vector<16xi1>, vector<16xf32>
      %broadcast_in_dim3A_274 = arith.constant 9 : i32
      %broadcast_in_dim3A_275 = vector.broadcast %broadcast_in_dim3A_274 : i32 to vector<16xi32>
      %select_n3A_276 = arith.select %lt3A_272, %broadcast_in_dim3A_275, %select_n3A_271 : vector<16xi1>, vector<16xi32>
      %lt3A_277 = arith.cmpf olt, %get3A_169, %select_n3A_273 : vector<16xf32>
      %select_n3A_278 = arith.select %lt3A_277, %get3A_169, %select_n3A_273 : vector<16xi1>, vector<16xf32>
      %broadcast_in_dim3A_279 = arith.constant 10 : i32
      %broadcast_in_dim3A_280 = vector.broadcast %broadcast_in_dim3A_279 : i32 to vector<16xi32>
      %select_n3A_281 = arith.select %lt3A_277, %broadcast_in_dim3A_280, %select_n3A_276 : vector<16xi1>, vector<16xi32>
      %lt3A_282 = arith.cmpf olt, %get3A_172, %select_n3A_278 : vector<16xf32>
      %select_n3A_283 = arith.select %lt3A_282, %get3A_172, %select_n3A_278 : vector<16xi1>, vector<16xf32>
      %broadcast_in_dim3A_284 = arith.constant 11 : i32
      %broadcast_in_dim3A_285 = vector.broadcast %broadcast_in_dim3A_284 : i32 to vector<16xi32>
      %select_n3A_286 = arith.select %lt3A_282, %broadcast_in_dim3A_285, %select_n3A_281 : vector<16xi1>, vector<16xi32>
      %lt3A_287 = arith.cmpf olt, %get3A_175, %select_n3A_283 : vector<16xf32>
      %select_n3A_288 = arith.select %lt3A_287, %get3A_175, %select_n3A_283 : vector<16xi1>, vector<16xf32>
      %broadcast_in_dim3A_289 = arith.constant 12 : i32
      %broadcast_in_dim3A_290 = vector.broadcast %broadcast_in_dim3A_289 : i32 to vector<16xi32>
      %select_n3A_291 = arith.select %lt3A_287, %broadcast_in_dim3A_290, %select_n3A_286 : vector<16xi1>, vector<16xi32>
      %lt3A_292 = arith.cmpf olt, %get3A_178, %select_n3A_288 : vector<16xf32>
      %select_n3A_293 = arith.select %lt3A_292, %get3A_178, %select_n3A_288 : vector<16xi1>, vector<16xf32>
      %broadcast_in_dim3A_294 = arith.constant 13 : i32
      %broadcast_in_dim3A_295 = vector.broadcast %broadcast_in_dim3A_294 : i32 to vector<16xi32>
      %select_n3A_296 = arith.select %lt3A_292, %broadcast_in_dim3A_295, %select_n3A_291 : vector<16xi1>, vector<16xi32>
      %lt3A_297 = arith.cmpf olt, %get3A_181, %select_n3A_293 : vector<16xf32>
      %select_n3A_298 = arith.select %lt3A_297, %get3A_181, %select_n3A_293 : vector<16xi1>, vector<16xf32>
      %broadcast_in_dim3A_299 = arith.constant 14 : i32
      %broadcast_in_dim3A_300 = vector.broadcast %broadcast_in_dim3A_299 : i32 to vector<16xi32>
      %select_n3A_301 = arith.select %lt3A_297, %broadcast_in_dim3A_300, %select_n3A_296 : vector<16xi1>, vector<16xi32>
      %lt3A_302 = arith.cmpf olt, %get3A_184, %select_n3A_298 : vector<16xf32>
      %select_n3A_303 = arith.select %lt3A_302, %get3A_184, %select_n3A_298 : vector<16xi1>, vector<16xf32>
      %broadcast_in_dim3A_304 = arith.constant 15 : i32
      %broadcast_in_dim3A_305 = vector.broadcast %broadcast_in_dim3A_304 : i32 to vector<16xi32>
      %select_n3A_306 = arith.select %lt3A_302, %broadcast_in_dim3A_305, %select_n3A_301 : vector<16xi1>, vector<16xi32>
      %lt3A_307 = arith.cmpf olt, %get3A_187, %select_n3A_303 : vector<16xf32>
      %select_n3A_308 = arith.select %lt3A_307, %get3A_187, %select_n3A_303 : vector<16xi1>, vector<16xf32>
      %broadcast_in_dim3A_309 = arith.constant 16 : i32
      %broadcast_in_dim3A_310 = vector.broadcast %broadcast_in_dim3A_309 : i32 to vector<16xi32>
      %select_n3A_311 = arith.select %lt3A_307, %broadcast_in_dim3A_310, %select_n3A_306 : vector<16xi1>, vector<16xi32>
      %lt3A_312 = arith.cmpf olt, %get3A_190, %select_n3A_308 : vector<16xf32>
      %select_n3A_313 = arith.select %lt3A_312, %get3A_190, %select_n3A_308 : vector<16xi1>, vector<16xf32>
      %broadcast_in_dim3A_314 = arith.constant 17 : i32
      %broadcast_in_dim3A_315 = vector.broadcast %broadcast_in_dim3A_314 : i32 to vector<16xi32>
      %select_n3A_316 = arith.select %lt3A_312, %broadcast_in_dim3A_315, %select_n3A_311 : vector<16xi1>, vector<16xi32>
      %lt3A_317 = arith.cmpf olt, %get3A_193, %select_n3A_313 : vector<16xf32>
      %select_n3A_318 = arith.select %lt3A_317, %get3A_193, %select_n3A_313 : vector<16xi1>, vector<16xf32>
      %broadcast_in_dim3A_319 = arith.constant 18 : i32
      %broadcast_in_dim3A_320 = vector.broadcast %broadcast_in_dim3A_319 : i32 to vector<16xi32>
      %select_n3A_321 = arith.select %lt3A_317, %broadcast_in_dim3A_320, %select_n3A_316 : vector<16xi1>, vector<16xi32>
      %lt3A_322 = arith.cmpf olt, %get3A_196, %select_n3A_318 : vector<16xf32>
      %select_n3A_323 = arith.select %lt3A_322, %get3A_196, %select_n3A_318 : vector<16xi1>, vector<16xf32>
      %broadcast_in_dim3A_324 = arith.constant 19 : i32
      %broadcast_in_dim3A_325 = vector.broadcast %broadcast_in_dim3A_324 : i32 to vector<16xi32>
      %select_n3A_326 = arith.select %lt3A_322, %broadcast_in_dim3A_325, %select_n3A_321 : vector<16xi1>, vector<16xi32>
      %lt3A_327 = arith.cmpf olt, %get3A_199, %select_n3A_323 : vector<16xf32>
      %select_n3A_328 = arith.select %lt3A_327, %get3A_199, %select_n3A_323 : vector<16xi1>, vector<16xf32>
      %broadcast_in_dim3A_329 = arith.constant 20 : i32
      %broadcast_in_dim3A_330 = vector.broadcast %broadcast_in_dim3A_329 : i32 to vector<16xi32>
      %select_n3A_331 = arith.select %lt3A_327, %broadcast_in_dim3A_330, %select_n3A_326 : vector<16xi1>, vector<16xi32>
      %lt3A_332 = arith.cmpf olt, %get3A_202, %select_n3A_328 : vector<16xf32>
      %select_n3A_333 = arith.select %lt3A_332, %get3A_202, %select_n3A_328 : vector<16xi1>, vector<16xf32>
      %broadcast_in_dim3A_334 = arith.constant 21 : i32
      %broadcast_in_dim3A_335 = vector.broadcast %broadcast_in_dim3A_334 : i32 to vector<16xi32>
      %select_n3A_336 = arith.select %lt3A_332, %broadcast_in_dim3A_335, %select_n3A_331 : vector<16xi1>, vector<16xi32>
      %lt3A_337 = arith.cmpf olt, %get3A_205, %select_n3A_333 : vector<16xf32>
      %select_n3A_338 = arith.select %lt3A_337, %get3A_205, %select_n3A_333 : vector<16xi1>, vector<16xf32>
      %broadcast_in_dim3A_339 = arith.constant 22 : i32
      %broadcast_in_dim3A_340 = vector.broadcast %broadcast_in_dim3A_339 : i32 to vector<16xi32>
      %select_n3A_341 = arith.select %lt3A_337, %broadcast_in_dim3A_340, %select_n3A_336 : vector<16xi1>, vector<16xi32>
      %lt3A_342 = arith.cmpf olt, %get3A_208, %select_n3A_338 : vector<16xf32>
      %select_n3A_343 = arith.select %lt3A_342, %get3A_208, %select_n3A_338 : vector<16xi1>, vector<16xf32>
      %broadcast_in_dim3A_344 = arith.constant 23 : i32
      %broadcast_in_dim3A_345 = vector.broadcast %broadcast_in_dim3A_344 : i32 to vector<16xi32>
      %select_n3A_346 = arith.select %lt3A_342, %broadcast_in_dim3A_345, %select_n3A_341 : vector<16xi1>, vector<16xi32>
      %lt3A_347 = arith.cmpf olt, %get3A_211, %select_n3A_343 : vector<16xf32>
      %select_n3A_348 = arith.select %lt3A_347, %get3A_211, %select_n3A_343 : vector<16xi1>, vector<16xf32>
      %broadcast_in_dim3A_349 = arith.constant 24 : i32
      %broadcast_in_dim3A_350 = vector.broadcast %broadcast_in_dim3A_349 : i32 to vector<16xi32>
      %select_n3A_351 = arith.select %lt3A_347, %broadcast_in_dim3A_350, %select_n3A_346 : vector<16xi1>, vector<16xi32>
      %lt3A_352 = arith.cmpf olt, %get3A_214, %select_n3A_348 : vector<16xf32>
      %select_n3A_353 = arith.select %lt3A_352, %get3A_214, %select_n3A_348 : vector<16xi1>, vector<16xf32>
      %broadcast_in_dim3A_354 = arith.constant 25 : i32
      %broadcast_in_dim3A_355 = vector.broadcast %broadcast_in_dim3A_354 : i32 to vector<16xi32>
      %select_n3A_356 = arith.select %lt3A_352, %broadcast_in_dim3A_355, %select_n3A_351 : vector<16xi1>, vector<16xi32>
      %lt3A_357 = arith.cmpf olt, %get3A_217, %select_n3A_353 : vector<16xf32>
      %select_n3A_358 = arith.select %lt3A_357, %get3A_217, %select_n3A_353 : vector<16xi1>, vector<16xf32>
      %broadcast_in_dim3A_359 = arith.constant 26 : i32
      %broadcast_in_dim3A_360 = vector.broadcast %broadcast_in_dim3A_359 : i32 to vector<16xi32>
      %select_n3A_361 = arith.select %lt3A_357, %broadcast_in_dim3A_360, %select_n3A_356 : vector<16xi1>, vector<16xi32>
      %lt3A_362 = arith.cmpf olt, %get3A_220, %select_n3A_358 : vector<16xf32>
      %select_n3A_363 = arith.select %lt3A_362, %get3A_220, %select_n3A_358 : vector<16xi1>, vector<16xf32>
      %broadcast_in_dim3A_364 = arith.constant 27 : i32
      %broadcast_in_dim3A_365 = vector.broadcast %broadcast_in_dim3A_364 : i32 to vector<16xi32>
      %select_n3A_366 = arith.select %lt3A_362, %broadcast_in_dim3A_365, %select_n3A_361 : vector<16xi1>, vector<16xi32>
      %lt3A_367 = arith.cmpf olt, %get3A_223, %select_n3A_363 : vector<16xf32>
      %select_n3A_368 = arith.select %lt3A_367, %get3A_223, %select_n3A_363 : vector<16xi1>, vector<16xf32>
      %broadcast_in_dim3A_369 = arith.constant 28 : i32
      %broadcast_in_dim3A_370 = vector.broadcast %broadcast_in_dim3A_369 : i32 to vector<16xi32>
      %select_n3A_371 = arith.select %lt3A_367, %broadcast_in_dim3A_370, %select_n3A_366 : vector<16xi1>, vector<16xi32>
      %lt3A_372 = arith.cmpf olt, %get3A_226, %select_n3A_368 : vector<16xf32>
      %select_n3A_373 = arith.select %lt3A_372, %get3A_226, %select_n3A_368 : vector<16xi1>, vector<16xf32>
      %broadcast_in_dim3A_374 = arith.constant 29 : i32
      %broadcast_in_dim3A_375 = vector.broadcast %broadcast_in_dim3A_374 : i32 to vector<16xi32>
      %select_n3A_376 = arith.select %lt3A_372, %broadcast_in_dim3A_375, %select_n3A_371 : vector<16xi1>, vector<16xi32>
      %lt3A_377 = arith.cmpf olt, %get3A_229, %select_n3A_373 : vector<16xf32>
      %select_n3A_378 = arith.select %lt3A_377, %get3A_229, %select_n3A_373 : vector<16xi1>, vector<16xf32>
      %broadcast_in_dim3A_379 = arith.constant 30 : i32
      %broadcast_in_dim3A_380 = vector.broadcast %broadcast_in_dim3A_379 : i32 to vector<16xi32>
      %select_n3A_381 = arith.select %lt3A_377, %broadcast_in_dim3A_380, %select_n3A_376 : vector<16xi1>, vector<16xi32>
      %lt3A_382 = arith.cmpf olt, %get3A_232, %select_n3A_378 : vector<16xf32>
      %select_n3A_383 = arith.select %lt3A_382, %get3A_232, %select_n3A_378 : vector<16xi1>, vector<16xf32>
      %broadcast_in_dim3A_384 = arith.constant 31 : i32
      %broadcast_in_dim3A_385 = vector.broadcast %broadcast_in_dim3A_384 : i32 to vector<16xi32>
      %select_n3A_386 = arith.select %lt3A_382, %broadcast_in_dim3A_385, %select_n3A_381 : vector<16xi1>, vector<16xi32>
      %reduce_min3A = arith.constant true
      %reduce_min3A_387 = vector.broadcast %reduce_min3A : i1 to vector<16xi1>
      %reduce_min3A_388 = tpu.scan <min>, %select_n3A_383 masked %reduce_min3A_387 : vector<16xf32>, vector<16xi1> -> vector<16xf32>
      %reduce_min3A_389 = vector.extract %reduce_min3A_388[15] : f32 from vector<16xf32>
      %eq3A_390 = vector.broadcast %reduce_min3A_389 : f32 to vector<16xf32>
      %eq3A_391 = arith.cmpf oeq, %select_n3A_383, %eq3A_390 : vector<16xf32>
      %mul3A_392 = arith.constant 16 : i32
      %mul3A_393 = vector.broadcast %mul3A_392 : i32 to vector<16xi32>
      %mul3A_394 = arith.muli %select_n3A_386, %mul3A_393 : vector<16xi32>
      %add3A_395 = arith.addi %mul3A_394, %iota3A : vector<16xi32>
      %jit3A = arith.constant 512 : i32
      %broadcast_in_dim3A_396 = vector.broadcast %jit3A : i32 to vector<16xi32>
      %select_n3A_397 = arith.select %eq3A_391, %add3A_395, %broadcast_in_dim3A_396 : vector<16xi1>, vector<16xi32>
      %reduce_min3A_398 = arith.constant true
      %reduce_min3A_399 = vector.broadcast %reduce_min3A_398 : i1 to vector<16xi1>
      %reduce_min3A_400 = arith.constant -2147483648 : i32
      %reduce_min3A_401 = vector.broadcast %reduce_min3A_400 : i32 to vector<16xi32>
      %reduce_min3A_402 = arith.xori %select_n3A_397, %reduce_min3A_401 : vector<16xi32>
      %reduce_min3A_403 = tpu.scan <min>, %reduce_min3A_402 masked %reduce_min3A_399 : vector<16xi32>, vector<16xi1> -> vector<16xi32>
      %reduce_min3A_404 = arith.xori %reduce_min3A_403, %reduce_min3A_401 : vector<16xi32>
      %reduce_min3A_405 = vector.extract %reduce_min3A_404[15] : i32 from vector<16xi32>
      %broadcast_in_dim3A_406 = arith.constant 160 : i32
      %broadcast_in_dim3A_407 = vector.broadcast %broadcast_in_dim3A_406 : i32 to vector<16xi32>
      %add3A_408 = vector.broadcast %scan3A_136 : i32 to vector<16xi32>
      %add3A_409 = arith.addi %broadcast_in_dim3A_407, %add3A_408 : vector<16xi32>
      %broadcast_in_dim3A_410 = arith.constant 0 : i32
      %broadcast_in_dim3A_411 = vector.broadcast %broadcast_in_dim3A_410 : i32 to vector<16xi32>
      %add3A_412 = vector.broadcast %reduce_min3A_405 : i32 to vector<16xi32>
      %add3A_413 = arith.addi %broadcast_in_dim3A_411, %add3A_412 : vector<16xi32>
      tpu.vector_store_idx %arg6[%add3A_409], %add3A_413 masked %eq3A_4 : memref<256xi32, #tpu.memory_space<vmem>>[vector<16xi32>], vector<16xi32>, vector<16xi1>
      %scan3A_414 = arith.constant 0 : i32
      scf.yield %scan3A_414 : i32
    }
    %scan3A_107 = arith.constant 32 : i32
    %add3A_108 = arith.constant 224 : i32
    %add3A_109 = arith.addi %mul3A_2, %add3A_108 : i32
    %dma_start3A_110 = arith.constant 0 : i32
    %dma_start3A_111 = tpu.memref_slice %arg2[%add3A_109, %dma_start3A_110] : memref<8192x512xf32, #tpu.memory_space<hbm>> -> memref<32x512xf32, #tpu.memory_space<hbm>>
    %dma_start3A_112 = arith.constant 0 : i32
    %dma_start3A_113 = tpu.memref_slice %arg2[%add3A_109, %dma_start3A_112] : memref<8192x512xf32, #tpu.memory_space<hbm>> -> memref<32x512xf32, #tpu.memory_space<hbm>>
    tpu.enqueue_dma source(%dma_start3A_113 : memref<32x512xf32, #tpu.memory_space<hbm>>) target(%arg5 : memref<32x512xf32, #tpu.memory_space<vmem>>) target_semaphore(%arg8 : memref<!tpu.dma_semaphore, #tpu.memory_space<semaphore_mem>>)
    %dma_wait3A_114 = arith.constant 0 : i32
    %dma_wait3A_115 = tpu.memref_slice %arg2[%add3A_92, %dma_wait3A_114] : memref<8192x512xf32, #tpu.memory_space<hbm>> -> memref<32x512xf32, #tpu.memory_space<hbm>>
    %dma_wait3A_116 = arith.constant 0 : i32
    %dma_wait3A_117 = tpu.memref_slice %arg2[%add3A_92, %dma_wait3A_116] : memref<8192x512xf32, #tpu.memory_space<hbm>> -> memref<32x512xf32, #tpu.memory_space<hbm>>
    tpu.wait_dma2 semaphore(%arg7 : memref<!tpu.dma_semaphore, #tpu.memory_space<semaphore_mem>>) src(%dma_wait3A_117 : memref<32x512xf32, #tpu.memory_space<hbm>>) dst(%arg4 : memref<32x512xf32, #tpu.memory_space<vmem>>)
    %scan3A_118 = arith.constant 0 : i32
    %scan3A_119 = arith.constant 0 : i32
    %scan3A_120 = arith.constant 32 : i32
    %scan3A_121 = arith.addi %scan3A_119, %scan3A_120 : i32
    %scan3A_122 = arith.constant 1 : i32
    %scan3A_123 = scf.for %scan3A_136 = %scan3A_119 to %scan3A_121 step %scan3A_122 iter_args(%scan3A_137 = %scan3A_118) -> (i32)  : i32 {
      %get3A = arith.index_cast %scan3A_136 : i32 to index
      %get3A_138 = arith.constant 0 : index
      %get3A_139 = tpu.vector_load %arg4[%get3A, %get3A_138] {strides = array<i32>} : memref<32x512xf32, #tpu.memory_space<vmem>>, vector<16xf32>,
      %get3A_140 = arith.index_cast %scan3A_136 : i32 to index
      %get3A_141 = arith.constant 16 : index
      %get3A_142 = tpu.vector_load %arg4[%get3A_140, %get3A_141] {strides = array<i32>} : memref<32x512xf32, #tpu.memory_space<vmem>>, vector<16xf32>,
      %get3A_143 = arith.index_cast %scan3A_136 : i32 to index
      %get3A_144 = arith.constant 32 : index
      %get3A_145 = tpu.vector_load %arg4[%get3A_143, %get3A_144] {strides = array<i32>} : memref<32x512xf32, #tpu.memory_space<vmem>>, vector<16xf32>,
      %get3A_146 = arith.index_cast %scan3A_136 : i32 to index
      %get3A_147 = arith.constant 48 : index
      %get3A_148 = tpu.vector_load %arg4[%get3A_146, %get3A_147] {strides = array<i32>} : memref<32x512xf32, #tpu.memory_space<vmem>>, vector<16xf32>,
      %get3A_149 = arith.index_cast %scan3A_136 : i32 to index
      %get3A_150 = arith.constant 64 : index
      %get3A_151 = tpu.vector_load %arg4[%get3A_149, %get3A_150] {strides = array<i32>} : memref<32x512xf32, #tpu.memory_space<vmem>>, vector<16xf32>,
      %get3A_152 = arith.index_cast %scan3A_136 : i32 to index
      %get3A_153 = arith.constant 80 : index
      %get3A_154 = tpu.vector_load %arg4[%get3A_152, %get3A_153] {strides = array<i32>} : memref<32x512xf32, #tpu.memory_space<vmem>>, vector<16xf32>,
      %get3A_155 = arith.index_cast %scan3A_136 : i32 to index
      %get3A_156 = arith.constant 96 : index
      %get3A_157 = tpu.vector_load %arg4[%get3A_155, %get3A_156] {strides = array<i32>} : memref<32x512xf32, #tpu.memory_space<vmem>>, vector<16xf32>,
      %get3A_158 = arith.index_cast %scan3A_136 : i32 to index
      %get3A_159 = arith.constant 112 : index
      %get3A_160 = tpu.vector_load %arg4[%get3A_158, %get3A_159] {strides = array<i32>} : memref<32x512xf32, #tpu.memory_space<vmem>>, vector<16xf32>,
      %get3A_161 = arith.index_cast %scan3A_136 : i32 to index
      %get3A_162 = arith.constant 128 : index
      %get3A_163 = tpu.vector_load %arg4[%get3A_161, %get3A_162] {strides = array<i32>} : memref<32x512xf32, #tpu.memory_space<vmem>>, vector<16xf32>,
      %get3A_164 = arith.index_cast %scan3A_136 : i32 to index
      %get3A_165 = arith.constant 144 : index
      %get3A_166 = tpu.vector_load %arg4[%get3A_164, %get3A_165] {strides = array<i32>} : memref<32x512xf32, #tpu.memory_space<vmem>>, vector<16xf32>,
      %get3A_167 = arith.index_cast %scan3A_136 : i32 to index
      %get3A_168 = arith.constant 160 : index
      %get3A_169 = tpu.vector_load %arg4[%get3A_167, %get3A_168] {strides = array<i32>} : memref<32x512xf32, #tpu.memory_space<vmem>>, vector<16xf32>,
      %get3A_170 = arith.index_cast %scan3A_136 : i32 to index
      %get3A_171 = arith.constant 176 : index
      %get3A_172 = tpu.vector_load %arg4[%get3A_170, %get3A_171] {strides = array<i32>} : memref<32x512xf32, #tpu.memory_space<vmem>>, vector<16xf32>,
      %get3A_173 = arith.index_cast %scan3A_136 : i32 to index
      %get3A_174 = arith.constant 192 : index
      %get3A_175 = tpu.vector_load %arg4[%get3A_173, %get3A_174] {strides = array<i32>} : memref<32x512xf32, #tpu.memory_space<vmem>>, vector<16xf32>,
      %get3A_176 = arith.index_cast %scan3A_136 : i32 to index
      %get3A_177 = arith.constant 208 : index
      %get3A_178 = tpu.vector_load %arg4[%get3A_176, %get3A_177] {strides = array<i32>} : memref<32x512xf32, #tpu.memory_space<vmem>>, vector<16xf32>,
      %get3A_179 = arith.index_cast %scan3A_136 : i32 to index
      %get3A_180 = arith.constant 224 : index
      %get3A_181 = tpu.vector_load %arg4[%get3A_179, %get3A_180] {strides = array<i32>} : memref<32x512xf32, #tpu.memory_space<vmem>>, vector<16xf32>,
      %get3A_182 = arith.index_cast %scan3A_136 : i32 to index
      %get3A_183 = arith.constant 240 : index
      %get3A_184 = tpu.vector_load %arg4[%get3A_182, %get3A_183] {strides = array<i32>} : memref<32x512xf32, #tpu.memory_space<vmem>>, vector<16xf32>,
      %get3A_185 = arith.index_cast %scan3A_136 : i32 to index
      %get3A_186 = arith.constant 256 : index
      %get3A_187 = tpu.vector_load %arg4[%get3A_185, %get3A_186] {strides = array<i32>} : memref<32x512xf32, #tpu.memory_space<vmem>>, vector<16xf32>,
      %get3A_188 = arith.index_cast %scan3A_136 : i32 to index
      %get3A_189 = arith.constant 272 : index
      %get3A_190 = tpu.vector_load %arg4[%get3A_188, %get3A_189] {strides = array<i32>} : memref<32x512xf32, #tpu.memory_space<vmem>>, vector<16xf32>,
      %get3A_191 = arith.index_cast %scan3A_136 : i32 to index
      %get3A_192 = arith.constant 288 : index
      %get3A_193 = tpu.vector_load %arg4[%get3A_191, %get3A_192] {strides = array<i32>} : memref<32x512xf32, #tpu.memory_space<vmem>>, vector<16xf32>,
      %get3A_194 = arith.index_cast %scan3A_136 : i32 to index
      %get3A_195 = arith.constant 304 : index
      %get3A_196 = tpu.vector_load %arg4[%get3A_194, %get3A_195] {strides = array<i32>} : memref<32x512xf32, #tpu.memory_space<vmem>>, vector<16xf32>,
      %get3A_197 = arith.index_cast %scan3A_136 : i32 to index
      %get3A_198 = arith.constant 320 : index
      %get3A_199 = tpu.vector_load %arg4[%get3A_197, %get3A_198] {strides = array<i32>} : memref<32x512xf32, #tpu.memory_space<vmem>>, vector<16xf32>,
      %get3A_200 = arith.index_cast %scan3A_136 : i32 to index
      %get3A_201 = arith.constant 336 : index
      %get3A_202 = tpu.vector_load %arg4[%get3A_200, %get3A_201] {strides = array<i32>} : memref<32x512xf32, #tpu.memory_space<vmem>>, vector<16xf32>,
      %get3A_203 = arith.index_cast %scan3A_136 : i32 to index
      %get3A_204 = arith.constant 352 : index
      %get3A_205 = tpu.vector_load %arg4[%get3A_203, %get3A_204] {strides = array<i32>} : memref<32x512xf32, #tpu.memory_space<vmem>>, vector<16xf32>,
      %get3A_206 = arith.index_cast %scan3A_136 : i32 to index
      %get3A_207 = arith.constant 368 : index
      %get3A_208 = tpu.vector_load %arg4[%get3A_206, %get3A_207] {strides = array<i32>} : memref<32x512xf32, #tpu.memory_space<vmem>>, vector<16xf32>,
      %get3A_209 = arith.index_cast %scan3A_136 : i32 to index
      %get3A_210 = arith.constant 384 : index
      %get3A_211 = tpu.vector_load %arg4[%get3A_209, %get3A_210] {strides = array<i32>} : memref<32x512xf32, #tpu.memory_space<vmem>>, vector<16xf32>,
      %get3A_212 = arith.index_cast %scan3A_136 : i32 to index
      %get3A_213 = arith.constant 400 : index
      %get3A_214 = tpu.vector_load %arg4[%get3A_212, %get3A_213] {strides = array<i32>} : memref<32x512xf32, #tpu.memory_space<vmem>>, vector<16xf32>,
      %get3A_215 = arith.index_cast %scan3A_136 : i32 to index
      %get3A_216 = arith.constant 416 : index
      %get3A_217 = tpu.vector_load %arg4[%get3A_215, %get3A_216] {strides = array<i32>} : memref<32x512xf32, #tpu.memory_space<vmem>>, vector<16xf32>,
      %get3A_218 = arith.index_cast %scan3A_136 : i32 to index
      %get3A_219 = arith.constant 432 : index
      %get3A_220 = tpu.vector_load %arg4[%get3A_218, %get3A_219] {strides = array<i32>} : memref<32x512xf32, #tpu.memory_space<vmem>>, vector<16xf32>,
      %get3A_221 = arith.index_cast %scan3A_136 : i32 to index
      %get3A_222 = arith.constant 448 : index
      %get3A_223 = tpu.vector_load %arg4[%get3A_221, %get3A_222] {strides = array<i32>} : memref<32x512xf32, #tpu.memory_space<vmem>>, vector<16xf32>,
      %get3A_224 = arith.index_cast %scan3A_136 : i32 to index
      %get3A_225 = arith.constant 464 : index
      %get3A_226 = tpu.vector_load %arg4[%get3A_224, %get3A_225] {strides = array<i32>} : memref<32x512xf32, #tpu.memory_space<vmem>>, vector<16xf32>,
      %get3A_227 = arith.index_cast %scan3A_136 : i32 to index
      %get3A_228 = arith.constant 480 : index
      %get3A_229 = tpu.vector_load %arg4[%get3A_227, %get3A_228] {strides = array<i32>} : memref<32x512xf32, #tpu.memory_space<vmem>>, vector<16xf32>,
      %get3A_230 = arith.index_cast %scan3A_136 : i32 to index
      %get3A_231 = arith.constant 496 : index
      %get3A_232 = tpu.vector_load %arg4[%get3A_230, %get3A_231] {strides = array<i32>} : memref<32x512xf32, #tpu.memory_space<vmem>>, vector<16xf32>,
      %broadcast_in_dim3A = arith.constant 0 : i32
      %broadcast_in_dim3A_233 = vector.broadcast %broadcast_in_dim3A : i32 to vector<16xi32>
      %lt3A = arith.cmpf olt, %get3A_142, %get3A_139 : vector<16xf32>
      %select_n3A = arith.select %lt3A, %get3A_142, %get3A_139 : vector<16xi1>, vector<16xf32>
      %broadcast_in_dim3A_234 = arith.constant 1 : i32
      %broadcast_in_dim3A_235 = vector.broadcast %broadcast_in_dim3A_234 : i32 to vector<16xi32>
      %select_n3A_236 = arith.select %lt3A, %broadcast_in_dim3A_235, %broadcast_in_dim3A_233 : vector<16xi1>, vector<16xi32>
      %lt3A_237 = arith.cmpf olt, %get3A_145, %select_n3A : vector<16xf32>
      %select_n3A_238 = arith.select %lt3A_237, %get3A_145, %select_n3A : vector<16xi1>, vector<16xf32>
      %broadcast_in_dim3A_239 = arith.constant 2 : i32
      %broadcast_in_dim3A_240 = vector.broadcast %broadcast_in_dim3A_239 : i32 to vector<16xi32>
      %select_n3A_241 = arith.select %lt3A_237, %broadcast_in_dim3A_240, %select_n3A_236 : vector<16xi1>, vector<16xi32>
      %lt3A_242 = arith.cmpf olt, %get3A_148, %select_n3A_238 : vector<16xf32>
      %select_n3A_243 = arith.select %lt3A_242, %get3A_148, %select_n3A_238 : vector<16xi1>, vector<16xf32>
      %broadcast_in_dim3A_244 = arith.constant 3 : i32
      %broadcast_in_dim3A_245 = vector.broadcast %broadcast_in_dim3A_244 : i32 to vector<16xi32>
      %select_n3A_246 = arith.select %lt3A_242, %broadcast_in_dim3A_245, %select_n3A_241 : vector<16xi1>, vector<16xi32>
      %lt3A_247 = arith.cmpf olt, %get3A_151, %select_n3A_243 : vector<16xf32>
      %select_n3A_248 = arith.select %lt3A_247, %get3A_151, %select_n3A_243 : vector<16xi1>, vector<16xf32>
      %broadcast_in_dim3A_249 = arith.constant 4 : i32
      %broadcast_in_dim3A_250 = vector.broadcast %broadcast_in_dim3A_249 : i32 to vector<16xi32>
      %select_n3A_251 = arith.select %lt3A_247, %broadcast_in_dim3A_250, %select_n3A_246 : vector<16xi1>, vector<16xi32>
      %lt3A_252 = arith.cmpf olt, %get3A_154, %select_n3A_248 : vector<16xf32>
      %select_n3A_253 = arith.select %lt3A_252, %get3A_154, %select_n3A_248 : vector<16xi1>, vector<16xf32>
      %broadcast_in_dim3A_254 = arith.constant 5 : i32
      %broadcast_in_dim3A_255 = vector.broadcast %broadcast_in_dim3A_254 : i32 to vector<16xi32>
      %select_n3A_256 = arith.select %lt3A_252, %broadcast_in_dim3A_255, %select_n3A_251 : vector<16xi1>, vector<16xi32>
      %lt3A_257 = arith.cmpf olt, %get3A_157, %select_n3A_253 : vector<16xf32>
      %select_n3A_258 = arith.select %lt3A_257, %get3A_157, %select_n3A_253 : vector<16xi1>, vector<16xf32>
      %broadcast_in_dim3A_259 = arith.constant 6 : i32
      %broadcast_in_dim3A_260 = vector.broadcast %broadcast_in_dim3A_259 : i32 to vector<16xi32>
      %select_n3A_261 = arith.select %lt3A_257, %broadcast_in_dim3A_260, %select_n3A_256 : vector<16xi1>, vector<16xi32>
      %lt3A_262 = arith.cmpf olt, %get3A_160, %select_n3A_258 : vector<16xf32>
      %select_n3A_263 = arith.select %lt3A_262, %get3A_160, %select_n3A_258 : vector<16xi1>, vector<16xf32>
      %broadcast_in_dim3A_264 = arith.constant 7 : i32
      %broadcast_in_dim3A_265 = vector.broadcast %broadcast_in_dim3A_264 : i32 to vector<16xi32>
      %select_n3A_266 = arith.select %lt3A_262, %broadcast_in_dim3A_265, %select_n3A_261 : vector<16xi1>, vector<16xi32>
      %lt3A_267 = arith.cmpf olt, %get3A_163, %select_n3A_263 : vector<16xf32>
      %select_n3A_268 = arith.select %lt3A_267, %get3A_163, %select_n3A_263 : vector<16xi1>, vector<16xf32>
      %broadcast_in_dim3A_269 = arith.constant 8 : i32
      %broadcast_in_dim3A_270 = vector.broadcast %broadcast_in_dim3A_269 : i32 to vector<16xi32>
      %select_n3A_271 = arith.select %lt3A_267, %broadcast_in_dim3A_270, %select_n3A_266 : vector<16xi1>, vector<16xi32>
      %lt3A_272 = arith.cmpf olt, %get3A_166, %select_n3A_268 : vector<16xf32>
      %select_n3A_273 = arith.select %lt3A_272, %get3A_166, %select_n3A_268 : vector<16xi1>, vector<16xf32>
      %broadcast_in_dim3A_274 = arith.constant 9 : i32
      %broadcast_in_dim3A_275 = vector.broadcast %broadcast_in_dim3A_274 : i32 to vector<16xi32>
      %select_n3A_276 = arith.select %lt3A_272, %broadcast_in_dim3A_275, %select_n3A_271 : vector<16xi1>, vector<16xi32>
      %lt3A_277 = arith.cmpf olt, %get3A_169, %select_n3A_273 : vector<16xf32>
      %select_n3A_278 = arith.select %lt3A_277, %get3A_169, %select_n3A_273 : vector<16xi1>, vector<16xf32>
      %broadcast_in_dim3A_279 = arith.constant 10 : i32
      %broadcast_in_dim3A_280 = vector.broadcast %broadcast_in_dim3A_279 : i32 to vector<16xi32>
      %select_n3A_281 = arith.select %lt3A_277, %broadcast_in_dim3A_280, %select_n3A_276 : vector<16xi1>, vector<16xi32>
      %lt3A_282 = arith.cmpf olt, %get3A_172, %select_n3A_278 : vector<16xf32>
      %select_n3A_283 = arith.select %lt3A_282, %get3A_172, %select_n3A_278 : vector<16xi1>, vector<16xf32>
      %broadcast_in_dim3A_284 = arith.constant 11 : i32
      %broadcast_in_dim3A_285 = vector.broadcast %broadcast_in_dim3A_284 : i32 to vector<16xi32>
      %select_n3A_286 = arith.select %lt3A_282, %broadcast_in_dim3A_285, %select_n3A_281 : vector<16xi1>, vector<16xi32>
      %lt3A_287 = arith.cmpf olt, %get3A_175, %select_n3A_283 : vector<16xf32>
      %select_n3A_288 = arith.select %lt3A_287, %get3A_175, %select_n3A_283 : vector<16xi1>, vector<16xf32>
      %broadcast_in_dim3A_289 = arith.constant 12 : i32
      %broadcast_in_dim3A_290 = vector.broadcast %broadcast_in_dim3A_289 : i32 to vector<16xi32>
      %select_n3A_291 = arith.select %lt3A_287, %broadcast_in_dim3A_290, %select_n3A_286 : vector<16xi1>, vector<16xi32>
      %lt3A_292 = arith.cmpf olt, %get3A_178, %select_n3A_288 : vector<16xf32>
      %select_n3A_293 = arith.select %lt3A_292, %get3A_178, %select_n3A_288 : vector<16xi1>, vector<16xf32>
      %broadcast_in_dim3A_294 = arith.constant 13 : i32
      %broadcast_in_dim3A_295 = vector.broadcast %broadcast_in_dim3A_294 : i32 to vector<16xi32>
      %select_n3A_296 = arith.select %lt3A_292, %broadcast_in_dim3A_295, %select_n3A_291 : vector<16xi1>, vector<16xi32>
      %lt3A_297 = arith.cmpf olt, %get3A_181, %select_n3A_293 : vector<16xf32>
      %select_n3A_298 = arith.select %lt3A_297, %get3A_181, %select_n3A_293 : vector<16xi1>, vector<16xf32>
      %broadcast_in_dim3A_299 = arith.constant 14 : i32
      %broadcast_in_dim3A_300 = vector.broadcast %broadcast_in_dim3A_299 : i32 to vector<16xi32>
      %select_n3A_301 = arith.select %lt3A_297, %broadcast_in_dim3A_300, %select_n3A_296 : vector<16xi1>, vector<16xi32>
      %lt3A_302 = arith.cmpf olt, %get3A_184, %select_n3A_298 : vector<16xf32>
      %select_n3A_303 = arith.select %lt3A_302, %get3A_184, %select_n3A_298 : vector<16xi1>, vector<16xf32>
      %broadcast_in_dim3A_304 = arith.constant 15 : i32
      %broadcast_in_dim3A_305 = vector.broadcast %broadcast_in_dim3A_304 : i32 to vector<16xi32>
      %select_n3A_306 = arith.select %lt3A_302, %broadcast_in_dim3A_305, %select_n3A_301 : vector<16xi1>, vector<16xi32>
      %lt3A_307 = arith.cmpf olt, %get3A_187, %select_n3A_303 : vector<16xf32>
      %select_n3A_308 = arith.select %lt3A_307, %get3A_187, %select_n3A_303 : vector<16xi1>, vector<16xf32>
      %broadcast_in_dim3A_309 = arith.constant 16 : i32
      %broadcast_in_dim3A_310 = vector.broadcast %broadcast_in_dim3A_309 : i32 to vector<16xi32>
      %select_n3A_311 = arith.select %lt3A_307, %broadcast_in_dim3A_310, %select_n3A_306 : vector<16xi1>, vector<16xi32>
      %lt3A_312 = arith.cmpf olt, %get3A_190, %select_n3A_308 : vector<16xf32>
      %select_n3A_313 = arith.select %lt3A_312, %get3A_190, %select_n3A_308 : vector<16xi1>, vector<16xf32>
      %broadcast_in_dim3A_314 = arith.constant 17 : i32
      %broadcast_in_dim3A_315 = vector.broadcast %broadcast_in_dim3A_314 : i32 to vector<16xi32>
      %select_n3A_316 = arith.select %lt3A_312, %broadcast_in_dim3A_315, %select_n3A_311 : vector<16xi1>, vector<16xi32>
      %lt3A_317 = arith.cmpf olt, %get3A_193, %select_n3A_313 : vector<16xf32>
      %select_n3A_318 = arith.select %lt3A_317, %get3A_193, %select_n3A_313 : vector<16xi1>, vector<16xf32>
      %broadcast_in_dim3A_319 = arith.constant 18 : i32
      %broadcast_in_dim3A_320 = vector.broadcast %broadcast_in_dim3A_319 : i32 to vector<16xi32>
      %select_n3A_321 = arith.select %lt3A_317, %broadcast_in_dim3A_320, %select_n3A_316 : vector<16xi1>, vector<16xi32>
      %lt3A_322 = arith.cmpf olt, %get3A_196, %select_n3A_318 : vector<16xf32>
      %select_n3A_323 = arith.select %lt3A_322, %get3A_196, %select_n3A_318 : vector<16xi1>, vector<16xf32>
      %broadcast_in_dim3A_324 = arith.constant 19 : i32
      %broadcast_in_dim3A_325 = vector.broadcast %broadcast_in_dim3A_324 : i32 to vector<16xi32>
      %select_n3A_326 = arith.select %lt3A_322, %broadcast_in_dim3A_325, %select_n3A_321 : vector<16xi1>, vector<16xi32>
      %lt3A_327 = arith.cmpf olt, %get3A_199, %select_n3A_323 : vector<16xf32>
      %select_n3A_328 = arith.select %lt3A_327, %get3A_199, %select_n3A_323 : vector<16xi1>, vector<16xf32>
      %broadcast_in_dim3A_329 = arith.constant 20 : i32
      %broadcast_in_dim3A_330 = vector.broadcast %broadcast_in_dim3A_329 : i32 to vector<16xi32>
      %select_n3A_331 = arith.select %lt3A_327, %broadcast_in_dim3A_330, %select_n3A_326 : vector<16xi1>, vector<16xi32>
      %lt3A_332 = arith.cmpf olt, %get3A_202, %select_n3A_328 : vector<16xf32>
      %select_n3A_333 = arith.select %lt3A_332, %get3A_202, %select_n3A_328 : vector<16xi1>, vector<16xf32>
      %broadcast_in_dim3A_334 = arith.constant 21 : i32
      %broadcast_in_dim3A_335 = vector.broadcast %broadcast_in_dim3A_334 : i32 to vector<16xi32>
      %select_n3A_336 = arith.select %lt3A_332, %broadcast_in_dim3A_335, %select_n3A_331 : vector<16xi1>, vector<16xi32>
      %lt3A_337 = arith.cmpf olt, %get3A_205, %select_n3A_333 : vector<16xf32>
      %select_n3A_338 = arith.select %lt3A_337, %get3A_205, %select_n3A_333 : vector<16xi1>, vector<16xf32>
      %broadcast_in_dim3A_339 = arith.constant 22 : i32
      %broadcast_in_dim3A_340 = vector.broadcast %broadcast_in_dim3A_339 : i32 to vector<16xi32>
      %select_n3A_341 = arith.select %lt3A_337, %broadcast_in_dim3A_340, %select_n3A_336 : vector<16xi1>, vector<16xi32>
      %lt3A_342 = arith.cmpf olt, %get3A_208, %select_n3A_338 : vector<16xf32>
      %select_n3A_343 = arith.select %lt3A_342, %get3A_208, %select_n3A_338 : vector<16xi1>, vector<16xf32>
      %broadcast_in_dim3A_344 = arith.constant 23 : i32
      %broadcast_in_dim3A_345 = vector.broadcast %broadcast_in_dim3A_344 : i32 to vector<16xi32>
      %select_n3A_346 = arith.select %lt3A_342, %broadcast_in_dim3A_345, %select_n3A_341 : vector<16xi1>, vector<16xi32>
      %lt3A_347 = arith.cmpf olt, %get3A_211, %select_n3A_343 : vector<16xf32>
      %select_n3A_348 = arith.select %lt3A_347, %get3A_211, %select_n3A_343 : vector<16xi1>, vector<16xf32>
      %broadcast_in_dim3A_349 = arith.constant 24 : i32
      %broadcast_in_dim3A_350 = vector.broadcast %broadcast_in_dim3A_349 : i32 to vector<16xi32>
      %select_n3A_351 = arith.select %lt3A_347, %broadcast_in_dim3A_350, %select_n3A_346 : vector<16xi1>, vector<16xi32>
      %lt3A_352 = arith.cmpf olt, %get3A_214, %select_n3A_348 : vector<16xf32>
      %select_n3A_353 = arith.select %lt3A_352, %get3A_214, %select_n3A_348 : vector<16xi1>, vector<16xf32>
      %broadcast_in_dim3A_354 = arith.constant 25 : i32
      %broadcast_in_dim3A_355 = vector.broadcast %broadcast_in_dim3A_354 : i32 to vector<16xi32>
      %select_n3A_356 = arith.select %lt3A_352, %broadcast_in_dim3A_355, %select_n3A_351 : vector<16xi1>, vector<16xi32>
      %lt3A_357 = arith.cmpf olt, %get3A_217, %select_n3A_353 : vector<16xf32>
      %select_n3A_358 = arith.select %lt3A_357, %get3A_217, %select_n3A_353 : vector<16xi1>, vector<16xf32>
      %broadcast_in_dim3A_359 = arith.constant 26 : i32
      %broadcast_in_dim3A_360 = vector.broadcast %broadcast_in_dim3A_359 : i32 to vector<16xi32>
      %select_n3A_361 = arith.select %lt3A_357, %broadcast_in_dim3A_360, %select_n3A_356 : vector<16xi1>, vector<16xi32>
      %lt3A_362 = arith.cmpf olt, %get3A_220, %select_n3A_358 : vector<16xf32>
      %select_n3A_363 = arith.select %lt3A_362, %get3A_220, %select_n3A_358 : vector<16xi1>, vector<16xf32>
      %broadcast_in_dim3A_364 = arith.constant 27 : i32
      %broadcast_in_dim3A_365 = vector.broadcast %broadcast_in_dim3A_364 : i32 to vector<16xi32>
      %select_n3A_366 = arith.select %lt3A_362, %broadcast_in_dim3A_365, %select_n3A_361 : vector<16xi1>, vector<16xi32>
      %lt3A_367 = arith.cmpf olt, %get3A_223, %select_n3A_363 : vector<16xf32>
      %select_n3A_368 = arith.select %lt3A_367, %get3A_223, %select_n3A_363 : vector<16xi1>, vector<16xf32>
      %broadcast_in_dim3A_369 = arith.constant 28 : i32
      %broadcast_in_dim3A_370 = vector.broadcast %broadcast_in_dim3A_369 : i32 to vector<16xi32>
      %select_n3A_371 = arith.select %lt3A_367, %broadcast_in_dim3A_370, %select_n3A_366 : vector<16xi1>, vector<16xi32>
      %lt3A_372 = arith.cmpf olt, %get3A_226, %select_n3A_368 : vector<16xf32>
      %select_n3A_373 = arith.select %lt3A_372, %get3A_226, %select_n3A_368 : vector<16xi1>, vector<16xf32>
      %broadcast_in_dim3A_374 = arith.constant 29 : i32
      %broadcast_in_dim3A_375 = vector.broadcast %broadcast_in_dim3A_374 : i32 to vector<16xi32>
      %select_n3A_376 = arith.select %lt3A_372, %broadcast_in_dim3A_375, %select_n3A_371 : vector<16xi1>, vector<16xi32>
      %lt3A_377 = arith.cmpf olt, %get3A_229, %select_n3A_373 : vector<16xf32>
      %select_n3A_378 = arith.select %lt3A_377, %get3A_229, %select_n3A_373 : vector<16xi1>, vector<16xf32>
      %broadcast_in_dim3A_379 = arith.constant 30 : i32
      %broadcast_in_dim3A_380 = vector.broadcast %broadcast_in_dim3A_379 : i32 to vector<16xi32>
      %select_n3A_381 = arith.select %lt3A_377, %broadcast_in_dim3A_380, %select_n3A_376 : vector<16xi1>, vector<16xi32>
      %lt3A_382 = arith.cmpf olt, %get3A_232, %select_n3A_378 : vector<16xf32>
      %select_n3A_383 = arith.select %lt3A_382, %get3A_232, %select_n3A_378 : vector<16xi1>, vector<16xf32>
      %broadcast_in_dim3A_384 = arith.constant 31 : i32
      %broadcast_in_dim3A_385 = vector.broadcast %broadcast_in_dim3A_384 : i32 to vector<16xi32>
      %select_n3A_386 = arith.select %lt3A_382, %broadcast_in_dim3A_385, %select_n3A_381 : vector<16xi1>, vector<16xi32>
      %reduce_min3A = arith.constant true
      %reduce_min3A_387 = vector.broadcast %reduce_min3A : i1 to vector<16xi1>
      %reduce_min3A_388 = tpu.scan <min>, %select_n3A_383 masked %reduce_min3A_387 : vector<16xf32>, vector<16xi1> -> vector<16xf32>
      %reduce_min3A_389 = vector.extract %reduce_min3A_388[15] : f32 from vector<16xf32>
      %eq3A_390 = vector.broadcast %reduce_min3A_389 : f32 to vector<16xf32>
      %eq3A_391 = arith.cmpf oeq, %select_n3A_383, %eq3A_390 : vector<16xf32>
      %mul3A_392 = arith.constant 16 : i32
      %mul3A_393 = vector.broadcast %mul3A_392 : i32 to vector<16xi32>
      %mul3A_394 = arith.muli %select_n3A_386, %mul3A_393 : vector<16xi32>
      %add3A_395 = arith.addi %mul3A_394, %iota3A : vector<16xi32>
      %jit3A = arith.constant 512 : i32
      %broadcast_in_dim3A_396 = vector.broadcast %jit3A : i32 to vector<16xi32>
      %select_n3A_397 = arith.select %eq3A_391, %add3A_395, %broadcast_in_dim3A_396 : vector<16xi1>, vector<16xi32>
      %reduce_min3A_398 = arith.constant true
      %reduce_min3A_399 = vector.broadcast %reduce_min3A_398 : i1 to vector<16xi1>
      %reduce_min3A_400 = arith.constant -2147483648 : i32
      %reduce_min3A_401 = vector.broadcast %reduce_min3A_400 : i32 to vector<16xi32>
      %reduce_min3A_402 = arith.xori %select_n3A_397, %reduce_min3A_401 : vector<16xi32>
      %reduce_min3A_403 = tpu.scan <min>, %reduce_min3A_402 masked %reduce_min3A_399 : vector<16xi32>, vector<16xi1> -> vector<16xi32>
      %reduce_min3A_404 = arith.xori %reduce_min3A_403, %reduce_min3A_401 : vector<16xi32>
      %reduce_min3A_405 = vector.extract %reduce_min3A_404[15] : i32 from vector<16xi32>
      %broadcast_in_dim3A_406 = arith.constant 192 : i32
      %broadcast_in_dim3A_407 = vector.broadcast %broadcast_in_dim3A_406 : i32 to vector<16xi32>
      %add3A_408 = vector.broadcast %scan3A_136 : i32 to vector<16xi32>
      %add3A_409 = arith.addi %broadcast_in_dim3A_407, %add3A_408 : vector<16xi32>
      %broadcast_in_dim3A_410 = arith.constant 0 : i32
      %broadcast_in_dim3A_411 = vector.broadcast %broadcast_in_dim3A_410 : i32 to vector<16xi32>
      %add3A_412 = vector.broadcast %reduce_min3A_405 : i32 to vector<16xi32>
      %add3A_413 = arith.addi %broadcast_in_dim3A_411, %add3A_412 : vector<16xi32>
      tpu.vector_store_idx %arg6[%add3A_409], %add3A_413 masked %eq3A_4 : memref<256xi32, #tpu.memory_space<vmem>>[vector<16xi32>], vector<16xi32>, vector<16xi1>
      %scan3A_414 = arith.constant 0 : i32
      scf.yield %scan3A_414 : i32
    }
    %scan3A_124 = arith.constant 32 : i32
    %dma_wait3A_125 = arith.constant 0 : i32
    %dma_wait3A_126 = tpu.memref_slice %arg2[%add3A_109, %dma_wait3A_125] : memref<8192x512xf32, #tpu.memory_space<hbm>> -> memref<32x512xf32, #tpu.memory_space<hbm>>
    %dma_wait3A_127 = arith.constant 0 : i32
    %dma_wait3A_128 = tpu.memref_slice %arg2[%add3A_109, %dma_wait3A_127] : memref<8192x512xf32, #tpu.memory_space<hbm>> -> memref<32x512xf32, #tpu.memory_space<hbm>>
    tpu.wait_dma2 semaphore(%arg8 : memref<!tpu.dma_semaphore, #tpu.memory_space<semaphore_mem>>) src(%dma_wait3A_128 : memref<32x512xf32, #tpu.memory_space<hbm>>) dst(%arg5 : memref<32x512xf32, #tpu.memory_space<vmem>>)
    %scan3A_129 = arith.constant 0 : i32
    %scan3A_130 = arith.constant 0 : i32
    %scan3A_131 = arith.constant 32 : i32
    %scan3A_132 = arith.addi %scan3A_130, %scan3A_131 : i32
    %scan3A_133 = arith.constant 1 : i32
    %scan3A_134 = scf.for %scan3A_136 = %scan3A_130 to %scan3A_132 step %scan3A_133 iter_args(%scan3A_137 = %scan3A_129) -> (i32)  : i32 {
      %get3A = arith.index_cast %scan3A_136 : i32 to index
      %get3A_138 = arith.constant 0 : index
      %get3A_139 = tpu.vector_load %arg5[%get3A, %get3A_138] {strides = array<i32>} : memref<32x512xf32, #tpu.memory_space<vmem>>, vector<16xf32>,
      %get3A_140 = arith.index_cast %scan3A_136 : i32 to index
      %get3A_141 = arith.constant 16 : index
      %get3A_142 = tpu.vector_load %arg5[%get3A_140, %get3A_141] {strides = array<i32>} : memref<32x512xf32, #tpu.memory_space<vmem>>, vector<16xf32>,
      %get3A_143 = arith.index_cast %scan3A_136 : i32 to index
      %get3A_144 = arith.constant 32 : index
      %get3A_145 = tpu.vector_load %arg5[%get3A_143, %get3A_144] {strides = array<i32>} : memref<32x512xf32, #tpu.memory_space<vmem>>, vector<16xf32>,
      %get3A_146 = arith.index_cast %scan3A_136 : i32 to index
      %get3A_147 = arith.constant 48 : index
      %get3A_148 = tpu.vector_load %arg5[%get3A_146, %get3A_147] {strides = array<i32>} : memref<32x512xf32, #tpu.memory_space<vmem>>, vector<16xf32>,
      %get3A_149 = arith.index_cast %scan3A_136 : i32 to index
      %get3A_150 = arith.constant 64 : index
      %get3A_151 = tpu.vector_load %arg5[%get3A_149, %get3A_150] {strides = array<i32>} : memref<32x512xf32, #tpu.memory_space<vmem>>, vector<16xf32>,
      %get3A_152 = arith.index_cast %scan3A_136 : i32 to index
      %get3A_153 = arith.constant 80 : index
      %get3A_154 = tpu.vector_load %arg5[%get3A_152, %get3A_153] {strides = array<i32>} : memref<32x512xf32, #tpu.memory_space<vmem>>, vector<16xf32>,
      %get3A_155 = arith.index_cast %scan3A_136 : i32 to index
      %get3A_156 = arith.constant 96 : index
      %get3A_157 = tpu.vector_load %arg5[%get3A_155, %get3A_156] {strides = array<i32>} : memref<32x512xf32, #tpu.memory_space<vmem>>, vector<16xf32>,
      %get3A_158 = arith.index_cast %scan3A_136 : i32 to index
      %get3A_159 = arith.constant 112 : index
      %get3A_160 = tpu.vector_load %arg5[%get3A_158, %get3A_159] {strides = array<i32>} : memref<32x512xf32, #tpu.memory_space<vmem>>, vector<16xf32>,
      %get3A_161 = arith.index_cast %scan3A_136 : i32 to index
      %get3A_162 = arith.constant 128 : index
      %get3A_163 = tpu.vector_load %arg5[%get3A_161, %get3A_162] {strides = array<i32>} : memref<32x512xf32, #tpu.memory_space<vmem>>, vector<16xf32>,
      %get3A_164 = arith.index_cast %scan3A_136 : i32 to index
      %get3A_165 = arith.constant 144 : index
      %get3A_166 = tpu.vector_load %arg5[%get3A_164, %get3A_165] {strides = array<i32>} : memref<32x512xf32, #tpu.memory_space<vmem>>, vector<16xf32>,
      %get3A_167 = arith.index_cast %scan3A_136 : i32 to index
      %get3A_168 = arith.constant 160 : index
      %get3A_169 = tpu.vector_load %arg5[%get3A_167, %get3A_168] {strides = array<i32>} : memref<32x512xf32, #tpu.memory_space<vmem>>, vector<16xf32>,
      %get3A_170 = arith.index_cast %scan3A_136 : i32 to index
      %get3A_171 = arith.constant 176 : index
      %get3A_172 = tpu.vector_load %arg5[%get3A_170, %get3A_171] {strides = array<i32>} : memref<32x512xf32, #tpu.memory_space<vmem>>, vector<16xf32>,
      %get3A_173 = arith.index_cast %scan3A_136 : i32 to index
      %get3A_174 = arith.constant 192 : index
      %get3A_175 = tpu.vector_load %arg5[%get3A_173, %get3A_174] {strides = array<i32>} : memref<32x512xf32, #tpu.memory_space<vmem>>, vector<16xf32>,
      %get3A_176 = arith.index_cast %scan3A_136 : i32 to index
      %get3A_177 = arith.constant 208 : index
      %get3A_178 = tpu.vector_load %arg5[%get3A_176, %get3A_177] {strides = array<i32>} : memref<32x512xf32, #tpu.memory_space<vmem>>, vector<16xf32>,
      %get3A_179 = arith.index_cast %scan3A_136 : i32 to index
      %get3A_180 = arith.constant 224 : index
      %get3A_181 = tpu.vector_load %arg5[%get3A_179, %get3A_180] {strides = array<i32>} : memref<32x512xf32, #tpu.memory_space<vmem>>, vector<16xf32>,
      %get3A_182 = arith.index_cast %scan3A_136 : i32 to index
      %get3A_183 = arith.constant 240 : index
      %get3A_184 = tpu.vector_load %arg5[%get3A_182, %get3A_183] {strides = array<i32>} : memref<32x512xf32, #tpu.memory_space<vmem>>, vector<16xf32>,
      %get3A_185 = arith.index_cast %scan3A_136 : i32 to index
      %get3A_186 = arith.constant 256 : index
      %get3A_187 = tpu.vector_load %arg5[%get3A_185, %get3A_186] {strides = array<i32>} : memref<32x512xf32, #tpu.memory_space<vmem>>, vector<16xf32>,
      %get3A_188 = arith.index_cast %scan3A_136 : i32 to index
      %get3A_189 = arith.constant 272 : index
      %get3A_190 = tpu.vector_load %arg5[%get3A_188, %get3A_189] {strides = array<i32>} : memref<32x512xf32, #tpu.memory_space<vmem>>, vector<16xf32>,
      %get3A_191 = arith.index_cast %scan3A_136 : i32 to index
      %get3A_192 = arith.constant 288 : index
      %get3A_193 = tpu.vector_load %arg5[%get3A_191, %get3A_192] {strides = array<i32>} : memref<32x512xf32, #tpu.memory_space<vmem>>, vector<16xf32>,
      %get3A_194 = arith.index_cast %scan3A_136 : i32 to index
      %get3A_195 = arith.constant 304 : index
      %get3A_196 = tpu.vector_load %arg5[%get3A_194, %get3A_195] {strides = array<i32>} : memref<32x512xf32, #tpu.memory_space<vmem>>, vector<16xf32>,
      %get3A_197 = arith.index_cast %scan3A_136 : i32 to index
      %get3A_198 = arith.constant 320 : index
      %get3A_199 = tpu.vector_load %arg5[%get3A_197, %get3A_198] {strides = array<i32>} : memref<32x512xf32, #tpu.memory_space<vmem>>, vector<16xf32>,
      %get3A_200 = arith.index_cast %scan3A_136 : i32 to index
      %get3A_201 = arith.constant 336 : index
      %get3A_202 = tpu.vector_load %arg5[%get3A_200, %get3A_201] {strides = array<i32>} : memref<32x512xf32, #tpu.memory_space<vmem>>, vector<16xf32>,
      %get3A_203 = arith.index_cast %scan3A_136 : i32 to index
      %get3A_204 = arith.constant 352 : index
      %get3A_205 = tpu.vector_load %arg5[%get3A_203, %get3A_204] {strides = array<i32>} : memref<32x512xf32, #tpu.memory_space<vmem>>, vector<16xf32>,
      %get3A_206 = arith.index_cast %scan3A_136 : i32 to index
      %get3A_207 = arith.constant 368 : index
      %get3A_208 = tpu.vector_load %arg5[%get3A_206, %get3A_207] {strides = array<i32>} : memref<32x512xf32, #tpu.memory_space<vmem>>, vector<16xf32>,
      %get3A_209 = arith.index_cast %scan3A_136 : i32 to index
      %get3A_210 = arith.constant 384 : index
      %get3A_211 = tpu.vector_load %arg5[%get3A_209, %get3A_210] {strides = array<i32>} : memref<32x512xf32, #tpu.memory_space<vmem>>, vector<16xf32>,
      %get3A_212 = arith.index_cast %scan3A_136 : i32 to index
      %get3A_213 = arith.constant 400 : index
      %get3A_214 = tpu.vector_load %arg5[%get3A_212, %get3A_213] {strides = array<i32>} : memref<32x512xf32, #tpu.memory_space<vmem>>, vector<16xf32>,
      %get3A_215 = arith.index_cast %scan3A_136 : i32 to index
      %get3A_216 = arith.constant 416 : index
      %get3A_217 = tpu.vector_load %arg5[%get3A_215, %get3A_216] {strides = array<i32>} : memref<32x512xf32, #tpu.memory_space<vmem>>, vector<16xf32>,
      %get3A_218 = arith.index_cast %scan3A_136 : i32 to index
      %get3A_219 = arith.constant 432 : index
      %get3A_220 = tpu.vector_load %arg5[%get3A_218, %get3A_219] {strides = array<i32>} : memref<32x512xf32, #tpu.memory_space<vmem>>, vector<16xf32>,
      %get3A_221 = arith.index_cast %scan3A_136 : i32 to index
      %get3A_222 = arith.constant 448 : index
      %get3A_223 = tpu.vector_load %arg5[%get3A_221, %get3A_222] {strides = array<i32>} : memref<32x512xf32, #tpu.memory_space<vmem>>, vector<16xf32>,
      %get3A_224 = arith.index_cast %scan3A_136 : i32 to index
      %get3A_225 = arith.constant 464 : index
      %get3A_226 = tpu.vector_load %arg5[%get3A_224, %get3A_225] {strides = array<i32>} : memref<32x512xf32, #tpu.memory_space<vmem>>, vector<16xf32>,
      %get3A_227 = arith.index_cast %scan3A_136 : i32 to index
      %get3A_228 = arith.constant 480 : index
      %get3A_229 = tpu.vector_load %arg5[%get3A_227, %get3A_228] {strides = array<i32>} : memref<32x512xf32, #tpu.memory_space<vmem>>, vector<16xf32>,
      %get3A_230 = arith.index_cast %scan3A_136 : i32 to index
      %get3A_231 = arith.constant 496 : index
      %get3A_232 = tpu.vector_load %arg5[%get3A_230, %get3A_231] {strides = array<i32>} : memref<32x512xf32, #tpu.memory_space<vmem>>, vector<16xf32>,
      %broadcast_in_dim3A = arith.constant 0 : i32
      %broadcast_in_dim3A_233 = vector.broadcast %broadcast_in_dim3A : i32 to vector<16xi32>
      %lt3A = arith.cmpf olt, %get3A_142, %get3A_139 : vector<16xf32>
      %select_n3A = arith.select %lt3A, %get3A_142, %get3A_139 : vector<16xi1>, vector<16xf32>
      %broadcast_in_dim3A_234 = arith.constant 1 : i32
      %broadcast_in_dim3A_235 = vector.broadcast %broadcast_in_dim3A_234 : i32 to vector<16xi32>
      %select_n3A_236 = arith.select %lt3A, %broadcast_in_dim3A_235, %broadcast_in_dim3A_233 : vector<16xi1>, vector<16xi32>
      %lt3A_237 = arith.cmpf olt, %get3A_145, %select_n3A : vector<16xf32>
      %select_n3A_238 = arith.select %lt3A_237, %get3A_145, %select_n3A : vector<16xi1>, vector<16xf32>
      %broadcast_in_dim3A_239 = arith.constant 2 : i32
      %broadcast_in_dim3A_240 = vector.broadcast %broadcast_in_dim3A_239 : i32 to vector<16xi32>
      %select_n3A_241 = arith.select %lt3A_237, %broadcast_in_dim3A_240, %select_n3A_236 : vector<16xi1>, vector<16xi32>
      %lt3A_242 = arith.cmpf olt, %get3A_148, %select_n3A_238 : vector<16xf32>
      %select_n3A_243 = arith.select %lt3A_242, %get3A_148, %select_n3A_238 : vector<16xi1>, vector<16xf32>
      %broadcast_in_dim3A_244 = arith.constant 3 : i32
      %broadcast_in_dim3A_245 = vector.broadcast %broadcast_in_dim3A_244 : i32 to vector<16xi32>
      %select_n3A_246 = arith.select %lt3A_242, %broadcast_in_dim3A_245, %select_n3A_241 : vector<16xi1>, vector<16xi32>
      %lt3A_247 = arith.cmpf olt, %get3A_151, %select_n3A_243 : vector<16xf32>
      %select_n3A_248 = arith.select %lt3A_247, %get3A_151, %select_n3A_243 : vector<16xi1>, vector<16xf32>
      %broadcast_in_dim3A_249 = arith.constant 4 : i32
      %broadcast_in_dim3A_250 = vector.broadcast %broadcast_in_dim3A_249 : i32 to vector<16xi32>
      %select_n3A_251 = arith.select %lt3A_247, %broadcast_in_dim3A_250, %select_n3A_246 : vector<16xi1>, vector<16xi32>
      %lt3A_252 = arith.cmpf olt, %get3A_154, %select_n3A_248 : vector<16xf32>
      %select_n3A_253 = arith.select %lt3A_252, %get3A_154, %select_n3A_248 : vector<16xi1>, vector<16xf32>
      %broadcast_in_dim3A_254 = arith.constant 5 : i32
      %broadcast_in_dim3A_255 = vector.broadcast %broadcast_in_dim3A_254 : i32 to vector<16xi32>
      %select_n3A_256 = arith.select %lt3A_252, %broadcast_in_dim3A_255, %select_n3A_251 : vector<16xi1>, vector<16xi32>
      %lt3A_257 = arith.cmpf olt, %get3A_157, %select_n3A_253 : vector<16xf32>
      %select_n3A_258 = arith.select %lt3A_257, %get3A_157, %select_n3A_253 : vector<16xi1>, vector<16xf32>
      %broadcast_in_dim3A_259 = arith.constant 6 : i32
      %broadcast_in_dim3A_260 = vector.broadcast %broadcast_in_dim3A_259 : i32 to vector<16xi32>
      %select_n3A_261 = arith.select %lt3A_257, %broadcast_in_dim3A_260, %select_n3A_256 : vector<16xi1>, vector<16xi32>
      %lt3A_262 = arith.cmpf olt, %get3A_160, %select_n3A_258 : vector<16xf32>
      %select_n3A_263 = arith.select %lt3A_262, %get3A_160, %select_n3A_258 : vector<16xi1>, vector<16xf32>
      %broadcast_in_dim3A_264 = arith.constant 7 : i32
      %broadcast_in_dim3A_265 = vector.broadcast %broadcast_in_dim3A_264 : i32 to vector<16xi32>
      %select_n3A_266 = arith.select %lt3A_262, %broadcast_in_dim3A_265, %select_n3A_261 : vector<16xi1>, vector<16xi32>
      %lt3A_267 = arith.cmpf olt, %get3A_163, %select_n3A_263 : vector<16xf32>
      %select_n3A_268 = arith.select %lt3A_267, %get3A_163, %select_n3A_263 : vector<16xi1>, vector<16xf32>
      %broadcast_in_dim3A_269 = arith.constant 8 : i32
      %broadcast_in_dim3A_270 = vector.broadcast %broadcast_in_dim3A_269 : i32 to vector<16xi32>
      %select_n3A_271 = arith.select %lt3A_267, %broadcast_in_dim3A_270, %select_n3A_266 : vector<16xi1>, vector<16xi32>
      %lt3A_272 = arith.cmpf olt, %get3A_166, %select_n3A_268 : vector<16xf32>
      %select_n3A_273 = arith.select %lt3A_272, %get3A_166, %select_n3A_268 : vector<16xi1>, vector<16xf32>
      %broadcast_in_dim3A_274 = arith.constant 9 : i32
      %broadcast_in_dim3A_275 = vector.broadcast %broadcast_in_dim3A_274 : i32 to vector<16xi32>
      %select_n3A_276 = arith.select %lt3A_272, %broadcast_in_dim3A_275, %select_n3A_271 : vector<16xi1>, vector<16xi32>
      %lt3A_277 = arith.cmpf olt, %get3A_169, %select_n3A_273 : vector<16xf32>
      %select_n3A_278 = arith.select %lt3A_277, %get3A_169, %select_n3A_273 : vector<16xi1>, vector<16xf32>
      %broadcast_in_dim3A_279 = arith.constant 10 : i32
      %broadcast_in_dim3A_280 = vector.broadcast %broadcast_in_dim3A_279 : i32 to vector<16xi32>
      %select_n3A_281 = arith.select %lt3A_277, %broadcast_in_dim3A_280, %select_n3A_276 : vector<16xi1>, vector<16xi32>
      %lt3A_282 = arith.cmpf olt, %get3A_172, %select_n3A_278 : vector<16xf32>
      %select_n3A_283 = arith.select %lt3A_282, %get3A_172, %select_n3A_278 : vector<16xi1>, vector<16xf32>
      %broadcast_in_dim3A_284 = arith.constant 11 : i32
      %broadcast_in_dim3A_285 = vector.broadcast %broadcast_in_dim3A_284 : i32 to vector<16xi32>
      %select_n3A_286 = arith.select %lt3A_282, %broadcast_in_dim3A_285, %select_n3A_281 : vector<16xi1>, vector<16xi32>
      %lt3A_287 = arith.cmpf olt, %get3A_175, %select_n3A_283 : vector<16xf32>
      %select_n3A_288 = arith.select %lt3A_287, %get3A_175, %select_n3A_283 : vector<16xi1>, vector<16xf32>
      %broadcast_in_dim3A_289 = arith.constant 12 : i32
      %broadcast_in_dim3A_290 = vector.broadcast %broadcast_in_dim3A_289 : i32 to vector<16xi32>
      %select_n3A_291 = arith.select %lt3A_287, %broadcast_in_dim3A_290, %select_n3A_286 : vector<16xi1>, vector<16xi32>
      %lt3A_292 = arith.cmpf olt, %get3A_178, %select_n3A_288 : vector<16xf32>
      %select_n3A_293 = arith.select %lt3A_292, %get3A_178, %select_n3A_288 : vector<16xi1>, vector<16xf32>
      %broadcast_in_dim3A_294 = arith.constant 13 : i32
      %broadcast_in_dim3A_295 = vector.broadcast %broadcast_in_dim3A_294 : i32 to vector<16xi32>
      %select_n3A_296 = arith.select %lt3A_292, %broadcast_in_dim3A_295, %select_n3A_291 : vector<16xi1>, vector<16xi32>
      %lt3A_297 = arith.cmpf olt, %get3A_181, %select_n3A_293 : vector<16xf32>
      %select_n3A_298 = arith.select %lt3A_297, %get3A_181, %select_n3A_293 : vector<16xi1>, vector<16xf32>
      %broadcast_in_dim3A_299 = arith.constant 14 : i32
      %broadcast_in_dim3A_300 = vector.broadcast %broadcast_in_dim3A_299 : i32 to vector<16xi32>
      %select_n3A_301 = arith.select %lt3A_297, %broadcast_in_dim3A_300, %select_n3A_296 : vector<16xi1>, vector<16xi32>
      %lt3A_302 = arith.cmpf olt, %get3A_184, %select_n3A_298 : vector<16xf32>
      %select_n3A_303 = arith.select %lt3A_302, %get3A_184, %select_n3A_298 : vector<16xi1>, vector<16xf32>
      %broadcast_in_dim3A_304 = arith.constant 15 : i32
      %broadcast_in_dim3A_305 = vector.broadcast %broadcast_in_dim3A_304 : i32 to vector<16xi32>
      %select_n3A_306 = arith.select %lt3A_302, %broadcast_in_dim3A_305, %select_n3A_301 : vector<16xi1>, vector<16xi32>
      %lt3A_307 = arith.cmpf olt, %get3A_187, %select_n3A_303 : vector<16xf32>
      %select_n3A_308 = arith.select %lt3A_307, %get3A_187, %select_n3A_303 : vector<16xi1>, vector<16xf32>
      %broadcast_in_dim3A_309 = arith.constant 16 : i32
      %broadcast_in_dim3A_310 = vector.broadcast %broadcast_in_dim3A_309 : i32 to vector<16xi32>
      %select_n3A_311 = arith.select %lt3A_307, %broadcast_in_dim3A_310, %select_n3A_306 : vector<16xi1>, vector<16xi32>
      %lt3A_312 = arith.cmpf olt, %get3A_190, %select_n3A_308 : vector<16xf32>
      %select_n3A_313 = arith.select %lt3A_312, %get3A_190, %select_n3A_308 : vector<16xi1>, vector<16xf32>
      %broadcast_in_dim3A_314 = arith.constant 17 : i32
      %broadcast_in_dim3A_315 = vector.broadcast %broadcast_in_dim3A_314 : i32 to vector<16xi32>
      %select_n3A_316 = arith.select %lt3A_312, %broadcast_in_dim3A_315, %select_n3A_311 : vector<16xi1>, vector<16xi32>
      %lt3A_317 = arith.cmpf olt, %get3A_193, %select_n3A_313 : vector<16xf32>
      %select_n3A_318 = arith.select %lt3A_317, %get3A_193, %select_n3A_313 : vector<16xi1>, vector<16xf32>
      %broadcast_in_dim3A_319 = arith.constant 18 : i32
      %broadcast_in_dim3A_320 = vector.broadcast %broadcast_in_dim3A_319 : i32 to vector<16xi32>
      %select_n3A_321 = arith.select %lt3A_317, %broadcast_in_dim3A_320, %select_n3A_316 : vector<16xi1>, vector<16xi32>
      %lt3A_322 = arith.cmpf olt, %get3A_196, %select_n3A_318 : vector<16xf32>
      %select_n3A_323 = arith.select %lt3A_322, %get3A_196, %select_n3A_318 : vector<16xi1>, vector<16xf32>
      %broadcast_in_dim3A_324 = arith.constant 19 : i32
      %broadcast_in_dim3A_325 = vector.broadcast %broadcast_in_dim3A_324 : i32 to vector<16xi32>
      %select_n3A_326 = arith.select %lt3A_322, %broadcast_in_dim3A_325, %select_n3A_321 : vector<16xi1>, vector<16xi32>
      %lt3A_327 = arith.cmpf olt, %get3A_199, %select_n3A_323 : vector<16xf32>
      %select_n3A_328 = arith.select %lt3A_327, %get3A_199, %select_n3A_323 : vector<16xi1>, vector<16xf32>
      %broadcast_in_dim3A_329 = arith.constant 20 : i32
      %broadcast_in_dim3A_330 = vector.broadcast %broadcast_in_dim3A_329 : i32 to vector<16xi32>
      %select_n3A_331 = arith.select %lt3A_327, %broadcast_in_dim3A_330, %select_n3A_326 : vector<16xi1>, vector<16xi32>
      %lt3A_332 = arith.cmpf olt, %get3A_202, %select_n3A_328 : vector<16xf32>
      %select_n3A_333 = arith.select %lt3A_332, %get3A_202, %select_n3A_328 : vector<16xi1>, vector<16xf32>
      %broadcast_in_dim3A_334 = arith.constant 21 : i32
      %broadcast_in_dim3A_335 = vector.broadcast %broadcast_in_dim3A_334 : i32 to vector<16xi32>
      %select_n3A_336 = arith.select %lt3A_332, %broadcast_in_dim3A_335, %select_n3A_331 : vector<16xi1>, vector<16xi32>
      %lt3A_337 = arith.cmpf olt, %get3A_205, %select_n3A_333 : vector<16xf32>
      %select_n3A_338 = arith.select %lt3A_337, %get3A_205, %select_n3A_333 : vector<16xi1>, vector<16xf32>
      %broadcast_in_dim3A_339 = arith.constant 22 : i32
      %broadcast_in_dim3A_340 = vector.broadcast %broadcast_in_dim3A_339 : i32 to vector<16xi32>
      %select_n3A_341 = arith.select %lt3A_337, %broadcast_in_dim3A_340, %select_n3A_336 : vector<16xi1>, vector<16xi32>
      %lt3A_342 = arith.cmpf olt, %get3A_208, %select_n3A_338 : vector<16xf32>
      %select_n3A_343 = arith.select %lt3A_342, %get3A_208, %select_n3A_338 : vector<16xi1>, vector<16xf32>
      %broadcast_in_dim3A_344 = arith.constant 23 : i32
      %broadcast_in_dim3A_345 = vector.broadcast %broadcast_in_dim3A_344 : i32 to vector<16xi32>
      %select_n3A_346 = arith.select %lt3A_342, %broadcast_in_dim3A_345, %select_n3A_341 : vector<16xi1>, vector<16xi32>
      %lt3A_347 = arith.cmpf olt, %get3A_211, %select_n3A_343 : vector<16xf32>
      %select_n3A_348 = arith.select %lt3A_347, %get3A_211, %select_n3A_343 : vector<16xi1>, vector<16xf32>
      %broadcast_in_dim3A_349 = arith.constant 24 : i32
      %broadcast_in_dim3A_350 = vector.broadcast %broadcast_in_dim3A_349 : i32 to vector<16xi32>
      %select_n3A_351 = arith.select %lt3A_347, %broadcast_in_dim3A_350, %select_n3A_346 : vector<16xi1>, vector<16xi32>
      %lt3A_352 = arith.cmpf olt, %get3A_214, %select_n3A_348 : vector<16xf32>
      %select_n3A_353 = arith.select %lt3A_352, %get3A_214, %select_n3A_348 : vector<16xi1>, vector<16xf32>
      %broadcast_in_dim3A_354 = arith.constant 25 : i32
      %broadcast_in_dim3A_355 = vector.broadcast %broadcast_in_dim3A_354 : i32 to vector<16xi32>
      %select_n3A_356 = arith.select %lt3A_352, %broadcast_in_dim3A_355, %select_n3A_351 : vector<16xi1>, vector<16xi32>
      %lt3A_357 = arith.cmpf olt, %get3A_217, %select_n3A_353 : vector<16xf32>
      %select_n3A_358 = arith.select %lt3A_357, %get3A_217, %select_n3A_353 : vector<16xi1>, vector<16xf32>
      %broadcast_in_dim3A_359 = arith.constant 26 : i32
      %broadcast_in_dim3A_360 = vector.broadcast %broadcast_in_dim3A_359 : i32 to vector<16xi32>
      %select_n3A_361 = arith.select %lt3A_357, %broadcast_in_dim3A_360, %select_n3A_356 : vector<16xi1>, vector<16xi32>
      %lt3A_362 = arith.cmpf olt, %get3A_220, %select_n3A_358 : vector<16xf32>
      %select_n3A_363 = arith.select %lt3A_362, %get3A_220, %select_n3A_358 : vector<16xi1>, vector<16xf32>
      %broadcast_in_dim3A_364 = arith.constant 27 : i32
      %broadcast_in_dim3A_365 = vector.broadcast %broadcast_in_dim3A_364 : i32 to vector<16xi32>
      %select_n3A_366 = arith.select %lt3A_362, %broadcast_in_dim3A_365, %select_n3A_361 : vector<16xi1>, vector<16xi32>
      %lt3A_367 = arith.cmpf olt, %get3A_223, %select_n3A_363 : vector<16xf32>
      %select_n3A_368 = arith.select %lt3A_367, %get3A_223, %select_n3A_363 : vector<16xi1>, vector<16xf32>
      %broadcast_in_dim3A_369 = arith.constant 28 : i32
      %broadcast_in_dim3A_370 = vector.broadcast %broadcast_in_dim3A_369 : i32 to vector<16xi32>
      %select_n3A_371 = arith.select %lt3A_367, %broadcast_in_dim3A_370, %select_n3A_366 : vector<16xi1>, vector<16xi32>
      %lt3A_372 = arith.cmpf olt, %get3A_226, %select_n3A_368 : vector<16xf32>
      %select_n3A_373 = arith.select %lt3A_372, %get3A_226, %select_n3A_368 : vector<16xi1>, vector<16xf32>
      %broadcast_in_dim3A_374 = arith.constant 29 : i32
      %broadcast_in_dim3A_375 = vector.broadcast %broadcast_in_dim3A_374 : i32 to vector<16xi32>
      %select_n3A_376 = arith.select %lt3A_372, %broadcast_in_dim3A_375, %select_n3A_371 : vector<16xi1>, vector<16xi32>
      %lt3A_377 = arith.cmpf olt, %get3A_229, %select_n3A_373 : vector<16xf32>
      %select_n3A_378 = arith.select %lt3A_377, %get3A_229, %select_n3A_373 : vector<16xi1>, vector<16xf32>
      %broadcast_in_dim3A_379 = arith.constant 30 : i32
      %broadcast_in_dim3A_380 = vector.broadcast %broadcast_in_dim3A_379 : i32 to vector<16xi32>
      %select_n3A_381 = arith.select %lt3A_377, %broadcast_in_dim3A_380, %select_n3A_376 : vector<16xi1>, vector<16xi32>
      %lt3A_382 = arith.cmpf olt, %get3A_232, %select_n3A_378 : vector<16xf32>
      %select_n3A_383 = arith.select %lt3A_382, %get3A_232, %select_n3A_378 : vector<16xi1>, vector<16xf32>
      %broadcast_in_dim3A_384 = arith.constant 31 : i32
      %broadcast_in_dim3A_385 = vector.broadcast %broadcast_in_dim3A_384 : i32 to vector<16xi32>
      %select_n3A_386 = arith.select %lt3A_382, %broadcast_in_dim3A_385, %select_n3A_381 : vector<16xi1>, vector<16xi32>
      %reduce_min3A = arith.constant true
      %reduce_min3A_387 = vector.broadcast %reduce_min3A : i1 to vector<16xi1>
      %reduce_min3A_388 = tpu.scan <min>, %select_n3A_383 masked %reduce_min3A_387 : vector<16xf32>, vector<16xi1> -> vector<16xf32>
      %reduce_min3A_389 = vector.extract %reduce_min3A_388[15] : f32 from vector<16xf32>
      %eq3A_390 = vector.broadcast %reduce_min3A_389 : f32 to vector<16xf32>
      %eq3A_391 = arith.cmpf oeq, %select_n3A_383, %eq3A_390 : vector<16xf32>
      %mul3A_392 = arith.constant 16 : i32
      %mul3A_393 = vector.broadcast %mul3A_392 : i32 to vector<16xi32>
      %mul3A_394 = arith.muli %select_n3A_386, %mul3A_393 : vector<16xi32>
      %add3A_395 = arith.addi %mul3A_394, %iota3A : vector<16xi32>
      %jit3A = arith.constant 512 : i32
      %broadcast_in_dim3A_396 = vector.broadcast %jit3A : i32 to vector<16xi32>
      %select_n3A_397 = arith.select %eq3A_391, %add3A_395, %broadcast_in_dim3A_396 : vector<16xi1>, vector<16xi32>
      %reduce_min3A_398 = arith.constant true
      %reduce_min3A_399 = vector.broadcast %reduce_min3A_398 : i1 to vector<16xi1>
      %reduce_min3A_400 = arith.constant -2147483648 : i32
      %reduce_min3A_401 = vector.broadcast %reduce_min3A_400 : i32 to vector<16xi32>
      %reduce_min3A_402 = arith.xori %select_n3A_397, %reduce_min3A_401 : vector<16xi32>
      %reduce_min3A_403 = tpu.scan <min>, %reduce_min3A_402 masked %reduce_min3A_399 : vector<16xi32>, vector<16xi1> -> vector<16xi32>
      %reduce_min3A_404 = arith.xori %reduce_min3A_403, %reduce_min3A_401 : vector<16xi32>
      %reduce_min3A_405 = vector.extract %reduce_min3A_404[15] : i32 from vector<16xi32>
      %broadcast_in_dim3A_406 = arith.constant 224 : i32
      %broadcast_in_dim3A_407 = vector.broadcast %broadcast_in_dim3A_406 : i32 to vector<16xi32>
      %add3A_408 = vector.broadcast %scan3A_136 : i32 to vector<16xi32>
      %add3A_409 = arith.addi %broadcast_in_dim3A_407, %add3A_408 : vector<16xi32>
      %broadcast_in_dim3A_410 = arith.constant 0 : i32
      %broadcast_in_dim3A_411 = vector.broadcast %broadcast_in_dim3A_410 : i32 to vector<16xi32>
      %add3A_412 = vector.broadcast %reduce_min3A_405 : i32 to vector<16xi32>
      %add3A_413 = arith.addi %broadcast_in_dim3A_411, %add3A_412 : vector<16xi32>
      tpu.vector_store_idx %arg6[%add3A_409], %add3A_413 masked %eq3A_4 : memref<256xi32, #tpu.memory_space<vmem>>[vector<16xi32>], vector<16xi32>, vector<16xi1>
      %scan3A_414 = arith.constant 0 : i32
      scf.yield %scan3A_414 : i32
    }
    %scan3A_135 = arith.constant 32 : i32
    "tpu.region"() ({
      %run_scoped3A = tpu.sem_alloc : memref<!tpu.dma_semaphore, #tpu.memory_space<semaphore_mem>>
      %dma_start3A_136 = tpu.memref_slice %arg3[%mul3A_2] : memref<8192xi32, #tpu.memory_space<hbm>> -> memref<256xi32, #tpu.memory_space<hbm>>
      %dma_start3A_137 = tpu.memref_slice %arg3[%mul3A_2] : memref<8192xi32, #tpu.memory_space<hbm>> -> memref<256xi32, #tpu.memory_space<hbm>>
      tpu.enqueue_dma source(%arg6 : memref<256xi32, #tpu.memory_space<vmem>>) target(%dma_start3A_137 : memref<256xi32, #tpu.memory_space<hbm>>) target_semaphore(%run_scoped3A : memref<!tpu.dma_semaphore, #tpu.memory_space<semaphore_mem>>)
      %dma_wait3A_138 = tpu.memref_slice %arg3[%mul3A_2] : memref<8192xi32, #tpu.memory_space<hbm>> -> memref<256xi32, #tpu.memory_space<hbm>>
      %dma_wait3A_139 = tpu.memref_slice %arg3[%mul3A_2] : memref<8192xi32, #tpu.memory_space<hbm>> -> memref<256xi32, #tpu.memory_space<hbm>>
      tpu.wait_dma2 semaphore(%run_scoped3A : memref<!tpu.dma_semaphore, #tpu.memory_space<semaphore_mem>>) src(%arg6 : memref<256xi32, #tpu.memory_space<vmem>>) dst(%dma_wait3A_139 : memref<256xi32, #tpu.memory_space<hbm>>)
      tpu.yield
    }) : () -> ()
    return
  }
}

module attributes {stable_mosaic.version = 14 : i64} {
  func.func @_scores_body(%arg0: i32, %arg1: memref<1024x32xf32, #tpu.memory_space<vmem>>, %arg2: memref<32x512xf32, #tpu.memory_space<vmem>>, %arg3: memref<1024x512xf32, #tpu.memory_space<vmem>>) attributes {dimension_semantics = [#tpu.dimension_semantics<arbitrary>], iteration_bounds = array<i64: 8>, scalar_prefetch = 0 : i64, scratch_operands = 0 : i64, tpu.core_type = #tpu.core_type<tc>, window_params = [{transform_indices = @transform_0, window_bounds = array<i64: 1024, 32>}, {pipeline_mode = #tpu.pipeline_mode<synchronous>, transform_indices = @transform_1, window_bounds = array<i64: 32, 512>}, {transform_indices = @transform_2, window_bounds = array<i64: 1024, 512>}]} {
    %get3A = arith.constant 0 : index
    %get3A_0 = arith.constant 0 : index
    %get3A_1 = vector.load %arg1[%get3A, %get3A_0] : memref<1024x32xf32, #tpu.memory_space<vmem>>, vector<1024x32xf32>
    %get3A_2 = arith.constant 0 : index
    %get3A_3 = arith.constant 0 : index
    %get3A_4 = vector.load %arg2[%get3A_2, %get3A_3] : memref<32x512xf32, #tpu.memory_space<vmem>>, vector<32x512xf32>
    %mul3A = arith.mulf %get3A_4, %get3A_4 : vector<32x512xf32>
    %reduce_sum3A = arith.constant dense<0.000000e+00> : vector<512xf32>
    %reduce_sum3A_5 = vector.multi_reduction <add>, %mul3A, %reduce_sum3A [0] : vector<32x512xf32> to vector<512xf32>
    %broadcast_in_dim3A = vector.shape_cast %reduce_sum3A_5 : vector<512xf32> to vector<1x512xf32>
    %dot_general3A = arith.constant dense<0.000000e+00> : vector<1024x512xf32>
    %dot_general3A_6 = tpu.matmul %get3A_1, %get3A_4, %dot_general3A {dimension_numbers = #tpu.dot_dimension_numbers<[1], [0], [0], [1], [0, 0, 1, 1], [], []>, precision = #tpu.contract_precision<fp32>, transpose_lhs_hint = false} : vector<1024x32xf32>, vector<32x512xf32>, vector<1024x512xf32> -> vector<1024x512xf32>
    %mul3A_7 = arith.constant 2.000000e+00 : f32
    %mul3A_8 = vector.broadcast %mul3A_7 : f32 to vector<1024x512xf32>
    %mul3A_9 = arith.mulf %mul3A_8, %dot_general3A_6 : vector<1024x512xf32>
    %sub3A = vector.broadcast %broadcast_in_dim3A : vector<1x512xf32> to vector<1024x512xf32>
    %sub3A_10 = arith.subf %sub3A, %mul3A_9 : vector<1024x512xf32>
    %swap3A = arith.constant 0 : index
    %swap3A_11 = arith.constant 0 : index
    %swap3A_12 = vector.load %arg3[%swap3A, %swap3A_11] : memref<1024x512xf32, #tpu.memory_space<vmem>>, vector<1024x512xf32>
    tpu.vector_store %arg3[%swap3A, %swap3A_11], %sub3A_10 {strides = array<i32>} : memref<1024x512xf32, #tpu.memory_space<vmem>>, vector<1024x512xf32>,
    return
  }
  func.func @transform_0(%arg0: i32) -> (i32, i32) {
    %c0_i32 = arith.constant 0 : i32
    %c0_i32_0 = arith.constant 0 : i32
    return %arg0, %c0_i32 : i32, i32
  }
  func.func @transform_1(%arg0: i32) -> (i32, i32) {
    %c0_i32 = arith.constant 0 : i32
    %c0_i32_0 = arith.constant 0 : i32
    %c0_i32_1 = arith.constant 0 : i32
    return %c0_i32, %c0_i32_0 : i32, i32
  }
  func.func @transform_2(%arg0: i32) -> (i32, i32) {
    %c0_i32 = arith.constant 0 : i32
    %c0_i32_0 = arith.constant 0 : i32
    return %arg0, %c0_i32 : i32, i32
  }
}

</mosaic_0001>

<sc_bundles>
// kernel: kernel.4.cloned.1.call-start
scs
__scs_entry_jumppad:
0x0: {  	(pc) =	sbr.rel $0x88, $3  }
0x1: {  	(tag) =	ssettag $0x0;
	lr =	simm.s32 $0x1  }
0x2: {  	[smem:$0x3F9F] =	sst lr;
	_ =	strace $0xD0000000  }
0x3: {  	_ = 	snop  }
0x4: {  	_ = 	snop  }
0x5: {  	_ = 	snop  }
0x6: {  	_ = 	snop  }
0x7: {  	_ = 	snop  }
__scs_overlays_trampoline_lowered:
0x8: {  	[smem:$0x3FAE] =	sst s0  }
0x9: {  	[smem:$0x3FAF] =	sst s1  }
0xa: {  	[smem:$0x3FB0] =	sst s2  }
0xb: {  	[smem:$0x3FB1] =	sst s3  }
0xc: {  	[smem:$0x3FB2] =	sst s4  }
0xd: {  	[smem:$0x3FB3] =	sst s5  }
0xe: {  	[smem:$0x3FB4] =	sst s6  }
0xf: {  	[smem:$0x3FB5] =	sst s7  }
0x10: {  	[smem:$0x3FB6] =	sst s8  }
0x11: {  	[smem:$0x3FB7] =	sst s9;
	s0 =	simm.s32 @!p0 $0x0  }
0x12: {  	s1 =	sld [smem:$0x3F9D];
	s0 =	simm.s32 @p0 $0x1  }
0x13: {  	[smem:$0x3FB8] =	sst s0;
	s0 =	simm.s32 @!p1 $0x0  }
0x14: {  	s2 =	sld [smem:$0x3F9C];
	s0 =	simm.s32 @p1 $0x1  }
0x15: {  	[smem:$0x3FB9] =	sst s0;
	s0 =	simm.s32 @!p2 $0x0  }
0x16: {  	s3 =	sld [smem:$0x3FDB];
	s0 =	simm.s32 @p2 $0x1  }
0x17: {  	s4 =	simm.s32 $0x1BF5;
	[smem:$0x3FBB] =	sst s0  }
0x18: {  	s0 =	sld [smem:$0x3F9E];
	_ =	swait.ge [sflag:s4], $0x0  }
0x19: {  	s7 =	sld [smem:$0x3F9F]  }
0x1a: {  	s8 =	sadd.s32 $0xFFFFE003, lr  }
0x1b: {  	s9 =	sadd.s32 $0xFFFFFEF7, lr;
	s5 =	simm.s32 $0xFFFFFFFF;
	p2 =	slt.u32 s8, $0xFFFFF086  }
0x1c: {  	p1 =	slt.u32 s9, $0xF7A;
	s5 =	simm.s32 @!p2 $0x0  }
0x1d: {  	s5 =	simm.s32 @p1 $0x1;
	p0 =	seq.s32 s7, s2  }
0x1e: {  	s7 =	smul.u32 @!p0 $0xF7A, s2;
	p2 =	seq.s32 @!p0 s5, $0x0  }
0x1f: {  	s9 =	smul.u32 $0xF7A, s1;
	s8 =	simm.s32 @!p0 $0x1BF5;
	p2 =	por !p2, p0  }
0x20: {  	[sflag:s8] =	ssyncset.s32 @!p0 $0xFFFFF086;
	s6 =	sadd.s32 @!p0 s3, s7;
	s7 =	simm.s32 @!p0 $0x108  }
0x21: {  	s3 =	sadd.s32 s3, s9;
	s6 =	sadd.s32 @!p0 $0x88, s6;
	s7 =	simm.s32 @p2 $0x1082  }
0x22: {  	[simem:s7], [sflag:s8] =	dma.local @!p0 [hbm:s6], $0xF7A  }
0x23: {  	s9 =	sor.u32 $0xD0000000, s2;
	s6 =	simm.s32 $0x108;
	_ =	swait.ge @!p0 [sflag:s8], $0x0  }
0x24: {  	s3 =	sadd.s32 $0x88, s3;
	s6 =	simm.s32 @!p1 $0x1082;
	[sflag:s4] =	ssyncset.s32 $0xFFFFF086  }
0x25: {  	[simem:s6], [sflag:s4] =	dma.local [hbm:s3], $0xF7A  }
0x26: {  	[smem:$0x3F9F] =	sst s1;
	(tag) =	ssettag s2;
	_ =	strace s9  }
0x27: {  	s1 =	sld [smem:$0x3FAF]  }
0x28: {  	s2 =	sld [smem:$0x3FB0]  }
0x29: {  	s4 =	sld [smem:$0x3FB2]  }
0x2a: {  	p0 =	seq.s32 s5, $0x0;
	s5 =	sld [smem:$0x3FB3]  }
0x2b: {  	s6 =	sld [smem:$0x3FB4]  }
0x2c: {  	s7 =	sld [smem:$0x3FB5]  }
0x2d: {  	s3 =	simm.s32 $0x108;
	s8 =	sld [smem:$0x3FB6]  }
0x2e: {  	s3 =	simm.s32 @!p0 $0x1082;
	s9 =	sld [smem:$0x3FB7]  }
0x2f: {  	lr =	sadd.s32 s0, s3;
	s0 =	sld [smem:$0x3FAE]  }
0x30: {  	s3 =	sld [smem:$0x3FB1]  }
0x31: {  	[smem:$0x3FBA] =	sst s10  }
0x32: {  	s10 =	sld [smem:$0x3FB8];
	_ =	sdelay $0x3  }
0x33: {  	p0 =	seq.s32 s10, $0x1;
	s10 =	sld [smem:$0x3FBA];
	_ =	sdelay $0x3  }
0x34: {  	[smem:$0x3FBA] =	sst s10  }
0x35: {  	s10 =	sld [smem:$0x3FB9];
	_ =	sdelay $0x3  }
0x36: {  	p1 =	seq.s32 s10, $0x1;
	s10 =	sld [smem:$0x3FBA];
	_ =	sdelay $0x3  }
0x37: {  	[smem:$0x3FBA] =	sst s10  }
0x38: {  	s10 =	sld [smem:$0x3FBB]  }
0x39: {  	_ = 	snop;
	(pc) =	sbr.ind lr, $3  }
0x3a: {  	_ = 	snop  }
0x3b: {  	_ = 	snop  }
0x3c: {  	p2 =	seq.s32 s10, $0x1;
	s10 =	sld [smem:$0x3FBA]  }
0x3d: {  	_ =	shalt  }
0x3e: {  	_ =	shalt  }
0x3f: {  	_ =	shalt  }
0x40: {  	_ =	shalt  }
0x41: {  	_ =	shalt  }
0x42: {  	_ =	shalt  }
0x43: {  	_ =	shalt  }
0x44: {  	_ =	shalt  }
0x45: {  	_ =	shalt  }
0x46: {  	_ =	shalt  }
0x47: {  	_ =	shalt  }
0x48: {  	_ =	shalt  }
0x49: {  	_ =	shalt  }
0x4a: {  	_ =	shalt  }
0x4b: {  	_ =	shalt  }
0x4c: {  	_ =	shalt  }
0x4d: {  	_ =	shalt  }
0x4e: {  	_ =	shalt  }
0x4f: {  	_ =	shalt  }
0x50: {  	_ =	shalt  }
0x51: {  	_ =	shalt  }
0x52: {  	_ =	shalt  }
0x53: {  	_ =	shalt  }
0x54: {  	_ =	shalt  }
0x55: {  	_ =	shalt  }
0x56: {  	_ =	shalt  }
0x57: {  	_ =	shalt  }
0x58: {  	_ =	shalt  }
0x59: {  	_ =	shalt  }
0x5a: {  	_ =	shalt  }
0x5b: {  	_ =	shalt  }
0x5c: {  	_ =	shalt  }
0x5d: {  	_ =	shalt  }
0x5e: {  	_ =	shalt  }
0x5f: {  	_ =	shalt  }
0x60: {  	_ =	shalt  }
0x61: {  	_ =	shalt  }
0x62: {  	_ =	shalt  }
0x63: {  	_ =	shalt  }
0x64: {  	_ =	shalt  }
0x65: {  	_ =	shalt  }
0x66: {  	_ =	shalt  }
0x67: {  	_ =	shalt  }
0x68: {  	_ =	shalt  }
0x69: {  	_ =	shalt  }
0x6a: {  	_ =	shalt  }
0x6b: {  	_ =	shalt  }
0x6c: {  	_ =	shalt  }
0x6d: {  	_ =	shalt  }
0x6e: {  	_ =	shalt  }
0x6f: {  	_ =	shalt  }
0x70: {  	_ =	shalt  }
0x71: {  	_ =	shalt  }
0x72: {  	_ =	shalt  }
0x73: {  	_ =	shalt  }
0x74: {  	_ =	shalt  }
0x75: {  	_ =	shalt  }
0x76: {  	_ =	shalt  }
0x77: {  	_ =	shalt  }
0x78: {  	_ =	shalt  }
0x79: {  	_ =	shalt  }
0x7a: {  	_ =	shalt  }
0x7b: {  	_ =	shalt  }
0x7c: {  	_ =	shalt  }
0x7d: {  	_ =	shalt  }
0x7e: {  	_ =	shalt  }
0x7f: {  	_ =	shalt  }
0x80: {  	_ =	shalt  }
0x81: {  	_ =	shalt  }
0x82: {  	_ =	shalt  }
0x83: {  	_ =	shalt  }
0x84: {  	_ =	shalt  }
0x85: {  	_ =	shalt  }
0x86: {  	_ =	shalt  }
0x87: {  	_ =	shalt  }
.Lfunc_end0:
.L_simem_size_0:
called_computation_lowered:
.L_overlay_start_0:
0x88: {  	s2 =	sld [smem:$0x3FD9]  }
0x89: {  	s3 =	sld [smem:$0x3FFE];
	_ =	sdelay $0x1  }
0x8a: {  	s1 =	srdreg.scid  }
0x8b: {  	s0 =	sand.u32 $0x1, s1  }
0x8c: {  	s14 =	sshll.u32 s0, $0xA;
	s2 =	sadd.s32 s3, s2  }
0x8d: {  	s2 =	sadd.s32 s2, s14  }
0x8e: {  	[smem:$0x3FC6] =	sst s2  }
0x8f: {  	_ = 	snop  }
0x90: {  	s2 =	sld [smem:$0x3FD0];
	_ =	sdelay $0x2  }
0x91: {  	s15 =	simm.s32 $0xA;
	s4 =	simm.s32 $0x10  }
0x92: {  	[smem:s4], [sflag:s15] =	dma.local [hbm:s2], $0x1  }
0x93: {  	_ =	swait.eq [sflag:s15], $0x1  }
0x94: {  	[sflag:s15] =	ssyncset.done $0x0  }
0x95: {  	[sflag:s15] =	ssyncadd.s32 $0xFFFFFFFF  }
0x96: {  	s16 =	sld [smem:$0x11];
	(tm) =	ssettm $0x1  }
0x97: {  	s17 =	sld [smem:$0x3FFB];
	_ =	sdelay $0x3  }
0x98: {  	_ =	strace s17  }
0x99: {  	s3 =	sld [smem:$0x3FFC];
	_ =	sdelay $0x3  }
0x9a: {  	_ =	strace s3  }
0x9b: {  	s3 =	sld [smem:$0x3FFD];
	_ =	sdelay $0x3  }
0x9c: {  	_ =	strace s3  }
0x9d: {  	_ =	strace $0x8FFFFFFF  }
0x9e: {  	s18 =	sld [smem:$0x3FDB];
	_ =	sdelay $0x1  }
0x9f: {  	s19 =	simm.s32 $_scs_section_size  }
0xa0: {  	s5 =	simm.s32 $_size__tile_overlayer_lowered;
	s6 =	simm.s32 $_tile_overlayer_lowered  }
0xa1: {  	s22 =	simm.s32 $0x1BFF;
	s21 =	sshll.u32 s6, $0x1;
	s3 =	sadd.s32 s19, s18  }
0xa2: {  	s7 =	simm.s32 $0x0;
	s20 =	sshll.u32 s5, $0x1;
	s5 =	sadd.s32 s21, s3  }
0xa3: {  	[timem:s7], [sflag:s22] =	dma.local [hbm:s5], s20  }
0xa4: {  	_ =	swait.ge [sflag:s22], s20  }
0xa5: {  	s4 =	ssub.s32 $0x0, s20;
	[sflag:s22] =	ssyncset.done $0x0  }
0xa6: {  	[sflag:s22] =	ssyncadd.s32 s4;
	_ =	sdelay $0x1  }
0xa7: {  	s23 =	simm.s32 $0x1B8B  }
0xa8: {  	_ =	swait.ge [sflag:s23], $0x1  }
0xa9: {  	[sflag:s23] =	ssyncset.done $0x0  }
0xaa: {  	s25 =	simm.s32 $0x1B8E;
	s24 =	sld [smem:$0x3FFE];
	[sflag:s23] =	ssyncadd.s32 $0xFFFFFFFF  }
0xab: {  	s26 =	simm.s32 $execute0_lowered;
	[smem:$0x3FD2] =	sst s25  }
0xac: {  	s5 =	sshll.u32 s26, $0x1;
	_ =	strace $0x80000046;
	[dreg:$0x1] =	wrdreg $0xFFFFFFFF  }
0xad: {  	s28 =	simm.s32 $_size_execute0_lowered;
	s3 =	sadd.s32 s3, s5;
	[dreg:$0x0] =	wrdreg $0x0  }
0xae: {  	s5 =	sshll.u32 s28, $0x1;
	[dreg:$0x2] =	wrdreg s3  }
0xaf: {  	[dreg:$0x3] =	wrdreg s5  }
0xb0: {  	[dreg:$0x4] =	wrdreg $0xC0  }
0xb1: {  	_ =	task [dreg:s7], $0x5FFFF  }
0xb2: {  	[dreg:$0x1] =	wrdreg $0xFFFFFFFF  }
0xb3: {  	[dreg:$0x0] =	wrdreg $0x60  }
0xb4: {  	[dreg:$0x2] =	wrdreg s24  }
0xb5: {  	[dreg:$0x3] =	wrdreg s16  }
0xb6: {  	[dreg:$0x4] =	wrdreg $0x9  }
0xb7: {  	_ =	task.clear_ibuf [dreg:s7], $0x5FFFF;
	_ =	strace $0x90000046  }
0xb8: {  	s29 =	simm.s32 $0x9;
	_ =	strace $0x80000048  }
0xb9: {  	_ =	swait.ge [sflag:s29], $0x1  }
0xba: {  	[sflag:s29] =	ssyncadd.s32 $0xFFFFFFFF  }
0xbb: {  	_ =	strace $0x90000048  }
0xbc: {  	_ =	sfence  }
0xbd: {  	s30 =	sld [smem:$0x0];
	_ =	sdelay $0x2  }
0xbe: {  	s31 =	sshll.u32 s1, $0xD;
	s1 =	sshrl.u32 s1, $0x2  }
0xbf: {  	s3 =	sand.u32 $0x4000, s31;
	s1 =	sadd.s32 s1, s30  }
0xc0: {  	s0 =	sor.u32 s3, s0;
	s1 =	sshll.u32 s1, $0x11  }
0xc1: {  	s0 =	sor.u32 s1, s0  }
0xc2: {  	s0 =	sadd.s32 $0x8F2B, s0  }
0xc3: {  	[sflag:s0] =	ssyncadd.remote.s32 $0x1  }
0xc4: {  	_ =	sfence.sel $0xFFFF  }
0xc5: {  	[dreg:$0x0] =	wrdreg $0xFFFFFFFF;
	(pc) =	sbr.abs _section_cstart, $3  }
0xc6: {  	[dreg:$0x1] =	wrdreg $0xFFFFFFFF  }
0xc7: {  	_ =	task.clear_ibuf [dreg:s7], $0x2FFFF;
	_ =	strace $0x9FFFFFFF  }
0xc8: {  	(tm) =	ssettm $0x7FFFFFFF  }
0xc9: {  	_ =	shalt  }
tec
execute0_lowered:
.L_overlay_start_1:
0x0: {  	(tag) =	ssettag $0x1  }
0x1: {  	s0 =	stileid.u32;
	s2 =	simm.s32 $0x0;
	v31 =	vlaneseq.u32;
	s11 =	simm.s32 $0x4000  }
0x2: {  	s4 =	sshll.u32 s0, $0x9;
	[smem:$0x7FF] =	sst s2;
	v0 =	vor.u32 $0x80000010, v31;
	v1 =	vor.u32 $0x80000020, v31  }
0x3: {  	v2 =	vor.u32 $0x80000030, v31;
	v3 =	vor.u32 $0x80000040, v31;
	v4 =	vor.u32 $0x80000050, v31  }
0x4: {  	v5 =	vor.u32 $0x80000060, v31;
	v6 =	vor.u32 $0x80000070, v31;
	v7 =	vor.u32 $0x80000080, v31  }
0x5: {  	s1 =	srdreg.scid;
	s3 =	rddreg [dreg:$0x0];
	v8 =	vor.u32 $0x80000090, v31;
	v9 =	vor.u32 $0x800000A0, v31;
	v10 =	vor.u32 $0x800000B0, v31  }
0x6: {  	s13 =	rddreg [dreg:$0x1];
	s16 =	simm.s32 $0x2;
	s12 =	sand.u32 $0x1, s1;
	v11 =	vor.u32 $0x800000C0, v31;
	v12 =	vor.u32 $0x800000D0, v31;
	v13 =	vor.u32 $0x800000E0, v31  }
0x7: {  	s17 =	simm.s32 $0x3;
	s18 =	simm.s32 $0x0;
	v14 =	vor.u32 $0x800000F0, v31;
	v15 =	vor.u32 $0x80000100, v31;
	v16 =	vor.u32 $0x80000110, v31;
	s5 =	sshll.u32 s12, $0x8  }
0x8: {  	s1 =	rddreg [dreg:$0x2];
	v17 =	vor.u32 $0x80000120, v31;
	v18 =	vor.u32 $0x80000130, v31;
	v19 =	vor.u32 $0x80000140, v31;
	s12 =	ssub.s32 $0x2, s12;
	s14 =	sor.u32 s5, s4  }
0x9: {  	v20 =	vor.u32 $0x80000150, v31;
	v21 =	vor.u32 $0x80000160, v31;
	_ =	strace $0x80000047;
	s15 =	sshrl.u32 s12, $0x1;
	s4 =	sshll.u32 s14, $0x6  }
0xa: {  	v22 =	vor.u32 $0x80000170, v31;
	v23 =	vor.u32 $0x80000180, v31;
	v24 =	vor.u32 $0x80000190, v31;
	s14 =	sshrl.u32 s14, $0x3;
	s15 =	ssub.s32 s12, s15;
	s10 =	sadd.s32 s4, s3  }
0xb: {  	v25 =	vor.u32 $0x800001A0, v31;
	v27 =	vor.u32 $0x800001B0, v31;
	v28 =	vor.u32 $0x800001C0, v31;
	s12 =	sadd.s32 s13, s14;
	s13 =	smax.u32 s15, $0x1;
	s14 =	simm.s32 $0x1  }
0xc: {  	v29 =	vor.u32 $0x800001D0, v31;
	s15 =	simm.s32 $0x8000;
	s3 =	sadd.s32 $0x800, s10;
	s4 =	sadd.s32 $0x1000, s10  }
0xd: {  	v30 =	vor.u32 $0x800001E0, v31;
	s5 =	sadd.s32 $0x1800, s10;
	s6 =	sadd.s32 $0x2000, s10;
	s7 =	sadd.s32 $0x2800, s10  }
0xe: {  	v26 =	vor.u32 $0x80000000, v31;
	v31 =	vor.u32 $0x800001F0, v31;
	s8 =	sadd.s32 $0x3000, s10;
	s9 =	sadd.s32 $0x3800, s10;
	s10 =	sadd.s32 $0x4000, s10  }
.LBB2_1:
0xf: {  	[tilespmem:s2], [sflag:$0x1] =	stream.linear.gather [hbm4b:s3+s2], $0x4000, $0x38;
	[tilespmem:$0x8100] =	vst v63  }
0x10: {  	s19 =	sand.u32 $0x3000, s2  }
0x11: {  	[tilespmem:s11], [sflag:$0x2] =	stream.linear.gather [hbm4b:s4+s2], $0x4000, $0x38;
	[tilespmem:$0x8100] =	vst v63  }
0x12: {  	s20 =	sand.u32 $0x380, s2;
	s21 =	simm.s32 $0x1;
	_ =	swait.ge [sflag:s14], $0x4000  }
0x13: {  	s22 =	simm.s32 $0x0;
	s23 =	simm.s32 $0x0;
	[sflag:s14] =	ssyncset.done $0x0  }
0x14: {  	s20 =	sor.u32 s20, s19;
	s19 =	simm.s32 $0x0;
	[sflag:s14] =	ssyncadd.s32 $0xFFFFC000  }
.LBB2_2:
0x15: {  	v32 =	vld [tilespmem:s20+$0x10]  }
0x16: {  	v33 =	vld [tilespmem:s20+$0x0];
	_ =	sdelay $0x1  }
0x17: {  	v34 =	vld [tilespmem:s20+$0x20];
	_ =	sdelay $0x1  }
0x18: {  	v35 =	vld [tilespmem:s20+$0x30]  }
0x19: {  	vm0 =	vlt.f32 v32, v33  }
0x1a: {  	v36 =	vld [tilespmem:s20+$0x40];
	v32 =	vsel vm0, v32, v33  }
0x1b: {  	vm15 =	vlt.f32 v34, v32  }
0x1c: {  	v37 =	vld [tilespmem:s20+$0x50];
	v32 =	vsel vm15, v34, v32  }
0x1d: {  	vm4 =	vlt.f32 v35, v32  }
0x1e: {  	v55 =	vld [tilespmem:s20+$0x60];
	v32 =	vsel vm4, v35, v32  }
0x1f: {  	vm5 =	vlt.f32 v36, v32  }
0x20: {  	v56 =	vld [tilespmem:s20+$0x70];
	v32 =	vsel vm5, v36, v32  }
0x21: {  	vm6 =	vlt.f32 v37, v32  }
0x22: {  	v57 =	vld [tilespmem:s20+$0x400];
	v32 =	vsel vm6, v37, v32  }
0x23: {  	vm7 =	vlt.f32 v55, v32  }
0x24: {  	v58 =	vld [tilespmem:s20+$0x410];
	v32 =	vsel vm7, v55, v32  }
0x25: {  	vm8 =	vlt.f32 v56, v32  }
0x26: {  	v59 =	vld [tilespmem:s20+$0x420];
	v32 =	vsel vm8, v56, v32  }
0x27: {  	vm9 =	vlt.f32 v57, v32  }
0x28: {  	v60 =	vld [tilespmem:s20+$0x430];
	v32 =	vsel vm9, v57, v32  }
0x29: {  	v54 =	vsel vm0, v0, v26;
	vm0 =	vlt.f32 v58, v32  }
0x2a: {  	v61 =	vld [tilespmem:s20+$0x440];
	v32 =	vsel vm0, v58, v32  }
0x2b: {  	vm1 =	vlt.f32 v59, v32  }
0x2c: {  	v62 =	vimm.s32 $0x0;
	v63 =	vld [tilespmem:s20+$0x450];
	v32 =	vsel vm1, v59, v32  }
0x2d: {  	v37 =	vsel vm1, $0xFFFFFFFF, v62;
	vm1 =	vlt.f32 v60, v32  }
0x2e: {  	v40 =	vld [tilespmem:s20+$0x460];
	v32 =	vsel vm1, v60, v32  }
0x2f: {  	vm3 =	vlt.f32 v61, v32  }
0x30: {  	v41 =	vld [tilespmem:s20+$0x470];
	v33 =	vsel vm15, v1, v54;
	v32 =	vsel vm3, v61, v32  }
0x31: {  	v33 =	vsel vm4, v2, v33;
	vm4 =	vlt.f32 v63, v32  }
0x32: {  	v42 =	vld [tilespmem:s20+$0x800];
	v32 =	vsel vm4, v63, v32  }
0x33: {  	v33 =	vsel vm5, v3, v33;
	vm5 =	vlt.f32 v40, v32  }
0x34: {  	v43 =	vld [tilespmem:s20+$0x810];
	v32 =	vsel vm5, v40, v32  }
0x35: {  	v33 =	vsel vm6, v4, v33;
	vm6 =	vlt.f32 v41, v32  }
0x36: {  	v44 =	vld [tilespmem:s20+$0x820];
	v32 =	vsel vm6, v41, v32  }
0x37: {  	v33 =	vsel vm7, v5, v33;
	vm7 =	vlt.f32 v42, v32  }
0x38: {  	v45 =	vld [tilespmem:s20+$0x830];
	v32 =	vsel vm7, v42, v32  }
0x39: {  	v33 =	vsel vm8, v6, v33;
	vm8 =	vlt.f32 v43, v32  }
0x3a: {  	v46 =	vld [tilespmem:s20+$0x840];
	v32 =	vsel vm8, v43, v32  }
0x3b: {  	v33 =	vsel vm9, v7, v33;
	vm9 =	vlt.f32 v44, v32  }
0x3c: {  	v47 =	vld [tilespmem:s20+$0x850];
	v32 =	vsel vm9, v44, v32  }
0x3d: {  	vm10 =	vlt.f32 v45, v32  }
0x3e: {  	v48 =	vld [tilespmem:s20+$0x860];
	v32 =	vsel vm10, v45, v32  }
0x3f: {  	vm11 =	vlt.f32 v46, v32  }
0x40: {  	v49 =	vld [tilespmem:s20+$0x870];
	v32 =	vsel vm11, v46, v32  }
0x41: {  	vm12 =	vlt.f32 v47, v32  }
0x42: {  	v50 =	vld [tilespmem:s20+$0xC00];
	v32 =	vsel vm12, v47, v32  }
0x43: {  	v39 =	vimm.s32 $0x0;
	v51 =	vld [tilespmem:s20+$0xC10];
	vm13 =	vlt.f32 v48, v32  }
0x44: {  	v52 =	vld [tilespmem:s20+$0xC20];
	[tilespmem:$0x1FFE0] =	vst v37;
	v34 =	vsel vm1, $0xFFFFFFFF, v39;
	v32 =	vsel vm13, v48, v32  }
0x45: {  	v55 =	vld [tilespmem:$0x1FFE0];
	[tilespmem:$0x1FFF0] =	vst v34;
	vm14 =	vlt.f32 v49, v32  }
0x46: {  	v57 =	vld [tilespmem:$0x1FFF0];
	v32 =	vsel vm14, v49, v32  }
0x47: {  	vm15 =	vlt.f32 v50, v32  }
0x48: {  	v53 =	vld [tilespmem:s20+$0xC30];
	v32 =	vsel vm15, v50, v32  }
0x49: {  	vm1 =	vlt.f32 v51, v32  }
0x4a: {  	v54 =	vld [tilespmem:s20+$0xC40];
	v33 =	vsel vm0, v8, v33;
	vm2 =	vnez.u8 v55;
	v32 =	vsel vm1, v51, v32  }
0x4b: {  	v33 =	vsel vm2, v9, v33;
	vm2 =	vnez.u8 v57;
	vm0 =	vlt.f32 v52, v32  }
0x4c: {  	v56 =	vld [tilespmem:s20+$0xC50];
	v33 =	vsel vm2, v10, v33;
	v32 =	vsel vm0, v52, v32  }
0x4d: {  	v33 =	vsel vm3, v11, v33;
	vm2 =	vlt.f32 v53, v32  }
0x4e: {  	v58 =	vld [tilespmem:s20+$0xC60];
	v33 =	vsel vm4, v12, v33;
	v32 =	vsel vm2, v53, v32  }
0x4f: {  	v33 =	vsel vm5, v13, v33;
	vm3 =	vlt.f32 v54, v32  }
0x50: {  	v59 =	vld [tilespmem:s20+$0xC70];
	v33 =	vsel vm6, v14, v33;
	v32 =	vsel vm3, v54, v32  }
0x51: {  	v33 =	vsel vm7, v15, v33;
	vm4 =	vlt.f32 v56, v32  }
0x52: {  	v33 =	vsel vm8, v16, v33;
	v32 =	vsel vm4, v56, v32  }
0x53: {  	v33 =	vsel vm9, v17, v33;
	vm5 =	vlt.f32 v58, v32  }
0x54: {  	v33 =	vsel vm10, v18, v33;
	v32 =	vsel vm5, v58, v32  }
0x55: {  	v33 =	vsel vm11, v19, v33;
	vm10 =	vlt.f32 v59, v32  }
0x56: {  	v33 =	vsel vm12, v20, v33;
	v32 =	vsel vm10, v59, v32  }
0x57: {  	v33 =	vsel vm13, v21, v33;
	(xrf0) =	vmin.scan.msk.f32 $0xffff, v32  }
0x58: {  	v33 =	vsel vm14, v22, v33  }
0x59: {  	v33 =	vsel vm15, v23, v33  }
0x5a: {  	v33 =	vsel vm1, v24, v33  }
0x5b: {  	v33 =	vsel vm0, v25, v33  }
0x5c: {  	v33 =	vsel vm2, v27, v33  }
0x5d: {  	v33 =	vsel vm3, v28, v33;
	v60, _, _ =	vpop (xrf0)  }
0x5e: {  	v33 =	vsel vm4, v29, v33;
	v34 =	vbroadcast v60, $0xF  }
0x5f: {  	v33 =	vsel vm5, v30, v33  }
0x60: {  	v61 =	vsel vm10, v31, v33;
	vm15 =	veq.f32 v32, v34  }
0x61: {  	v32 =	vnsel vm15, $0x80000200, v61  }
0x62: {  	(xrf0) =	vmin.scan.msk.u32 $0xffff, v32;
	_ =	sdelay $0x5  }
0x63: {  	v32, _, _ =	vpop (xrf0)  }
0x64: {  	(v2sf) =	vpush v32, $0xF;
	_ =	sdelay $0xc  }
0x65: {  	p0 =	sne.s32 s21, $0x1F;
	v62 =	vmov s19  }
.Ltmp0:
0x66: {  	_ = 	snop;
	(pc) =	sbr.rel @p0 .LBB2_2-.Ltmp0, $4  }
0x67: {  	s31 =	spop (v2sf)  }
0x68: {  	s22 =	sadd.s32 $0x80, s22;
	s23 =	sadd.s32 $0x200, s23;
	s20 =	sxor.u32 $0x80000000, s31  }
0x69: {  	s24 =	sand.u32 $0x3000, s23;
	s25 =	sand.u32 $0x380, s22;
	v63 =	vmov s20  }
0x6a: {  	s19 =	smov.u32 s21;
	s21 =	sadd.s32 $0x1, s21;
	s20 =	sor.u32 s25, s24;
	[tilespmem:v62+s15+$0x0] =	vst.idx.msk $0x1, v63  }
0x6b: {  	v32 =	vld [tilespmem:s20+$0x10]  }
0x6c: {  	v33 =	vld [tilespmem:s20+$0x0];
	_ =	sdelay $0x1  }
0x6d: {  	v34 =	vld [tilespmem:s20+$0x20];
	_ =	sdelay $0x1  }
0x6e: {  	v35 =	vld [tilespmem:s20+$0x30]  }
0x6f: {  	vm0 =	vlt.f32 v32, v33  }
0x70: {  	v36 =	vld [tilespmem:s20+$0x40];
	v32 =	vsel vm0, v32, v33  }
0x71: {  	vm1 =	vlt.f32 v34, v32  }
0x72: {  	v44 =	vld [tilespmem:s20+$0x50];
	v32 =	vsel vm1, v34, v32  }
0x73: {  	vm2 =	vlt.f32 v35, v32  }
0x74: {  	v45 =	vld [tilespmem:s20+$0x60];
	v32 =	vsel vm2, v35, v32  }
0x75: {  	vm3 =	vlt.f32 v36, v32  }
0x76: {  	v46 =	vimm.s32 $0x0;
	v47 =	vld [tilespmem:s20+$0x70];
	v32 =	vsel vm3, v36, v32  }
0x77: {  	v35 =	vsel vm3, $0xFFFFFFFF, v46;
	vm3 =	vlt.f32 v44, v32  }
0x78: {  	v48 =	vimm.s32 $0x0;
	v49 =	vld [tilespmem:s20+$0x400];
	v32 =	vsel vm3, v44, v32  }
0x79: {  	v36 =	vsel vm3, $0xFFFFFFFF, v48;
	vm3 =	vlt.f32 v45, v32  }
0x7a: {  	v50 =	vimm.s32 $0x0;
	v51 =	vld [tilespmem:s20+$0x410];
	v32 =	vsel vm3, v45, v32  }
0x7b: {  	v33 =	vsel vm3, $0xFFFFFFFF, v50;
	vm3 =	vlt.f32 v47, v32  }
0x7c: {  	v52 =	vimm.s32 $0x0;
	v53 =	vld [tilespmem:s20+$0x420];
	v32 =	vsel vm3, v47, v32  }
0x7d: {  	v34 =	vsel vm3, $0xFFFFFFFF, v52;
	vm3 =	vlt.f32 v49, v32  }
0x7e: {  	v54 =	vimm.s32 $0x0;
	v55 =	vld [tilespmem:s20+$0x430];
	v32 =	vsel vm3, v49, v32  }
0x7f: {  	[tilespmem:$0x1FF70] =	vst v35;
	v35 =	vsel vm3, $0xFFFFFFFF, v54;
	vm3 =	vlt.f32 v51, v32  }
0x80: {  	v56 =	vimm.s32 $0x0;
	v57 =	vld [tilespmem:s20+$0x440];
	v32 =	vsel vm3, v51, v32  }
0x81: {  	[tilespmem:$0x1FF80] =	vst v36;
	v36 =	vsel vm3, $0xFFFFFFFF, v56;
	vm3 =	vlt.f32 v53, v32  }
0x82: {  	v59 =	vld [tilespmem:s20+$0x450];
	v32 =	vsel vm3, v53, v32  }
0x83: {  	vm10 =	vlt.f32 v55, v32  }
0x84: {  	v60 =	vld [tilespmem:s20+$0x460];
	v32 =	vsel vm10, v55, v32  }
0x85: {  	vm11 =	vlt.f32 v57, v32  }
0x86: {  	v61 =	vld [tilespmem:s20+$0x470];
	v32 =	vsel vm11, v57, v32  }
0x87: {  	vm12 =	vlt.f32 v59, v32  }
0x88: {  	v62 =	vld [tilespmem:s20+$0x800];
	v32 =	vsel vm12, v59, v32  }
0x89: {  	vm13 =	vlt.f32 v60, v32  }
0x8a: {  	v63 =	vld [tilespmem:s20+$0x810];
	v32 =	vsel vm13, v60, v32  }
0x8b: {  	vm14 =	vlt.f32 v61, v32  }
0x8c: {  	v40 =	vld [tilespmem:s20+$0x820];
	v32 =	vsel vm14, v61, v32  }
0x8d: {  	vm15 =	vlt.f32 v62, v32  }
0x8e: {  	v41 =	vld [tilespmem:s20+$0x830];
	v32 =	vsel vm15, v62, v32  }
0x8f: {  	v42 =	vld [tilespmem:s20+$0x840];
	vm8 =	vlt.f32 v63, v32  }
0x90: {  	v43 =	vld [tilespmem:s20+$0x850];
	v32 =	vsel vm8, v63, v32  }
0x91: {  	v44 =	vld [tilespmem:s20+$0x860];
	vm7 =	vlt.f32 v40, v32  }
0x92: {  	v48 =	vld [tilespmem:s20+$0xC10];
	v32 =	vsel vm7, v40, v32  }
0x93: {  	v37 =	vld [tilespmem:$0x1FF70];
	vm6 =	vlt.f32 v41, v32  }
0x94: {  	v45 =	vld [tilespmem:s20+$0x870];
	v32 =	vsel vm6, v41, v32  }
0x95: {  	v47 =	vld [tilespmem:s20+$0xC00];
	vm5 =	vlt.f32 v42, v32  }
0x96: {  	[tilespmem:$0x1FF90] =	vst v33;
	v49 =	vld [tilespmem:$0x1FF80];
	v32 =	vsel vm5, v42, v32  }
0x97: {  	[tilespmem:$0x1FFA0] =	vst v34;
	v51 =	vld [tilespmem:$0x1FF90];
	vm4 =	vlt.f32 v43, v32  }
0x98: {  	v58 =	vimm.s32 $0x0;
	v46 =	vsel vm0, v0, v26;
	v52 =	vld [tilespmem:$0x1FFA0];
	[tilespmem:$0x1FFB0] =	vst v35;
	v32 =	vsel vm4, v43, v32  }
0x99: {  	v54 =	vld [tilespmem:$0x1FFB0];
	[tilespmem:$0x1FFC0] =	vst v36;
	v36 =	vsel vm1, v1, v46;
	v33 =	vsel vm3, $0xFFFFFFFF, v58;
	vm3 =	vlt.f32 v44, v32  }
0x9a: {  	vm9 =	vnez.u8 v37;
	v36 =	vsel vm2, v2, v36;
	[tilespmem:$0x1FFD0] =	vst v33;
	v55 =	vld [tilespmem:$0x1FFC0];
	v32 =	vsel vm3, v44, v32  }
0x9b: {  	v36 =	vsel vm9, v3, v36;
	vm9 =	vnez.u8 v49;
	v57 =	vld [tilespmem:$0x1FFD0];
	vm2 =	vlt.f32 v45, v32  }
0x9c: {  	v50 =	vld [tilespmem:s20+$0xC20];
	v36 =	vsel vm9, v4, v36;
	vm9 =	vnez.u8 v51;
	v32 =	vsel vm2, v45, v32  }
0x9d: {  	v36 =	vsel vm9, v5, v36;
	vm9 =	vnez.u8 v52;
	vm1 =	vlt.f32 v47, v32  }
0x9e: {  	v53 =	vld [tilespmem:s20+$0xC30];
	v36 =	vsel vm9, v6, v36;
	vm9 =	vnez.u8 v54;
	v32 =	vsel vm1, v47, v32  }
0x9f: {  	v33 =	vsel vm9, v7, v36;
	vm9 =	vnez.u8 v55;
	vm0 =	vlt.f32 v48, v32  }
0xa0: {  	v56 =	vld [tilespmem:s20+$0xC40];
	v33 =	vsel vm9, v8, v33;
	vm9 =	vnez.u8 v57;
	v32 =	vsel vm0, v48, v32  }
0xa1: {  	v33 =	vsel vm9, v9, v33;
	vm9 =	vlt.f32 v50, v32  }
0xa2: {  	v58 =	vld [tilespmem:s20+$0xC50];
	v33 =	vsel vm10, v10, v33;
	v32 =	vsel vm9, v50, v32  }
0xa3: {  	v33 =	vsel vm11, v11, v33;
	vm10 =	vlt.f32 v53, v32  }
0xa4: {  	v59 =	vld [tilespmem:s20+$0xC60];
	v33 =	vsel vm12, v12, v33;
	v32 =	vsel vm10, v53, v32  }
0xa5: {  	v33 =	vsel vm13, v13, v33;
	vm11 =	vlt.f32 v56, v32  }
0xa6: {  	v60 =	vld [tilespmem:s20+$0xC70];
	v33 =	vsel vm14, v14, v33;
	v32 =	vsel vm11, v56, v32  }
0xa7: {  	v33 =	vsel vm15, v15, v33;
	vm12 =	vlt.f32 v58, v32  }
0xa8: {  	v33 =	vsel vm8, v16, v33;
	v32 =	vsel vm12, v58, v32  }
0xa9: {  	v33 =	vsel vm7, v17, v33;
	vm13 =	vlt.f32 v59, v32  }
0xaa: {  	v33 =	vsel vm6, v18, v33;
	v32 =	vsel vm13, v59, v32  }
0xab: {  	v33 =	vsel vm5, v19, v33;
	vm14 =	vlt.f32 v60, v32  }
0xac: {  	v33 =	vsel vm4, v20, v33;
	v32 =	vsel vm14, v60, v32  }
0xad: {  	v33 =	vsel vm3, v21, v33;
	(xrf0) =	vmin.scan.msk.f32 $0xffff, v32  }
0xae: {  	v33 =	vsel vm2, v22, v33  }
0xaf: {  	v33 =	vsel vm1, v23, v33  }
0xb0: {  	v33 =	vsel vm0, v24, v33  }
0xb1: {  	v33 =	vsel vm9, v25, v33  }
0xb2: {  	v33 =	vsel vm10, v27, v33  }
0xb3: {  	v33 =	vsel vm11, v28, v33;
	v61, _, _ =	vpop (xrf0)  }
0xb4: {  	v33 =	vsel vm12, v29, v33;
	v34 =	vbroadcast v61, $0xF  }
0xb5: {  	v33 =	vsel vm13, v30, v33  }
0xb6: {  	v33 =	vsel vm14, v31, v33;
	vm15 =	veq.f32 v32, v34  }
0xb7: {  	v32 =	vnsel vm15, $0x80000200, v33  }
0xb8: {  	(xrf0) =	vmin.scan.msk.u32 $0xffff, v32;
	_ =	sdelay $0x5  }
0xb9: {  	v32, _, _ =	vpop (xrf0)  }
0xba: {  	(v2sf) =	vpush v32, $0xF;
	_ =	sdelay $0xc  }
0xbb: {  	v62 =	vmov s19;
	_ =	sdelay $0x1  }
0xbc: {  	s30 =	spop (v2sf)  }
0xbd: {  	s19 =	sxor.u32 $0x80000000, s30  }
0xbe: {  	v63 =	vmov s19  }
0xbf: {  	s19 =	simm.s32 $0x0;
	[tilespmem:v62+s15+$0x0] =	vst.idx.msk $0x1, v63  }
0xc0: {  	[tilespmem:s19], [sflag:$0x1] =	stream.linear.gather [hbm4b:s5+s19], $0x4000, $0x38;
	[tilespmem:$0x8100] =	vst v63  }
0xc1: {  	s22 =	simm.s32 $0x0;
	s23 =	simm.s32 $0x0;
	_ =	swait.ge [sflag:s16], $0x4000  }
0xc2: {  	s31 =	sand.u32 $0x3000, s19;
	s21 =	sand.u32 $0x380, s19;
	[sflag:s16] =	ssyncset.done $0x0  }
0xc3: {  	s20 =	sor.u32 s21, s31;
	s21 =	simm.s32 $0x1;
	[sflag:s16] =	ssyncadd.s32 $0xFFFFC000  }
.LBB2_4:
0xc4: {  	v32 =	vld [tilespmem:s20+$0x4010]  }
0xc5: {  	v33 =	vld [tilespmem:s20+$0x4000];
	_ =	sdelay $0x1  }
0xc6: {  	v34 =	vld [tilespmem:s20+$0x4020];
	_ =	sdelay $0x1  }
0xc7: {  	v35 =	vld [tilespmem:s20+$0x4030]  }
0xc8: {  	vm0 =	vlt.f32 v32, v33  }
0xc9: {  	v36 =	vld [tilespmem:s20+$0x4040];
	v32 =	vsel vm0, v32, v33  }
0xca: {  	vm15 =	vlt.f32 v34, v32  }
0xcb: {  	v37 =	vld [tilespmem:s20+$0x4050];
	v32 =	vsel vm15, v34, v32  }
0xcc: {  	vm4 =	vlt.f32 v35, v32  }
0xcd: {  	v55 =	vld [tilespmem:s20+$0x4060];
	v32 =	vsel vm4, v35, v32  }
0xce: {  	vm5 =	vlt.f32 v36, v32  }
0xcf: {  	v56 =	vld [tilespmem:s20+$0x4070];
	v32 =	vsel vm5, v36, v32  }
0xd0: {  	vm6 =	vlt.f32 v37, v32  }
0xd1: {  	v57 =	vld [tilespmem:s20+$0x4400];
	v32 =	vsel vm6, v37, v32  }
0xd2: {  	vm7 =	vlt.f32 v55, v32  }
0xd3: {  	v58 =	vld [tilespmem:s20+$0x4410];
	v32 =	vsel vm7, v55, v32  }
0xd4: {  	vm8 =	vlt.f32 v56, v32  }
0xd5: {  	v59 =	vld [tilespmem:s20+$0x4420];
	v32 =	vsel vm8, v56, v32  }
0xd6: {  	vm9 =	vlt.f32 v57, v32  }
0xd7: {  	v60 =	vld [tilespmem:s20+$0x4430];
	v32 =	vsel vm9, v57, v32  }
0xd8: {  	v54 =	vsel vm0, v0, v26;
	vm0 =	vlt.f32 v58, v32  }
0xd9: {  	v61 =	vld [tilespmem:s20+$0x4440];
	v32 =	vsel vm0, v58, v32  }
0xda: {  	vm1 =	vlt.f32 v59, v32  }
0xdb: {  	v62 =	vimm.s32 $0x0;
	v63 =	vld [tilespmem:s20+$0x4450];
	v32 =	vsel vm1, v59, v32  }
0xdc: {  	v37 =	vsel vm1, $0xFFFFFFFF, v62;
	vm1 =	vlt.f32 v60, v32  }
0xdd: {  	v40 =	vld [tilespmem:s20+$0x4460];
	v32 =	vsel vm1, v60, v32  }
0xde: {  	vm3 =	vlt.f32 v61, v32  }
0xdf: {  	v41 =	vld [tilespmem:s20+$0x4470];
	v33 =	vsel vm15, v1, v54;
	v32 =	vsel vm3, v61, v32  }
0xe0: {  	v33 =	vsel vm4, v2, v33;
	vm4 =	vlt.f32 v63, v32  }
0xe1: {  	v42 =	vld [tilespmem:s20+$0x4800];
	v32 =	vsel vm4, v63, v32  }
0xe2: {  	v33 =	vsel vm5, v3, v33;
	vm5 =	vlt.f32 v40, v32  }
0xe3: {  	v43 =	vld [tilespmem:s20+$0x4810];
	v32 =	vsel vm5, v40, v32  }
0xe4: {  	v33 =	vsel vm6, v4, v33;
	vm6 =	vlt.f32 v41, v32  }
0xe5: {  	v44 =	vld [tilespmem:s20+$0x4820];
	v32 =	vsel vm6, v41, v32  }
0xe6: {  	v33 =	vsel vm7, v5, v33;
	vm7 =	vlt.f32 v42, v32  }
0xe7: {  	v45 =	vld [tilespmem:s20+$0x4830];
	v32 =	vsel vm7, v42, v32  }
0xe8: {  	v33 =	vsel vm8, v6, v33;
	vm8 =	vlt.f32 v43, v32  }
0xe9: {  	v46 =	vld [tilespmem:s20+$0x4840];
	v32 =	vsel vm8, v43, v32  }
0xea: {  	v33 =	vsel vm9, v7, v33;
	vm9 =	vlt.f32 v44, v32  }
0xeb: {  	v47 =	vld [tilespmem:s20+$0x4850];
	v32 =	vsel vm9, v44, v32  }
0xec: {  	vm10 =	vlt.f32 v45, v32  }
0xed: {  	v48 =	vld [tilespmem:s20+$0x4860];
	v32 =	vsel vm10, v45, v32  }
0xee: {  	vm11 =	vlt.f32 v46, v32  }
0xef: {  	v49 =	vld [tilespmem:s20+$0x4870];
	v32 =	vsel vm11, v46, v32  }
0xf0: {  	vm12 =	vlt.f32 v47, v32  }
0xf1: {  	v50 =	vld [tilespmem:s20+$0x4C00];
	v32 =	vsel vm12, v47, v32  }
0xf2: {  	v39 =	vimm.s32 $0x0;
	v51 =	vld [tilespmem:s20+$0x4C10];
	vm13 =	vlt.f32 v48, v32  }
0xf3: {  	v52 =	vld [tilespmem:s20+$0x4C20];
	[tilespmem:$0x1FF50] =	vst v37;
	v34 =	vsel vm1, $0xFFFFFFFF, v39;
	v32 =	vsel vm13, v48, v32  }
0xf4: {  	v55 =	vld [tilespmem:$0x1FF50];
	[tilespmem:$0x1FF60] =	vst v34;
	vm14 =	vlt.f32 v49, v32  }
0xf5: {  	v57 =	vld [tilespmem:$0x1FF60];
	v32 =	vsel vm14, v49, v32  }
0xf6: {  	vm15 =	vlt.f32 v50, v32  }
0xf7: {  	v53 =	vld [tilespmem:s20+$0x4C30];
	v32 =	vsel vm15, v50, v32  }
0xf8: {  	vm1 =	vlt.f32 v51, v32  }
0xf9: {  	v54 =	vld [tilespmem:s20+$0x4C40];
	v33 =	vsel vm0, v8, v33;
	vm2 =	vnez.u8 v55;
	v32 =	vsel vm1, v51, v32  }
0xfa: {  	v33 =	vsel vm2, v9, v33;
	vm2 =	vnez.u8 v57;
	vm0 =	vlt.f32 v52, v32  }
0xfb: {  	v56 =	vld [tilespmem:s20+$0x4C50];
	v33 =	vsel vm2, v10, v33;
	v32 =	vsel vm0, v52, v32  }
0xfc: {  	v33 =	vsel vm3, v11, v33;
	vm2 =	vlt.f32 v53, v32  }
0xfd: {  	v58 =	vld [tilespmem:s20+$0x4C60];
	v33 =	vsel vm4, v12, v33;
	v32 =	vsel vm2, v53, v32  }
0xfe: {  	v33 =	vsel vm5, v13, v33;
	vm3 =	vlt.f32 v54, v32  }
0xff: {  	v59 =	vld [tilespmem:s20+$0x4C70];
	v33 =	vsel vm6, v14, v33;
	v32 =	vsel vm3, v54, v32  }
0x100: {  	v33 =	vsel vm7, v15, v33;
	vm4 =	vlt.f32 v56, v32  }
0x101: {  	v33 =	vsel vm8, v16, v33;
	v32 =	vsel vm4, v56, v32  }
0x102: {  	v33 =	vsel vm9, v17, v33;
	vm5 =	vlt.f32 v58, v32  }
0x103: {  	v33 =	vsel vm10, v18, v33;
	v32 =	vsel vm5, v58, v32  }
0x104: {  	v33 =	vsel vm11, v19, v33;
	vm10 =	vlt.f32 v59, v32  }
0x105: {  	v33 =	vsel vm12, v20, v33;
	v32 =	vsel vm10, v59, v32  }
0x106: {  	v33 =	vsel vm13, v21, v33;
	(xrf0) =	vmin.scan.msk.f32 $0xffff, v32  }
0x107: {  	v33 =	vsel vm14, v22, v33  }
0x108: {  	v33 =	vsel vm15, v23, v33  }
0x109: {  	v33 =	vsel vm1, v24, v33  }
0x10a: {  	v33 =	vsel vm0, v25, v33  }
0x10b: {  	v33 =	vsel vm2, v27, v33  }
0x10c: {  	v33 =	vsel vm3, v28, v33;
	v60, _, _ =	vpop (xrf0)  }
0x10d: {  	v33 =	vsel vm4, v29, v33;
	v34 =	vbroadcast v60, $0xF  }
0x10e: {  	v33 =	vsel vm5, v30, v33  }
0x10f: {  	v61 =	vsel vm10, v31, v33;
	vm15 =	veq.f32 v32, v34  }
0x110: {  	v32 =	vnsel vm15, $0x80000200, v61  }
0x111: {  	(xrf0) =	vmin.scan.msk.u32 $0xffff, v32;
	_ =	sdelay $0x5  }
0x112: {  	v32, _, _ =	vpop (xrf0)  }
0x113: {  	(v2sf) =	vpush v32, $0xF;
	_ =	sdelay $0x9  }
0x114: {  	v62 =	vmov s19  }
0x115: {  	v32 =	vadd.s32 $0x20, v62  }
0x116: {  	v32 =	vbroadcast v32, $0x0  }
0x117: {  	p0 =	sne.s32 s21, $0x1F  }
.Ltmp1:
0x118: {  	_ = 	snop;
	(pc) =	sbr.rel @p0 .LBB2_4-.Ltmp1, $4  }
0x119: {  	s31 =	spop (v2sf)  }
0x11a: {  	s22 =	sadd.s32 $0x80, s22;
	s23 =	sadd.s32 $0x200, s23;
	s20 =	sxor.u32 $0x80000000, s31  }
0x11b: {  	s24 =	sand.u32 $0x3000, s23;
	s25 =	sand.u32 $0x380, s22;
	v63 =	vmov s20  }
0x11c: {  	s19 =	smov.u32 s21;
	s21 =	sadd.s32 $0x1, s21;
	s20 =	sor.u32 s25, s24;
	[tilespmem:v32+s15+$0x0] =	vst.idx.msk $0x1, v63  }
0x11d: {  	v32 =	vld [tilespmem:s20+$0x4010]  }
0x11e: {  	v33 =	vld [tilespmem:s20+$0x4000];
	_ =	sdelay $0x1  }
0x11f: {  	v34 =	vld [tilespmem:s20+$0x4020];
	_ =	sdelay $0x1  }
0x120: {  	v35 =	vld [tilespmem:s20+$0x4030]  }
0x121: {  	vm0 =	vlt.f32 v32, v33  }
0x122: {  	v36 =	vld [tilespmem:s20+$0x4040];
	v32 =	vsel vm0, v32, v33  }
0x123: {  	vm1 =	vlt.f32 v34, v32  }
0x124: {  	v44 =	vld [tilespmem:s20+$0x4050];
	v32 =	vsel vm1, v34, v32  }
0x125: {  	vm2 =	vlt.f32 v35, v32  }
0x126: {  	v45 =	vld [tilespmem:s20+$0x4060];
	v32 =	vsel vm2, v35, v32  }
0x127: {  	vm3 =	vlt.f32 v36, v32  }
0x128: {  	v46 =	vimm.s32 $0x0;
	v47 =	vld [tilespmem:s20+$0x4070];
	v32 =	vsel vm3, v36, v32  }
0x129: {  	v35 =	vsel vm3, $0xFFFFFFFF, v46;
	vm3 =	vlt.f32 v44, v32  }
0x12a: {  	v48 =	vimm.s32 $0x0;
	v49 =	vld [tilespmem:s20+$0x4400];
	v32 =	vsel vm3, v44, v32  }
0x12b: {  	v36 =	vsel vm3, $0xFFFFFFFF, v48;
	vm3 =	vlt.f32 v45, v32  }
0x12c: {  	v50 =	vimm.s32 $0x0;
	v51 =	vld [tilespmem:s20+$0x4410];
	v32 =	vsel vm3, v45, v32  }
0x12d: {  	v33 =	vsel vm3, $0xFFFFFFFF, v50;
	vm3 =	vlt.f32 v47, v32  }
0x12e: {  	v52 =	vimm.s32 $0x0;
	v53 =	vld [tilespmem:s20+$0x4420];
	v32 =	vsel vm3, v47, v32  }
0x12f: {  	v34 =	vsel vm3, $0xFFFFFFFF, v52;
	vm3 =	vlt.f32 v49, v32  }
0x130: {  	v54 =	vimm.s32 $0x0;
	v55 =	vld [tilespmem:s20+$0x4430];
	v32 =	vsel vm3, v49, v32  }
0x131: {  	[tilespmem:$0x1FEE0] =	vst v35;
	v35 =	vsel vm3, $0xFFFFFFFF, v54;
	vm3 =	vlt.f32 v51, v32  }
0x132: {  	v56 =	vimm.s32 $0x0;
	v57 =	vld [tilespmem:s20+$0x4440];
	v32 =	vsel vm3, v51, v32  }
0x133: {  	[tilespmem:$0x1FEF0] =	vst v36;
	v36 =	vsel vm3, $0xFFFFFFFF, v56;
	vm3 =	vlt.f32 v53, v32  }
0x134: {  	v59 =	vld [tilespmem:s20+$0x4450];
	v32 =	vsel vm3, v53, v32  }
0x135: {  	vm10 =	vlt.f32 v55, v32  }
0x136: {  	v60 =	vld [tilespmem:s20+$0x4460];
	v32 =	vsel vm10, v55, v32  }
0x137: {  	vm11 =	vlt.f32 v57, v32  }
0x138: {  	v61 =	vld [tilespmem:s20+$0x4470];
	v32 =	vsel vm11, v57, v32  }
0x139: {  	vm12 =	vlt.f32 v59, v32  }
0x13a: {  	v62 =	vld [tilespmem:s20+$0x4800];
	v32 =	vsel vm12, v59, v32  }
0x13b: {  	vm13 =	vlt.f32 v60, v32  }
0x13c: {  	v63 =	vld [tilespmem:s20+$0x4810];
	v32 =	vsel vm13, v60, v32  }
0x13d: {  	vm14 =	vlt.f32 v61, v32  }
0x13e: {  	v40 =	vld [tilespmem:s20+$0x4820];
	v32 =	vsel vm14, v61, v32  }
0x13f: {  	vm15 =	vlt.f32 v62, v32  }
0x140: {  	v41 =	vld [tilespmem:s20+$0x4830];
	v32 =	vsel vm15, v62, v32  }
0x141: {  	v42 =	vld [tilespmem:s20+$0x4840];
	vm8 =	vlt.f32 v63, v32  }
0x142: {  	v43 =	vld [tilespmem:s20+$0x4850];
	v32 =	vsel vm8, v63, v32  }
0x143: {  	v44 =	vld [tilespmem:s20+$0x4860];
	vm7 =	vlt.f32 v40, v32  }
0x144: {  	v48 =	vld [tilespmem:s20+$0x4C10];
	v32 =	vsel vm7, v40, v32  }
0x145: {  	v37 =	vld [tilespmem:$0x1FEE0];
	vm6 =	vlt.f32 v41, v32  }
0x146: {  	v45 =	vld [tilespmem:s20+$0x4870];
	v32 =	vsel vm6, v41, v32  }
0x147: {  	v47 =	vld [tilespmem:s20+$0x4C00];
	vm5 =	vlt.f32 v42, v32  }
0x148: {  	[tilespmem:$0x1FF00] =	vst v33;
	v49 =	vld [tilespmem:$0x1FEF0];
	v32 =	vsel vm5, v42, v32  }
0x149: {  	[tilespmem:$0x1FF10] =	vst v34;
	v51 =	vld [tilespmem:$0x1FF00];
	vm4 =	vlt.f32 v43, v32  }
0x14a: {  	v58 =	vimm.s32 $0x0;
	v46 =	vsel vm0, v0, v26;
	v52 =	vld [tilespmem:$0x1FF10];
	[tilespmem:$0x1FF20] =	vst v35;
	v32 =	vsel vm4, v43, v32  }
0x14b: {  	v54 =	vld [tilespmem:$0x1FF20];
	[tilespmem:$0x1FF30] =	vst v36;
	v36 =	vsel vm1, v1, v46;
	v33 =	vsel vm3, $0xFFFFFFFF, v58;
	vm3 =	vlt.f32 v44, v32  }
0x14c: {  	vm9 =	vnez.u8 v37;
	v36 =	vsel vm2, v2, v36;
	[tilespmem:$0x1FF40] =	vst v33;
	v55 =	vld [tilespmem:$0x1FF30];
	v32 =	vsel vm3, v44, v32  }
0x14d: {  	v36 =	vsel vm9, v3, v36;
	vm9 =	vnez.u8 v49;
	v57 =	vld [tilespmem:$0x1FF40];
	vm2 =	vlt.f32 v45, v32  }
0x14e: {  	v50 =	vld [tilespmem:s20+$0x4C20];
	v36 =	vsel vm9, v4, v36;
	vm9 =	vnez.u8 v51;
	v32 =	vsel vm2, v45, v32  }
0x14f: {  	v36 =	vsel vm9, v5, v36;
	vm9 =	vnez.u8 v52;
	vm1 =	vlt.f32 v47, v32  }
0x150: {  	v53 =	vld [tilespmem:s20+$0x4C30];
	v36 =	vsel vm9, v6, v36;
	vm9 =	vnez.u8 v54;
	v32 =	vsel vm1, v47, v32  }
0x151: {  	v33 =	vsel vm9, v7, v36;
	vm9 =	vnez.u8 v55;
	vm0 =	vlt.f32 v48, v32  }
0x152: {  	v56 =	vld [tilespmem:s20+$0x4C40];
	v33 =	vsel vm9, v8, v33;
	vm9 =	vnez.u8 v57;
	v32 =	vsel vm0, v48, v32  }
0x153: {  	v33 =	vsel vm9, v9, v33;
	vm9 =	vlt.f32 v50, v32  }
0x154: {  	v58 =	vld [tilespmem:s20+$0x4C50];
	v33 =	vsel vm10, v10, v33;
	v32 =	vsel vm9, v50, v32  }
0x155: {  	v33 =	vsel vm11, v11, v33;
	vm10 =	vlt.f32 v53, v32  }
0x156: {  	v59 =	vld [tilespmem:s20+$0x4C60];
	v33 =	vsel vm12, v12, v33;
	v32 =	vsel vm10, v53, v32  }
0x157: {  	v33 =	vsel vm13, v13, v33;
	vm11 =	vlt.f32 v56, v32  }
0x158: {  	v60 =	vld [tilespmem:s20+$0x4C70];
	v33 =	vsel vm14, v14, v33;
	v32 =	vsel vm11, v56, v32  }
0x159: {  	v33 =	vsel vm15, v15, v33;
	vm12 =	vlt.f32 v58, v32  }
0x15a: {  	v33 =	vsel vm8, v16, v33;
	v32 =	vsel vm12, v58, v32  }
0x15b: {  	v33 =	vsel vm7, v17, v33;
	vm13 =	vlt.f32 v59, v32  }
0x15c: {  	v33 =	vsel vm6, v18, v33;
	v32 =	vsel vm13, v59, v32  }
0x15d: {  	v33 =	vsel vm5, v19, v33;
	vm14 =	vlt.f32 v60, v32  }
0x15e: {  	v33 =	vsel vm4, v20, v33;
	v32 =	vsel vm14, v60, v32  }
0x15f: {  	v33 =	vsel vm3, v21, v33;
	(xrf0) =	vmin.scan.msk.f32 $0xffff, v32  }
0x160: {  	v33 =	vsel vm2, v22, v33  }
0x161: {  	v33 =	vsel vm1, v23, v33  }
0x162: {  	v33 =	vsel vm0, v24, v33  }
0x163: {  	v33 =	vsel vm9, v25, v33  }
0x164: {  	v33 =	vsel vm10, v27, v33  }
0x165: {  	v33 =	vsel vm11, v28, v33;
	v61, _, _ =	vpop (xrf0)  }
0x166: {  	v33 =	vsel vm12, v29, v33;
	v34 =	vbroadcast v61, $0xF  }
0x167: {  	v33 =	vsel vm13, v30, v33  }
0x168: {  	v33 =	vsel vm14, v31, v33;
	vm15 =	veq.f32 v32, v34  }
0x169: {  	v32 =	vnsel vm15, $0x80000200, v33  }
0x16a: {  	(xrf0) =	vmin.scan.msk.u32 $0xffff, v32;
	_ =	sdelay $0x5  }
0x16b: {  	v32, _, _ =	vpop (xrf0)  }
0x16c: {  	(v2sf) =	vpush v32, $0xF;
	_ =	sdelay $0x9  }
0x16d: {  	v62 =	vmov s19  }
0x16e: {  	v32 =	vadd.s32 $0x20, v62  }
0x16f: {  	v32 =	vbroadcast v32, $0x0;
	_ =	sdelay $0x2  }
0x170: {  	s30 =	spop (v2sf)  }
0x171: {  	s19 =	sxor.u32 $0x80000000, s30  }
0x172: {  	v63 =	vmov s19  }
0x173: {  	s19 =	simm.s32 $0x0;
	[tilespmem:v32+s15+$0x0] =	vst.idx.msk $0x1, v63  }
0x174: {  	[tilespmem:s11], [sflag:$0x2] =	stream.linear.gather [hbm4b:s6+s19], $0x4000, $0x38;
	[tilespmem:$0x8100] =	vst v63  }
0x175: {  	s22 =	simm.s32 $0x0;
	s23 =	simm.s32 $0x0;
	_ =	swait.ge [sflag:s14], $0x4000  }
0x176: {  	s31 =	sand.u32 $0x3000, s19;
	s21 =	sand.u32 $0x380, s19;
	[sflag:s14] =	ssyncset.done $0x0  }
0x177: {  	s20 =	sor.u32 s21, s31;
	s21 =	simm.s32 $0x1;
	[sflag:s14] =	ssyncadd.s32 $0xFFFFC000  }
.LBB2_6:
0x178: {  	v32 =	vld [tilespmem:s20+$0x10]  }
0x179: {  	v33 =	vld [tilespmem:s20+$0x0];
	_ =	sdelay $0x1  }
0x17a: {  	v34 =	vld [tilespmem:s20+$0x20];
	_ =	sdelay $0x1  }
0x17b: {  	v35 =	vld [tilespmem:s20+$0x30]  }
0x17c: {  	vm0 =	vlt.f32 v32, v33  }
0x17d: {  	v36 =	vld [tilespmem:s20+$0x40];
	v32 =	vsel vm0, v32, v33  }
0x17e: {  	vm15 =	vlt.f32 v34, v32  }
0x17f: {  	v37 =	vld [tilespmem:s20+$0x50];
	v32 =	vsel vm15, v34, v32  }
0x180: {  	vm4 =	vlt.f32 v35, v32  }
0x181: {  	v55 =	vld [tilespmem:s20+$0x60];
	v32 =	vsel vm4, v35, v32  }
0x182: {  	vm5 =	vlt.f32 v36, v32  }
0x183: {  	v56 =	vld [tilespmem:s20+$0x70];
	v32 =	vsel vm5, v36, v32  }
0x184: {  	vm6 =	vlt.f32 v37, v32  }
0x185: {  	v57 =	vld [tilespmem:s20+$0x400];
	v32 =	vsel vm6, v37, v32  }
0x186: {  	vm7 =	vlt.f32 v55, v32  }
0x187: {  	v58 =	vld [tilespmem:s20+$0x410];
	v32 =	vsel vm7, v55, v32  }
0x188: {  	vm8 =	vlt.f32 v56, v32  }
0x189: {  	v59 =	vld [tilespmem:s20+$0x420];
	v32 =	vsel vm8, v56, v32  }
0x18a: {  	vm9 =	vlt.f32 v57, v32  }
0x18b: {  	v60 =	vld [tilespmem:s20+$0x430];
	v32 =	vsel vm9, v57, v32  }
0x18c: {  	v54 =	vsel vm0, v0, v26;
	vm0 =	vlt.f32 v58, v32  }
0x18d: {  	v61 =	vld [tilespmem:s20+$0x440];
	v32 =	vsel vm0, v58, v32  }
0x18e: {  	vm1 =	vlt.f32 v59, v32  }
0x18f: {  	v62 =	vimm.s32 $0x0;
	v63 =	vld [tilespmem:s20+$0x450];
	v32 =	vsel vm1, v59, v32  }
0x190: {  	v37 =	vsel vm1, $0xFFFFFFFF, v62;
	vm1 =	vlt.f32 v60, v32  }
0x191: {  	v40 =	vld [tilespmem:s20+$0x460];
	v32 =	vsel vm1, v60, v32  }
0x192: {  	vm3 =	vlt.f32 v61, v32  }
0x193: {  	v41 =	vld [tilespmem:s20+$0x470];
	v33 =	vsel vm15, v1, v54;
	v32 =	vsel vm3, v61, v32  }
0x194: {  	v33 =	vsel vm4, v2, v33;
	vm4 =	vlt.f32 v63, v32  }
0x195: {  	v42 =	vld [tilespmem:s20+$0x800];
	v32 =	vsel vm4, v63, v32  }
0x196: {  	v33 =	vsel vm5, v3, v33;
	vm5 =	vlt.f32 v40, v32  }
0x197: {  	v43 =	vld [tilespmem:s20+$0x810];
	v32 =	vsel vm5, v40, v32  }
0x198: {  	v33 =	vsel vm6, v4, v33;
	vm6 =	vlt.f32 v41, v32  }
0x199: {  	v44 =	vld [tilespmem:s20+$0x820];
	v32 =	vsel vm6, v41, v32  }
0x19a: {  	v33 =	vsel vm7, v5, v33;
	vm7 =	vlt.f32 v42, v32  }
0x19b: {  	v45 =	vld [tilespmem:s20+$0x830];
	v32 =	vsel vm7, v42, v32  }
0x19c: {  	v33 =	vsel vm8, v6, v33;
	vm8 =	vlt.f32 v43, v32  }
0x19d: {  	v46 =	vld [tilespmem:s20+$0x840];
	v32 =	vsel vm8, v43, v32  }
0x19e: {  	v33 =	vsel vm9, v7, v33;
	vm9 =	vlt.f32 v44, v32  }
0x19f: {  	v47 =	vld [tilespmem:s20+$0x850];
	v32 =	vsel vm9, v44, v32  }
0x1a0: {  	vm10 =	vlt.f32 v45, v32  }
0x1a1: {  	v48 =	vld [tilespmem:s20+$0x860];
	v32 =	vsel vm10, v45, v32  }
0x1a2: {  	vm11 =	vlt.f32 v46, v32  }
0x1a3: {  	v49 =	vld [tilespmem:s20+$0x870];
	v32 =	vsel vm11, v46, v32  }
0x1a4: {  	vm12 =	vlt.f32 v47, v32  }
0x1a5: {  	v50 =	vld [tilespmem:s20+$0xC00];
	v32 =	vsel vm12, v47, v32  }
0x1a6: {  	v39 =	vimm.s32 $0x0;
	v51 =	vld [tilespmem:s20+$0xC10];
	vm13 =	vlt.f32 v48, v32  }
0x1a7: {  	v52 =	vld [tilespmem:s20+$0xC20];
	[tilespmem:$0x1FEC0] =	vst v37;
	v34 =	vsel vm1, $0xFFFFFFFF, v39;
	v32 =	vsel vm13, v48, v32  }
0x1a8: {  	v55 =	vld [tilespmem:$0x1FEC0];
	[tilespmem:$0x1FED0] =	vst v34;
	vm14 =	vlt.f32 v49, v32  }
0x1a9: {  	v57 =	vld [tilespmem:$0x1FED0];
	v32 =	vsel vm14, v49, v32  }
0x1aa: {  	vm15 =	vlt.f32 v50, v32  }
0x1ab: {  	v53 =	vld [tilespmem:s20+$0xC30];
	v32 =	vsel vm15, v50, v32  }
0x1ac: {  	vm1 =	vlt.f32 v51, v32  }
0x1ad: {  	v54 =	vld [tilespmem:s20+$0xC40];
	v33 =	vsel vm0, v8, v33;
	vm2 =	vnez.u8 v55;
	v32 =	vsel vm1, v51, v32  }
0x1ae: {  	v33 =	vsel vm2, v9, v33;
	vm2 =	vnez.u8 v57;
	vm0 =	vlt.f32 v52, v32  }
0x1af: {  	v56 =	vld [tilespmem:s20+$0xC50];
	v33 =	vsel vm2, v10, v33;
	v32 =	vsel vm0, v52, v32  }
0x1b0: {  	v33 =	vsel vm3, v11, v33;
	vm2 =	vlt.f32 v53, v32  }
0x1b1: {  	v58 =	vld [tilespmem:s20+$0xC60];
	v33 =	vsel vm4, v12, v33;
	v32 =	vsel vm2, v53, v32  }
0x1b2: {  	v33 =	vsel vm5, v13, v33;
	vm3 =	vlt.f32 v54, v32  }
0x1b3: {  	v59 =	vld [tilespmem:s20+$0xC70];
	v33 =	vsel vm6, v14, v33;
	v32 =	vsel vm3, v54, v32  }
0x1b4: {  	v33 =	vsel vm7, v15, v33;
	vm4 =	vlt.f32 v56, v32  }
0x1b5: {  	v33 =	vsel vm8, v16, v33;
	v32 =	vsel vm4, v56, v32  }
0x1b6: {  	v33 =	vsel vm9, v17, v33;
	vm5 =	vlt.f32 v58, v32  }
0x1b7: {  	v33 =	vsel vm10, v18, v33;
	v32 =	vsel vm5, v58, v32  }
0x1b8: {  	v33 =	vsel vm11, v19, v33;
	vm10 =	vlt.f32 v59, v32  }
0x1b9: {  	v33 =	vsel vm12, v20, v33;
	v32 =	vsel vm10, v59, v32  }
0x1ba: {  	v33 =	vsel vm13, v21, v33;
	(xrf0) =	vmin.scan.msk.f32 $0xffff, v32  }
0x1bb: {  	v33 =	vsel vm14, v22, v33  }
0x1bc: {  	v33 =	vsel vm15, v23, v33  }
0x1bd: {  	v33 =	vsel vm1, v24, v33  }
0x1be: {  	v33 =	vsel vm0, v25, v33  }
0x1bf: {  	v33 =	vsel vm2, v27, v33  }
0x1c0: {  	v33 =	vsel vm3, v28, v33;
	v60, _, _ =	vpop (xrf0)  }
0x1c1: {  	v33 =	vsel vm4, v29, v33;
	v34 =	vbroadcast v60, $0xF  }
0x1c2: {  	v33 =	vsel vm5, v30, v33  }
0x1c3: {  	v61 =	vsel vm10, v31, v33;
	vm15 =	veq.f32 v32, v34  }
0x1c4: {  	v32 =	vnsel vm15, $0x80000200, v61  }
0x1c5: {  	(xrf0) =	vmin.scan.msk.u32 $0xffff, v32;
	_ =	sdelay $0x5  }
0x1c6: {  	v32, _, _ =	vpop (xrf0)  }
0x1c7: {  	(v2sf) =	vpush v32, $0xF;
	_ =	sdelay $0x9  }
0x1c8: {  	v62 =	vmov s19  }
0x1c9: {  	v32 =	vadd.s32 $0x40, v62  }
0x1ca: {  	v32 =	vbroadcast v32, $0x0  }
0x1cb: {  	p0 =	sne.s32 s21, $0x1F  }
.Ltmp2:
0x1cc: {  	_ = 	snop;
	(pc) =	sbr.rel @p0 .LBB2_6-.Ltmp2, $4  }
0x1cd: {  	s31 =	spop (v2sf)  }
0x1ce: {  	s22 =	sadd.s32 $0x80, s22;
	s23 =	sadd.s32 $0x200, s23;
	s20 =	sxor.u32 $0x80000000, s31  }
0x1cf: {  	s24 =	sand.u32 $0x3000, s23;
	s25 =	sand.u32 $0x380, s22;
	v63 =	vmov s20  }
0x1d0: {  	s19 =	smov.u32 s21;
	s21 =	sadd.s32 $0x1, s21;
	s20 =	sor.u32 s25, s24;
	[tilespmem:v32+s15+$0x0] =	vst.idx.msk $0x1, v63  }
0x1d1: {  	v32 =	vld [tilespmem:s20+$0x10]  }
0x1d2: {  	v33 =	vld [tilespmem:s20+$0x0];
	_ =	sdelay $0x1  }
0x1d3: {  	v34 =	vld [tilespmem:s20+$0x20];
	_ =	sdelay $0x1  }
0x1d4: {  	v35 =	vld [tilespmem:s20+$0x30]  }
0x1d5: {  	vm0 =	vlt.f32 v32, v33  }
0x1d6: {  	v36 =	vld [tilespmem:s20+$0x40];
	v32 =	vsel vm0, v32, v33  }
0x1d7: {  	vm1 =	vlt.f32 v34, v32  }
0x1d8: {  	v44 =	vld [tilespmem:s20+$0x50];
	v32 =	vsel vm1, v34, v32  }
0x1d9: {  	vm2 =	vlt.f32 v35, v32  }
0x1da: {  	v45 =	vld [tilespmem:s20+$0x60];
	v32 =	vsel vm2, v35, v32  }
0x1db: {  	vm3 =	vlt.f32 v36, v32  }
0x1dc: {  	v46 =	vimm.s32 $0x0;
	v47 =	vld [tilespmem:s20+$0x70];
	v32 =	vsel vm3, v36, v32  }
0x1dd: {  	v35 =	vsel vm3, $0xFFFFFFFF, v46;
	vm3 =	vlt.f32 v44, v32  }
0x1de: {  	v48 =	vimm.s32 $0x0;
	v49 =	vld [tilespmem:s20+$0x400];
	v32 =	vsel vm3, v44, v32  }
0x1df: {  	v36 =	vsel vm3, $0xFFFFFFFF, v48;
	vm3 =	vlt.f32 v45, v32  }
0x1e0: {  	v50 =	vimm.s32 $0x0;
	v51 =	vld [tilespmem:s20+$0x410];
	v32 =	vsel vm3, v45, v32  }
0x1e1: {  	v33 =	vsel vm3, $0xFFFFFFFF, v50;
	vm3 =	vlt.f32 v47, v32  }
0x1e2: {  	v52 =	vimm.s32 $0x0;
	v53 =	vld [tilespmem:s20+$0x420];
	v32 =	vsel vm3, v47, v32  }
0x1e3: {  	v34 =	vsel vm3, $0xFFFFFFFF, v52;
	vm3 =	vlt.f32 v49, v32  }
0x1e4: {  	v54 =	vimm.s32 $0x0;
	v55 =	vld [tilespmem:s20+$0x430];
	v32 =	vsel vm3, v49, v32  }
0x1e5: {  	[tilespmem:$0x1FE50] =	vst v35;
	v35 =	vsel vm3, $0xFFFFFFFF, v54;
	vm3 =	vlt.f32 v51, v32  }
0x1e6: {  	v56 =	vimm.s32 $0x0;
	v57 =	vld [tilespmem:s20+$0x440];
	v32 =	vsel vm3, v51, v32  }
0x1e7: {  	[tilespmem:$0x1FE60] =	vst v36;
	v36 =	vsel vm3, $0xFFFFFFFF, v56;
	vm3 =	vlt.f32 v53, v32  }
0x1e8: {  	v59 =	vld [tilespmem:s20+$0x450];
	v32 =	vsel vm3, v53, v32  }
0x1e9: {  	vm10 =	vlt.f32 v55, v32  }
0x1ea: {  	v60 =	vld [tilespmem:s20+$0x460];
	v32 =	vsel vm10, v55, v32  }
0x1eb: {  	vm11 =	vlt.f32 v57, v32  }
0x1ec: {  	v61 =	vld [tilespmem:s20+$0x470];
	v32 =	vsel vm11, v57, v32  }
0x1ed: {  	vm12 =	vlt.f32 v59, v32  }
0x1ee: {  	v62 =	vld [tilespmem:s20+$0x800];
	v32 =	vsel vm12, v59, v32  }
0x1ef: {  	vm13 =	vlt.f32 v60, v32  }
0x1f0: {  	v63 =	vld [tilespmem:s20+$0x810];
	v32 =	vsel vm13, v60, v32  }
0x1f1: {  	vm14 =	vlt.f32 v61, v32  }
0x1f2: {  	v40 =	vld [tilespmem:s20+$0x820];
	v32 =	vsel vm14, v61, v32  }
0x1f3: {  	vm15 =	vlt.f32 v62, v32  }
0x1f4: {  	v41 =	vld [tilespmem:s20+$0x830];
	v32 =	vsel vm15, v62, v32  }
0x1f5: {  	v42 =	vld [tilespmem:s20+$0x840];
	vm8 =	vlt.f32 v63, v32  }
0x1f6: {  	v43 =	vld [tilespmem:s20+$0x850];
	v32 =	vsel vm8, v63, v32  }
0x1f7: {  	v44 =	vld [tilespmem:s20+$0x860];
	vm7 =	vlt.f32 v40, v32  }
0x1f8: {  	v48 =	vld [tilespmem:s20+$0xC10];
	v32 =	vsel vm7, v40, v32  }
0x1f9: {  	v37 =	vld [tilespmem:$0x1FE50];
	vm6 =	vlt.f32 v41, v32  }
0x1fa: {  	v45 =	vld [tilespmem:s20+$0x870];
	v32 =	vsel vm6, v41, v32  }
0x1fb: {  	v47 =	vld [tilespmem:s20+$0xC00];
	vm5 =	vlt.f32 v42, v32  }
0x1fc: {  	[tilespmem:$0x1FE70] =	vst v33;
	v49 =	vld [tilespmem:$0x1FE60];
	v32 =	vsel vm5, v42, v32  }
0x1fd: {  	[tilespmem:$0x1FE80] =	vst v34;
	v51 =	vld [tilespmem:$0x1FE70];
	vm4 =	vlt.f32 v43, v32  }
0x1fe: {  	v58 =	vimm.s32 $0x0;
	v46 =	vsel vm0, v0, v26;
	v52 =	vld [tilespmem:$0x1FE80];
	[tilespmem:$0x1FE90] =	vst v35;
	v32 =	vsel vm4, v43, v32  }
0x1ff: {  	v54 =	vld [tilespmem:$0x1FE90];
	[tilespmem:$0x1FEA0] =	vst v36;
	v36 =	vsel vm1, v1, v46;
	v33 =	vsel vm3, $0xFFFFFFFF, v58;
	vm3 =	vlt.f32 v44, v32  }
0x200: {  	vm9 =	vnez.u8 v37;
	v36 =	vsel vm2, v2, v36;
	[tilespmem:$0x1FEB0] =	vst v33;
	v55 =	vld [tilespmem:$0x1FEA0];
	v32 =	vsel vm3, v44, v32  }
0x201: {  	v36 =	vsel vm9, v3, v36;
	vm9 =	vnez.u8 v49;
	v57 =	vld [tilespmem:$0x1FEB0];
	vm2 =	vlt.f32 v45, v32  }
0x202: {  	v50 =	vld [tilespmem:s20+$0xC20];
	v36 =	vsel vm9, v4, v36;
	vm9 =	vnez.u8 v51;
	v32 =	vsel vm2, v45, v32  }
0x203: {  	v36 =	vsel vm9, v5, v36;
	vm9 =	vnez.u8 v52;
	vm1 =	vlt.f32 v47, v32  }
0x204: {  	v53 =	vld [tilespmem:s20+$0xC30];
	v36 =	vsel vm9, v6, v36;
	vm9 =	vnez.u8 v54;
	v32 =	vsel vm1, v47, v32  }
0x205: {  	v33 =	vsel vm9, v7, v36;
	vm9 =	vnez.u8 v55;
	vm0 =	vlt.f32 v48, v32  }
0x206: {  	v56 =	vld [tilespmem:s20+$0xC40];
	v33 =	vsel vm9, v8, v33;
	vm9 =	vnez.u8 v57;
	v32 =	vsel vm0, v48, v32  }
0x207: {  	v33 =	vsel vm9, v9, v33;
	vm9 =	vlt.f32 v50, v32  }
0x208: {  	v58 =	vld [tilespmem:s20+$0xC50];
	v33 =	vsel vm10, v10, v33;
	v32 =	vsel vm9, v50, v32  }
0x209: {  	v33 =	vsel vm11, v11, v33;
	vm10 =	vlt.f32 v53, v32  }
0x20a: {  	v59 =	vld [tilespmem:s20+$0xC60];
	v33 =	vsel vm12, v12, v33;
	v32 =	vsel vm10, v53, v32  }
0x20b: {  	v33 =	vsel vm13, v13, v33;
	vm11 =	vlt.f32 v56, v32  }
0x20c: {  	v60 =	vld [tilespmem:s20+$0xC70];
	v33 =	vsel vm14, v14, v33;
	v32 =	vsel vm11, v56, v32  }
0x20d: {  	v33 =	vsel vm15, v15, v33;
	vm12 =	vlt.f32 v58, v32  }
0x20e: {  	v33 =	vsel vm8, v16, v33;
	v32 =	vsel vm12, v58, v32  }
0x20f: {  	v33 =	vsel vm7, v17, v33;
	vm13 =	vlt.f32 v59, v32  }
0x210: {  	v33 =	vsel vm6, v18, v33;
	v32 =	vsel vm13, v59, v32  }
0x211: {  	v33 =	vsel vm5, v19, v33;
	vm14 =	vlt.f32 v60, v32  }
0x212: {  	v33 =	vsel vm4, v20, v33;
	v32 =	vsel vm14, v60, v32  }
0x213: {  	v33 =	vsel vm3, v21, v33;
	(xrf0) =	vmin.scan.msk.f32 $0xffff, v32  }
0x214: {  	v33 =	vsel vm2, v22, v33  }
0x215: {  	v33 =	vsel vm1, v23, v33  }
0x216: {  	v33 =	vsel vm0, v24, v33  }
0x217: {  	v33 =	vsel vm9, v25, v33  }
0x218: {  	v33 =	vsel vm10, v27, v33  }
0x219: {  	v33 =	vsel vm11, v28, v33;
	v61, _, _ =	vpop (xrf0)  }
0x21a: {  	v33 =	vsel vm12, v29, v33;
	v34 =	vbroadcast v61, $0xF  }
0x21b: {  	v33 =	vsel vm13, v30, v33  }
0x21c: {  	v33 =	vsel vm14, v31, v33;
	vm15 =	veq.f32 v32, v34  }
0x21d: {  	v32 =	vnsel vm15, $0x80000200, v33  }
0x21e: {  	(xrf0) =	vmin.scan.msk.u32 $0xffff, v32;
	_ =	sdelay $0x5  }
0x21f: {  	v32, _, _ =	vpop (xrf0)  }
0x220: {  	(v2sf) =	vpush v32, $0xF;
	_ =	sdelay $0x9  }
0x221: {  	v62 =	vmov s19  }
0x222: {  	v32 =	vadd.s32 $0x40, v62  }
0x223: {  	v32 =	vbroadcast v32, $0x0;
	_ =	sdelay $0x2  }
0x224: {  	s30 =	spop (v2sf)  }
0x225: {  	s19 =	sxor.u32 $0x80000000, s30  }
0x226: {  	v63 =	vmov s19  }
0x227: {  	s19 =	simm.s32 $0x0;
	[tilespmem:v32+s15+$0x0] =	vst.idx.msk $0x1, v63  }
0x228: {  	[tilespmem:s19], [sflag:$0x1] =	stream.linear.gather [hbm4b:s7+s19], $0x4000, $0x38;
	[tilespmem:$0x8100] =	vst v63  }
0x229: {  	s22 =	simm.s32 $0x0;
	s23 =	simm.s32 $0x0;
	_ =	swait.ge [sflag:s16], $0x4000  }
0x22a: {  	s31 =	sand.u32 $0x3000, s19;
	s21 =	sand.u32 $0x380, s19;
	[sflag:s16] =	ssyncset.done $0x0  }
0x22b: {  	s20 =	sor.u32 s21, s31;
	s21 =	simm.s32 $0x1;
	[sflag:s16] =	ssyncadd.s32 $0xFFFFC000  }
.LBB2_8:
0x22c: {  	v32 =	vld [tilespmem:s20+$0x4010]  }
0x22d: {  	v33 =	vld [tilespmem:s20+$0x4000];
	_ =	sdelay $0x1  }
0x22e: {  	v34 =	vld [tilespmem:s20+$0x4020];
	_ =	sdelay $0x1  }
0x22f: {  	v35 =	vld [tilespmem:s20+$0x4030]  }
0x230: {  	vm0 =	vlt.f32 v32, v33  }
0x231: {  	v36 =	vld [tilespmem:s20+$0x4040];
	v32 =	vsel vm0, v32, v33  }
0x232: {  	vm15 =	vlt.f32 v34, v32  }
0x233: {  	v37 =	vld [tilespmem:s20+$0x4050];
	v32 =	vsel vm15, v34, v32  }
0x234: {  	vm4 =	vlt.f32 v35, v32  }
0x235: {  	v55 =	vld [tilespmem:s20+$0x4060];
	v32 =	vsel vm4, v35, v32  }
0x236: {  	vm5 =	vlt.f32 v36, v32  }
0x237: {  	v56 =	vld [tilespmem:s20+$0x4070];
	v32 =	vsel vm5, v36, v32  }
0x238: {  	vm6 =	vlt.f32 v37, v32  }
0x239: {  	v57 =	vld [tilespmem:s20+$0x4400];
	v32 =	vsel vm6, v37, v32  }
0x23a: {  	vm7 =	vlt.f32 v55, v32  }
0x23b: {  	v58 =	vld [tilespmem:s20+$0x4410];
	v32 =	vsel vm7, v55, v32  }
0x23c: {  	vm8 =	vlt.f32 v56, v32  }
0x23d: {  	v59 =	vld [tilespmem:s20+$0x4420];
	v32 =	vsel vm8, v56, v32  }
0x23e: {  	vm9 =	vlt.f32 v57, v32  }
0x23f: {  	v60 =	vld [tilespmem:s20+$0x4430];
	v32 =	vsel vm9, v57, v32  }
0x240: {  	v54 =	vsel vm0, v0, v26;
	vm0 =	vlt.f32 v58, v32  }
0x241: {  	v61 =	vld [tilespmem:s20+$0x4440];
	v32 =	vsel vm0, v58, v32  }
0x242: {  	vm1 =	vlt.f32 v59, v32  }
0x243: {  	v62 =	vimm.s32 $0x0;
	v63 =	vld [tilespmem:s20+$0x4450];
	v32 =	vsel vm1, v59, v32  }
0x244: {  	v37 =	vsel vm1, $0xFFFFFFFF, v62;
	vm1 =	vlt.f32 v60, v32  }
0x245: {  	v40 =	vld [tilespmem:s20+$0x4460];
	v32 =	vsel vm1, v60, v32  }
0x246: {  	vm3 =	vlt.f32 v61, v32  }
0x247: {  	v41 =	vld [tilespmem:s20+$0x4470];
	v33 =	vsel vm15, v1, v54;
	v32 =	vsel vm3, v61, v32  }
0x248: {  	v33 =	vsel vm4, v2, v33;
	vm4 =	vlt.f32 v63, v32  }
0x249: {  	v42 =	vld [tilespmem:s20+$0x4800];
	v32 =	vsel vm4, v63, v32  }
0x24a: {  	v33 =	vsel vm5, v3, v33;
	vm5 =	vlt.f32 v40, v32  }
0x24b: {  	v43 =	vld [tilespmem:s20+$0x4810];
	v32 =	vsel vm5, v40, v32  }
0x24c: {  	v33 =	vsel vm6, v4, v33;
	vm6 =	vlt.f32 v41, v32  }
0x24d: {  	v44 =	vld [tilespmem:s20+$0x4820];
	v32 =	vsel vm6, v41, v32  }
0x24e: {  	v33 =	vsel vm7, v5, v33;
	vm7 =	vlt.f32 v42, v32  }
0x24f: {  	v45 =	vld [tilespmem:s20+$0x4830];
	v32 =	vsel vm7, v42, v32  }
0x250: {  	v33 =	vsel vm8, v6, v33;
	vm8 =	vlt.f32 v43, v32  }
0x251: {  	v46 =	vld [tilespmem:s20+$0x4840];
	v32 =	vsel vm8, v43, v32  }
0x252: {  	v33 =	vsel vm9, v7, v33;
	vm9 =	vlt.f32 v44, v32  }
0x253: {  	v47 =	vld [tilespmem:s20+$0x4850];
	v32 =	vsel vm9, v44, v32  }
0x254: {  	vm10 =	vlt.f32 v45, v32  }
0x255: {  	v48 =	vld [tilespmem:s20+$0x4860];
	v32 =	vsel vm10, v45, v32  }
0x256: {  	vm11 =	vlt.f32 v46, v32  }
0x257: {  	v49 =	vld [tilespmem:s20+$0x4870];
	v32 =	vsel vm11, v46, v32  }
0x258: {  	vm12 =	vlt.f32 v47, v32  }
0x259: {  	v50 =	vld [tilespmem:s20+$0x4C00];
	v32 =	vsel vm12, v47, v32  }
0x25a: {  	v39 =	vimm.s32 $0x0;
	v51 =	vld [tilespmem:s20+$0x4C10];
	vm13 =	vlt.f32 v48, v32  }
0x25b: {  	v52 =	vld [tilespmem:s20+$0x4C20];
	[tilespmem:$0x1FE30] =	vst v37;
	v34 =	vsel vm1, $0xFFFFFFFF, v39;
	v32 =	vsel vm13, v48, v32  }
0x25c: {  	v55 =	vld [tilespmem:$0x1FE30];
	[tilespmem:$0x1FE40] =	vst v34;
	vm14 =	vlt.f32 v49, v32  }
0x25d: {  	v57 =	vld [tilespmem:$0x1FE40];
	v32 =	vsel vm14, v49, v32  }
0x25e: {  	vm15 =	vlt.f32 v50, v32  }
0x25f: {  	v53 =	vld [tilespmem:s20+$0x4C30];
	v32 =	vsel vm15, v50, v32  }
0x260: {  	vm1 =	vlt.f32 v51, v32  }
0x261: {  	v54 =	vld [tilespmem:s20+$0x4C40];
	v33 =	vsel vm0, v8, v33;
	vm2 =	vnez.u8 v55;
	v32 =	vsel vm1, v51, v32  }
0x262: {  	v33 =	vsel vm2, v9, v33;
	vm2 =	vnez.u8 v57;
	vm0 =	vlt.f32 v52, v32  }
0x263: {  	v56 =	vld [tilespmem:s20+$0x4C50];
	v33 =	vsel vm2, v10, v33;
	v32 =	vsel vm0, v52, v32  }
0x264: {  	v33 =	vsel vm3, v11, v33;
	vm2 =	vlt.f32 v53, v32  }
0x265: {  	v58 =	vld [tilespmem:s20+$0x4C60];
	v33 =	vsel vm4, v12, v33;
	v32 =	vsel vm2, v53, v32  }
0x266: {  	v33 =	vsel vm5, v13, v33;
	vm3 =	vlt.f32 v54, v32  }
0x267: {  	v59 =	vld [tilespmem:s20+$0x4C70];
	v33 =	vsel vm6, v14, v33;
	v32 =	vsel vm3, v54, v32  }
0x268: {  	v33 =	vsel vm7, v15, v33;
	vm4 =	vlt.f32 v56, v32  }
0x269: {  	v33 =	vsel vm8, v16, v33;
	v32 =	vsel vm4, v56, v32  }
0x26a: {  	v33 =	vsel vm9, v17, v33;
	vm5 =	vlt.f32 v58, v32  }
0x26b: {  	v33 =	vsel vm10, v18, v33;
	v32 =	vsel vm5, v58, v32  }
0x26c: {  	v33 =	vsel vm11, v19, v33;
	vm10 =	vlt.f32 v59, v32  }
0x26d: {  	v33 =	vsel vm12, v20, v33;
	v32 =	vsel vm10, v59, v32  }
0x26e: {  	v33 =	vsel vm13, v21, v33;
	(xrf0) =	vmin.scan.msk.f32 $0xffff, v32  }
0x26f: {  	v33 =	vsel vm14, v22, v33  }
0x270: {  	v33 =	vsel vm15, v23, v33  }
0x271: {  	v33 =	vsel vm1, v24, v33  }
0x272: {  	v33 =	vsel vm0, v25, v33  }
0x273: {  	v33 =	vsel vm2, v27, v33  }
0x274: {  	v33 =	vsel vm3, v28, v33;
	v60, _, _ =	vpop (xrf0)  }
0x275: {  	v33 =	vsel vm4, v29, v33;
	v34 =	vbroadcast v60, $0xF  }
0x276: {  	v33 =	vsel vm5, v30, v33  }
0x277: {  	v61 =	vsel vm10, v31, v33;
	vm15 =	veq.f32 v32, v34  }
0x278: {  	v32 =	vnsel vm15, $0x80000200, v61  }
0x279: {  	(xrf0) =	vmin.scan.msk.u32 $0xffff, v32;
	_ =	sdelay $0x5  }
0x27a: {  	v32, _, _ =	vpop (xrf0)  }
0x27b: {  	(v2sf) =	vpush v32, $0xF;
	_ =	sdelay $0x9  }
0x27c: {  	v62 =	vmov s19  }
0x27d: {  	v32 =	vadd.s32 $0x60, v62  }
0x27e: {  	v32 =	vbroadcast v32, $0x0  }
0x27f: {  	p0 =	sne.s32 s21, $0x1F  }
.Ltmp3:
0x280: {  	_ = 	snop;
	(pc) =	sbr.rel @p0 .LBB2_8-.Ltmp3, $4  }
0x281: {  	s31 =	spop (v2sf)  }
0x282: {  	s22 =	sadd.s32 $0x80, s22;
	s23 =	sadd.s32 $0x200, s23;
	s20 =	sxor.u32 $0x80000000, s31  }
0x283: {  	s24 =	sand.u32 $0x3000, s23;
	s25 =	sand.u32 $0x380, s22;
	v63 =	vmov s20  }
0x284: {  	s19 =	smov.u32 s21;
	s21 =	sadd.s32 $0x1, s21;
	s20 =	sor.u32 s25, s24;
	[tilespmem:v32+s15+$0x0] =	vst.idx.msk $0x1, v63  }
0x285: {  	v32 =	vld [tilespmem:s20+$0x4010]  }
0x286: {  	v33 =	vld [tilespmem:s20+$0x4000];
	_ =	sdelay $0x1  }
0x287: {  	v34 =	vld [tilespmem:s20+$0x4020];
	_ =	sdelay $0x1  }
0x288: {  	v35 =	vld [tilespmem:s20+$0x4030]  }
0x289: {  	vm0 =	vlt.f32 v32, v33  }
0x28a: {  	v36 =	vld [tilespmem:s20+$0x4040];
	v32 =	vsel vm0, v32, v33  }
0x28b: {  	vm1 =	vlt.f32 v34, v32  }
0x28c: {  	v44 =	vld [tilespmem:s20+$0x4050];
	v32 =	vsel vm1, v34, v32  }
0x28d: {  	vm2 =	vlt.f32 v35, v32  }
0x28e: {  	v45 =	vld [tilespmem:s20+$0x4060];
	v32 =	vsel vm2, v35, v32  }
0x28f: {  	vm3 =	vlt.f32 v36, v32  }
0x290: {  	v46 =	vimm.s32 $0x0;
	v47 =	vld [tilespmem:s20+$0x4070];
	v32 =	vsel vm3, v36, v32  }
0x291: {  	v35 =	vsel vm3, $0xFFFFFFFF, v46;
	vm3 =	vlt.f32 v44, v32  }
0x292: {  	v48 =	vimm.s32 $0x0;
	v49 =	vld [tilespmem:s20+$0x4400];
	v32 =	vsel vm3, v44, v32  }
0x293: {  	v36 =	vsel vm3, $0xFFFFFFFF, v48;
	vm3 =	vlt.f32 v45, v32  }
0x294: {  	v50 =	vimm.s32 $0x0;
	v51 =	vld [tilespmem:s20+$0x4410];
	v32 =	vsel vm3, v45, v32  }
0x295: {  	v33 =	vsel vm3, $0xFFFFFFFF, v50;
	vm3 =	vlt.f32 v47, v32  }
0x296: {  	v52 =	vimm.s32 $0x0;
	v53 =	vld [tilespmem:s20+$0x4420];
	v32 =	vsel vm3, v47, v32  }
0x297: {  	v34 =	vsel vm3, $0xFFFFFFFF, v52;
	vm3 =	vlt.f32 v49, v32  }
0x298: {  	v54 =	vimm.s32 $0x0;
	v55 =	vld [tilespmem:s20+$0x4430];
	v32 =	vsel vm3, v49, v32  }
0x299: {  	[tilespmem:$0x1FDC0] =	vst v35;
	v35 =	vsel vm3, $0xFFFFFFFF, v54;
	vm3 =	vlt.f32 v51, v32  }
0x29a: {  	v56 =	vimm.s32 $0x0;
	v57 =	vld [tilespmem:s20+$0x4440];
	v32 =	vsel vm3, v51, v32  }
0x29b: {  	[tilespmem:$0x1FDD0] =	vst v36;
	v36 =	vsel vm3, $0xFFFFFFFF, v56;
	vm3 =	vlt.f32 v53, v32  }
0x29c: {  	v59 =	vld [tilespmem:s20+$0x4450];
	v32 =	vsel vm3, v53, v32  }
0x29d: {  	vm10 =	vlt.f32 v55, v32  }
0x29e: {  	v60 =	vld [tilespmem:s20+$0x4460];
	v32 =	vsel vm10, v55, v32  }
0x29f: {  	vm11 =	vlt.f32 v57, v32  }
0x2a0: {  	v61 =	vld [tilespmem:s20+$0x4470];
	v32 =	vsel vm11, v57, v32  }
0x2a1: {  	vm12 =	vlt.f32 v59, v32  }
0x2a2: {  	v62 =	vld [tilespmem:s20+$0x4800];
	v32 =	vsel vm12, v59, v32  }
0x2a3: {  	vm13 =	vlt.f32 v60, v32  }
0x2a4: {  	v63 =	vld [tilespmem:s20+$0x4810];
	v32 =	vsel vm13, v60, v32  }
0x2a5: {  	vm14 =	vlt.f32 v61, v32  }
0x2a6: {  	v40 =	vld [tilespmem:s20+$0x4820];
	v32 =	vsel vm14, v61, v32  }
0x2a7: {  	vm15 =	vlt.f32 v62, v32  }
0x2a8: {  	v41 =	vld [tilespmem:s20+$0x4830];
	v32 =	vsel vm15, v62, v32  }
0x2a9: {  	v42 =	vld [tilespmem:s20+$0x4840];
	vm8 =	vlt.f32 v63, v32  }
0x2aa: {  	v43 =	vld [tilespmem:s20+$0x4850];
	v32 =	vsel vm8, v63, v32  }
0x2ab: {  	v44 =	vld [tilespmem:s20+$0x4860];
	vm7 =	vlt.f32 v40, v32  }
0x2ac: {  	v48 =	vld [tilespmem:s20+$0x4C10];
	v32 =	vsel vm7, v40, v32  }
0x2ad: {  	v37 =	vld [tilespmem:$0x1FDC0];
	vm6 =	vlt.f32 v41, v32  }
0x2ae: {  	v45 =	vld [tilespmem:s20+$0x4870];
	v32 =	vsel vm6, v41, v32  }
0x2af: {  	v47 =	vld [tilespmem:s20+$0x4C00];
	vm5 =	vlt.f32 v42, v32  }
0x2b0: {  	[tilespmem:$0x1FDE0] =	vst v33;
	v49 =	vld [tilespmem:$0x1FDD0];
	v32 =	vsel vm5, v42, v32  }
0x2b1: {  	[tilespmem:$0x1FDF0] =	vst v34;
	v51 =	vld [tilespmem:$0x1FDE0];
	vm4 =	vlt.f32 v43, v32  }
0x2b2: {  	v58 =	vimm.s32 $0x0;
	v46 =	vsel vm0, v0, v26;
	v52 =	vld [tilespmem:$0x1FDF0];
	[tilespmem:$0x1FE00] =	vst v35;
	v32 =	vsel vm4, v43, v32  }
0x2b3: {  	v54 =	vld [tilespmem:$0x1FE00];
	[tilespmem:$0x1FE10] =	vst v36;
	v36 =	vsel vm1, v1, v46;
	v33 =	vsel vm3, $0xFFFFFFFF, v58;
	vm3 =	vlt.f32 v44, v32  }
0x2b4: {  	vm9 =	vnez.u8 v37;
	v36 =	vsel vm2, v2, v36;
	[tilespmem:$0x1FE20] =	vst v33;
	v55 =	vld [tilespmem:$0x1FE10];
	v32 =	vsel vm3, v44, v32  }
0x2b5: {  	v36 =	vsel vm9, v3, v36;
	vm9 =	vnez.u8 v49;
	v57 =	vld [tilespmem:$0x1FE20];
	vm2 =	vlt.f32 v45, v32  }
0x2b6: {  	v50 =	vld [tilespmem:s20+$0x4C20];
	v36 =	vsel vm9, v4, v36;
	vm9 =	vnez.u8 v51;
	v32 =	vsel vm2, v45, v32  }
0x2b7: {  	v36 =	vsel vm9, v5, v36;
	vm9 =	vnez.u8 v52;
	vm1 =	vlt.f32 v47, v32  }
0x2b8: {  	v53 =	vld [tilespmem:s20+$0x4C30];
	v36 =	vsel vm9, v6, v36;
	vm9 =	vnez.u8 v54;
	v32 =	vsel vm1, v47, v32  }
0x2b9: {  	v33 =	vsel vm9, v7, v36;
	vm9 =	vnez.u8 v55;
	vm0 =	vlt.f32 v48, v32  }
0x2ba: {  	v56 =	vld [tilespmem:s20+$0x4C40];
	v33 =	vsel vm9, v8, v33;
	vm9 =	vnez.u8 v57;
	v32 =	vsel vm0, v48, v32  }
0x2bb: {  	v33 =	vsel vm9, v9, v33;
	vm9 =	vlt.f32 v50, v32  }
0x2bc: {  	v58 =	vld [tilespmem:s20+$0x4C50];
	v33 =	vsel vm10, v10, v33;
	v32 =	vsel vm9, v50, v32  }
0x2bd: {  	v33 =	vsel vm11, v11, v33;
	vm10 =	vlt.f32 v53, v32  }
0x2be: {  	v59 =	vld [tilespmem:s20+$0x4C60];
	v33 =	vsel vm12, v12, v33;
	v32 =	vsel vm10, v53, v32  }
0x2bf: {  	v33 =	vsel vm13, v13, v33;
	vm11 =	vlt.f32 v56, v32  }
0x2c0: {  	v60 =	vld [tilespmem:s20+$0x4C70];
	v33 =	vsel vm14, v14, v33;
	v32 =	vsel vm11, v56, v32  }
0x2c1: {  	v33 =	vsel vm15, v15, v33;
	vm12 =	vlt.f32 v58, v32  }
0x2c2: {  	v33 =	vsel vm8, v16, v33;
	v32 =	vsel vm12, v58, v32  }
0x2c3: {  	v33 =	vsel vm7, v17, v33;
	vm13 =	vlt.f32 v59, v32  }
0x2c4: {  	v33 =	vsel vm6, v18, v33;
	v32 =	vsel vm13, v59, v32  }
0x2c5: {  	v33 =	vsel vm5, v19, v33;
	vm14 =	vlt.f32 v60, v32  }
0x2c6: {  	v33 =	vsel vm4, v20, v33;
	v32 =	vsel vm14, v60, v32  }
0x2c7: {  	v33 =	vsel vm3, v21, v33;
	(xrf0) =	vmin.scan.msk.f32 $0xffff, v32  }
0x2c8: {  	v33 =	vsel vm2, v22, v33  }
0x2c9: {  	v33 =	vsel vm1, v23, v33  }
0x2ca: {  	v33 =	vsel vm0, v24, v33  }
0x2cb: {  	v33 =	vsel vm9, v25, v33  }
0x2cc: {  	v33 =	vsel vm10, v27, v33  }
0x2cd: {  	v33 =	vsel vm11, v28, v33;
	v61, _, _ =	vpop (xrf0)  }
0x2ce: {  	v33 =	vsel vm12, v29, v33;
	v34 =	vbroadcast v61, $0xF  }
0x2cf: {  	v33 =	vsel vm13, v30, v33  }
0x2d0: {  	v33 =	vsel vm14, v31, v33;
	vm15 =	veq.f32 v32, v34  }
0x2d1: {  	v32 =	vnsel vm15, $0x80000200, v33  }
0x2d2: {  	(xrf0) =	vmin.scan.msk.u32 $0xffff, v32;
	_ =	sdelay $0x5  }
0x2d3: {  	v32, _, _ =	vpop (xrf0)  }
0x2d4: {  	(v2sf) =	vpush v32, $0xF;
	_ =	sdelay $0x9  }
0x2d5: {  	v62 =	vmov s19  }
0x2d6: {  	v32 =	vadd.s32 $0x60, v62  }
0x2d7: {  	v32 =	vbroadcast v32, $0x0;
	_ =	sdelay $0x2  }
0x2d8: {  	s30 =	spop (v2sf)  }
0x2d9: {  	s19 =	sxor.u32 $0x80000000, s30  }
0x2da: {  	v63 =	vmov s19  }
0x2db: {  	s19 =	simm.s32 $0x0;
	[tilespmem:v32+s15+$0x0] =	vst.idx.msk $0x1, v63  }
0x2dc: {  	[tilespmem:s11], [sflag:$0x2] =	stream.linear.gather [hbm4b:s8+s19], $0x4000, $0x38;
	[tilespmem:$0x8100] =	vst v63  }
0x2dd: {  	s22 =	simm.s32 $0x0;
	s23 =	simm.s32 $0x0;
	_ =	swait.ge [sflag:s14], $0x4000  }
0x2de: {  	s31 =	sand.u32 $0x3000, s19;
	s21 =	sand.u32 $0x380, s19;
	[sflag:s14] =	ssyncset.done $0x0  }
0x2df: {  	s20 =	sor.u32 s21, s31;
	s21 =	simm.s32 $0x1;
	[sflag:s14] =	ssyncadd.s32 $0xFFFFC000  }
.LBB2_10:
0x2e0: {  	v32 =	vld [tilespmem:s20+$0x10]  }
0x2e1: {  	v33 =	vld [tilespmem:s20+$0x0];
	_ =	sdelay $0x1  }
0x2e2: {  	v34 =	vld [tilespmem:s20+$0x20];
	_ =	sdelay $0x1  }
0x2e3: {  	v35 =	vld [tilespmem:s20+$0x30]  }
0x2e4: {  	vm0 =	vlt.f32 v32, v33  }
0x2e5: {  	v36 =	vld [tilespmem:s20+$0x40];
	v32 =	vsel vm0, v32, v33  }
0x2e6: {  	vm15 =	vlt.f32 v34, v32  }
0x2e7: {  	v37 =	vld [tilespmem:s20+$0x50];
	v32 =	vsel vm15, v34, v32  }
0x2e8: {  	vm4 =	vlt.f32 v35, v32  }
0x2e9: {  	v55 =	vld [tilespmem:s20+$0x60];
	v32 =	vsel vm4, v35, v32  }
0x2ea: {  	vm5 =	vlt.f32 v36, v32  }
0x2eb: {  	v56 =	vld [tilespmem:s20+$0x70];
	v32 =	vsel vm5, v36, v32  }
0x2ec: {  	vm6 =	vlt.f32 v37, v32  }
0x2ed: {  	v57 =	vld [tilespmem:s20+$0x400];
	v32 =	vsel vm6, v37, v32  }
0x2ee: {  	vm7 =	vlt.f32 v55, v32  }
0x2ef: {  	v58 =	vld [tilespmem:s20+$0x410];
	v32 =	vsel vm7, v55, v32  }
0x2f0: {  	vm8 =	vlt.f32 v56, v32  }
0x2f1: {  	v59 =	vld [tilespmem:s20+$0x420];
	v32 =	vsel vm8, v56, v32  }
0x2f2: {  	vm9 =	vlt.f32 v57, v32  }
0x2f3: {  	v60 =	vld [tilespmem:s20+$0x430];
	v32 =	vsel vm9, v57, v32  }
0x2f4: {  	v54 =	vsel vm0, v0, v26;
	vm0 =	vlt.f32 v58, v32  }
0x2f5: {  	v61 =	vld [tilespmem:s20+$0x440];
	v32 =	vsel vm0, v58, v32  }
0x2f6: {  	vm1 =	vlt.f32 v59, v32  }
0x2f7: {  	v62 =	vimm.s32 $0x0;
	v63 =	vld [tilespmem:s20+$0x450];
	v32 =	vsel vm1, v59, v32  }
0x2f8: {  	v37 =	vsel vm1, $0xFFFFFFFF, v62;
	vm1 =	vlt.f32 v60, v32  }
0x2f9: {  	v40 =	vld [tilespmem:s20+$0x460];
	v32 =	vsel vm1, v60, v32  }
0x2fa: {  	vm3 =	vlt.f32 v61, v32  }
0x2fb: {  	v41 =	vld [tilespmem:s20+$0x470];
	v33 =	vsel vm15, v1, v54;
	v32 =	vsel vm3, v61, v32  }
0x2fc: {  	v33 =	vsel vm4, v2, v33;
	vm4 =	vlt.f32 v63, v32  }
0x2fd: {  	v42 =	vld [tilespmem:s20+$0x800];
	v32 =	vsel vm4, v63, v32  }
0x2fe: {  	v33 =	vsel vm5, v3, v33;
	vm5 =	vlt.f32 v40, v32  }
0x2ff: {  	v43 =	vld [tilespmem:s20+$0x810];
	v32 =	vsel vm5, v40, v32  }
0x300: {  	v33 =	vsel vm6, v4, v33;
	vm6 =	vlt.f32 v41, v32  }
0x301: {  	v44 =	vld [tilespmem:s20+$0x820];
	v32 =	vsel vm6, v41, v32  }
0x302: {  	v33 =	vsel vm7, v5, v33;
	vm7 =	vlt.f32 v42, v32  }
0x303: {  	v45 =	vld [tilespmem:s20+$0x830];
	v32 =	vsel vm7, v42, v32  }
0x304: {  	v33 =	vsel vm8, v6, v33;
	vm8 =	vlt.f32 v43, v32  }
0x305: {  	v46 =	vld [tilespmem:s20+$0x840];
	v32 =	vsel vm8, v43, v32  }
0x306: {  	v33 =	vsel vm9, v7, v33;
	vm9 =	vlt.f32 v44, v32  }
0x307: {  	v47 =	vld [tilespmem:s20+$0x850];
	v32 =	vsel vm9, v44, v32  }
0x308: {  	vm10 =	vlt.f32 v45, v32  }
0x309: {  	v48 =	vld [tilespmem:s20+$0x860];
	v32 =	vsel vm10, v45, v32  }
0x30a: {  	vm11 =	vlt.f32 v46, v32  }
0x30b: {  	v49 =	vld [tilespmem:s20+$0x870];
	v32 =	vsel vm11, v46, v32  }
0x30c: {  	vm12 =	vlt.f32 v47, v32  }
0x30d: {  	v50 =	vld [tilespmem:s20+$0xC00];
	v32 =	vsel vm12, v47, v32  }
0x30e: {  	v39 =	vimm.s32 $0x0;
	v51 =	vld [tilespmem:s20+$0xC10];
	vm13 =	vlt.f32 v48, v32  }
0x30f: {  	v52 =	vld [tilespmem:s20+$0xC20];
	[tilespmem:$0x1FDA0] =	vst v37;
	v34 =	vsel vm1, $0xFFFFFFFF, v39;
	v32 =	vsel vm13, v48, v32  }
0x310: {  	v55 =	vld [tilespmem:$0x1FDA0];
	[tilespmem:$0x1FDB0] =	vst v34;
	vm14 =	vlt.f32 v49, v32  }
0x311: {  	v57 =	vld [tilespmem:$0x1FDB0];
	v32 =	vsel vm14, v49, v32  }
0x312: {  	vm15 =	vlt.f32 v50, v32  }
0x313: {  	v53 =	vld [tilespmem:s20+$0xC30];
	v32 =	vsel vm15, v50, v32  }
0x314: {  	vm1 =	vlt.f32 v51, v32  }
0x315: {  	v54 =	vld [tilespmem:s20+$0xC40];
	v33 =	vsel vm0, v8, v33;
	vm2 =	vnez.u8 v55;
	v32 =	vsel vm1, v51, v32  }
0x316: {  	v33 =	vsel vm2, v9, v33;
	vm2 =	vnez.u8 v57;
	vm0 =	vlt.f32 v52, v32  }
0x317: {  	v56 =	vld [tilespmem:s20+$0xC50];
	v33 =	vsel vm2, v10, v33;
	v32 =	vsel vm0, v52, v32  }
0x318: {  	v33 =	vsel vm3, v11, v33;
	vm2 =	vlt.f32 v53, v32  }
0x319: {  	v58 =	vld [tilespmem:s20+$0xC60];
	v33 =	vsel vm4, v12, v33;
	v32 =	vsel vm2, v53, v32  }
0x31a: {  	v33 =	vsel vm5, v13, v33;
	vm3 =	vlt.f32 v54, v32  }
0x31b: {  	v59 =	vld [tilespmem:s20+$0xC70];
	v33 =	vsel vm6, v14, v33;
	v32 =	vsel vm3, v54, v32  }
0x31c: {  	v33 =	vsel vm7, v15, v33;
	vm4 =	vlt.f32 v56, v32  }
0x31d: {  	v33 =	vsel vm8, v16, v33;
	v32 =	vsel vm4, v56, v32  }
0x31e: {  	v33 =	vsel vm9, v17, v33;
	vm5 =	vlt.f32 v58, v32  }
0x31f: {  	v33 =	vsel vm10, v18, v33;
	v32 =	vsel vm5, v58, v32  }
0x320: {  	v33 =	vsel vm11, v19, v33;
	vm10 =	vlt.f32 v59, v32  }
0x321: {  	v33 =	vsel vm12, v20, v33;
	v32 =	vsel vm10, v59, v32  }
0x322: {  	v33 =	vsel vm13, v21, v33;
	(xrf0) =	vmin.scan.msk.f32 $0xffff, v32  }
0x323: {  	v33 =	vsel vm14, v22, v33  }
0x324: {  	v33 =	vsel vm15, v23, v33  }
0x325: {  	v33 =	vsel vm1, v24, v33  }
0x326: {  	v33 =	vsel vm0, v25, v33  }
0x327: {  	v33 =	vsel vm2, v27, v33  }
0x328: {  	v33 =	vsel vm3, v28, v33;
	v60, _, _ =	vpop (xrf0)  }
0x329: {  	v33 =	vsel vm4, v29, v33;
	v34 =	vbroadcast v60, $0xF  }
0x32a: {  	v33 =	vsel vm5, v30, v33  }
0x32b: {  	v61 =	vsel vm10, v31, v33;
	vm15 =	veq.f32 v32, v34  }
0x32c: {  	v32 =	vnsel vm15, $0x80000200, v61  }
0x32d: {  	(xrf0) =	vmin.scan.msk.u32 $0xffff, v32;
	_ =	sdelay $0x5  }
0x32e: {  	v32, _, _ =	vpop (xrf0)  }
0x32f: {  	(v2sf) =	vpush v32, $0xF;
	_ =	sdelay $0x9  }
0x330: {  	v62 =	vmov s19  }
0x331: {  	v32 =	vadd.s32 $0x80, v62  }
0x332: {  	v32 =	vbroadcast v32, $0x0  }
0x333: {  	p0 =	sne.s32 s21, $0x1F  }
.Ltmp4:
0x334: {  	_ = 	snop;
	(pc) =	sbr.rel @p0 .LBB2_10-.Ltmp4, $4  }
0x335: {  	s31 =	spop (v2sf)  }
0x336: {  	s22 =	sadd.s32 $0x80, s22;
	s23 =	sadd.s32 $0x200, s23;
	s20 =	sxor.u32 $0x80000000, s31  }
0x337: {  	s24 =	sand.u32 $0x3000, s23;
	s25 =	sand.u32 $0x380, s22;
	v63 =	vmov s20  }
0x338: {  	s19 =	smov.u32 s21;
	s21 =	sadd.s32 $0x1, s21;
	s20 =	sor.u32 s25, s24;
	[tilespmem:v32+s15+$0x0] =	vst.idx.msk $0x1, v63  }
0x339: {  	v32 =	vld [tilespmem:s20+$0x10]  }
0x33a: {  	v33 =	vld [tilespmem:s20+$0x0];
	_ =	sdelay $0x1  }
0x33b: {  	v34 =	vld [tilespmem:s20+$0x20];
	_ =	sdelay $0x1  }
0x33c: {  	v35 =	vld [tilespmem:s20+$0x30]  }
0x33d: {  	vm0 =	vlt.f32 v32, v33  }
0x33e: {  	v36 =	vld [tilespmem:s20+$0x40];
	v32 =	vsel vm0, v32, v33  }
0x33f: {  	vm1 =	vlt.f32 v34, v32  }
0x340: {  	v44 =	vld [tilespmem:s20+$0x50];
	v32 =	vsel vm1, v34, v32  }
0x341: {  	vm2 =	vlt.f32 v35, v32  }
0x342: {  	v45 =	vld [tilespmem:s20+$0x60];
	v32 =	vsel vm2, v35, v32  }
0x343: {  	vm3 =	vlt.f32 v36, v32  }
0x344: {  	v46 =	vimm.s32 $0x0;
	v47 =	vld [tilespmem:s20+$0x70];
	v32 =	vsel vm3, v36, v32  }
0x345: {  	v35 =	vsel vm3, $0xFFFFFFFF, v46;
	vm3 =	vlt.f32 v44, v32  }
0x346: {  	v48 =	vimm.s32 $0x0;
	v49 =	vld [tilespmem:s20+$0x400];
	v32 =	vsel vm3, v44, v32  }
0x347: {  	v36 =	vsel vm3, $0xFFFFFFFF, v48;
	vm3 =	vlt.f32 v45, v32  }
0x348: {  	v50 =	vimm.s32 $0x0;
	v51 =	vld [tilespmem:s20+$0x410];
	v32 =	vsel vm3, v45, v32  }
0x349: {  	v33 =	vsel vm3, $0xFFFFFFFF, v50;
	vm3 =	vlt.f32 v47, v32  }
0x34a: {  	v52 =	vimm.s32 $0x0;
	v53 =	vld [tilespmem:s20+$0x420];
	v32 =	vsel vm3, v47, v32  }
0x34b: {  	v34 =	vsel vm3, $0xFFFFFFFF, v52;
	vm3 =	vlt.f32 v49, v32  }
0x34c: {  	v54 =	vimm.s32 $0x0;
	v55 =	vld [tilespmem:s20+$0x430];
	v32 =	vsel vm3, v49, v32  }
0x34d: {  	[tilespmem:$0x1FD30] =	vst v35;
	v35 =	vsel vm3, $0xFFFFFFFF, v54;
	vm3 =	vlt.f32 v51, v32  }
0x34e: {  	v56 =	vimm.s32 $0x0;
	v57 =	vld [tilespmem:s20+$0x440];
	v32 =	vsel vm3, v51, v32  }
0x34f: {  	[tilespmem:$0x1FD40] =	vst v36;
	v36 =	vsel vm3, $0xFFFFFFFF, v56;
	vm3 =	vlt.f32 v53, v32  }
0x350: {  	v59 =	vld [tilespmem:s20+$0x450];
	v32 =	vsel vm3, v53, v32  }
0x351: {  	vm10 =	vlt.f32 v55, v32  }
0x352: {  	v60 =	vld [tilespmem:s20+$0x460];
	v32 =	vsel vm10, v55, v32  }
0x353: {  	vm11 =	vlt.f32 v57, v32  }
0x354: {  	v61 =	vld [tilespmem:s20+$0x470];
	v32 =	vsel vm11, v57, v32  }
0x355: {  	vm12 =	vlt.f32 v59, v32  }
0x356: {  	v62 =	vld [tilespmem:s20+$0x800];
	v32 =	vsel vm12, v59, v32  }
0x357: {  	vm13 =	vlt.f32 v60, v32  }
0x358: {  	v63 =	vld [tilespmem:s20+$0x810];
	v32 =	vsel vm13, v60, v32  }
0x359: {  	vm14 =	vlt.f32 v61, v32  }
0x35a: {  	v40 =	vld [tilespmem:s20+$0x820];
	v32 =	vsel vm14, v61, v32  }
0x35b: {  	vm15 =	vlt.f32 v62, v32  }
0x35c: {  	v41 =	vld [tilespmem:s20+$0x830];
	v32 =	vsel vm15, v62, v32  }
0x35d: {  	v42 =	vld [tilespmem:s20+$0x840];
	vm8 =	vlt.f32 v63, v32  }
0x35e: {  	v43 =	vld [tilespmem:s20+$0x850];
	v32 =	vsel vm8, v63, v32  }
0x35f: {  	v44 =	vld [tilespmem:s20+$0x860];
	vm7 =	vlt.f32 v40, v32  }
0x360: {  	v48 =	vld [tilespmem:s20+$0xC10];
	v32 =	vsel vm7, v40, v32  }
0x361: {  	v37 =	vld [tilespmem:$0x1FD30];
	vm6 =	vlt.f32 v41, v32  }
0x362: {  	v45 =	vld [tilespmem:s20+$0x870];
	v32 =	vsel vm6, v41, v32  }
0x363: {  	v47 =	vld [tilespmem:s20+$0xC00];
	vm5 =	vlt.f32 v42, v32  }
0x364: {  	[tilespmem:$0x1FD50] =	vst v33;
	v49 =	vld [tilespmem:$0x1FD40];
	v32 =	vsel vm5, v42, v32  }
0x365: {  	[tilespmem:$0x1FD60] =	vst v34;
	v51 =	vld [tilespmem:$0x1FD50];
	vm4 =	vlt.f32 v43, v32  }
0x366: {  	v58 =	vimm.s32 $0x0;
	v46 =	vsel vm0, v0, v26;
	v52 =	vld [tilespmem:$0x1FD60];
	[tilespmem:$0x1FD70] =	vst v35;
	v32 =	vsel vm4, v43, v32  }
0x367: {  	v54 =	vld [tilespmem:$0x1FD70];
	[tilespmem:$0x1FD80] =	vst v36;
	v36 =	vsel vm1, v1, v46;
	v33 =	vsel vm3, $0xFFFFFFFF, v58;
	vm3 =	vlt.f32 v44, v32  }
0x368: {  	vm9 =	vnez.u8 v37;
	v36 =	vsel vm2, v2, v36;
	[tilespmem:$0x1FD90] =	vst v33;
	v55 =	vld [tilespmem:$0x1FD80];
	v32 =	vsel vm3, v44, v32  }
0x369: {  	v36 =	vsel vm9, v3, v36;
	vm9 =	vnez.u8 v49;
	v57 =	vld [tilespmem:$0x1FD90];
	vm2 =	vlt.f32 v45, v32  }
0x36a: {  	v50 =	vld [tilespmem:s20+$0xC20];
	v36 =	vsel vm9, v4, v36;
	vm9 =	vnez.u8 v51;
	v32 =	vsel vm2, v45, v32  }
0x36b: {  	v36 =	vsel vm9, v5, v36;
	vm9 =	vnez.u8 v52;
	vm1 =	vlt.f32 v47, v32  }
0x36c: {  	v53 =	vld [tilespmem:s20+$0xC30];
	v36 =	vsel vm9, v6, v36;
	vm9 =	vnez.u8 v54;
	v32 =	vsel vm1, v47, v32  }
0x36d: {  	v33 =	vsel vm9, v7, v36;
	vm9 =	vnez.u8 v55;
	vm0 =	vlt.f32 v48, v32  }
0x36e: {  	v56 =	vld [tilespmem:s20+$0xC40];
	v33 =	vsel vm9, v8, v33;
	vm9 =	vnez.u8 v57;
	v32 =	vsel vm0, v48, v32  }
0x36f: {  	v33 =	vsel vm9, v9, v33;
	vm9 =	vlt.f32 v50, v32  }
0x370: {  	v58 =	vld [tilespmem:s20+$0xC50];
	v33 =	vsel vm10, v10, v33;
	v32 =	vsel vm9, v50, v32  }
0x371: {  	v33 =	vsel vm11, v11, v33;
	vm10 =	vlt.f32 v53, v32  }
0x372: {  	v59 =	vld [tilespmem:s20+$0xC60];
	v33 =	vsel vm12, v12, v33;
	v32 =	vsel vm10, v53, v32  }
0x373: {  	v33 =	vsel vm13, v13, v33;
	vm11 =	vlt.f32 v56, v32  }
0x374: {  	v60 =	vld [tilespmem:s20+$0xC70];
	v33 =	vsel vm14, v14, v33;
	v32 =	vsel vm11, v56, v32  }
0x375: {  	v33 =	vsel vm15, v15, v33;
	vm12 =	vlt.f32 v58, v32  }
0x376: {  	v33 =	vsel vm8, v16, v33;
	v32 =	vsel vm12, v58, v32  }
0x377: {  	v33 =	vsel vm7, v17, v33;
	vm13 =	vlt.f32 v59, v32  }
0x378: {  	v33 =	vsel vm6, v18, v33;
	v32 =	vsel vm13, v59, v32  }
0x379: {  	v33 =	vsel vm5, v19, v33;
	vm14 =	vlt.f32 v60, v32  }
0x37a: {  	v33 =	vsel vm4, v20, v33;
	v32 =	vsel vm14, v60, v32  }
0x37b: {  	v33 =	vsel vm3, v21, v33;
	(xrf0) =	vmin.scan.msk.f32 $0xffff, v32  }
0x37c: {  	v33 =	vsel vm2, v22, v33  }
0x37d: {  	v33 =	vsel vm1, v23, v33  }
0x37e: {  	v33 =	vsel vm0, v24, v33  }
0x37f: {  	v33 =	vsel vm9, v25, v33  }
0x380: {  	v33 =	vsel vm10, v27, v33  }
0x381: {  	v33 =	vsel vm11, v28, v33;
	v61, _, _ =	vpop (xrf0)  }
0x382: {  	v33 =	vsel vm12, v29, v33;
	v34 =	vbroadcast v61, $0xF  }
0x383: {  	v33 =	vsel vm13, v30, v33  }
0x384: {  	v33 =	vsel vm14, v31, v33;
	vm15 =	veq.f32 v32, v34  }
0x385: {  	v32 =	vnsel vm15, $0x80000200, v33  }
0x386: {  	(xrf0) =	vmin.scan.msk.u32 $0xffff, v32;
	_ =	sdelay $0x5  }
0x387: {  	v32, _, _ =	vpop (xrf0)  }
0x388: {  	(v2sf) =	vpush v32, $0xF;
	_ =	sdelay $0x9  }
0x389: {  	v62 =	vmov s19  }
0x38a: {  	v32 =	vadd.s32 $0x80, v62  }
0x38b: {  	v32 =	vbroadcast v32, $0x0;
	_ =	sdelay $0x2  }
0x38c: {  	s30 =	spop (v2sf)  }
0x38d: {  	s19 =	sxor.u32 $0x80000000, s30  }
0x38e: {  	v63 =	vmov s19  }
0x38f: {  	s19 =	simm.s32 $0x0;
	[tilespmem:v32+s15+$0x0] =	vst.idx.msk $0x1, v63  }
0x390: {  	[tilespmem:s19], [sflag:$0x1] =	stream.linear.gather [hbm4b:s9+s19], $0x4000, $0x38;
	[tilespmem:$0x8100] =	vst v63  }
0x391: {  	s22 =	simm.s32 $0x0;
	s23 =	simm.s32 $0x0;
	_ =	swait.ge [sflag:s16], $0x4000  }
0x392: {  	s31 =	sand.u32 $0x3000, s19;
	s21 =	sand.u32 $0x380, s19;
	[sflag:s16] =	ssyncset.done $0x0  }
0x393: {  	s20 =	sor.u32 s21, s31;
	s21 =	simm.s32 $0x1;
	[sflag:s16] =	ssyncadd.s32 $0xFFFFC000  }
.LBB2_12:
0x394: {  	v32 =	vld [tilespmem:s20+$0x4010]  }
0x395: {  	v33 =	vld [tilespmem:s20+$0x4000];
	_ =	sdelay $0x1  }
0x396: {  	v34 =	vld [tilespmem:s20+$0x4020];
	_ =	sdelay $0x1  }
0x397: {  	v35 =	vld [tilespmem:s20+$0x4030]  }
0x398: {  	vm0 =	vlt.f32 v32, v33  }
0x399: {  	v36 =	vld [tilespmem:s20+$0x4040];
	v32 =	vsel vm0, v32, v33  }
0x39a: {  	vm15 =	vlt.f32 v34, v32  }
0x39b: {  	v37 =	vld [tilespmem:s20+$0x4050];
	v32 =	vsel vm15, v34, v32  }
0x39c: {  	vm4 =	vlt.f32 v35, v32  }
0x39d: {  	v55 =	vld [tilespmem:s20+$0x4060];
	v32 =	vsel vm4, v35, v32  }
0x39e: {  	vm5 =	vlt.f32 v36, v32  }
0x39f: {  	v56 =	vld [tilespmem:s20+$0x4070];
	v32 =	vsel vm5, v36, v32  }
0x3a0: {  	vm6 =	vlt.f32 v37, v32  }
0x3a1: {  	v57 =	vld [tilespmem:s20+$0x4400];
	v32 =	vsel vm6, v37, v32  }
0x3a2: {  	vm7 =	vlt.f32 v55, v32  }
0x3a3: {  	v58 =	vld [tilespmem:s20+$0x4410];
	v32 =	vsel vm7, v55, v32  }
0x3a4: {  	vm8 =	vlt.f32 v56, v32  }
0x3a5: {  	v59 =	vld [tilespmem:s20+$0x4420];
	v32 =	vsel vm8, v56, v32  }
0x3a6: {  	vm9 =	vlt.f32 v57, v32  }
0x3a7: {  	v60 =	vld [tilespmem:s20+$0x4430];
	v32 =	vsel vm9, v57, v32  }
0x3a8: {  	v54 =	vsel vm0, v0, v26;
	vm0 =	vlt.f32 v58, v32  }
0x3a9: {  	v61 =	vld [tilespmem:s20+$0x4440];
	v32 =	vsel vm0, v58, v32  }
0x3aa: {  	vm1 =	vlt.f32 v59, v32  }
0x3ab: {  	v62 =	vimm.s32 $0x0;
	v63 =	vld [tilespmem:s20+$0x4450];
	v32 =	vsel vm1, v59, v32  }
0x3ac: {  	v37 =	vsel vm1, $0xFFFFFFFF, v62;
	vm1 =	vlt.f32 v60, v32  }
0x3ad: {  	v40 =	vld [tilespmem:s20+$0x4460];
	v32 =	vsel vm1, v60, v32  }
0x3ae: {  	vm3 =	vlt.f32 v61, v32  }
0x3af: {  	v41 =	vld [tilespmem:s20+$0x4470];
	v33 =	vsel vm15, v1, v54;
	v32 =	vsel vm3, v61, v32  }
0x3b0: {  	v33 =	vsel vm4, v2, v33;
	vm4 =	vlt.f32 v63, v32  }
0x3b1: {  	v42 =	vld [tilespmem:s20+$0x4800];
	v32 =	vsel vm4, v63, v32  }
0x3b2: {  	v33 =	vsel vm5, v3, v33;
	vm5 =	vlt.f32 v40, v32  }
0x3b3: {  	v43 =	vld [tilespmem:s20+$0x4810];
	v32 =	vsel vm5, v40, v32  }
0x3b4: {  	v33 =	vsel vm6, v4, v33;
	vm6 =	vlt.f32 v41, v32  }
0x3b5: {  	v44 =	vld [tilespmem:s20+$0x4820];
	v32 =	vsel vm6, v41, v32  }
0x3b6: {  	v33 =	vsel vm7, v5, v33;
	vm7 =	vlt.f32 v42, v32  }
0x3b7: {  	v45 =	vld [tilespmem:s20+$0x4830];
	v32 =	vsel vm7, v42, v32  }
0x3b8: {  	v33 =	vsel vm8, v6, v33;
	vm8 =	vlt.f32 v43, v32  }
0x3b9: {  	v46 =	vld [tilespmem:s20+$0x4840];
	v32 =	vsel vm8, v43, v32  }
0x3ba: {  	v33 =	vsel vm9, v7, v33;
	vm9 =	vlt.f32 v44, v32  }
0x3bb: {  	v47 =	vld [tilespmem:s20+$0x4850];
	v32 =	vsel vm9, v44, v32  }
0x3bc: {  	vm10 =	vlt.f32 v45, v32  }
0x3bd: {  	v48 =	vld [tilespmem:s20+$0x4860];
	v32 =	vsel vm10, v45, v32  }
0x3be: {  	vm11 =	vlt.f32 v46, v32  }
0x3bf: {  	v49 =	vld [tilespmem:s20+$0x4870];
	v32 =	vsel vm11, v46, v32  }
0x3c0: {  	vm12 =	vlt.f32 v47, v32  }
0x3c1: {  	v50 =	vld [tilespmem:s20+$0x4C00];
	v32 =	vsel vm12, v47, v32  }
0x3c2: {  	v39 =	vimm.s32 $0x0;
	v51 =	vld [tilespmem:s20+$0x4C10];
	vm13 =	vlt.f32 v48, v32  }
0x3c3: {  	v52 =	vld [tilespmem:s20+$0x4C20];
	[tilespmem:$0x1FD10] =	vst v37;
	v34 =	vsel vm1, $0xFFFFFFFF, v39;
	v32 =	vsel vm13, v48, v32  }
0x3c4: {  	v55 =	vld [tilespmem:$0x1FD10];
	[tilespmem:$0x1FD20] =	vst v34;
	vm14 =	vlt.f32 v49, v32  }
0x3c5: {  	v57 =	vld [tilespmem:$0x1FD20];
	v32 =	vsel vm14, v49, v32  }
0x3c6: {  	vm15 =	vlt.f32 v50, v32  }
0x3c7: {  	v53 =	vld [tilespmem:s20+$0x4C30];
	v32 =	vsel vm15, v50, v32  }
0x3c8: {  	vm1 =	vlt.f32 v51, v32  }
0x3c9: {  	v54 =	vld [tilespmem:s20+$0x4C40];
	v33 =	vsel vm0, v8, v33;
	vm2 =	vnez.u8 v55;
	v32 =	vsel vm1, v51, v32  }
0x3ca: {  	v33 =	vsel vm2, v9, v33;
	vm2 =	vnez.u8 v57;
	vm0 =	vlt.f32 v52, v32  }
0x3cb: {  	v56 =	vld [tilespmem:s20+$0x4C50];
	v33 =	vsel vm2, v10, v33;
	v32 =	vsel vm0, v52, v32  }
0x3cc: {  	v33 =	vsel vm3, v11, v33;
	vm2 =	vlt.f32 v53, v32  }
0x3cd: {  	v58 =	vld [tilespmem:s20+$0x4C60];
	v33 =	vsel vm4, v12, v33;
	v32 =	vsel vm2, v53, v32  }
0x3ce: {  	v33 =	vsel vm5, v13, v33;
	vm3 =	vlt.f32 v54, v32  }
0x3cf: {  	v59 =	vld [tilespmem:s20+$0x4C70];
	v33 =	vsel vm6, v14, v33;
	v32 =	vsel vm3, v54, v32  }
0x3d0: {  	v33 =	vsel vm7, v15, v33;
	vm4 =	vlt.f32 v56, v32  }
0x3d1: {  	v33 =	vsel vm8, v16, v33;
	v32 =	vsel vm4, v56, v32  }
0x3d2: {  	v33 =	vsel vm9, v17, v33;
	vm5 =	vlt.f32 v58, v32  }
0x3d3: {  	v33 =	vsel vm10, v18, v33;
	v32 =	vsel vm5, v58, v32  }
0x3d4: {  	v33 =	vsel vm11, v19, v33;
	vm10 =	vlt.f32 v59, v32  }
0x3d5: {  	v33 =	vsel vm12, v20, v33;
	v32 =	vsel vm10, v59, v32  }
0x3d6: {  	v33 =	vsel vm13, v21, v33;
	(xrf0) =	vmin.scan.msk.f32 $0xffff, v32  }
0x3d7: {  	v33 =	vsel vm14, v22, v33  }
0x3d8: {  	v33 =	vsel vm15, v23, v33  }
0x3d9: {  	v33 =	vsel vm1, v24, v33  }
0x3da: {  	v33 =	vsel vm0, v25, v33  }
0x3db: {  	v33 =	vsel vm2, v27, v33  }
0x3dc: {  	v33 =	vsel vm3, v28, v33;
	v60, _, _ =	vpop (xrf0)  }
0x3dd: {  	v33 =	vsel vm4, v29, v33;
	v34 =	vbroadcast v60, $0xF  }
0x3de: {  	v33 =	vsel vm5, v30, v33  }
0x3df: {  	v61 =	vsel vm10, v31, v33;
	vm15 =	veq.f32 v32, v34  }
0x3e0: {  	v32 =	vnsel vm15, $0x80000200, v61  }
0x3e1: {  	(xrf0) =	vmin.scan.msk.u32 $0xffff, v32;
	_ =	sdelay $0x5  }
0x3e2: {  	v32, _, _ =	vpop (xrf0)  }
0x3e3: {  	(v2sf) =	vpush v32, $0xF;
	_ =	sdelay $0x9  }
0x3e4: {  	v62 =	vmov s19  }
0x3e5: {  	v32 =	vadd.s32 $0xA0, v62  }
0x3e6: {  	v32 =	vbroadcast v32, $0x0  }
0x3e7: {  	p0 =	sne.s32 s21, $0x1F  }
.Ltmp5:
0x3e8: {  	_ = 	snop;
	(pc) =	sbr.rel @p0 .LBB2_12-.Ltmp5, $4  }
0x3e9: {  	s31 =	spop (v2sf)  }
0x3ea: {  	s22 =	sadd.s32 $0x80, s22;
	s23 =	sadd.s32 $0x200, s23;
	s20 =	sxor.u32 $0x80000000, s31  }
0x3eb: {  	s24 =	sand.u32 $0x3000, s23;
	s25 =	sand.u32 $0x380, s22;
	v63 =	vmov s20  }
0x3ec: {  	s19 =	smov.u32 s21;
	s21 =	sadd.s32 $0x1, s21;
	s20 =	sor.u32 s25, s24;
	[tilespmem:v32+s15+$0x0] =	vst.idx.msk $0x1, v63  }
0x3ed: {  	v32 =	vld [tilespmem:s20+$0x4010]  }
0x3ee: {  	v33 =	vld [tilespmem:s20+$0x4000];
	_ =	sdelay $0x1  }
0x3ef: {  	v34 =	vld [tilespmem:s20+$0x4020];
	_ =	sdelay $0x1  }
0x3f0: {  	v35 =	vld [tilespmem:s20+$0x4030]  }
0x3f1: {  	vm0 =	vlt.f32 v32, v33  }
0x3f2: {  	v36 =	vld [tilespmem:s20+$0x4040];
	v32 =	vsel vm0, v32, v33  }
0x3f3: {  	vm1 =	vlt.f32 v34, v32  }
0x3f4: {  	v44 =	vld [tilespmem:s20+$0x4050];
	v32 =	vsel vm1, v34, v32  }
0x3f5: {  	vm2 =	vlt.f32 v35, v32  }
0x3f6: {  	v45 =	vld [tilespmem:s20+$0x4060];
	v32 =	vsel vm2, v35, v32  }
0x3f7: {  	vm3 =	vlt.f32 v36, v32  }
0x3f8: {  	v46 =	vimm.s32 $0x0;
	v47 =	vld [tilespmem:s20+$0x4070];
	v32 =	vsel vm3, v36, v32  }
0x3f9: {  	v35 =	vsel vm3, $0xFFFFFFFF, v46;
	vm3 =	vlt.f32 v44, v32  }
0x3fa: {  	v48 =	vimm.s32 $0x0;
	v49 =	vld [tilespmem:s20+$0x4400];
	v32 =	vsel vm3, v44, v32  }
0x3fb: {  	v36 =	vsel vm3, $0xFFFFFFFF, v48;
	vm3 =	vlt.f32 v45, v32  }
0x3fc: {  	v50 =	vimm.s32 $0x0;
	v51 =	vld [tilespmem:s20+$0x4410];
	v32 =	vsel vm3, v45, v32  }
0x3fd: {  	v33 =	vsel vm3, $0xFFFFFFFF, v50;
	vm3 =	vlt.f32 v47, v32  }
0x3fe: {  	v52 =	vimm.s32 $0x0;
	v53 =	vld [tilespmem:s20+$0x4420];
	v32 =	vsel vm3, v47, v32  }
0x3ff: {  	v34 =	vsel vm3, $0xFFFFFFFF, v52;
	vm3 =	vlt.f32 v49, v32  }
0x400: {  	v54 =	vimm.s32 $0x0;
	v55 =	vld [tilespmem:s20+$0x4430];
	v32 =	vsel vm3, v49, v32  }
0x401: {  	[tilespmem:$0x1FCA0] =	vst v35;
	v35 =	vsel vm3, $0xFFFFFFFF, v54;
	vm3 =	vlt.f32 v51, v32  }
0x402: {  	v56 =	vimm.s32 $0x0;
	v57 =	vld [tilespmem:s20+$0x4440];
	v32 =	vsel vm3, v51, v32  }
0x403: {  	[tilespmem:$0x1FCB0] =	vst v36;
	v36 =	vsel vm3, $0xFFFFFFFF, v56;
	vm3 =	vlt.f32 v53, v32  }
0x404: {  	v59 =	vld [tilespmem:s20+$0x4450];
	v32 =	vsel vm3, v53, v32  }
0x405: {  	vm10 =	vlt.f32 v55, v32  }
0x406: {  	v60 =	vld [tilespmem:s20+$0x4460];
	v32 =	vsel vm10, v55, v32  }
0x407: {  	vm11 =	vlt.f32 v57, v32  }
0x408: {  	v61 =	vld [tilespmem:s20+$0x4470];
	v32 =	vsel vm11, v57, v32  }
0x409: {  	vm12 =	vlt.f32 v59, v32  }
0x40a: {  	v62 =	vld [tilespmem:s20+$0x4800];
	v32 =	vsel vm12, v59, v32  }
0x40b: {  	vm13 =	vlt.f32 v60, v32  }
0x40c: {  	v63 =	vld [tilespmem:s20+$0x4810];
	v32 =	vsel vm13, v60, v32  }
0x40d: {  	vm14 =	vlt.f32 v61, v32  }
0x40e: {  	v40 =	vld [tilespmem:s20+$0x4820];
	v32 =	vsel vm14, v61, v32  }
0x40f: {  	vm15 =	vlt.f32 v62, v32  }
0x410: {  	v41 =	vld [tilespmem:s20+$0x4830];
	v32 =	vsel vm15, v62, v32  }
0x411: {  	v42 =	vld [tilespmem:s20+$0x4840];
	vm8 =	vlt.f32 v63, v32  }
0x412: {  	v43 =	vld [tilespmem:s20+$0x4850];
	v32 =	vsel vm8, v63, v32  }
0x413: {  	v44 =	vld [tilespmem:s20+$0x4860];
	vm7 =	vlt.f32 v40, v32  }
0x414: {  	v48 =	vld [tilespmem:s20+$0x4C10];
	v32 =	vsel vm7, v40, v32  }
0x415: {  	v37 =	vld [tilespmem:$0x1FCA0];
	vm6 =	vlt.f32 v41, v32  }
0x416: {  	v45 =	vld [tilespmem:s20+$0x4870];
	v32 =	vsel vm6, v41, v32  }
0x417: {  	v47 =	vld [tilespmem:s20+$0x4C00];
	vm5 =	vlt.f32 v42, v32  }
0x418: {  	[tilespmem:$0x1FCC0] =	vst v33;
	v49 =	vld [tilespmem:$0x1FCB0];
	v32 =	vsel vm5, v42, v32  }
0x419: {  	[tilespmem:$0x1FCD0] =	vst v34;
	v51 =	vld [tilespmem:$0x1FCC0];
	vm4 =	vlt.f32 v43, v32  }
0x41a: {  	v58 =	vimm.s32 $0x0;
	v46 =	vsel vm0, v0, v26;
	v52 =	vld [tilespmem:$0x1FCD0];
	[tilespmem:$0x1FCE0] =	vst v35;
	v32 =	vsel vm4, v43, v32  }
0x41b: {  	v54 =	vld [tilespmem:$0x1FCE0];
	[tilespmem:$0x1FCF0] =	vst v36;
	v36 =	vsel vm1, v1, v46;
	v33 =	vsel vm3, $0xFFFFFFFF, v58;
	vm3 =	vlt.f32 v44, v32  }
0x41c: {  	vm9 =	vnez.u8 v37;
	v36 =	vsel vm2, v2, v36;
	[tilespmem:$0x1FD00] =	vst v33;
	v55 =	vld [tilespmem:$0x1FCF0];
	v32 =	vsel vm3, v44, v32  }
0x41d: {  	v36 =	vsel vm9, v3, v36;
	vm9 =	vnez.u8 v49;
	v57 =	vld [tilespmem:$0x1FD00];
	vm2 =	vlt.f32 v45, v32  }
0x41e: {  	v50 =	vld [tilespmem:s20+$0x4C20];
	v36 =	vsel vm9, v4, v36;
	vm9 =	vnez.u8 v51;
	v32 =	vsel vm2, v45, v32  }
0x41f: {  	v36 =	vsel vm9, v5, v36;
	vm9 =	vnez.u8 v52;
	vm1 =	vlt.f32 v47, v32  }
0x420: {  	v53 =	vld [tilespmem:s20+$0x4C30];
	v36 =	vsel vm9, v6, v36;
	vm9 =	vnez.u8 v54;
	v32 =	vsel vm1, v47, v32  }
0x421: {  	v33 =	vsel vm9, v7, v36;
	vm9 =	vnez.u8 v55;
	vm0 =	vlt.f32 v48, v32  }
0x422: {  	v56 =	vld [tilespmem:s20+$0x4C40];
	v33 =	vsel vm9, v8, v33;
	vm9 =	vnez.u8 v57;
	v32 =	vsel vm0, v48, v32  }
0x423: {  	v33 =	vsel vm9, v9, v33;
	vm9 =	vlt.f32 v50, v32  }
0x424: {  	v58 =	vld [tilespmem:s20+$0x4C50];
	v33 =	vsel vm10, v10, v33;
	v32 =	vsel vm9, v50, v32  }
0x425: {  	v33 =	vsel vm11, v11, v33;
	vm10 =	vlt.f32 v53, v32  }
0x426: {  	v59 =	vld [tilespmem:s20+$0x4C60];
	v33 =	vsel vm12, v12, v33;
	v32 =	vsel vm10, v53, v32  }
0x427: {  	v33 =	vsel vm13, v13, v33;
	vm11 =	vlt.f32 v56, v32  }
0x428: {  	v60 =	vld [tilespmem:s20+$0x4C70];
	v33 =	vsel vm14, v14, v33;
	v32 =	vsel vm11, v56, v32  }
0x429: {  	v33 =	vsel vm15, v15, v33;
	vm12 =	vlt.f32 v58, v32  }
0x42a: {  	v33 =	vsel vm8, v16, v33;
	v32 =	vsel vm12, v58, v32  }
0x42b: {  	v33 =	vsel vm7, v17, v33;
	vm13 =	vlt.f32 v59, v32  }
0x42c: {  	v33 =	vsel vm6, v18, v33;
	v32 =	vsel vm13, v59, v32  }
0x42d: {  	v33 =	vsel vm5, v19, v33;
	vm14 =	vlt.f32 v60, v32  }
0x42e: {  	v33 =	vsel vm4, v20, v33;
	v32 =	vsel vm14, v60, v32  }
0x42f: {  	v33 =	vsel vm3, v21, v33;
	(xrf0) =	vmin.scan.msk.f32 $0xffff, v32  }
0x430: {  	v33 =	vsel vm2, v22, v33  }
0x431: {  	v33 =	vsel vm1, v23, v33  }
0x432: {  	v33 =	vsel vm0, v24, v33  }
0x433: {  	v33 =	vsel vm9, v25, v33  }
0x434: {  	v33 =	vsel vm10, v27, v33  }
0x435: {  	v33 =	vsel vm11, v28, v33;
	v61, _, _ =	vpop (xrf0)  }
0x436: {  	v33 =	vsel vm12, v29, v33;
	v34 =	vbroadcast v61, $0xF  }
0x437: {  	v33 =	vsel vm13, v30, v33  }
0x438: {  	v33 =	vsel vm14, v31, v33;
	vm15 =	veq.f32 v32, v34  }
0x439: {  	v32 =	vnsel vm15, $0x80000200, v33  }
0x43a: {  	(xrf0) =	vmin.scan.msk.u32 $0xffff, v32;
	_ =	sdelay $0x5  }
0x43b: {  	v32, _, _ =	vpop (xrf0)  }
0x43c: {  	(v2sf) =	vpush v32, $0xF;
	_ =	sdelay $0x9  }
0x43d: {  	v62 =	vmov s19  }
0x43e: {  	v32 =	vadd.s32 $0xA0, v62  }
0x43f: {  	v32 =	vbroadcast v32, $0x0;
	_ =	sdelay $0x2  }
0x440: {  	s30 =	spop (v2sf)  }
0x441: {  	s19 =	sxor.u32 $0x80000000, s30  }
0x442: {  	v63 =	vmov s19  }
0x443: {  	s19 =	simm.s32 $0x0;
	[tilespmem:v32+s15+$0x0] =	vst.idx.msk $0x1, v63  }
0x444: {  	[tilespmem:s11], [sflag:$0x2] =	stream.linear.gather [hbm4b:s10+s19], $0x4000, $0x38;
	[tilespmem:$0x8100] =	vst v63  }
0x445: {  	s22 =	simm.s32 $0x0;
	s23 =	simm.s32 $0x0;
	_ =	swait.ge [sflag:s14], $0x4000  }
0x446: {  	s31 =	sand.u32 $0x3000, s19;
	s21 =	sand.u32 $0x380, s19;
	[sflag:s14] =	ssyncset.done $0x0  }
0x447: {  	s20 =	sor.u32 s21, s31;
	s21 =	simm.s32 $0x1;
	[sflag:s14] =	ssyncadd.s32 $0xFFFFC000  }
.LBB2_14:
0x448: {  	v32 =	vld [tilespmem:s20+$0x10]  }
0x449: {  	v33 =	vld [tilespmem:s20+$0x0];
	_ =	sdelay $0x1  }
0x44a: {  	v34 =	vld [tilespmem:s20+$0x20];
	_ =	sdelay $0x1  }
0x44b: {  	v35 =	vld [tilespmem:s20+$0x30]  }
0x44c: {  	vm0 =	vlt.f32 v32, v33  }
0x44d: {  	v36 =	vld [tilespmem:s20+$0x40];
	v32 =	vsel vm0, v32, v33  }
0x44e: {  	vm15 =	vlt.f32 v34, v32  }
0x44f: {  	v37 =	vld [tilespmem:s20+$0x50];
	v32 =	vsel vm15, v34, v32  }
0x450: {  	vm4 =	vlt.f32 v35, v32  }
0x451: {  	v55 =	vld [tilespmem:s20+$0x60];
	v32 =	vsel vm4, v35, v32  }
0x452: {  	vm5 =	vlt.f32 v36, v32  }
0x453: {  	v56 =	vld [tilespmem:s20+$0x70];
	v32 =	vsel vm5, v36, v32  }
0x454: {  	vm6 =	vlt.f32 v37, v32  }
0x455: {  	v57 =	vld [tilespmem:s20+$0x400];
	v32 =	vsel vm6, v37, v32  }
0x456: {  	vm7 =	vlt.f32 v55, v32  }
0x457: {  	v58 =	vld [tilespmem:s20+$0x410];
	v32 =	vsel vm7, v55, v32  }
0x458: {  	vm8 =	vlt.f32 v56, v32  }
0x459: {  	v59 =	vld [tilespmem:s20+$0x420];
	v32 =	vsel vm8, v56, v32  }
0x45a: {  	vm9 =	vlt.f32 v57, v32  }
0x45b: {  	v60 =	vld [tilespmem:s20+$0x430];
	v32 =	vsel vm9, v57, v32  }
0x45c: {  	v54 =	vsel vm0, v0, v26;
	vm0 =	vlt.f32 v58, v32  }
0x45d: {  	v61 =	vld [tilespmem:s20+$0x440];
	v32 =	vsel vm0, v58, v32  }
0x45e: {  	vm1 =	vlt.f32 v59, v32  }
0x45f: {  	v62 =	vimm.s32 $0x0;
	v63 =	vld [tilespmem:s20+$0x450];
	v32 =	vsel vm1, v59, v32  }
0x460: {  	v37 =	vsel vm1, $0xFFFFFFFF, v62;
	vm1 =	vlt.f32 v60, v32  }
0x461: {  	v40 =	vld [tilespmem:s20+$0x460];
	v32 =	vsel vm1, v60, v32  }
0x462: {  	vm3 =	vlt.f32 v61, v32  }
0x463: {  	v41 =	vld [tilespmem:s20+$0x470];
	v33 =	vsel vm15, v1, v54;
	v32 =	vsel vm3, v61, v32  }
0x464: {  	v33 =	vsel vm4, v2, v33;
	vm4 =	vlt.f32 v63, v32  }
0x465: {  	v42 =	vld [tilespmem:s20+$0x800];
	v32 =	vsel vm4, v63, v32  }
0x466: {  	v33 =	vsel vm5, v3, v33;
	vm5 =	vlt.f32 v40, v32  }
0x467: {  	v43 =	vld [tilespmem:s20+$0x810];
	v32 =	vsel vm5, v40, v32  }
0x468: {  	v33 =	vsel vm6, v4, v33;
	vm6 =	vlt.f32 v41, v32  }
0x469: {  	v44 =	vld [tilespmem:s20+$0x820];
	v32 =	vsel vm6, v41, v32  }
0x46a: {  	v33 =	vsel vm7, v5, v33;
	vm7 =	vlt.f32 v42, v32  }
0x46b: {  	v45 =	vld [tilespmem:s20+$0x830];
	v32 =	vsel vm7, v42, v32  }
0x46c: {  	v33 =	vsel vm8, v6, v33;
	vm8 =	vlt.f32 v43, v32  }
0x46d: {  	v46 =	vld [tilespmem:s20+$0x840];
	v32 =	vsel vm8, v43, v32  }
0x46e: {  	v33 =	vsel vm9, v7, v33;
	vm9 =	vlt.f32 v44, v32  }
0x46f: {  	v47 =	vld [tilespmem:s20+$0x850];
	v32 =	vsel vm9, v44, v32  }
0x470: {  	vm10 =	vlt.f32 v45, v32  }
0x471: {  	v48 =	vld [tilespmem:s20+$0x860];
	v32 =	vsel vm10, v45, v32  }
0x472: {  	vm11 =	vlt.f32 v46, v32  }
0x473: {  	v49 =	vld [tilespmem:s20+$0x870];
	v32 =	vsel vm11, v46, v32  }
0x474: {  	vm12 =	vlt.f32 v47, v32  }
0x475: {  	v50 =	vld [tilespmem:s20+$0xC00];
	v32 =	vsel vm12, v47, v32  }
0x476: {  	v39 =	vimm.s32 $0x0;
	v51 =	vld [tilespmem:s20+$0xC10];
	vm13 =	vlt.f32 v48, v32  }
0x477: {  	v52 =	vld [tilespmem:s20+$0xC20];
	[tilespmem:$0x1FC80] =	vst v37;
	v34 =	vsel vm1, $0xFFFFFFFF, v39;
	v32 =	vsel vm13, v48, v32  }
0x478: {  	v55 =	vld [tilespmem:$0x1FC80];
	[tilespmem:$0x1FC90] =	vst v34;
	vm14 =	vlt.f32 v49, v32  }
0x479: {  	v57 =	vld [tilespmem:$0x1FC90];
	v32 =	vsel vm14, v49, v32  }
0x47a: {  	vm15 =	vlt.f32 v50, v32  }
0x47b: {  	v53 =	vld [tilespmem:s20+$0xC30];
	v32 =	vsel vm15, v50, v32  }
0x47c: {  	vm1 =	vlt.f32 v51, v32  }
0x47d: {  	v54 =	vld [tilespmem:s20+$0xC40];
	v33 =	vsel vm0, v8, v33;
	vm2 =	vnez.u8 v55;
	v32 =	vsel vm1, v51, v32  }
0x47e: {  	v33 =	vsel vm2, v9, v33;
	vm2 =	vnez.u8 v57;
	vm0 =	vlt.f32 v52, v32  }
0x47f: {  	v56 =	vld [tilespmem:s20+$0xC50];
	v33 =	vsel vm2, v10, v33;
	v32 =	vsel vm0, v52, v32  }
0x480: {  	v33 =	vsel vm3, v11, v33;
	vm2 =	vlt.f32 v53, v32  }
0x481: {  	v58 =	vld [tilespmem:s20+$0xC60];
	v33 =	vsel vm4, v12, v33;
	v32 =	vsel vm2, v53, v32  }
0x482: {  	v33 =	vsel vm5, v13, v33;
	vm3 =	vlt.f32 v54, v32  }
0x483: {  	v59 =	vld [tilespmem:s20+$0xC70];
	v33 =	vsel vm6, v14, v33;
	v32 =	vsel vm3, v54, v32  }
0x484: {  	v33 =	vsel vm7, v15, v33;
	vm4 =	vlt.f32 v56, v32  }
0x485: {  	v33 =	vsel vm8, v16, v33;
	v32 =	vsel vm4, v56, v32  }
0x486: {  	v33 =	vsel vm9, v17, v33;
	vm5 =	vlt.f32 v58, v32  }
0x487: {  	v33 =	vsel vm10, v18, v33;
	v32 =	vsel vm5, v58, v32  }
0x488: {  	v33 =	vsel vm11, v19, v33;
	vm10 =	vlt.f32 v59, v32  }
0x489: {  	v33 =	vsel vm12, v20, v33;
	v32 =	vsel vm10, v59, v32  }
0x48a: {  	v33 =	vsel vm13, v21, v33;
	(xrf0) =	vmin.scan.msk.f32 $0xffff, v32  }
0x48b: {  	v33 =	vsel vm14, v22, v33  }
0x48c: {  	v33 =	vsel vm15, v23, v33  }
0x48d: {  	v33 =	vsel vm1, v24, v33  }
0x48e: {  	v33 =	vsel vm0, v25, v33  }
0x48f: {  	v33 =	vsel vm2, v27, v33  }
0x490: {  	v33 =	vsel vm3, v28, v33;
	v60, _, _ =	vpop (xrf0)  }
0x491: {  	v33 =	vsel vm4, v29, v33;
	v34 =	vbroadcast v60, $0xF  }
0x492: {  	v33 =	vsel vm5, v30, v33  }
0x493: {  	v61 =	vsel vm10, v31, v33;
	vm15 =	veq.f32 v32, v34  }
0x494: {  	v32 =	vnsel vm15, $0x80000200, v61  }
0x495: {  	(xrf0) =	vmin.scan.msk.u32 $0xffff, v32;
	_ =	sdelay $0x5  }
0x496: {  	v32, _, _ =	vpop (xrf0)  }
0x497: {  	(v2sf) =	vpush v32, $0xF;
	_ =	sdelay $0x9  }
0x498: {  	v62 =	vmov s19  }
0x499: {  	v32 =	vadd.s32 $0xC0, v62  }
0x49a: {  	v32 =	vbroadcast v32, $0x0  }
0x49b: {  	p0 =	sne.s32 s21, $0x1F  }
.Ltmp6:
0x49c: {  	_ = 	snop;
	(pc) =	sbr.rel @p0 .LBB2_14-.Ltmp6, $4  }
0x49d: {  	s31 =	spop (v2sf)  }
0x49e: {  	s22 =	sadd.s32 $0x80, s22;
	s23 =	sadd.s32 $0x200, s23;
	s20 =	sxor.u32 $0x80000000, s31  }
0x49f: {  	s24 =	sand.u32 $0x3000, s23;
	s25 =	sand.u32 $0x380, s22;
	v63 =	vmov s20  }
0x4a0: {  	s19 =	smov.u32 s21;
	s21 =	sadd.s32 $0x1, s21;
	s20 =	sor.u32 s25, s24;
	[tilespmem:v32+s15+$0x0] =	vst.idx.msk $0x1, v63  }
0x4a1: {  	v32 =	vld [tilespmem:s20+$0x10]  }
0x4a2: {  	v33 =	vld [tilespmem:s20+$0x0];
	_ =	sdelay $0x1  }
0x4a3: {  	v34 =	vld [tilespmem:s20+$0x20];
	_ =	sdelay $0x1  }
0x4a4: {  	v35 =	vld [tilespmem:s20+$0x30]  }
0x4a5: {  	vm0 =	vlt.f32 v32, v33  }
0x4a6: {  	v36 =	vld [tilespmem:s20+$0x40];
	v32 =	vsel vm0, v32, v33  }
0x4a7: {  	vm1 =	vlt.f32 v34, v32  }
0x4a8: {  	v44 =	vld [tilespmem:s20+$0x50];
	v32 =	vsel vm1, v34, v32  }
0x4a9: {  	vm2 =	vlt.f32 v35, v32  }
0x4aa: {  	v45 =	vld [tilespmem:s20+$0x60];
	v32 =	vsel vm2, v35, v32  }
0x4ab: {  	vm3 =	vlt.f32 v36, v32  }
0x4ac: {  	v46 =	vimm.s32 $0x0;
	v47 =	vld [tilespmem:s20+$0x70];
	v32 =	vsel vm3, v36, v32  }
0x4ad: {  	v35 =	vsel vm3, $0xFFFFFFFF, v46;
	vm3 =	vlt.f32 v44, v32  }
0x4ae: {  	v48 =	vimm.s32 $0x0;
	v49 =	vld [tilespmem:s20+$0x400];
	v32 =	vsel vm3, v44, v32  }
0x4af: {  	v36 =	vsel vm3, $0xFFFFFFFF, v48;
	vm3 =	vlt.f32 v45, v32  }
0x4b0: {  	v50 =	vimm.s32 $0x0;
	v51 =	vld [tilespmem:s20+$0x410];
	v32 =	vsel vm3, v45, v32  }
0x4b1: {  	v33 =	vsel vm3, $0xFFFFFFFF, v50;
	vm3 =	vlt.f32 v47, v32  }
0x4b2: {  	v52 =	vimm.s32 $0x0;
	v53 =	vld [tilespmem:s20+$0x420];
	v32 =	vsel vm3, v47, v32  }
0x4b3: {  	v34 =	vsel vm3, $0xFFFFFFFF, v52;
	vm3 =	vlt.f32 v49, v32  }
0x4b4: {  	v54 =	vimm.s32 $0x0;
	v55 =	vld [tilespmem:s20+$0x430];
	v32 =	vsel vm3, v49, v32  }
0x4b5: {  	[tilespmem:$0x1FC10] =	vst v35;
	v35 =	vsel vm3, $0xFFFFFFFF, v54;
	vm3 =	vlt.f32 v51, v32  }
0x4b6: {  	v56 =	vimm.s32 $0x0;
	v57 =	vld [tilespmem:s20+$0x440];
	v32 =	vsel vm3, v51, v32  }
0x4b7: {  	[tilespmem:$0x1FC20] =	vst v36;
	v36 =	vsel vm3, $0xFFFFFFFF, v56;
	vm3 =	vlt.f32 v53, v32  }
0x4b8: {  	v59 =	vld [tilespmem:s20+$0x450];
	v32 =	vsel vm3, v53, v32  }
0x4b9: {  	vm10 =	vlt.f32 v55, v32  }
0x4ba: {  	v60 =	vld [tilespmem:s20+$0x460];
	v32 =	vsel vm10, v55, v32  }
0x4bb: {  	vm11 =	vlt.f32 v57, v32  }
0x4bc: {  	v61 =	vld [tilespmem:s20+$0x470];
	v32 =	vsel vm11, v57, v32  }
0x4bd: {  	vm12 =	vlt.f32 v59, v32  }
0x4be: {  	v62 =	vld [tilespmem:s20+$0x800];
	v32 =	vsel vm12, v59, v32  }
0x4bf: {  	vm13 =	vlt.f32 v60, v32  }
0x4c0: {  	v63 =	vld [tilespmem:s20+$0x810];
	v32 =	vsel vm13, v60, v32  }
0x4c1: {  	vm14 =	vlt.f32 v61, v32  }
0x4c2: {  	v40 =	vld [tilespmem:s20+$0x820];
	v32 =	vsel vm14, v61, v32  }
0x4c3: {  	vm15 =	vlt.f32 v62, v32  }
0x4c4: {  	v41 =	vld [tilespmem:s20+$0x830];
	v32 =	vsel vm15, v62, v32  }
0x4c5: {  	v42 =	vld [tilespmem:s20+$0x840];
	vm8 =	vlt.f32 v63, v32  }
0x4c6: {  	v43 =	vld [tilespmem:s20+$0x850];
	v32 =	vsel vm8, v63, v32  }
0x4c7: {  	v44 =	vld [tilespmem:s20+$0x860];
	vm7 =	vlt.f32 v40, v32  }
0x4c8: {  	v48 =	vld [tilespmem:s20+$0xC10];
	v32 =	vsel vm7, v40, v32  }
0x4c9: {  	v37 =	vld [tilespmem:$0x1FC10];
	vm6 =	vlt.f32 v41, v32  }
0x4ca: {  	v45 =	vld [tilespmem:s20+$0x870];
	v32 =	vsel vm6, v41, v32  }
0x4cb: {  	v47 =	vld [tilespmem:s20+$0xC00];
	vm5 =	vlt.f32 v42, v32  }
0x4cc: {  	[tilespmem:$0x1FC30] =	vst v33;
	v49 =	vld [tilespmem:$0x1FC20];
	v32 =	vsel vm5, v42, v32  }
0x4cd: {  	[tilespmem:$0x1FC40] =	vst v34;
	v51 =	vld [tilespmem:$0x1FC30];
	vm4 =	vlt.f32 v43, v32  }
0x4ce: {  	v58 =	vimm.s32 $0x0;
	v46 =	vsel vm0, v0, v26;
	v52 =	vld [tilespmem:$0x1FC40];
	[tilespmem:$0x1FC50] =	vst v35;
	v32 =	vsel vm4, v43, v32  }
0x4cf: {  	v54 =	vld [tilespmem:$0x1FC50];
	[tilespmem:$0x1FC60] =	vst v36;
	v36 =	vsel vm1, v1, v46;
	v33 =	vsel vm3, $0xFFFFFFFF, v58;
	vm3 =	vlt.f32 v44, v32  }
0x4d0: {  	vm9 =	vnez.u8 v37;
	v36 =	vsel vm2, v2, v36;
	[tilespmem:$0x1FC70] =	vst v33;
	v55 =	vld [tilespmem:$0x1FC60];
	v32 =	vsel vm3, v44, v32  }
0x4d1: {  	v36 =	vsel vm9, v3, v36;
	vm9 =	vnez.u8 v49;
	v57 =	vld [tilespmem:$0x1FC70];
	vm2 =	vlt.f32 v45, v32  }
0x4d2: {  	v50 =	vld [tilespmem:s20+$0xC20];
	v36 =	vsel vm9, v4, v36;
	vm9 =	vnez.u8 v51;
	v32 =	vsel vm2, v45, v32  }
0x4d3: {  	v36 =	vsel vm9, v5, v36;
	vm9 =	vnez.u8 v52;
	vm1 =	vlt.f32 v47, v32  }
0x4d4: {  	v53 =	vld [tilespmem:s20+$0xC30];
	v36 =	vsel vm9, v6, v36;
	vm9 =	vnez.u8 v54;
	v32 =	vsel vm1, v47, v32  }
0x4d5: {  	v33 =	vsel vm9, v7, v36;
	vm9 =	vnez.u8 v55;
	vm0 =	vlt.f32 v48, v32  }
0x4d6: {  	v56 =	vld [tilespmem:s20+$0xC40];
	v33 =	vsel vm9, v8, v33;
	vm9 =	vnez.u8 v57;
	v32 =	vsel vm0, v48, v32  }
0x4d7: {  	v33 =	vsel vm9, v9, v33;
	vm9 =	vlt.f32 v50, v32  }
0x4d8: {  	v58 =	vld [tilespmem:s20+$0xC50];
	v33 =	vsel vm10, v10, v33;
	v32 =	vsel vm9, v50, v32  }
0x4d9: {  	v33 =	vsel vm11, v11, v33;
	vm10 =	vlt.f32 v53, v32  }
0x4da: {  	v59 =	vld [tilespmem:s20+$0xC60];
	v33 =	vsel vm12, v12, v33;
	v32 =	vsel vm10, v53, v32  }
0x4db: {  	v33 =	vsel vm13, v13, v33;
	vm11 =	vlt.f32 v56, v32  }
0x4dc: {  	v60 =	vld [tilespmem:s20+$0xC70];
	v33 =	vsel vm14, v14, v33;
	v32 =	vsel vm11, v56, v32  }
0x4dd: {  	v33 =	vsel vm15, v15, v33;
	vm12 =	vlt.f32 v58, v32  }
0x4de: {  	v33 =	vsel vm8, v16, v33;
	v32 =	vsel vm12, v58, v32  }
0x4df: {  	v33 =	vsel vm7, v17, v33;
	vm13 =	vlt.f32 v59, v32  }
0x4e0: {  	v33 =	vsel vm6, v18, v33;
	v32 =	vsel vm13, v59, v32  }
0x4e1: {  	v33 =	vsel vm5, v19, v33;
	vm14 =	vlt.f32 v60, v32  }
0x4e2: {  	v33 =	vsel vm4, v20, v33;
	v32 =	vsel vm14, v60, v32  }
0x4e3: {  	v33 =	vsel vm3, v21, v33;
	(xrf0) =	vmin.scan.msk.f32 $0xffff, v32  }
0x4e4: {  	v33 =	vsel vm2, v22, v33  }
0x4e5: {  	v33 =	vsel vm1, v23, v33  }
0x4e6: {  	v33 =	vsel vm0, v24, v33  }
0x4e7: {  	v33 =	vsel vm9, v25, v33  }
0x4e8: {  	v33 =	vsel vm10, v27, v33  }
0x4e9: {  	v33 =	vsel vm11, v28, v33;
	v61, _, _ =	vpop (xrf0)  }
0x4ea: {  	v33 =	vsel vm12, v29, v33;
	v34 =	vbroadcast v61, $0xF  }
0x4eb: {  	v33 =	vsel vm13, v30, v33  }
0x4ec: {  	v33 =	vsel vm14, v31, v33;
	vm15 =	veq.f32 v32, v34  }
0x4ed: {  	v32 =	vnsel vm15, $0x80000200, v33  }
0x4ee: {  	(xrf0) =	vmin.scan.msk.u32 $0xffff, v32;
	_ =	sdelay $0x5  }
0x4ef: {  	v32, _, _ =	vpop (xrf0)  }
0x4f0: {  	(v2sf) =	vpush v32, $0xF;
	_ =	sdelay $0x9  }
0x4f1: {  	v62 =	vmov s19  }
0x4f2: {  	v32 =	vadd.s32 $0xC0, v62  }
0x4f3: {  	v32 =	vbroadcast v32, $0x0;
	_ =	sdelay $0x2  }
0x4f4: {  	s30 =	spop (v2sf)  }
0x4f5: {  	s19 =	sxor.u32 $0x80000000, s30  }
0x4f6: {  	v63 =	vmov s19  }
0x4f7: {  	s22 =	simm.s32 $0x0;
	[tilespmem:v32+s15+$0x0] =	vst.idx.msk $0x1, v63  }
0x4f8: {  	s23 =	simm.s32 $0x0;
	s19 =	simm.s32 $0x0;
	_ =	swait.ge [sflag:s16], $0x4000  }
0x4f9: {  	s31 =	sand.u32 $0x3000, s19;
	s21 =	sand.u32 $0x380, s19;
	[sflag:s16] =	ssyncset.done $0x0  }
0x4fa: {  	s20 =	sor.u32 s21, s31;
	s21 =	simm.s32 $0x1;
	[sflag:s16] =	ssyncadd.s32 $0xFFFFC000  }
.LBB2_16:
0x4fb: {  	v32 =	vld [tilespmem:s20+$0x4010]  }
0x4fc: {  	v33 =	vld [tilespmem:s20+$0x4000];
	_ =	sdelay $0x1  }
0x4fd: {  	v34 =	vld [tilespmem:s20+$0x4020];
	_ =	sdelay $0x1  }
0x4fe: {  	v35 =	vld [tilespmem:s20+$0x4030]  }
0x4ff: {  	vm0 =	vlt.f32 v32, v33  }
0x500: {  	v36 =	vld [tilespmem:s20+$0x4040];
	v32 =	vsel vm0, v32, v33  }
0x501: {  	vm15 =	vlt.f32 v34, v32  }
0x502: {  	v37 =	vld [tilespmem:s20+$0x4050];
	v32 =	vsel vm15, v34, v32  }
0x503: {  	vm4 =	vlt.f32 v35, v32  }
0x504: {  	v55 =	vld [tilespmem:s20+$0x4060];
	v32 =	vsel vm4, v35, v32  }
0x505: {  	vm5 =	vlt.f32 v36, v32  }
0x506: {  	v56 =	vld [tilespmem:s20+$0x4070];
	v32 =	vsel vm5, v36, v32  }
0x507: {  	vm6 =	vlt.f32 v37, v32  }
0x508: {  	v57 =	vld [tilespmem:s20+$0x4400];
	v32 =	vsel vm6, v37, v32  }
0x509: {  	vm7 =	vlt.f32 v55, v32  }
0x50a: {  	v58 =	vld [tilespmem:s20+$0x4410];
	v32 =	vsel vm7, v55, v32  }
0x50b: {  	vm8 =	vlt.f32 v56, v32  }
0x50c: {  	v59 =	vld [tilespmem:s20+$0x4420];
	v32 =	vsel vm8, v56, v32  }
0x50d: {  	vm9 =	vlt.f32 v57, v32  }
0x50e: {  	v60 =	vld [tilespmem:s20+$0x4430];
	v32 =	vsel vm9, v57, v32  }
0x50f: {  	v54 =	vsel vm0, v0, v26;
	vm0 =	vlt.f32 v58, v32  }
0x510: {  	v61 =	vld [tilespmem:s20+$0x4440];
	v32 =	vsel vm0, v58, v32  }
0x511: {  	vm1 =	vlt.f32 v59, v32  }
0x512: {  	v62 =	vimm.s32 $0x0;
	v63 =	vld [tilespmem:s20+$0x4450];
	v32 =	vsel vm1, v59, v32  }
0x513: {  	v37 =	vsel vm1, $0xFFFFFFFF, v62;
	vm1 =	vlt.f32 v60, v32  }
0x514: {  	v40 =	vld [tilespmem:s20+$0x4460];
	v32 =	vsel vm1, v60, v32  }
0x515: {  	vm3 =	vlt.f32 v61, v32  }
0x516: {  	v41 =	vld [tilespmem:s20+$0x4470];
	v33 =	vsel vm15, v1, v54;
	v32 =	vsel vm3, v61, v32  }
0x517: {  	v33 =	vsel vm4, v2, v33;
	vm4 =	vlt.f32 v63, v32  }
0x518: {  	v42 =	vld [tilespmem:s20+$0x4800];
	v32 =	vsel vm4, v63, v32  }
0x519: {  	v33 =	vsel vm5, v3, v33;
	vm5 =	vlt.f32 v40, v32  }
0x51a: {  	v43 =	vld [tilespmem:s20+$0x4810];
	v32 =	vsel vm5, v40, v32  }
0x51b: {  	v33 =	vsel vm6, v4, v33;
	vm6 =	vlt.f32 v41, v32  }
0x51c: {  	v44 =	vld [tilespmem:s20+$0x4820];
	v32 =	vsel vm6, v41, v32  }
0x51d: {  	v33 =	vsel vm7, v5, v33;
	vm7 =	vlt.f32 v42, v32  }
0x51e: {  	v45 =	vld [tilespmem:s20+$0x4830];
	v32 =	vsel vm7, v42, v32  }
0x51f: {  	v33 =	vsel vm8, v6, v33;
	vm8 =	vlt.f32 v43, v32  }
0x520: {  	v46 =	vld [tilespmem:s20+$0x4840];
	v32 =	vsel vm8, v43, v32  }
0x521: {  	v33 =	vsel vm9, v7, v33;
	vm9 =	vlt.f32 v44, v32  }
0x522: {  	v47 =	vld [tilespmem:s20+$0x4850];
	v32 =	vsel vm9, v44, v32  }
0x523: {  	vm10 =	vlt.f32 v45, v32  }
0x524: {  	v48 =	vld [tilespmem:s20+$0x4860];
	v32 =	vsel vm10, v45, v32  }
0x525: {  	vm11 =	vlt.f32 v46, v32  }
0x526: {  	v49 =	vld [tilespmem:s20+$0x4870];
	v32 =	vsel vm11, v46, v32  }
0x527: {  	vm12 =	vlt.f32 v47, v32  }
0x528: {  	v50 =	vld [tilespmem:s20+$0x4C00];
	v32 =	vsel vm12, v47, v32  }
0x529: {  	v39 =	vimm.s32 $0x0;
	v51 =	vld [tilespmem:s20+$0x4C10];
	vm13 =	vlt.f32 v48, v32  }
0x52a: {  	v52 =	vld [tilespmem:s20+$0x4C20];
	[tilespmem:$0x1FBF0] =	vst v37;
	v34 =	vsel vm1, $0xFFFFFFFF, v39;
	v32 =	vsel vm13, v48, v32  }
0x52b: {  	v55 =	vld [tilespmem:$0x1FBF0];
	[tilespmem:$0x1FC00] =	vst v34;
	vm14 =	vlt.f32 v49, v32  }
0x52c: {  	v57 =	vld [tilespmem:$0x1FC00];
	v32 =	vsel vm14, v49, v32  }
0x52d: {  	vm15 =	vlt.f32 v50, v32  }
0x52e: {  	v53 =	vld [tilespmem:s20+$0x4C30];
	v32 =	vsel vm15, v50, v32  }
0x52f: {  	vm1 =	vlt.f32 v51, v32  }
0x530: {  	v54 =	vld [tilespmem:s20+$0x4C40];
	v33 =	vsel vm0, v8, v33;
	vm2 =	vnez.u8 v55;
	v32 =	vsel vm1, v51, v32  }
0x531: {  	v33 =	vsel vm2, v9, v33;
	vm2 =	vnez.u8 v57;
	vm0 =	vlt.f32 v52, v32  }
0x532: {  	v56 =	vld [tilespmem:s20+$0x4C50];
	v33 =	vsel vm2, v10, v33;
	v32 =	vsel vm0, v52, v32  }
0x533: {  	v33 =	vsel vm3, v11, v33;
	vm2 =	vlt.f32 v53, v32  }
0x534: {  	v58 =	vld [tilespmem:s20+$0x4C60];
	v33 =	vsel vm4, v12, v33;
	v32 =	vsel vm2, v53, v32  }
0x535: {  	v33 =	vsel vm5, v13, v33;
	vm3 =	vlt.f32 v54, v32  }
0x536: {  	v59 =	vld [tilespmem:s20+$0x4C70];
	v33 =	vsel vm6, v14, v33;
	v32 =	vsel vm3, v54, v32  }
0x537: {  	v33 =	vsel vm7, v15, v33;
	vm4 =	vlt.f32 v56, v32  }
0x538: {  	v33 =	vsel vm8, v16, v33;
	v32 =	vsel vm4, v56, v32  }
0x539: {  	v33 =	vsel vm9, v17, v33;
	vm5 =	vlt.f32 v58, v32  }
0x53a: {  	v33 =	vsel vm10, v18, v33;
	v32 =	vsel vm5, v58, v32  }
0x53b: {  	v33 =	vsel vm11, v19, v33;
	vm10 =	vlt.f32 v59, v32  }
0x53c: {  	v33 =	vsel vm12, v20, v33;
	v32 =	vsel vm10, v59, v32  }
0x53d: {  	v33 =	vsel vm13, v21, v33;
	(xrf0) =	vmin.scan.msk.f32 $0xffff, v32  }
0x53e: {  	v33 =	vsel vm14, v22, v33  }
0x53f: {  	v33 =	vsel vm15, v23, v33  }
0x540: {  	v33 =	vsel vm1, v24, v33  }
0x541: {  	v33 =	vsel vm0, v25, v33  }
0x542: {  	v33 =	vsel vm2, v27, v33  }
0x543: {  	v33 =	vsel vm3, v28, v33;
	v60, _, _ =	vpop (xrf0)  }
0x544: {  	v33 =	vsel vm4, v29, v33;
	v34 =	vbroadcast v60, $0xF  }
0x545: {  	v33 =	vsel vm5, v30, v33  }
0x546: {  	v61 =	vsel vm10, v31, v33;
	vm15 =	veq.f32 v32, v34  }
0x547: {  	v32 =	vnsel vm15, $0x80000200, v61  }
0x548: {  	(xrf0) =	vmin.scan.msk.u32 $0xffff, v32;
	_ =	sdelay $0x5  }
0x549: {  	v32, _, _ =	vpop (xrf0)  }
0x54a: {  	(v2sf) =	vpush v32, $0xF;
	_ =	sdelay $0x9  }
0x54b: {  	v62 =	vmov s19  }
0x54c: {  	v32 =	vadd.s32 $0xE0, v62  }
0x54d: {  	v32 =	vbroadcast v32, $0x0  }
0x54e: {  	p0 =	sne.s32 s21, $0x1F  }
.Ltmp7:
0x54f: {  	_ = 	snop;
	(pc) =	sbr.rel @p0 .LBB2_16-.Ltmp7, $4  }
0x550: {  	s31 =	spop (v2sf)  }
0x551: {  	s22 =	sadd.s32 $0x80, s22;
	s23 =	sadd.s32 $0x200, s23;
	s20 =	sxor.u32 $0x80000000, s31  }
0x552: {  	s24 =	sand.u32 $0x3000, s23;
	s25 =	sand.u32 $0x380, s22;
	v63 =	vmov s20  }
0x553: {  	s19 =	smov.u32 s21;
	s21 =	sadd.s32 $0x1, s21;
	s20 =	sor.u32 s25, s24;
	[tilespmem:v32+s15+$0x0] =	vst.idx.msk $0x1, v63  }
0x554: {  	v32 =	vld [tilespmem:s20+$0x4010]  }
0x555: {  	v33 =	vld [tilespmem:s20+$0x4000];
	_ =	sdelay $0x1  }
0x556: {  	v34 =	vld [tilespmem:s20+$0x4020];
	_ =	sdelay $0x1  }
0x557: {  	v35 =	vld [tilespmem:s20+$0x4030]  }
0x558: {  	vm0 =	vlt.f32 v32, v33  }
0x559: {  	v36 =	vld [tilespmem:s20+$0x4040];
	v32 =	vsel vm0, v32, v33  }
0x55a: {  	vm1 =	vlt.f32 v34, v32  }
0x55b: {  	v44 =	vld [tilespmem:s20+$0x4050];
	v32 =	vsel vm1, v34, v32  }
0x55c: {  	vm2 =	vlt.f32 v35, v32  }
0x55d: {  	v45 =	vld [tilespmem:s20+$0x4060];
	v32 =	vsel vm2, v35, v32  }
0x55e: {  	vm3 =	vlt.f32 v36, v32  }
0x55f: {  	v46 =	vimm.s32 $0x0;
	v47 =	vld [tilespmem:s20+$0x4070];
	v32 =	vsel vm3, v36, v32  }
0x560: {  	v35 =	vsel vm3, $0xFFFFFFFF, v46;
	vm3 =	vlt.f32 v44, v32  }
0x561: {  	v48 =	vimm.s32 $0x0;
	v49 =	vld [tilespmem:s20+$0x4400];
	v32 =	vsel vm3, v44, v32  }
0x562: {  	v36 =	vsel vm3, $0xFFFFFFFF, v48;
	vm3 =	vlt.f32 v45, v32  }
0x563: {  	v50 =	vimm.s32 $0x0;
	v51 =	vld [tilespmem:s20+$0x4410];
	v32 =	vsel vm3, v45, v32  }
0x564: {  	v33 =	vsel vm3, $0xFFFFFFFF, v50;
	vm3 =	vlt.f32 v47, v32  }
0x565: {  	v52 =	vimm.s32 $0x0;
	v53 =	vld [tilespmem:s20+$0x4420];
	v32 =	vsel vm3, v47, v32  }
0x566: {  	v34 =	vsel vm3, $0xFFFFFFFF, v52;
	vm3 =	vlt.f32 v49, v32  }
0x567: {  	v54 =	vimm.s32 $0x0;
	v55 =	vld [tilespmem:s20+$0x4430];
	v32 =	vsel vm3, v49, v32  }
0x568: {  	[tilespmem:$0x1FB80] =	vst v35;
	v35 =	vsel vm3, $0xFFFFFFFF, v54;
	vm3 =	vlt.f32 v51, v32  }
0x569: {  	v56 =	vimm.s32 $0x0;
	v57 =	vld [tilespmem:s20+$0x4440];
	v32 =	vsel vm3, v51, v32  }
0x56a: {  	[tilespmem:$0x1FB90] =	vst v36;
	v36 =	vsel vm3, $0xFFFFFFFF, v56;
	vm3 =	vlt.f32 v53, v32  }
0x56b: {  	v59 =	vld [tilespmem:s20+$0x4450];
	v32 =	vsel vm3, v53, v32  }
0x56c: {  	vm10 =	vlt.f32 v55, v32  }
0x56d: {  	v60 =	vld [tilespmem:s20+$0x4460];
	v32 =	vsel vm10, v55, v32  }
0x56e: {  	vm11 =	vlt.f32 v57, v32  }
0x56f: {  	v61 =	vld [tilespmem:s20+$0x4470];
	v32 =	vsel vm11, v57, v32  }
0x570: {  	vm12 =	vlt.f32 v59, v32  }
0x571: {  	v62 =	vld [tilespmem:s20+$0x4800];
	v32 =	vsel vm12, v59, v32  }
0x572: {  	vm13 =	vlt.f32 v60, v32  }
0x573: {  	v63 =	vld [tilespmem:s20+$0x4810];
	v32 =	vsel vm13, v60, v32  }
0x574: {  	vm14 =	vlt.f32 v61, v32  }
0x575: {  	v40 =	vld [tilespmem:s20+$0x4820];
	v32 =	vsel vm14, v61, v32  }
0x576: {  	vm15 =	vlt.f32 v62, v32  }
0x577: {  	v41 =	vld [tilespmem:s20+$0x4830];
	v32 =	vsel vm15, v62, v32  }
0x578: {  	v42 =	vld [tilespmem:s20+$0x4840];
	vm8 =	vlt.f32 v63, v32  }
0x579: {  	v43 =	vld [tilespmem:s20+$0x4850];
	v32 =	vsel vm8, v63, v32  }
0x57a: {  	v44 =	vld [tilespmem:s20+$0x4860];
	vm7 =	vlt.f32 v40, v32  }
0x57b: {  	v48 =	vld [tilespmem:s20+$0x4C10];
	v32 =	vsel vm7, v40, v32  }
0x57c: {  	v37 =	vld [tilespmem:$0x1FB80];
	vm6 =	vlt.f32 v41, v32  }
0x57d: {  	v45 =	vld [tilespmem:s20+$0x4870];
	v32 =	vsel vm6, v41, v32  }
0x57e: {  	v47 =	vld [tilespmem:s20+$0x4C00];
	vm5 =	vlt.f32 v42, v32  }
0x57f: {  	[tilespmem:$0x1FBA0] =	vst v33;
	v49 =	vld [tilespmem:$0x1FB90];
	v32 =	vsel vm5, v42, v32  }
0x580: {  	[tilespmem:$0x1FBB0] =	vst v34;
	v51 =	vld [tilespmem:$0x1FBA0];
	vm4 =	vlt.f32 v43, v32  }
0x581: {  	v58 =	vimm.s32 $0x0;
	v46 =	vsel vm0, v0, v26;
	v52 =	vld [tilespmem:$0x1FBB0];
	[tilespmem:$0x1FBC0] =	vst v35;
	v32 =	vsel vm4, v43, v32  }
0x582: {  	v54 =	vld [tilespmem:$0x1FBC0];
	[tilespmem:$0x1FBD0] =	vst v36;
	v36 =	vsel vm1, v1, v46;
	v33 =	vsel vm3, $0xFFFFFFFF, v58;
	vm3 =	vlt.f32 v44, v32  }
0x583: {  	vm9 =	vnez.u8 v37;
	v36 =	vsel vm2, v2, v36;
	[tilespmem:$0x1FBE0] =	vst v33;
	v55 =	vld [tilespmem:$0x1FBD0];
	v32 =	vsel vm3, v44, v32  }
0x584: {  	v36 =	vsel vm9, v3, v36;
	vm9 =	vnez.u8 v49;
	v57 =	vld [tilespmem:$0x1FBE0];
	vm2 =	vlt.f32 v45, v32  }
0x585: {  	v50 =	vld [tilespmem:s20+$0x4C20];
	v36 =	vsel vm9, v4, v36;
	vm9 =	vnez.u8 v51;
	v32 =	vsel vm2, v45, v32  }
0x586: {  	v36 =	vsel vm9, v5, v36;
	vm9 =	vnez.u8 v52;
	vm1 =	vlt.f32 v47, v32  }
0x587: {  	v53 =	vld [tilespmem:s20+$0x4C30];
	v36 =	vsel vm9, v6, v36;
	vm9 =	vnez.u8 v54;
	v32 =	vsel vm1, v47, v32  }
0x588: {  	v33 =	vsel vm9, v7, v36;
	vm9 =	vnez.u8 v55;
	vm0 =	vlt.f32 v48, v32  }
0x589: {  	v56 =	vld [tilespmem:s20+$0x4C40];
	v33 =	vsel vm9, v8, v33;
	vm9 =	vnez.u8 v57;
	v32 =	vsel vm0, v48, v32  }
0x58a: {  	v33 =	vsel vm9, v9, v33;
	vm9 =	vlt.f32 v50, v32  }
0x58b: {  	v58 =	vld [tilespmem:s20+$0x4C50];
	v33 =	vsel vm10, v10, v33;
	v32 =	vsel vm9, v50, v32  }
0x58c: {  	v33 =	vsel vm11, v11, v33;
	vm10 =	vlt.f32 v53, v32  }
0x58d: {  	v59 =	vld [tilespmem:s20+$0x4C60];
	v33 =	vsel vm12, v12, v33;
	v32 =	vsel vm10, v53, v32  }
0x58e: {  	v33 =	vsel vm13, v13, v33;
	vm11 =	vlt.f32 v56, v32  }
0x58f: {  	v60 =	vld [tilespmem:s20+$0x4C70];
	v33 =	vsel vm14, v14, v33;
	v32 =	vsel vm11, v56, v32  }
0x590: {  	v33 =	vsel vm15, v15, v33;
	vm12 =	vlt.f32 v58, v32  }
0x591: {  	v33 =	vsel vm8, v16, v33;
	v32 =	vsel vm12, v58, v32  }
0x592: {  	v33 =	vsel vm7, v17, v33;
	vm13 =	vlt.f32 v59, v32  }
0x593: {  	v33 =	vsel vm6, v18, v33;
	v32 =	vsel vm13, v59, v32  }
0x594: {  	v33 =	vsel vm5, v19, v33;
	vm14 =	vlt.f32 v60, v32  }
0x595: {  	v33 =	vsel vm4, v20, v33;
	v32 =	vsel vm14, v60, v32  }
0x596: {  	v33 =	vsel vm3, v21, v33;
	(xrf0) =	vmin.scan.msk.f32 $0xffff, v32  }
0x597: {  	v33 =	vsel vm2, v22, v33  }
0x598: {  	v33 =	vsel vm1, v23, v33  }
0x599: {  	v33 =	vsel vm0, v24, v33  }
0x59a: {  	v33 =	vsel vm9, v25, v33  }
0x59b: {  	v33 =	vsel vm10, v27, v33  }
0x59c: {  	v33 =	vsel vm11, v28, v33;
	v61, _, _ =	vpop (xrf0)  }
0x59d: {  	v33 =	vsel vm12, v29, v33;
	v34 =	vbroadcast v61, $0xF  }
0x59e: {  	v33 =	vsel vm13, v30, v33  }
0x59f: {  	v33 =	vsel vm14, v31, v33;
	vm15 =	veq.f32 v32, v34  }
0x5a0: {  	v32 =	vnsel vm15, $0x80000200, v33  }
0x5a1: {  	(xrf0) =	vmin.scan.msk.u32 $0xffff, v32;
	_ =	sdelay $0x5  }
0x5a2: {  	v32, _, _ =	vpop (xrf0)  }
0x5a3: {  	(v2sf) =	vpush v32, $0xF;
	_ =	sdelay $0x9  }
0x5a4: {  	v62 =	vmov s19  }
0x5a5: {  	v32 =	vadd.s32 $0xE0, v62  }
0x5a6: {  	v32 =	vbroadcast v32, $0x0;
	_ =	sdelay $0x2  }
0x5a7: {  	s31 =	spop (v2sf)  }
0x5a8: {  	s18 =	sadd.s32 $0x1, s18;
	s19 =	sxor.u32 $0x80000000, s31  }
0x5a9: {  	p0 =	sne.s32 s18, s13;
	v63 =	vmov s19  }
.Ltmp8:
0x5aa: {  	[tilespmem:v32+s15+$0x0] =	vst.idx.msk $0x1, v63;
	(pc) =	sbr.rel @p0 .LBB2_1-.Ltmp8, $4  }
0x5ab: {  	[hbm4b:s12+s2] =	stream.linear.scatter [tilespmem:s15], [sflag:$0x3], $0x100, $0x38;
	[tilespmem:$0x8100] =	vst v63  }
0x5ac: {  	_ =	swait.ge [sflag:s17], $0x100  }
0x5ad: {  	[sflag:s17] =	ssyncset.done $0x0  }
0x5ae: {  	[sflag:s17] =	ssyncadd.s32 $0xFFFFFF00  }
0x5af: {  	_ =	sfence.sel $0x180000  }
0x5b0: {  	[bflag:$0x0] =	sbarrier.arrive $0xFFFF  }
0x5b1: {  	p0 =	sne.s32 s0, $0x0;
	_ =	strace $0x90000047  }
0x5b2: {  	s0 =	sadd.s32 @!p0 $0x100000, s1;
	[bflag:$0x2] =	sbarrier.arrive $0xFFFF  }
0x5b3: {  	[sflag:s0] =	ssyncadd.tile.s32 @!p0 $0x1;
	_ =	shalt  }
.Lfunc_end2:
_tile_overlayer_lowered:
.L_overlay_start_2:
0x5b4: {  	(tag) =	ssettag $0x2  }
0x5b5: {  	s0 =	rddreg [dreg:$0x0];
	s2 =	stileid.u32  }
0x5b6: {  	s1 =	rddreg [dreg:$0x1];
	p0 =	sne.s32 s2, $0x0  }
0x5b7: {  	s3 =	rddreg [dreg:$0x2];
	[bflag:$0x3] =	sbarrier.arrive $0xFFFF;
	s2 =	simm.s32 @!p0 $0x1C03  }
0x5b8: {  	[timem:s3], [sflag:s2] =	dma.local @!p0 [hbm:s0], s1  }
0x5b9: {  	s0 =	simm.s32 @!p0 $0x3  }
0x5ba: {  	_ =	swait.ge @!p0 [sflag:s0], s1  }
0x5bb: {  	s1 =	ssub.s32 @!p0 $0x0, s1;
	[sflag:s0] =	ssyncset.done @!p0 $0x0  }
0x5bc: {  	[sflag:s0] =	ssyncadd.s32 @!p0 s1  }
0x5bd: {  	[bflag:$0x3] =	sbarrier.arrive $0xFFFF  }
0x5be: {  	_ =	shalt  }

</sc_bundles>
